<compile_context>
chip_gen: v7x
topology: tpu7x:2x2x1
jax: 0.10.2.dev20260603
libtpu: 0.0.44.dev20260713+nightly
codegen_flags: <defaults>
</compile_context>

<pallas_src>
import jax
import jax.numpy as jnp
from jax import lax
from jax.experimental import pallas as pl
from jax.experimental.pallas import tpu as pltpu
from jax.experimental.pallas import tpu_sc as plsc

RES = 128
N = RES ** 3
NC, NS = 2, 16
NW = NC * NS
C = N // NW
S = 4096
GROUPS = S // 16
SUBCH = C // S
CNT_S = 8192
RING = 8192
RM = RING - 1
BLK = 2048

_CPARAMS = pltpu.CompilerParams(
    needs_layout_passes=False, disable_bounds_checks=True)


def _mo8(x):
    return pl.multiple_of(x, 8)


def _wid():
    return lax.axis_index("s") * NC + lax.axis_index("c")


def _count_body(mask_hbm, counts_hbm, mbuf, cbuf):
    wid = _wid()
    acc = jnp.zeros((16,), jnp.int32)
    for si in range(C // CNT_S):
        base = pl.multiple_of(wid * C + si * CNT_S, CNT_S)
        pltpu.sync_copy(mask_hbm.at[pl.ds(base, CNT_S)], mbuf)
        acc = lax.fori_loop(
            0, CNT_S // 16,
            lambda g, a: a + mbuf[pl.ds(g * 16, 16)],
            acc)
    cbuf[...] = jnp.full((16,), jnp.sum(acc), jnp.int32)
    pltpu.sync_copy(cbuf, counts_hbm.at[pl.ds(pl.multiple_of(wid * 16, 16), 16)])


def _main_body(mask_hbm, noise_hbm, params_hbm, counts_hbm, fpat_hbm, zpat_hbm,
               xw_hbm, occ_hbm,
               mbuf, nbuf, oring, xring, pbuf, cntbuf, offbuf,
               zbufv, fbufv, eidx, evali, evalf,
               sem_e, sem_f):
    wid = _wid()
    lanes = lax.iota(jnp.int32, 16)

    pltpu.sync_copy(params_hbm, pbuf)
    pltpu.sync_copy(counts_hbm, cntbuf)
    pltpu.sync_copy(zpat_hbm, zbufv)
    pltpu.sync_copy(fpat_hbm, fbufv)

    g0 = plsc.load_gather(cntbuf, [lanes * 16])
    g1 = plsc.load_gather(cntbuf, [256 + lanes * 16])
    tot0 = jnp.sum(g0)
    total = tot0 + jnp.sum(g1)
    e0 = plsc.cumsum(g0) - g0
    e1 = plsc.cumsum(g1) - g1 + tot0
    offbuf[pl.ds(0, 16)] = e0
    offbuf[pl.ds(16, 16)] = e1
    widv = jnp.full((16,), wid, jnp.int32)
    a = plsc.load_gather(offbuf, [widv])[0]
    c1 = plsc.load_gather(cntbuf, [widv * 16])[0]
    b = a + c1

    sxv, syv, szv = pbuf[0, :], pbuf[1, :], pbuf[2, :]
    oxv, oyv, ozv = pbuf[3, :], pbuf[4, :], pbuf[5, :]

    chunk0 = wid * C
    head = jnp.minimum((8 - (a & 7)) & 7, c1)

    def refresh_shadow():
        def cp(i, _):
            oring[pl.ds(RING + i * 16, 16)] = oring[pl.ds(i * 16, 16)]
            return 0
        lax.fori_loop(0, BLK // 16, cp, 0)

        def cpx(i, _):
            xring[pl.ds(3 * RING + i * 16, 16)] = xring[pl.ds(i * 16, 16)]
            return 0
        lax.fori_loop(0, 3 * BLK // 16, cpx, 0)

    def edge_occ_ring(start, ln):
        @pl.when(ln > 0)
        def _():
            for k in range(8):
                q = jnp.minimum(k * 16 + lanes, ln - 1)
                idxv = start + q
                eidx[pl.ds(k * 16, 16)] = idxv
                evali[pl.ds(k * 16, 16)] = plsc.load_gather(oring, [idxv & RM])
            pltpu.async_copy(evali, occ_hbm.at[eidx], sem_e).wait()

    def edge_xw_ring(start, ln):
        @pl.when(ln > 0)
        def _():
            for k in range(8):
                q = jnp.minimum(k * 16 + lanes, 3 * ln - 1)
                qd = (q * 11) >> 5
                qc = q - qd * 3
                r = start + qd
                eidx[pl.ds(k * 16, 16)] = r * 3 + qc
                evalf[pl.ds(k * 16, 16)] = plsc.load_gather(
                    xring, [(r & RM) * 3 + qc])
            pltpu.async_copy(evalf, xw_hbm.at[eidx], sem_e).wait()

    def edge_occ_zero(start, ln):
        @pl.when(ln > 0)
        def _():
            for k in range(8):
                q = jnp.minimum(k * 16 + lanes, ln - 1)
                eidx[pl.ds(k * 16, 16)] = start + q
                evali[pl.ds(k * 16, 16)] = jnp.zeros((16,), jnp.int32)
            pltpu.async_copy(evali, occ_hbm.at[eidx], sem_e).wait()

    def edge_xw_fill(start, ln):
        @pl.when(ln > 0)
        def _():
            for k in range(8):
                q = jnp.minimum(k * 16 + lanes, 3 * ln - 1)
                qd = (q * 11) >> 5
                qc = q - qd * 3
                eidx[pl.ds(k * 16, 16)] = (start + qd) * 3 + qc
                evalf[pl.ds(k * 16, 16)] = plsc.load_gather(fbufv, [qc])
            pltpu.async_copy(evalf, xw_hbm.at[eidx], sem_e).wait()

    def subchunk(si, carry):
        o1s, f, fired = carry
        base = chunk0 + si * S
        pltpu.sync_copy(mask_hbm.at[pl.ds(_mo8(base), S)], mbuf)
        pltpu.sync_copy(noise_hbm.at[pl.ds(_mo8(base * 3), 3 * S)], nbuf)

        def one_group(g, o1):
            mv = mbuf[pl.ds(g * 16, 16)]
            m = mv > 0
            incl = plsc.cumsum(mv)
            excl = incl - mv
            t1 = jnp.sum(mv)
            ridx = (o1 + excl) & RM
            lrow = g * 16 + lanes
            vidx = base + lrow
            fi = (vidx >> 14).astype(jnp.float32)
            fj = ((vidx >> 7) & 127).astype(jnp.float32)
            fk = (vidx & 127).astype(jnp.float32)
            nx = plsc.load_gather(nbuf, [lrow * 3])
            ny = plsc.load_gather(nbuf, [lrow * 3 + 1])
            nz = plsc.load_gather(nbuf, [lrow * 3 + 2])
            yx = (fi + nx) * sxv + oxv
            yy = (fj + ny) * syv + oyv
            yz = (fk + nz) * szv + ozv
            r3 = ridx * 3
            plsc.store_scatter(oring, [ridx], vidx, mask=m)
            plsc.store_scatter(xring, [r3], yx, mask=m)
            plsc.store_scatter(xring, [r3 + 1], yy, mask=m)
            plsc.store_scatter(xring, [r3 + 2], yz, mask=m)
            return o1 + t1

        def group4(gq, o1):
            for u in range(4):
                o1 = one_group(gq * 4 + u, o1)
            return o1

        o1s = lax.fori_loop(0, GROUPS // 4, group4, o1s)

        pend = jnp.maximum(o1s - f, 0)
        nb = pend >> 11

        def flush(j, fcur):
            soff = fcur & RM

            @pl.when(soff > RING - BLK)
            def _():
                refresh_shadow()

            pltpu.sync_copy(oring.at[pl.ds(_mo8(soff), BLK)],
                            occ_hbm.at[pl.ds(_mo8(fcur), BLK)])
            pltpu.sync_copy(xring.at[pl.ds(_mo8(soff * 3), 3 * BLK)],
                            xw_hbm.at[pl.ds(_mo8(fcur * 3), 3 * BLK)])
            return fcur + BLK

        f = lax.fori_loop(0, nb, flush, f)

        fire = jnp.logical_and(fired == 0,
                               jnp.logical_or(o1s - a >= head, si == SUBCH - 1))

        @pl.when(fire)
        def _():
            edge_occ_ring(a, head)
            edge_xw_ring(a, head)

        fired = jnp.where(fire, 1, fired)
        return (o1s, f, fired)

    f0 = a + head
    _, f, _ = lax.fori_loop(0, SUBCH, subchunk,
                            (a, f0, jnp.int32(0)))

    z = C - c1
    zend = total + chunk0 + C - b
    zstart = zend - z
    headf = jnp.minimum((8 - (zstart & 7)) & 7, z)
    ff0 = zstart + headf
    nbf = jnp.maximum(z - headf, 0) >> 11

    def fillblk(j, fcur):
        pltpu.async_copy(zbufv, occ_hbm.at[pl.ds(_mo8(fcur), BLK)], sem_f)
        pltpu.async_copy(fbufv, xw_hbm.at[pl.ds(_mo8(fcur * 3), 3 * BLK)],
                         sem_f)
        return fcur + BLK

    ffb = lax.fori_loop(0, nbf, fillblk, ff0)

    refresh_shadow()
    for bit in (1024, 512, 256, 128, 64, 32, 16, 8):
        cond = ((b - f) & bit) != 0

        @pl.when(cond)
        def _(f=f, bit=bit):
            soff = f & RM
            pltpu.sync_copy(oring.at[pl.ds(_mo8(soff), bit)],
                            occ_hbm.at[pl.ds(_mo8(f), bit)])
            pltpu.sync_copy(xring.at[pl.ds(_mo8(soff * 3), 3 * bit)],
                            xw_hbm.at[pl.ds(_mo8(f * 3), 3 * bit)])

        f = jnp.where(cond, f + bit, f)

    edge_occ_ring(f, b - f)

    edge_xw_ring(f, b - f)

    ffc = ffb
    for bit in (1024, 512, 256, 128, 64, 32, 16, 8):
        cond = ((zend - ffc) & bit) != 0

        @pl.when(cond)
        def _(ffc=ffc, bit=bit):
            pltpu.sync_copy(zbufv.at[pl.ds(0, bit)],
                            occ_hbm.at[pl.ds(_mo8(ffc), bit)])
            pltpu.sync_copy(fbufv.at[pl.ds(0, 3 * bit)],
                            xw_hbm.at[pl.ds(_mo8(ffc * 3), 3 * bit)])

        ffc = jnp.where(cond, ffc + bit, ffc)

    edge_occ_zero(ffc, zend - ffc)
    edge_xw_fill(ffc, zend - ffc)
    edge_occ_zero(zstart, headf)
    edge_xw_fill(zstart, headf)

    def filldrain(j, fcur):
        pltpu.make_async_copy(
            zbufv, occ_hbm.at[pl.ds(_mo8(fcur), BLK)], sem_f).wait()
        pltpu.make_async_copy(
            fbufv, xw_hbm.at[pl.ds(_mo8(fcur * 3), 3 * BLK)], sem_f).wait()
        return fcur + BLK

    lax.fori_loop(0, nbf, filldrain, ff0)


def kernel(binary, noise, roi_aabb):
    mask = binary.reshape(-1).astype(jnp.int32)
    noise_flat = noise.reshape(-1)
    scale = (roi_aabb[3:] - roi_aabb[:3]) / jnp.float32(RES)
    offset = roi_aabb[:3]
    yfill = noise[0] * scale + offset
    params = jnp.tile(
        jnp.concatenate([scale, offset, yfill])[:, None], (1, 16))
    fpat = jnp.tile(yfill, BLK)
    zpat = jnp.zeros((BLK,), jnp.int32)

    mesh = plsc.VectorSubcoreMesh(
        core_axis_name="c", subcore_axis_name="s",
        num_cores=NC, num_subcores=NS)

    count_k = pl.kernel(
        _count_body,
        out_type=jax.ShapeDtypeStruct((NW * 16,), jnp.int32),
        mesh=mesh,
        compiler_params=_CPARAMS,
        scratch_types=[
            pltpu.VMEM((CNT_S,), jnp.int32),
            pltpu.VMEM((16,), jnp.int32),
        ])
    counts = count_k(mask)

    main_k = pl.kernel(
        _main_body,
        out_type=(jax.ShapeDtypeStruct((3 * N,), jnp.float32),
                  jax.ShapeDtypeStruct((N,), jnp.int32)),
        mesh=mesh,
        compiler_params=_CPARAMS,
        scratch_types=[
            pltpu.VMEM((S,), jnp.int32),
            pltpu.VMEM((3 * S,), jnp.float32),
            pltpu.VMEM((RING + BLK,), jnp.int32),
            pltpu.VMEM(((RING + BLK) * 3,), jnp.float32),
            pltpu.VMEM((9, 16), jnp.float32),
            pltpu.VMEM((NW * 16,), jnp.int32),
            pltpu.VMEM((32,), jnp.int32),
            pltpu.VMEM((BLK,), jnp.int32),
            pltpu.VMEM((3 * BLK,), jnp.float32),
            pltpu.VMEM((128,), jnp.int32),
            pltpu.VMEM((128,), jnp.int32),
            pltpu.VMEM((128,), jnp.float32),
            pltpu.SemaphoreType.DMA,
            pltpu.SemaphoreType.DMA,
        ])
    xw_flat, occ_indices = main_k(mask, noise_flat, params, counts,
                                  fpat, zpat)
    return xw_flat.reshape(N, 3), occ_indices

# --- scband reference (transcript-rebuilt; emitter-appended) ---
"""Pipeline reference for scband-sample-grid-50534585205269 (READ-ONLY COPY).

The authoritative reference and input builder live on the scoring server;
editing this copy changes nothing except your own understanding.
"""

import jax, jax.numpy as jnp
import numpy as np

RES = 128
NUM_VOXELS = RES ** 3


def _grid_coords():
    ii, jj, kk = jnp.meshgrid(jnp.arange(RES, dtype=jnp.int32),
                              jnp.arange(RES, dtype=jnp.int32),
                              jnp.arange(RES, dtype=jnp.int32), indexing='ij')
    return jnp.stack([ii, jj, kk], axis=-1).reshape(NUM_VOXELS, 3)


def setup_inputs(seed: int = 0) -> dict:
    key = jax.random.key(seed)
    k1, k2 = jax.random.split(key)
    binary = jax.random.randint(k1, (RES, RES, RES), 0, 2).astype(bool)
    noise = jax.random.uniform(k2, (NUM_VOXELS, 3), dtype=jnp.float32)
    roi_aabb = jnp.array([-1.5, -1.5, -1.5, 1.5, 1.5, 1.5], dtype=jnp.float32)
    return {"binary": binary, "noise": noise, "roi_aabb": roi_aabb}


def reference(binary, noise, roi_aabb):
    # uniform_sample_occupied_voxels: indices of occupied voxels (nonzero of flattened binary)
    occ_indices = jnp.nonzero(binary.reshape(-1), size=NUM_VOXELS, fill_value=0)[0]
    grid_coords = _grid_coords()
    coords = jnp.take(grid_coords, occ_indices, axis=0).astype(jnp.float32)
    # jittered sample in unit cube: x = (coords + rand) / resolution
    x = (coords + jnp.take(noise, occ_indices, axis=0)) / jnp.float32(RES)
    # contract_inv for ContractionType.AABB: map [0,1]^3 -> roi aabb world coords
    aabb_min = roi_aabb[:3]
    aabb_max = roi_aabb[3:]
    x_world = x * (aabb_max - aabb_min) + aabb_min
    return x_world, occ_indices

if __name__ == "__main__":
    import jax
    _d = setup_inputs()
    print(jax.jit(kernel)(*tuple(_d.values())))

</pallas_src>

<mosaic_0001>
#map = affine_map<(d0, d1) -> (0)>
module attributes {stable_mosaic.version = 14 : i64} {
  func.func @_count_body(%arg0: i32, %arg1: i32, %arg2: memref<2097152xi32, #tpu.memory_space<hbm>>, %arg3: memref<512xi32, #tpu.memory_space<hbm>>, %arg4: memref<8192xi32, #tpu.memory_space<vmem>>, %arg5: memref<16xi32, #tpu.memory_space<vmem>>) attributes {dimension_semantics = [#tpu.dimension_semantics<core_parallel>, #tpu.dimension_semantics<subcore_parallel>], iteration_bounds = array<i64: 2, 16>, scalar_prefetch = 0 : i64, scratch_operands = 2 : i64, tpu.core_type = #tpu.core_type<sc_vector_subcore>, window_params = [{transform_indices = #map}, {transform_indices = #map}]} {
    %mul3A = arith.constant 2 : i32
    %mul3A_0 = arith.muli %arg1, %mul3A : i32
    %add3A = arith.addi %mul3A_0, %arg0 : i32
    %broadcast_in_dim3A = arith.constant 0 : i32
    %broadcast_in_dim3A_1 = vector.broadcast %broadcast_in_dim3A : i32 to vector<16xi32>
    %mul3A_2 = arith.constant 65536 : i32
    %mul3A_3 = arith.muli %add3A, %mul3A_2 : i32
    %add3A_4 = arith.constant 0 : i32
    %add3A_5 = arith.addi %mul3A_3, %add3A_4 : i32
    %multiple_of3A = tpu.assume_multiple %add3A_5, 8192 : i32
    "tpu.region"() ({
      %run_scoped3A = tpu.sem_alloc : memref<!tpu.dma_semaphore, #tpu.memory_space<semaphore_mem>>
      %dma_start3A = tpu.memref_slice %arg2[%multiple_of3A] : memref<2097152xi32, #tpu.memory_space<hbm>> -> memref<8192xi32, #tpu.memory_space<hbm>>
      %dma_start3A_96 = tpu.memref_slice %arg2[%multiple_of3A] : memref<2097152xi32, #tpu.memory_space<hbm>> -> memref<8192xi32, #tpu.memory_space<hbm>>
      tpu.enqueue_dma source(%dma_start3A_96 : memref<8192xi32, #tpu.memory_space<hbm>>) target(%arg4 : memref<8192xi32, #tpu.memory_space<vmem>>) target_semaphore(%run_scoped3A : memref<!tpu.dma_semaphore, #tpu.memory_space<semaphore_mem>>)
      %dma_wait3A = tpu.memref_slice %arg2[%multiple_of3A] : memref<2097152xi32, #tpu.memory_space<hbm>> -> memref<8192xi32, #tpu.memory_space<hbm>>
      %dma_wait3A_97 = tpu.memref_slice %arg2[%multiple_of3A] : memref<2097152xi32, #tpu.memory_space<hbm>> -> memref<8192xi32, #tpu.memory_space<hbm>>
      tpu.wait_dma2 semaphore(%run_scoped3A : memref<!tpu.dma_semaphore, #tpu.memory_space<semaphore_mem>>) src(%dma_wait3A_97 : memref<8192xi32, #tpu.memory_space<hbm>>) dst(%arg4 : memref<8192xi32, #tpu.memory_space<vmem>>)
      tpu.yield
    }) : () -> ()
    %scan3A = arith.constant 0 : i32
    %scan3A_6 = arith.constant 512 : i32
    %scan3A_7 = arith.addi %scan3A, %scan3A_6 : i32
    %scan3A_8 = arith.constant 1 : i32
    %scan3A_9 = scf.for %scan3A_96 = %scan3A to %scan3A_7 step %scan3A_8 iter_args(%scan3A_97 = %broadcast_in_dim3A_1) -> (vector<16xi32>)  : i32 {
      %mul3A_98 = arith.constant 16 : i32
      %mul3A_99 = arith.muli %scan3A_96, %mul3A_98 : i32
      %get3A = arith.index_cast %mul3A_99 : i32 to index
      %get3A_100 = tpu.vector_load %arg4[%get3A] {strides = array<i32>} : memref<8192xi32, #tpu.memory_space<vmem>>, vector<16xi32>,
      %add3A_101 = arith.addi %scan3A_97, %get3A_100 : vector<16xi32>
      scf.yield %add3A_101 : vector<16xi32>
    }
    %scan3A_10 = arith.constant 512 : i32
    %mul3A_11 = arith.constant 65536 : i32
    %mul3A_12 = arith.muli %add3A, %mul3A_11 : i32
    %add3A_13 = arith.constant 8192 : i32
    %add3A_14 = arith.addi %mul3A_12, %add3A_13 : i32
    %multiple_of3A_15 = tpu.assume_multiple %add3A_14, 8192 : i32
    "tpu.region"() ({
      %run_scoped3A = tpu.sem_alloc : memref<!tpu.dma_semaphore, #tpu.memory_space<semaphore_mem>>
      %dma_start3A = tpu.memref_slice %arg2[%multiple_of3A_15] : memref<2097152xi32, #tpu.memory_space<hbm>> -> memref<8192xi32, #tpu.memory_space<hbm>>
      %dma_start3A_96 = tpu.memref_slice %arg2[%multiple_of3A_15] : memref<2097152xi32, #tpu.memory_space<hbm>> -> memref<8192xi32, #tpu.memory_space<hbm>>
      tpu.enqueue_dma source(%dma_start3A_96 : memref<8192xi32, #tpu.memory_space<hbm>>) target(%arg4 : memref<8192xi32, #tpu.memory_space<vmem>>) target_semaphore(%run_scoped3A : memref<!tpu.dma_semaphore, #tpu.memory_space<semaphore_mem>>)
      %dma_wait3A = tpu.memref_slice %arg2[%multiple_of3A_15] : memref<2097152xi32, #tpu.memory_space<hbm>> -> memref<8192xi32, #tpu.memory_space<hbm>>
      %dma_wait3A_97 = tpu.memref_slice %arg2[%multiple_of3A_15] : memref<2097152xi32, #tpu.memory_space<hbm>> -> memref<8192xi32, #tpu.memory_space<hbm>>
      tpu.wait_dma2 semaphore(%run_scoped3A : memref<!tpu.dma_semaphore, #tpu.memory_space<semaphore_mem>>) src(%dma_wait3A_97 : memref<8192xi32, #tpu.memory_space<hbm>>) dst(%arg4 : memref<8192xi32, #tpu.memory_space<vmem>>)
      tpu.yield
    }) : () -> ()
    %scan3A_16 = arith.constant 0 : i32
    %scan3A_17 = arith.constant 512 : i32
    %scan3A_18 = arith.addi %scan3A_16, %scan3A_17 : i32
    %scan3A_19 = arith.constant 1 : i32
    %scan3A_20 = scf.for %scan3A_96 = %scan3A_16 to %scan3A_18 step %scan3A_19 iter_args(%scan3A_97 = %scan3A_9) -> (vector<16xi32>)  : i32 {
      %mul3A_98 = arith.constant 16 : i32
      %mul3A_99 = arith.muli %scan3A_96, %mul3A_98 : i32
      %get3A = arith.index_cast %mul3A_99 : i32 to index
      %get3A_100 = tpu.vector_load %arg4[%get3A] {strides = array<i32>} : memref<8192xi32, #tpu.memory_space<vmem>>, vector<16xi32>,
      %add3A_101 = arith.addi %scan3A_97, %get3A_100 : vector<16xi32>
      scf.yield %add3A_101 : vector<16xi32>
    }
    %scan3A_21 = arith.constant 512 : i32
    %mul3A_22 = arith.constant 65536 : i32
    %mul3A_23 = arith.muli %add3A, %mul3A_22 : i32
    %add3A_24 = arith.constant 16384 : i32
    %add3A_25 = arith.addi %mul3A_23, %add3A_24 : i32
    %multiple_of3A_26 = tpu.assume_multiple %add3A_25, 8192 : i32
    "tpu.region"() ({
      %run_scoped3A = tpu.sem_alloc : memref<!tpu.dma_semaphore, #tpu.memory_space<semaphore_mem>>
      %dma_start3A = tpu.memref_slice %arg2[%multiple_of3A_26] : memref<2097152xi32, #tpu.memory_space<hbm>> -> memref<8192xi32, #tpu.memory_space<hbm>>
      %dma_start3A_96 = tpu.memref_slice %arg2[%multiple_of3A_26] : memref<2097152xi32, #tpu.memory_space<hbm>> -> memref<8192xi32, #tpu.memory_space<hbm>>
      tpu.enqueue_dma source(%dma_start3A_96 : memref<8192xi32, #tpu.memory_space<hbm>>) target(%arg4 : memref<8192xi32, #tpu.memory_space<vmem>>) target_semaphore(%run_scoped3A : memref<!tpu.dma_semaphore, #tpu.memory_space<semaphore_mem>>)
      %dma_wait3A = tpu.memref_slice %arg2[%multiple_of3A_26] : memref<2097152xi32, #tpu.memory_space<hbm>> -> memref<8192xi32, #tpu.memory_space<hbm>>
      %dma_wait3A_97 = tpu.memref_slice %arg2[%multiple_of3A_26] : memref<2097152xi32, #tpu.memory_space<hbm>> -> memref<8192xi32, #tpu.memory_space<hbm>>
      tpu.wait_dma2 semaphore(%run_scoped3A : memref<!tpu.dma_semaphore, #tpu.memory_space<semaphore_mem>>) src(%dma_wait3A_97 : memref<8192xi32, #tpu.memory_space<hbm>>) dst(%arg4 : memref<8192xi32, #tpu.memory_space<vmem>>)
      tpu.yield
    }) : () -> ()
    %scan3A_27 = arith.constant 0 : i32
    %scan3A_28 = arith.constant 512 : i32
    %scan3A_29 = arith.addi %scan3A_27, %scan3A_28 : i32
    %scan3A_30 = arith.constant 1 : i32
    %scan3A_31 = scf.for %scan3A_96 = %scan3A_27 to %scan3A_29 step %scan3A_30 iter_args(%scan3A_97 = %scan3A_20) -> (vector<16xi32>)  : i32 {
      %mul3A_98 = arith.constant 16 : i32
      %mul3A_99 = arith.muli %scan3A_96, %mul3A_98 : i32
      %get3A = arith.index_cast %mul3A_99 : i32 to index
      %get3A_100 = tpu.vector_load %arg4[%get3A] {strides = array<i32>} : memref<8192xi32, #tpu.memory_space<vmem>>, vector<16xi32>,
      %add3A_101 = arith.addi %scan3A_97, %get3A_100 : vector<16xi32>
      scf.yield %add3A_101 : vector<16xi32>
    }
    %scan3A_32 = arith.constant 512 : i32
    %mul3A_33 = arith.constant 65536 : i32
    %mul3A_34 = arith.muli %add3A, %mul3A_33 : i32
    %add3A_35 = arith.constant 24576 : i32
    %add3A_36 = arith.addi %mul3A_34, %add3A_35 : i32
    %multiple_of3A_37 = tpu.assume_multiple %add3A_36, 8192 : i32
    "tpu.region"() ({
      %run_scoped3A = tpu.sem_alloc : memref<!tpu.dma_semaphore, #tpu.memory_space<semaphore_mem>>
      %dma_start3A = tpu.memref_slice %arg2[%multiple_of3A_37] : memref<2097152xi32, #tpu.memory_space<hbm>> -> memref<8192xi32, #tpu.memory_space<hbm>>
      %dma_start3A_96 = tpu.memref_slice %arg2[%multiple_of3A_37] : memref<2097152xi32, #tpu.memory_space<hbm>> -> memref<8192xi32, #tpu.memory_space<hbm>>
      tpu.enqueue_dma source(%dma_start3A_96 : memref<8192xi32, #tpu.memory_space<hbm>>) target(%arg4 : memref<8192xi32, #tpu.memory_space<vmem>>) target_semaphore(%run_scoped3A : memref<!tpu.dma_semaphore, #tpu.memory_space<semaphore_mem>>)
      %dma_wait3A = tpu.memref_slice %arg2[%multiple_of3A_37] : memref<2097152xi32, #tpu.memory_space<hbm>> -> memref<8192xi32, #tpu.memory_space<hbm>>
      %dma_wait3A_97 = tpu.memref_slice %arg2[%multiple_of3A_37] : memref<2097152xi32, #tpu.memory_space<hbm>> -> memref<8192xi32, #tpu.memory_space<hbm>>
      tpu.wait_dma2 semaphore(%run_scoped3A : memref<!tpu.dma_semaphore, #tpu.memory_space<semaphore_mem>>) src(%dma_wait3A_97 : memref<8192xi32, #tpu.memory_space<hbm>>) dst(%arg4 : memref<8192xi32, #tpu.memory_space<vmem>>)
      tpu.yield
    }) : () -> ()
    %scan3A_38 = arith.constant 0 : i32
    %scan3A_39 = arith.constant 512 : i32
    %scan3A_40 = arith.addi %scan3A_38, %scan3A_39 : i32
    %scan3A_41 = arith.constant 1 : i32
    %scan3A_42 = scf.for %scan3A_96 = %scan3A_38 to %scan3A_40 step %scan3A_41 iter_args(%scan3A_97 = %scan3A_31) -> (vector<16xi32>)  : i32 {
      %mul3A_98 = arith.constant 16 : i32
      %mul3A_99 = arith.muli %scan3A_96, %mul3A_98 : i32
      %get3A = arith.index_cast %mul3A_99 : i32 to index
      %get3A_100 = tpu.vector_load %arg4[%get3A] {strides = array<i32>} : memref<8192xi32, #tpu.memory_space<vmem>>, vector<16xi32>,
      %add3A_101 = arith.addi %scan3A_97, %get3A_100 : vector<16xi32>
      scf.yield %add3A_101 : vector<16xi32>
    }
    %scan3A_43 = arith.constant 512 : i32
    %mul3A_44 = arith.constant 65536 : i32
    %mul3A_45 = arith.muli %add3A, %mul3A_44 : i32
    %add3A_46 = arith.constant 32768 : i32
    %add3A_47 = arith.addi %mul3A_45, %add3A_46 : i32
    %multiple_of3A_48 = tpu.assume_multiple %add3A_47, 8192 : i32
    "tpu.region"() ({
      %run_scoped3A = tpu.sem_alloc : memref<!tpu.dma_semaphore, #tpu.memory_space<semaphore_mem>>
      %dma_start3A = tpu.memref_slice %arg2[%multiple_of3A_48] : memref<2097152xi32, #tpu.memory_space<hbm>> -> memref<8192xi32, #tpu.memory_space<hbm>>
      %dma_start3A_96 = tpu.memref_slice %arg2[%multiple_of3A_48] : memref<2097152xi32, #tpu.memory_space<hbm>> -> memref<8192xi32, #tpu.memory_space<hbm>>
      tpu.enqueue_dma source(%dma_start3A_96 : memref<8192xi32, #tpu.memory_space<hbm>>) target(%arg4 : memref<8192xi32, #tpu.memory_space<vmem>>) target_semaphore(%run_scoped3A : memref<!tpu.dma_semaphore, #tpu.memory_space<semaphore_mem>>)
      %dma_wait3A = tpu.memref_slice %arg2[%multiple_of3A_48] : memref<2097152xi32, #tpu.memory_space<hbm>> -> memref<8192xi32, #tpu.memory_space<hbm>>
      %dma_wait3A_97 = tpu.memref_slice %arg2[%multiple_of3A_48] : memref<2097152xi32, #tpu.memory_space<hbm>> -> memref<8192xi32, #tpu.memory_space<hbm>>
      tpu.wait_dma2 semaphore(%run_scoped3A : memref<!tpu.dma_semaphore, #tpu.memory_space<semaphore_mem>>) src(%dma_wait3A_97 : memref<8192xi32, #tpu.memory_space<hbm>>) dst(%arg4 : memref<8192xi32, #tpu.memory_space<vmem>>)
      tpu.yield
    }) : () -> ()
    %scan3A_49 = arith.constant 0 : i32
    %scan3A_50 = arith.constant 512 : i32
    %scan3A_51 = arith.addi %scan3A_49, %scan3A_50 : i32
    %scan3A_52 = arith.constant 1 : i32
    %scan3A_53 = scf.for %scan3A_96 = %scan3A_49 to %scan3A_51 step %scan3A_52 iter_args(%scan3A_97 = %scan3A_42) -> (vector<16xi32>)  : i32 {
      %mul3A_98 = arith.constant 16 : i32
      %mul3A_99 = arith.muli %scan3A_96, %mul3A_98 : i32
      %get3A = arith.index_cast %mul3A_99 : i32 to index
      %get3A_100 = tpu.vector_load %arg4[%get3A] {strides = array<i32>} : memref<8192xi32, #tpu.memory_space<vmem>>, vector<16xi32>,
      %add3A_101 = arith.addi %scan3A_97, %get3A_100 : vector<16xi32>
      scf.yield %add3A_101 : vector<16xi32>
    }
    %scan3A_54 = arith.constant 512 : i32
    %mul3A_55 = arith.constant 65536 : i32
    %mul3A_56 = arith.muli %add3A, %mul3A_55 : i32
    %add3A_57 = arith.constant 40960 : i32
    %add3A_58 = arith.addi %mul3A_56, %add3A_57 : i32
    %multiple_of3A_59 = tpu.assume_multiple %add3A_58, 8192 : i32
    "tpu.region"() ({
      %run_scoped3A = tpu.sem_alloc : memref<!tpu.dma_semaphore, #tpu.memory_space<semaphore_mem>>
      %dma_start3A = tpu.memref_slice %arg2[%multiple_of3A_59] : memref<2097152xi32, #tpu.memory_space<hbm>> -> memref<8192xi32, #tpu.memory_space<hbm>>
      %dma_start3A_96 = tpu.memref_slice %arg2[%multiple_of3A_59] : memref<2097152xi32, #tpu.memory_space<hbm>> -> memref<8192xi32, #tpu.memory_space<hbm>>
      tpu.enqueue_dma source(%dma_start3A_96 : memref<8192xi32, #tpu.memory_space<hbm>>) target(%arg4 : memref<8192xi32, #tpu.memory_space<vmem>>) target_semaphore(%run_scoped3A : memref<!tpu.dma_semaphore, #tpu.memory_space<semaphore_mem>>)
      %dma_wait3A = tpu.memref_slice %arg2[%multiple_of3A_59] : memref<2097152xi32, #tpu.memory_space<hbm>> -> memref<8192xi32, #tpu.memory_space<hbm>>
      %dma_wait3A_97 = tpu.memref_slice %arg2[%multiple_of3A_59] : memref<2097152xi32, #tpu.memory_space<hbm>> -> memref<8192xi32, #tpu.memory_space<hbm>>
      tpu.wait_dma2 semaphore(%run_scoped3A : memref<!tpu.dma_semaphore, #tpu.memory_space<semaphore_mem>>) src(%dma_wait3A_97 : memref<8192xi32, #tpu.memory_space<hbm>>) dst(%arg4 : memref<8192xi32, #tpu.memory_space<vmem>>)
      tpu.yield
    }) : () -> ()
    %scan3A_60 = arith.constant 0 : i32
    %scan3A_61 = arith.constant 512 : i32
    %scan3A_62 = arith.addi %scan3A_60, %scan3A_61 : i32
    %scan3A_63 = arith.constant 1 : i32
    %scan3A_64 = scf.for %scan3A_96 = %scan3A_60 to %scan3A_62 step %scan3A_63 iter_args(%scan3A_97 = %scan3A_53) -> (vector<16xi32>)  : i32 {
      %mul3A_98 = arith.constant 16 : i32
      %mul3A_99 = arith.muli %scan3A_96, %mul3A_98 : i32
      %get3A = arith.index_cast %mul3A_99 : i32 to index
      %get3A_100 = tpu.vector_load %arg4[%get3A] {strides = array<i32>} : memref<8192xi32, #tpu.memory_space<vmem>>, vector<16xi32>,
      %add3A_101 = arith.addi %scan3A_97, %get3A_100 : vector<16xi32>
      scf.yield %add3A_101 : vector<16xi32>
    }
    %scan3A_65 = arith.constant 512 : i32
    %mul3A_66 = arith.constant 65536 : i32
    %mul3A_67 = arith.muli %add3A, %mul3A_66 : i32
    %add3A_68 = arith.constant 49152 : i32
    %add3A_69 = arith.addi %mul3A_67, %add3A_68 : i32
    %multiple_of3A_70 = tpu.assume_multiple %add3A_69, 8192 : i32
    "tpu.region"() ({
      %run_scoped3A = tpu.sem_alloc : memref<!tpu.dma_semaphore, #tpu.memory_space<semaphore_mem>>
      %dma_start3A = tpu.memref_slice %arg2[%multiple_of3A_70] : memref<2097152xi32, #tpu.memory_space<hbm>> -> memref<8192xi32, #tpu.memory_space<hbm>>
      %dma_start3A_96 = tpu.memref_slice %arg2[%multiple_of3A_70] : memref<2097152xi32, #tpu.memory_space<hbm>> -> memref<8192xi32, #tpu.memory_space<hbm>>
      tpu.enqueue_dma source(%dma_start3A_96 : memref<8192xi32, #tpu.memory_space<hbm>>) target(%arg4 : memref<8192xi32, #tpu.memory_space<vmem>>) target_semaphore(%run_scoped3A : memref<!tpu.dma_semaphore, #tpu.memory_space<semaphore_mem>>)
      %dma_wait3A = tpu.memref_slice %arg2[%multiple_of3A_70] : memref<2097152xi32, #tpu.memory_space<hbm>> -> memref<8192xi32, #tpu.memory_space<hbm>>
      %dma_wait3A_97 = tpu.memref_slice %arg2[%multiple_of3A_70] : memref<2097152xi32, #tpu.memory_space<hbm>> -> memref<8192xi32, #tpu.memory_space<hbm>>
      tpu.wait_dma2 semaphore(%run_scoped3A : memref<!tpu.dma_semaphore, #tpu.memory_space<semaphore_mem>>) src(%dma_wait3A_97 : memref<8192xi32, #tpu.memory_space<hbm>>) dst(%arg4 : memref<8192xi32, #tpu.memory_space<vmem>>)
      tpu.yield
    }) : () -> ()
    %scan3A_71 = arith.constant 0 : i32
    %scan3A_72 = arith.constant 512 : i32
    %scan3A_73 = arith.addi %scan3A_71, %scan3A_72 : i32
    %scan3A_74 = arith.constant 1 : i32
    %scan3A_75 = scf.for %scan3A_96 = %scan3A_71 to %scan3A_73 step %scan3A_74 iter_args(%scan3A_97 = %scan3A_64) -> (vector<16xi32>)  : i32 {
      %mul3A_98 = arith.constant 16 : i32
      %mul3A_99 = arith.muli %scan3A_96, %mul3A_98 : i32
      %get3A = arith.index_cast %mul3A_99 : i32 to index
      %get3A_100 = tpu.vector_load %arg4[%get3A] {strides = array<i32>} : memref<8192xi32, #tpu.memory_space<vmem>>, vector<16xi32>,
      %add3A_101 = arith.addi %scan3A_97, %get3A_100 : vector<16xi32>
      scf.yield %add3A_101 : vector<16xi32>
    }
    %scan3A_76 = arith.constant 512 : i32
    %mul3A_77 = arith.constant 65536 : i32
    %mul3A_78 = arith.muli %add3A, %mul3A_77 : i32
    %add3A_79 = arith.constant 57344 : i32
    %add3A_80 = arith.addi %mul3A_78, %add3A_79 : i32
    %multiple_of3A_81 = tpu.assume_multiple %add3A_80, 8192 : i32
    "tpu.region"() ({
      %run_scoped3A = tpu.sem_alloc : memref<!tpu.dma_semaphore, #tpu.memory_space<semaphore_mem>>
      %dma_start3A = tpu.memref_slice %arg2[%multiple_of3A_81] : memref<2097152xi32, #tpu.memory_space<hbm>> -> memref<8192xi32, #tpu.memory_space<hbm>>
      %dma_start3A_96 = tpu.memref_slice %arg2[%multiple_of3A_81] : memref<2097152xi32, #tpu.memory_space<hbm>> -> memref<8192xi32, #tpu.memory_space<hbm>>
      tpu.enqueue_dma source(%dma_start3A_96 : memref<8192xi32, #tpu.memory_space<hbm>>) target(%arg4 : memref<8192xi32, #tpu.memory_space<vmem>>) target_semaphore(%run_scoped3A : memref<!tpu.dma_semaphore, #tpu.memory_space<semaphore_mem>>)
      %dma_wait3A = tpu.memref_slice %arg2[%multiple_of3A_81] : memref<2097152xi32, #tpu.memory_space<hbm>> -> memref<8192xi32, #tpu.memory_space<hbm>>
      %dma_wait3A_97 = tpu.memref_slice %arg2[%multiple_of3A_81] : memref<2097152xi32, #tpu.memory_space<hbm>> -> memref<8192xi32, #tpu.memory_space<hbm>>
      tpu.wait_dma2 semaphore(%run_scoped3A : memref<!tpu.dma_semaphore, #tpu.memory_space<semaphore_mem>>) src(%dma_wait3A_97 : memref<8192xi32, #tpu.memory_space<hbm>>) dst(%arg4 : memref<8192xi32, #tpu.memory_space<vmem>>)
      tpu.yield
    }) : () -> ()
    %scan3A_82 = arith.constant 0 : i32
    %scan3A_83 = arith.constant 512 : i32
    %scan3A_84 = arith.addi %scan3A_82, %scan3A_83 : i32
    %scan3A_85 = arith.constant 1 : i32
    %scan3A_86 = scf.for %scan3A_96 = %scan3A_82 to %scan3A_84 step %scan3A_85 iter_args(%scan3A_97 = %scan3A_75) -> (vector<16xi32>)  : i32 {
      %mul3A_98 = arith.constant 16 : i32
      %mul3A_99 = arith.muli %scan3A_96, %mul3A_98 : i32
      %get3A = arith.index_cast %mul3A_99 : i32 to index
      %get3A_100 = tpu.vector_load %arg4[%get3A] {strides = array<i32>} : memref<8192xi32, #tpu.memory_space<vmem>>, vector<16xi32>,
      %add3A_101 = arith.addi %scan3A_97, %get3A_100 : vector<16xi32>
      scf.yield %add3A_101 : vector<16xi32>
    }
    %scan3A_87 = arith.constant 512 : i32
    %reduce_sum3A = arith.constant true
    %reduce_sum3A_88 = vector.broadcast %reduce_sum3A : i1 to vector<16xi1>
    %reduce_sum3A_89 = tpu.scan <sum>, %scan3A_86 masked %reduce_sum3A_88 : vector<16xi32>, vector<16xi1> -> vector<16xi32>
    %reduce_sum3A_90 = vector.extract %reduce_sum3A_89[15] : i32 from vector<16xi32>
    %broadcast_in_dim3A_91 = vector.broadcast %reduce_sum3A_90 : i32 to vector<16xi32>
    %swap3A = arith.constant 0 : index
    %swap3A_92 = tpu.vector_load %arg5[%swap3A] {strides = array<i32>} : memref<16xi32, #tpu.memory_space<vmem>>, vector<16xi32>,
    tpu.vector_store %arg5[%swap3A], %broadcast_in_dim3A_91 {strides = array<i32>} : memref<16xi32, #tpu.memory_space<vmem>>, vector<16xi32>,
    %mul3A_93 = arith.constant 16 : i32
    %mul3A_94 = arith.muli %add3A, %mul3A_93 : i32
    %multiple_of3A_95 = tpu.assume_multiple %mul3A_94, 16 : i32
    "tpu.region"() ({
      %run_scoped3A = tpu.sem_alloc : memref<!tpu.dma_semaphore, #tpu.memory_space<semaphore_mem>>
      %dma_start3A = tpu.memref_slice %arg3[%multiple_of3A_95] : memref<512xi32, #tpu.memory_space<hbm>> -> memref<16xi32, #tpu.memory_space<hbm>>
      %dma_start3A_96 = tpu.memref_slice %arg3[%multiple_of3A_95] : memref<512xi32, #tpu.memory_space<hbm>> -> memref<16xi32, #tpu.memory_space<hbm>>
      tpu.enqueue_dma source(%arg5 : memref<16xi32, #tpu.memory_space<vmem>>) target(%dma_start3A_96 : memref<16xi32, #tpu.memory_space<hbm>>) target_semaphore(%run_scoped3A : memref<!tpu.dma_semaphore, #tpu.memory_space<semaphore_mem>>)
      %dma_wait3A = tpu.memref_slice %arg3[%multiple_of3A_95] : memref<512xi32, #tpu.memory_space<hbm>> -> memref<16xi32, #tpu.memory_space<hbm>>
      %dma_wait3A_97 = tpu.memref_slice %arg3[%multiple_of3A_95] : memref<512xi32, #tpu.memory_space<hbm>> -> memref<16xi32, #tpu.memory_space<hbm>>
      tpu.wait_dma2 semaphore(%run_scoped3A : memref<!tpu.dma_semaphore, #tpu.memory_space<semaphore_mem>>) src(%arg5 : memref<16xi32, #tpu.memory_space<vmem>>) dst(%dma_wait3A_97 : memref<16xi32, #tpu.memory_space<hbm>>)
      tpu.yield
    }) : () -> ()
    return
  }
}

#map = affine_map<(d0, d1) -> (0)>
#map1 = affine_map<(d0, d1) -> (0, 0)>
module attributes {stable_mosaic.version = 14 : i64} {
  func.func @_main_body(%arg0: i32, %arg1: i32, %arg2: memref<2097152xi32, #tpu.memory_space<hbm>>, %arg3: memref<6291456xf32, #tpu.memory_space<hbm>>, %arg4: memref<9x16xf32, #tpu.memory_space<hbm>>, %arg5: memref<512xi32, #tpu.memory_space<hbm>>, %arg6: memref<6144xf32, #tpu.memory_space<hbm>>, %arg7: memref<2048xi32, #tpu.memory_space<hbm>>, %arg8: memref<6291456xf32, #tpu.memory_space<hbm>>, %arg9: memref<2097152xi32, #tpu.memory_space<hbm>>, %arg10: memref<4096xi32, #tpu.memory_space<vmem>>, %arg11: memref<12288xf32, #tpu.memory_space<vmem>>, %arg12: memref<10240xi32, #tpu.memory_space<vmem>>, %arg13: memref<30720xf32, #tpu.memory_space<vmem>>, %arg14: memref<9x16xf32, #tpu.memory_space<vmem>>, %arg15: memref<512xi32, #tpu.memory_space<vmem>>, %arg16: memref<32xi32, #tpu.memory_space<vmem>>, %arg17: memref<2048xi32, #tpu.memory_space<vmem>>, %arg18: memref<6144xf32, #tpu.memory_space<vmem>>, %arg19: memref<128xi32, #tpu.memory_space<vmem>>, %arg20: memref<128xi32, #tpu.memory_space<vmem>>, %arg21: memref<128xf32, #tpu.memory_space<vmem>>, %arg22: memref<!tpu.dma_semaphore, #tpu.memory_space<semaphore_mem>>, %arg23: memref<!tpu.dma_semaphore, #tpu.memory_space<semaphore_mem>>) attributes {dimension_semantics = [#tpu.dimension_semantics<core_parallel>, #tpu.dimension_semantics<subcore_parallel>], iteration_bounds = array<i64: 2, 16>, scalar_prefetch = 0 : i64, scratch_operands = 14 : i64, tpu.core_type = #tpu.core_type<sc_vector_subcore>, window_params = [{transform_indices = #map}, {transform_indices = #map}, {transform_indices = #map1}, {transform_indices = #map}, {transform_indices = #map}, {transform_indices = #map}, {transform_indices = #map}, {transform_indices = #map}]} {
    %mul3A = arith.constant 2 : i32
    %mul3A_0 = arith.muli %arg1, %mul3A : i32
    %add3A = arith.addi %mul3A_0, %arg0 : i32
    %iota3A = tpu.iota {dimensions = array<i32: 0>} : vector<16xi32>
    "tpu.region"() ({
      %run_scoped3A = tpu.sem_alloc : memref<!tpu.dma_semaphore, #tpu.memory_space<semaphore_mem>>
      tpu.enqueue_dma source(%arg4 : memref<9x16xf32, #tpu.memory_space<hbm>>) target(%arg14 : memref<9x16xf32, #tpu.memory_space<vmem>>) target_semaphore(%run_scoped3A : memref<!tpu.dma_semaphore, #tpu.memory_space<semaphore_mem>>)
      tpu.wait_dma2 semaphore(%run_scoped3A : memref<!tpu.dma_semaphore, #tpu.memory_space<semaphore_mem>>) src(%arg4 : memref<9x16xf32, #tpu.memory_space<hbm>>) dst(%arg14 : memref<9x16xf32, #tpu.memory_space<vmem>>)
      tpu.yield
    }) : () -> ()
    "tpu.region"() ({
      %run_scoped3A = tpu.sem_alloc : memref<!tpu.dma_semaphore, #tpu.memory_space<semaphore_mem>>
      tpu.enqueue_dma source(%arg5 : memref<512xi32, #tpu.memory_space<hbm>>) target(%arg15 : memref<512xi32, #tpu.memory_space<vmem>>) target_semaphore(%run_scoped3A : memref<!tpu.dma_semaphore, #tpu.memory_space<semaphore_mem>>)
      tpu.wait_dma2 semaphore(%run_scoped3A : memref<!tpu.dma_semaphore, #tpu.memory_space<semaphore_mem>>) src(%arg5 : memref<512xi32, #tpu.memory_space<hbm>>) dst(%arg15 : memref<512xi32, #tpu.memory_space<vmem>>)
      tpu.yield
    }) : () -> ()
    "tpu.region"() ({
      %run_scoped3A = tpu.sem_alloc : memref<!tpu.dma_semaphore, #tpu.memory_space<semaphore_mem>>
      tpu.enqueue_dma source(%arg7 : memref<2048xi32, #tpu.memory_space<hbm>>) target(%arg17 : memref<2048xi32, #tpu.memory_space<vmem>>) target_semaphore(%run_scoped3A : memref<!tpu.dma_semaphore, #tpu.memory_space<semaphore_mem>>)
      tpu.wait_dma2 semaphore(%run_scoped3A : memref<!tpu.dma_semaphore, #tpu.memory_space<semaphore_mem>>) src(%arg7 : memref<2048xi32, #tpu.memory_space<hbm>>) dst(%arg17 : memref<2048xi32, #tpu.memory_space<vmem>>)
      tpu.yield
    }) : () -> ()
    "tpu.region"() ({
      %run_scoped3A = tpu.sem_alloc : memref<!tpu.dma_semaphore, #tpu.memory_space<semaphore_mem>>
      tpu.enqueue_dma source(%arg6 : memref<6144xf32, #tpu.memory_space<hbm>>) target(%arg18 : memref<6144xf32, #tpu.memory_space<vmem>>) target_semaphore(%run_scoped3A : memref<!tpu.dma_semaphore, #tpu.memory_space<semaphore_mem>>)
      tpu.wait_dma2 semaphore(%run_scoped3A : memref<!tpu.dma_semaphore, #tpu.memory_space<semaphore_mem>>) src(%arg6 : memref<6144xf32, #tpu.memory_space<hbm>>) dst(%arg18 : memref<6144xf32, #tpu.memory_space<vmem>>)
      tpu.yield
    }) : () -> ()
    %mul3A_1 = arith.constant 16 : i32
    %mul3A_2 = vector.broadcast %mul3A_1 : i32 to vector<16xi32>
    %mul3A_3 = arith.muli %iota3A, %mul3A_2 : vector<16xi32>
    %gather3A = tpu.vector_load_idx %arg15[%mul3A_3] : memref<512xi32, #tpu.memory_space<vmem>>[vector<16xi32>], vector<16xi32>,
    %mul3A_4 = arith.constant 16 : i32
    %mul3A_5 = vector.broadcast %mul3A_4 : i32 to vector<16xi32>
    %mul3A_6 = arith.muli %iota3A, %mul3A_5 : vector<16xi32>
    %add3A_7 = arith.constant 256 : i32
    %add3A_8 = vector.broadcast %add3A_7 : i32 to vector<16xi32>
    %add3A_9 = arith.addi %add3A_8, %mul3A_6 : vector<16xi32>
    %gather3A_10 = tpu.vector_load_idx %arg15[%add3A_9] : memref<512xi32, #tpu.memory_space<vmem>>[vector<16xi32>], vector<16xi32>,
    %reduce_sum3A = arith.constant true
    %reduce_sum3A_11 = vector.broadcast %reduce_sum3A : i1 to vector<16xi1>
    %reduce_sum3A_12 = tpu.scan <sum>, %gather3A masked %reduce_sum3A_11 : vector<16xi32>, vector<16xi1> -> vector<16xi32>
    %reduce_sum3A_13 = vector.extract %reduce_sum3A_12[15] : i32 from vector<16xi32>
    %reduce_sum3A_14 = arith.constant true
    %reduce_sum3A_15 = vector.broadcast %reduce_sum3A_14 : i1 to vector<16xi1>
    %reduce_sum3A_16 = tpu.scan <sum>, %gather3A_10 masked %reduce_sum3A_15 : vector<16xi32>, vector<16xi1> -> vector<16xi32>
    %reduce_sum3A_17 = vector.extract %reduce_sum3A_16[15] : i32 from vector<16xi32>
    %add3A_18 = arith.addi %reduce_sum3A_13, %reduce_sum3A_17 : i32
    %broadcast_in_dim3A = arith.constant true
    %broadcast_in_dim3A_19 = vector.broadcast %broadcast_in_dim3A : i1 to vector<16xi1>
    %masked_cumsum3A = tpu.scan <sum>, %gather3A masked %broadcast_in_dim3A_19 : vector<16xi32>, vector<16xi1> -> vector<16xi32>
    %sub3A = arith.subi %masked_cumsum3A, %gather3A : vector<16xi32>
    %broadcast_in_dim3A_20 = arith.constant true
    %broadcast_in_dim3A_21 = vector.broadcast %broadcast_in_dim3A_20 : i1 to vector<16xi1>
    %masked_cumsum3A_22 = tpu.scan <sum>, %gather3A_10 masked %broadcast_in_dim3A_21 : vector<16xi32>, vector<16xi1> -> vector<16xi32>
    %sub3A_23 = arith.subi %masked_cumsum3A_22, %gather3A_10 : vector<16xi32>
    %add3A_24 = vector.broadcast %reduce_sum3A_13 : i32 to vector<16xi32>
    %add3A_25 = arith.addi %sub3A_23, %add3A_24 : vector<16xi32>
    %swap3A = arith.constant 0 : index
    %swap3A_26 = tpu.vector_load %arg16[%swap3A] {strides = array<i32>} : memref<32xi32, #tpu.memory_space<vmem>>, vector<16xi32>,
    tpu.vector_store %arg16[%swap3A], %sub3A {strides = array<i32>} : memref<32xi32, #tpu.memory_space<vmem>>, vector<16xi32>,
    %swap3A_27 = arith.constant 16 : index
    %swap3A_28 = tpu.vector_load %arg16[%swap3A_27] {strides = array<i32>} : memref<32xi32, #tpu.memory_space<vmem>>, vector<16xi32>,
    tpu.vector_store %arg16[%swap3A_27], %add3A_25 {strides = array<i32>} : memref<32xi32, #tpu.memory_space<vmem>>, vector<16xi32>,
    %broadcast_in_dim3A_29 = vector.broadcast %add3A : i32 to vector<16xi32>
    %gather3A_30 = tpu.vector_load_idx %arg16[%broadcast_in_dim3A_29] : memref<32xi32, #tpu.memory_space<vmem>>[vector<16xi32>], vector<16xi32>,
    %slice3A = vector.extract_strided_slice %gather3A_30 {offsets = [0], sizes = [1], strides = [1]} : vector<16xi32> to vector<1xi32>
    %squeeze3A = vector.extract %slice3A[0] : i32 from vector<1xi32>
    %mul3A_31 = arith.constant 16 : i32
    %mul3A_32 = vector.broadcast %mul3A_31 : i32 to vector<16xi32>
    %mul3A_33 = arith.muli %broadcast_in_dim3A_29, %mul3A_32 : vector<16xi32>
    %gather3A_34 = tpu.vector_load_idx %arg15[%mul3A_33] : memref<512xi32, #tpu.memory_space<vmem>>[vector<16xi32>], vector<16xi32>,
    %slice3A_35 = vector.extract_strided_slice %gather3A_34 {offsets = [0], sizes = [1], strides = [1]} : vector<16xi32> to vector<1xi32>
    %squeeze3A_36 = vector.extract %slice3A_35[0] : i32 from vector<1xi32>
    %add3A_37 = arith.addi %squeeze3A, %squeeze3A_36 : i32
    %get3A = arith.constant 0 : i32
    %get3A_38 = arith.index_cast %get3A : i32 to index
    %get3A_39 = arith.constant 0 : index
    %get3A_40 = tpu.vector_load %arg14[%get3A_38, %get3A_39] {strides = array<i32>} : memref<9x16xf32, #tpu.memory_space<vmem>>, vector<16xf32>,
    %get3A_41 = arith.constant 1 : i32
    %get3A_42 = arith.index_cast %get3A_41 : i32 to index
    %get3A_43 = arith.constant 0 : index
    %get3A_44 = tpu.vector_load %arg14[%get3A_42, %get3A_43] {strides = array<i32>} : memref<9x16xf32, #tpu.memory_space<vmem>>, vector<16xf32>,
    %get3A_45 = arith.constant 2 : i32
    %get3A_46 = arith.index_cast %get3A_45 : i32 to index
    %get3A_47 = arith.constant 0 : index
    %get3A_48 = tpu.vector_load %arg14[%get3A_46, %get3A_47] {strides = array<i32>} : memref<9x16xf32, #tpu.memory_space<vmem>>, vector<16xf32>,
    %get3A_49 = arith.constant 3 : i32
    %get3A_50 = arith.index_cast %get3A_49 : i32 to index
    %get3A_51 = arith.constant 0 : index
    %get3A_52 = tpu.vector_load %arg14[%get3A_50, %get3A_51] {strides = array<i32>} : memref<9x16xf32, #tpu.memory_space<vmem>>, vector<16xf32>,
    %get3A_53 = arith.constant 4 : i32
    %get3A_54 = arith.index_cast %get3A_53 : i32 to index
    %get3A_55 = arith.constant 0 : index
    %get3A_56 = tpu.vector_load %arg14[%get3A_54, %get3A_55] {strides = array<i32>} : memref<9x16xf32, #tpu.memory_space<vmem>>, vector<16xf32>,
    %get3A_57 = arith.constant 5 : i32
    %get3A_58 = arith.index_cast %get3A_57 : i32 to index
    %get3A_59 = arith.constant 0 : index
    %get3A_60 = tpu.vector_load %arg14[%get3A_58, %get3A_59] {strides = array<i32>} : memref<9x16xf32, #tpu.memory_space<vmem>>, vector<16xf32>,
    %mul3A_61 = arith.constant 65536 : i32
    %mul3A_62 = arith.muli %add3A, %mul3A_61 : i32
    %and3A = arith.constant 7 : i32
    %and3A_63 = arith.andi %squeeze3A, %and3A : i32
    %sub3A_64 = arith.constant 8 : i32
    %sub3A_65 = arith.subi %sub3A_64, %and3A_63 : i32
    %and3A_66 = arith.constant 7 : i32
    %and3A_67 = arith.andi %sub3A_65, %and3A_66 : i32
    %min3A = arith.minsi %and3A_67, %squeeze3A_36 : i32
    %add3A_68 = arith.addi %squeeze3A, %min3A : i32
    %scan3A = arith.constant 0 : i32
    %scan3A_69 = arith.constant 0 : i32
    %scan3A_70 = arith.constant 16 : i32
    %scan3A_71 = arith.addi %scan3A_69, %scan3A_70 : i32
    %scan3A_72 = arith.constant 1 : i32
    %scan3A_73:3 = scf.for %scan3A_333 = %scan3A_69 to %scan3A_71 step %scan3A_72 iter_args(%scan3A_334 = %squeeze3A, %scan3A_335 = %add3A_68, %scan3A_336 = %scan3A) -> (i32, i32, i32)  : i32 {
      %mul3A_337 = arith.constant 4096 : i32
      %mul3A_338 = arith.muli %scan3A_333, %mul3A_337 : i32
      %add3A_339 = arith.addi %mul3A_62, %mul3A_338 : i32
      %multiple_of3A = tpu.assume_multiple %add3A_339, 8 : i32
      "tpu.region"() ({
        %run_scoped3A = tpu.sem_alloc : memref<!tpu.dma_semaphore, #tpu.memory_space<semaphore_mem>>
        %dma_start3A = tpu.memref_slice %arg2[%multiple_of3A] : memref<2097152xi32, #tpu.memory_space<hbm>> -> memref<4096xi32, #tpu.memory_space<hbm>>
        %dma_start3A_374 = tpu.memref_slice %arg2[%multiple_of3A] : memref<2097152xi32, #tpu.memory_space<hbm>> -> memref<4096xi32, #tpu.memory_space<hbm>>
        tpu.enqueue_dma source(%dma_start3A_374 : memref<4096xi32, #tpu.memory_space<hbm>>) target(%arg10 : memref<4096xi32, #tpu.memory_space<vmem>>) target_semaphore(%run_scoped3A : memref<!tpu.dma_semaphore, #tpu.memory_space<semaphore_mem>>)
        %dma_wait3A = tpu.memref_slice %arg2[%multiple_of3A] : memref<2097152xi32, #tpu.memory_space<hbm>> -> memref<4096xi32, #tpu.memory_space<hbm>>
        %dma_wait3A_375 = tpu.memref_slice %arg2[%multiple_of3A] : memref<2097152xi32, #tpu.memory_space<hbm>> -> memref<4096xi32, #tpu.memory_space<hbm>>
        tpu.wait_dma2 semaphore(%run_scoped3A : memref<!tpu.dma_semaphore, #tpu.memory_space<semaphore_mem>>) src(%dma_wait3A_375 : memref<4096xi32, #tpu.memory_space<hbm>>) dst(%arg10 : memref<4096xi32, #tpu.memory_space<vmem>>)
        tpu.yield
      }) : () -> ()
      %mul3A_340 = arith.constant 3 : i32
      %mul3A_341 = arith.muli %add3A_339, %mul3A_340 : i32
      %multiple_of3A_342 = tpu.assume_multiple %mul3A_341, 8 : i32
      "tpu.region"() ({
        %run_scoped3A = tpu.sem_alloc : memref<!tpu.dma_semaphore, #tpu.memory_space<semaphore_mem>>
        %dma_start3A = tpu.memref_slice %arg3[%multiple_of3A_342] : memref<6291456xf32, #tpu.memory_space<hbm>> -> memref<12288xf32, #tpu.memory_space<hbm>>
        %dma_start3A_374 = tpu.memref_slice %arg3[%multiple_of3A_342] : memref<6291456xf32, #tpu.memory_space<hbm>> -> memref<12288xf32, #tpu.memory_space<hbm>>
        tpu.enqueue_dma source(%dma_start3A_374 : memref<12288xf32, #tpu.memory_space<hbm>>) target(%arg11 : memref<12288xf32, #tpu.memory_space<vmem>>) target_semaphore(%run_scoped3A : memref<!tpu.dma_semaphore, #tpu.memory_space<semaphore_mem>>)
        %dma_wait3A = tpu.memref_slice %arg3[%multiple_of3A_342] : memref<6291456xf32, #tpu.memory_space<hbm>> -> memref<12288xf32, #tpu.memory_space<hbm>>
        %dma_wait3A_375 = tpu.memref_slice %arg3[%multiple_of3A_342] : memref<6291456xf32, #tpu.memory_space<hbm>> -> memref<12288xf32, #tpu.memory_space<hbm>>
        tpu.wait_dma2 semaphore(%run_scoped3A : memref<!tpu.dma_semaphore, #tpu.memory_space<semaphore_mem>>) src(%dma_wait3A_375 : memref<12288xf32, #tpu.memory_space<hbm>>) dst(%arg11 : memref<12288xf32, #tpu.memory_space<vmem>>)
        tpu.yield
      }) : () -> ()
      %scan3A_343 = arith.constant 0 : i32
      %scan3A_344 = arith.constant 64 : i32
      %scan3A_345 = arith.addi %scan3A_343, %scan3A_344 : i32
      %scan3A_346 = arith.constant 1 : i32
      %scan3A_347 = scf.for %scan3A_374 = %scan3A_343 to %scan3A_345 step %scan3A_346 iter_args(%scan3A_375 = %scan3A_334) -> (i32)  : i32 {
        %mul3A_376 = arith.constant 4 : i32
        %mul3A_377 = arith.muli %scan3A_374, %mul3A_376 : i32
        %add3A_378 = arith.constant 0 : i32
        %add3A_379 = arith.addi %mul3A_377, %add3A_378 : i32
        %mul3A_380 = arith.constant 16 : i32
        %mul3A_381 = arith.muli %add3A_379, %mul3A_380 : i32
        %get3A_382 = arith.index_cast %mul3A_381 : i32 to index
        %get3A_383 = tpu.vector_load %arg10[%get3A_382] {strides = array<i32>} : memref<4096xi32, #tpu.memory_space<vmem>>, vector<16xi32>,
        %gt3A_384 = arith.constant 0 : i32
        %gt3A_385 = vector.broadcast %gt3A_384 : i32 to vector<16xi32>
        %gt3A_386 = arith.cmpi sgt, %get3A_383, %gt3A_385 : vector<16xi32>
        %broadcast_in_dim3A_387 = arith.constant true
        %broadcast_in_dim3A_388 = vector.broadcast %broadcast_in_dim3A_387 : i1 to vector<16xi1>
        %masked_cumsum3A_389 = tpu.scan <sum>, %get3A_383 masked %broadcast_in_dim3A_388 : vector<16xi32>, vector<16xi1> -> vector<16xi32>
        %sub3A_390 = arith.subi %masked_cumsum3A_389, %get3A_383 : vector<16xi32>
        %reduce_sum3A_391 = arith.constant true
        %reduce_sum3A_392 = vector.broadcast %reduce_sum3A_391 : i1 to vector<16xi1>
        %reduce_sum3A_393 = tpu.scan <sum>, %get3A_383 masked %reduce_sum3A_392 : vector<16xi32>, vector<16xi1> -> vector<16xi32>
        %reduce_sum3A_394 = vector.extract %reduce_sum3A_393[15] : i32 from vector<16xi32>
        %add3A_395 = vector.broadcast %scan3A_375 : i32 to vector<16xi32>
        %add3A_396 = arith.addi %add3A_395, %sub3A_390 : vector<16xi32>
        %and3A_397 = arith.constant 8191 : i32
        %and3A_398 = vector.broadcast %and3A_397 : i32 to vector<16xi32>
        %and3A_399 = arith.andi %add3A_396, %and3A_398 : vector<16xi32>
        %mul3A_400 = arith.constant 16 : i32
        %mul3A_401 = arith.muli %add3A_379, %mul3A_400 : i32
        %add3A_402 = vector.broadcast %mul3A_401 : i32 to vector<16xi32>
        %add3A_403 = arith.addi %add3A_402, %iota3A : vector<16xi32>
        %add3A_404 = vector.broadcast %add3A_339 : i32 to vector<16xi32>
        %add3A_405 = arith.addi %add3A_404, %add3A_403 : vector<16xi32>
        %shift_right_arithmetic3A_406 = arith.constant 14 : i32
        %shift_right_arithmetic3A_407 = vector.broadcast %shift_right_arithmetic3A_406 : i32 to vector<16xi32>
        %shift_right_arithmetic3A_408 = arith.shrsi %add3A_405, %shift_right_arithmetic3A_407 : vector<16xi32>
        %convert_element_type3A_409 = arith.sitofp %shift_right_arithmetic3A_408 : vector<16xi32> to vector<16xf32>
        %shift_right_arithmetic3A_410 = arith.constant 7 : i32
        %shift_right_arithmetic3A_411 = vector.broadcast %shift_right_arithmetic3A_410 : i32 to vector<16xi32>
        %shift_right_arithmetic3A_412 = arith.shrsi %add3A_405, %shift_right_arithmetic3A_411 : vector<16xi32>
        %and3A_413 = arith.constant 127 : i32
        %and3A_414 = vector.broadcast %and3A_413 : i32 to vector<16xi32>
        %and3A_415 = arith.andi %shift_right_arithmetic3A_412, %and3A_414 : vector<16xi32>
        %convert_element_type3A_416 = arith.sitofp %and3A_415 : vector<16xi32> to vector<16xf32>
        %and3A_417 = arith.constant 127 : i32
        %and3A_418 = vector.broadcast %and3A_417 : i32 to vector<16xi32>
        %and3A_419 = arith.andi %add3A_405, %and3A_418 : vector<16xi32>
        %convert_element_type3A_420 = arith.sitofp %and3A_419 : vector<16xi32> to vector<16xf32>
        %mul3A_421 = arith.constant 3 : i32
        %mul3A_422 = vector.broadcast %mul3A_421 : i32 to vector<16xi32>
        %mul3A_423 = arith.muli %add3A_403, %mul3A_422 : vector<16xi32>
        %gather3A_424 = tpu.vector_load_idx %arg11[%mul3A_423] : memref<12288xf32, #tpu.memory_space<vmem>>[vector<16xi32>], vector<16xf32>,
        %mul3A_425 = arith.constant 3 : i32
        %mul3A_426 = vector.broadcast %mul3A_425 : i32 to vector<16xi32>
        %mul3A_427 = arith.muli %add3A_403, %mul3A_426 : vector<16xi32>
        %add3A_428 = arith.constant 1 : i32
        %add3A_429 = vector.broadcast %add3A_428 : i32 to vector<16xi32>
        %add3A_430 = arith.addi %mul3A_427, %add3A_429 : vector<16xi32>
        %gather3A_431 = tpu.vector_load_idx %arg11[%add3A_430] : memref<12288xf32, #tpu.memory_space<vmem>>[vector<16xi32>], vector<16xf32>,
        %mul3A_432 = arith.constant 3 : i32
        %mul3A_433 = vector.broadcast %mul3A_432 : i32 to vector<16xi32>
        %mul3A_434 = arith.muli %add3A_403, %mul3A_433 : vector<16xi32>
        %add3A_435 = arith.constant 2 : i32
        %add3A_436 = vector.broadcast %add3A_435 : i32 to vector<16xi32>
        %add3A_437 = arith.addi %mul3A_434, %add3A_436 : vector<16xi32>
        %gather3A_438 = tpu.vector_load_idx %arg11[%add3A_437] : memref<12288xf32, #tpu.memory_space<vmem>>[vector<16xi32>], vector<16xf32>,
        %add3A_439 = arith.addf %convert_element_type3A_409, %gather3A_424 : vector<16xf32>
        %mul3A_440 = arith.mulf %add3A_439, %get3A_40 : vector<16xf32>
        %add3A_441 = arith.addf %mul3A_440, %get3A_52 : vector<16xf32>
        %add3A_442 = arith.addf %convert_element_type3A_416, %gather3A_431 : vector<16xf32>
        %mul3A_443 = arith.mulf %add3A_442, %get3A_44 : vector<16xf32>
        %add3A_444 = arith.addf %mul3A_443, %get3A_56 : vector<16xf32>
        %add3A_445 = arith.addf %convert_element_type3A_420, %gather3A_438 : vector<16xf32>
        %mul3A_446 = arith.mulf %add3A_445, %get3A_48 : vector<16xf32>
        %add3A_447 = arith.addf %mul3A_446, %get3A_60 : vector<16xf32>
        %mul3A_448 = arith.constant 3 : i32
        %mul3A_449 = vector.broadcast %mul3A_448 : i32 to vector<16xi32>
        %mul3A_450 = arith.muli %and3A_399, %mul3A_449 : vector<16xi32>
        tpu.vector_store_idx %arg12[%and3A_399], %add3A_405 masked %gt3A_386 : memref<10240xi32, #tpu.memory_space<vmem>>[vector<16xi32>], vector<16xi32>, vector<16xi1>
        tpu.vector_store_idx %arg13[%mul3A_450], %add3A_441 masked %gt3A_386 : memref<30720xf32, #tpu.memory_space<vmem>>[vector<16xi32>], vector<16xf32>, vector<16xi1>
        %add3A_451 = arith.constant 1 : i32
        %add3A_452 = vector.broadcast %add3A_451 : i32 to vector<16xi32>
        %add3A_453 = arith.addi %mul3A_450, %add3A_452 : vector<16xi32>
        tpu.vector_store_idx %arg13[%add3A_453], %add3A_444 masked %gt3A_386 : memref<30720xf32, #tpu.memory_space<vmem>>[vector<16xi32>], vector<16xf32>, vector<16xi1>
        %add3A_454 = arith.constant 2 : i32
        %add3A_455 = vector.broadcast %add3A_454 : i32 to vector<16xi32>
        %add3A_456 = arith.addi %mul3A_450, %add3A_455 : vector<16xi32>
        tpu.vector_store_idx %arg13[%add3A_456], %add3A_447 masked %gt3A_386 : memref<30720xf32, #tpu.memory_space<vmem>>[vector<16xi32>], vector<16xf32>, vector<16xi1>
        %add3A_457 = arith.addi %scan3A_375, %reduce_sum3A_394 : i32
        %mul3A_458 = arith.constant 4 : i32
        %mul3A_459 = arith.muli %scan3A_374, %mul3A_458 : i32
        %add3A_460 = arith.constant 1 : i32
        %add3A_461 = arith.addi %mul3A_459, %add3A_460 : i32
        %mul3A_462 = arith.constant 16 : i32
        %mul3A_463 = arith.muli %add3A_461, %mul3A_462 : i32
        %get3A_464 = arith.index_cast %mul3A_463 : i32 to index
        %get3A_465 = tpu.vector_load %arg10[%get3A_464] {strides = array<i32>} : memref<4096xi32, #tpu.memory_space<vmem>>, vector<16xi32>,
        %gt3A_466 = arith.constant 0 : i32
        %gt3A_467 = vector.broadcast %gt3A_466 : i32 to vector<16xi32>
        %gt3A_468 = arith.cmpi sgt, %get3A_465, %gt3A_467 : vector<16xi32>
        %broadcast_in_dim3A_469 = arith.constant true
        %broadcast_in_dim3A_470 = vector.broadcast %broadcast_in_dim3A_469 : i1 to vector<16xi1>
        %masked_cumsum3A_471 = tpu.scan <sum>, %get3A_465 masked %broadcast_in_dim3A_470 : vector<16xi32>, vector<16xi1> -> vector<16xi32>
        %sub3A_472 = arith.subi %masked_cumsum3A_471, %get3A_465 : vector<16xi32>
        %reduce_sum3A_473 = arith.constant true
        %reduce_sum3A_474 = vector.broadcast %reduce_sum3A_473 : i1 to vector<16xi1>
        %reduce_sum3A_475 = tpu.scan <sum>, %get3A_465 masked %reduce_sum3A_474 : vector<16xi32>, vector<16xi1> -> vector<16xi32>
        %reduce_sum3A_476 = vector.extract %reduce_sum3A_475[15] : i32 from vector<16xi32>
        %add3A_477 = vector.broadcast %add3A_457 : i32 to vector<16xi32>
        %add3A_478 = arith.addi %add3A_477, %sub3A_472 : vector<16xi32>
        %and3A_479 = arith.constant 8191 : i32
        %and3A_480 = vector.broadcast %and3A_479 : i32 to vector<16xi32>
        %and3A_481 = arith.andi %add3A_478, %and3A_480 : vector<16xi32>
        %mul3A_482 = arith.constant 16 : i32
        %mul3A_483 = arith.muli %add3A_461, %mul3A_482 : i32
        %add3A_484 = vector.broadcast %mul3A_483 : i32 to vector<16xi32>
        %add3A_485 = arith.addi %add3A_484, %iota3A : vector<16xi32>
        %add3A_486 = vector.broadcast %add3A_339 : i32 to vector<16xi32>
        %add3A_487 = arith.addi %add3A_486, %add3A_485 : vector<16xi32>
        %shift_right_arithmetic3A_488 = arith.constant 14 : i32
        %shift_right_arithmetic3A_489 = vector.broadcast %shift_right_arithmetic3A_488 : i32 to vector<16xi32>
        %shift_right_arithmetic3A_490 = arith.shrsi %add3A_487, %shift_right_arithmetic3A_489 : vector<16xi32>
        %convert_element_type3A_491 = arith.sitofp %shift_right_arithmetic3A_490 : vector<16xi32> to vector<16xf32>
        %shift_right_arithmetic3A_492 = arith.constant 7 : i32
        %shift_right_arithmetic3A_493 = vector.broadcast %shift_right_arithmetic3A_492 : i32 to vector<16xi32>
        %shift_right_arithmetic3A_494 = arith.shrsi %add3A_487, %shift_right_arithmetic3A_493 : vector<16xi32>
        %and3A_495 = arith.constant 127 : i32
        %and3A_496 = vector.broadcast %and3A_495 : i32 to vector<16xi32>
        %and3A_497 = arith.andi %shift_right_arithmetic3A_494, %and3A_496 : vector<16xi32>
        %convert_element_type3A_498 = arith.sitofp %and3A_497 : vector<16xi32> to vector<16xf32>
        %and3A_499 = arith.constant 127 : i32
        %and3A_500 = vector.broadcast %and3A_499 : i32 to vector<16xi32>
        %and3A_501 = arith.andi %add3A_487, %and3A_500 : vector<16xi32>
        %convert_element_type3A_502 = arith.sitofp %and3A_501 : vector<16xi32> to vector<16xf32>
        %mul3A_503 = arith.constant 3 : i32
        %mul3A_504 = vector.broadcast %mul3A_503 : i32 to vector<16xi32>
        %mul3A_505 = arith.muli %add3A_485, %mul3A_504 : vector<16xi32>
        %gather3A_506 = tpu.vector_load_idx %arg11[%mul3A_505] : memref<12288xf32, #tpu.memory_space<vmem>>[vector<16xi32>], vector<16xf32>,
        %mul3A_507 = arith.constant 3 : i32
        %mul3A_508 = vector.broadcast %mul3A_507 : i32 to vector<16xi32>
        %mul3A_509 = arith.muli %add3A_485, %mul3A_508 : vector<16xi32>
        %add3A_510 = arith.constant 1 : i32
        %add3A_511 = vector.broadcast %add3A_510 : i32 to vector<16xi32>
        %add3A_512 = arith.addi %mul3A_509, %add3A_511 : vector<16xi32>
        %gather3A_513 = tpu.vector_load_idx %arg11[%add3A_512] : memref<12288xf32, #tpu.memory_space<vmem>>[vector<16xi32>], vector<16xf32>,
        %mul3A_514 = arith.constant 3 : i32
        %mul3A_515 = vector.broadcast %mul3A_514 : i32 to vector<16xi32>
        %mul3A_516 = arith.muli %add3A_485, %mul3A_515 : vector<16xi32>
        %add3A_517 = arith.constant 2 : i32
        %add3A_518 = vector.broadcast %add3A_517 : i32 to vector<16xi32>
        %add3A_519 = arith.addi %mul3A_516, %add3A_518 : vector<16xi32>
        %gather3A_520 = tpu.vector_load_idx %arg11[%add3A_519] : memref<12288xf32, #tpu.memory_space<vmem>>[vector<16xi32>], vector<16xf32>,
        %add3A_521 = arith.addf %convert_element_type3A_491, %gather3A_506 : vector<16xf32>
        %mul3A_522 = arith.mulf %add3A_521, %get3A_40 : vector<16xf32>
        %add3A_523 = arith.addf %mul3A_522, %get3A_52 : vector<16xf32>
        %add3A_524 = arith.addf %convert_element_type3A_498, %gather3A_513 : vector<16xf32>
        %mul3A_525 = arith.mulf %add3A_524, %get3A_44 : vector<16xf32>
        %add3A_526 = arith.addf %mul3A_525, %get3A_56 : vector<16xf32>
        %add3A_527 = arith.addf %convert_element_type3A_502, %gather3A_520 : vector<16xf32>
        %mul3A_528 = arith.mulf %add3A_527, %get3A_48 : vector<16xf32>
        %add3A_529 = arith.addf %mul3A_528, %get3A_60 : vector<16xf32>
        %mul3A_530 = arith.constant 3 : i32
        %mul3A_531 = vector.broadcast %mul3A_530 : i32 to vector<16xi32>
        %mul3A_532 = arith.muli %and3A_481, %mul3A_531 : vector<16xi32>
        tpu.vector_store_idx %arg12[%and3A_481], %add3A_487 masked %gt3A_468 : memref<10240xi32, #tpu.memory_space<vmem>>[vector<16xi32>], vector<16xi32>, vector<16xi1>
        tpu.vector_store_idx %arg13[%mul3A_532], %add3A_523 masked %gt3A_468 : memref<30720xf32, #tpu.memory_space<vmem>>[vector<16xi32>], vector<16xf32>, vector<16xi1>
        %add3A_533 = arith.constant 1 : i32
        %add3A_534 = vector.broadcast %add3A_533 : i32 to vector<16xi32>
        %add3A_535 = arith.addi %mul3A_532, %add3A_534 : vector<16xi32>
        tpu.vector_store_idx %arg13[%add3A_535], %add3A_526 masked %gt3A_468 : memref<30720xf32, #tpu.memory_space<vmem>>[vector<16xi32>], vector<16xf32>, vector<16xi1>
        %add3A_536 = arith.constant 2 : i32
        %add3A_537 = vector.broadcast %add3A_536 : i32 to vector<16xi32>
        %add3A_538 = arith.addi %mul3A_532, %add3A_537 : vector<16xi32>
        tpu.vector_store_idx %arg13[%add3A_538], %add3A_529 masked %gt3A_468 : memref<30720xf32, #tpu.memory_space<vmem>>[vector<16xi32>], vector<16xf32>, vector<16xi1>
        %add3A_539 = arith.addi %add3A_457, %reduce_sum3A_476 : i32
        %mul3A_540 = arith.constant 4 : i32
        %mul3A_541 = arith.muli %scan3A_374, %mul3A_540 : i32
        %add3A_542 = arith.constant 2 : i32
        %add3A_543 = arith.addi %mul3A_541, %add3A_542 : i32
        %mul3A_544 = arith.constant 16 : i32
        %mul3A_545 = arith.muli %add3A_543, %mul3A_544 : i32
        %get3A_546 = arith.index_cast %mul3A_545 : i32 to index
        %get3A_547 = tpu.vector_load %arg10[%get3A_546] {strides = array<i32>} : memref<4096xi32, #tpu.memory_space<vmem>>, vector<16xi32>,
        %gt3A_548 = arith.constant 0 : i32
        %gt3A_549 = vector.broadcast %gt3A_548 : i32 to vector<16xi32>
        %gt3A_550 = arith.cmpi sgt, %get3A_547, %gt3A_549 : vector<16xi32>
        %broadcast_in_dim3A_551 = arith.constant true
        %broadcast_in_dim3A_552 = vector.broadcast %broadcast_in_dim3A_551 : i1 to vector<16xi1>
        %masked_cumsum3A_553 = tpu.scan <sum>, %get3A_547 masked %broadcast_in_dim3A_552 : vector<16xi32>, vector<16xi1> -> vector<16xi32>
        %sub3A_554 = arith.subi %masked_cumsum3A_553, %get3A_547 : vector<16xi32>
        %reduce_sum3A_555 = arith.constant true
        %reduce_sum3A_556 = vector.broadcast %reduce_sum3A_555 : i1 to vector<16xi1>
        %reduce_sum3A_557 = tpu.scan <sum>, %get3A_547 masked %reduce_sum3A_556 : vector<16xi32>, vector<16xi1> -> vector<16xi32>
        %reduce_sum3A_558 = vector.extract %reduce_sum3A_557[15] : i32 from vector<16xi32>
        %add3A_559 = vector.broadcast %add3A_539 : i32 to vector<16xi32>
        %add3A_560 = arith.addi %add3A_559, %sub3A_554 : vector<16xi32>
        %and3A_561 = arith.constant 8191 : i32
        %and3A_562 = vector.broadcast %and3A_561 : i32 to vector<16xi32>
        %and3A_563 = arith.andi %add3A_560, %and3A_562 : vector<16xi32>
        %mul3A_564 = arith.constant 16 : i32
        %mul3A_565 = arith.muli %add3A_543, %mul3A_564 : i32
        %add3A_566 = vector.broadcast %mul3A_565 : i32 to vector<16xi32>
        %add3A_567 = arith.addi %add3A_566, %iota3A : vector<16xi32>
        %add3A_568 = vector.broadcast %add3A_339 : i32 to vector<16xi32>
        %add3A_569 = arith.addi %add3A_568, %add3A_567 : vector<16xi32>
        %shift_right_arithmetic3A_570 = arith.constant 14 : i32
        %shift_right_arithmetic3A_571 = vector.broadcast %shift_right_arithmetic3A_570 : i32 to vector<16xi32>
        %shift_right_arithmetic3A_572 = arith.shrsi %add3A_569, %shift_right_arithmetic3A_571 : vector<16xi32>
        %convert_element_type3A_573 = arith.sitofp %shift_right_arithmetic3A_572 : vector<16xi32> to vector<16xf32>
        %shift_right_arithmetic3A_574 = arith.constant 7 : i32
        %shift_right_arithmetic3A_575 = vector.broadcast %shift_right_arithmetic3A_574 : i32 to vector<16xi32>
        %shift_right_arithmetic3A_576 = arith.shrsi %add3A_569, %shift_right_arithmetic3A_575 : vector<16xi32>
        %and3A_577 = arith.constant 127 : i32
        %and3A_578 = vector.broadcast %and3A_577 : i32 to vector<16xi32>
        %and3A_579 = arith.andi %shift_right_arithmetic3A_576, %and3A_578 : vector<16xi32>
        %convert_element_type3A_580 = arith.sitofp %and3A_579 : vector<16xi32> to vector<16xf32>
        %and3A_581 = arith.constant 127 : i32
        %and3A_582 = vector.broadcast %and3A_581 : i32 to vector<16xi32>
        %and3A_583 = arith.andi %add3A_569, %and3A_582 : vector<16xi32>
        %convert_element_type3A_584 = arith.sitofp %and3A_583 : vector<16xi32> to vector<16xf32>
        %mul3A_585 = arith.constant 3 : i32
        %mul3A_586 = vector.broadcast %mul3A_585 : i32 to vector<16xi32>
        %mul3A_587 = arith.muli %add3A_567, %mul3A_586 : vector<16xi32>
        %gather3A_588 = tpu.vector_load_idx %arg11[%mul3A_587] : memref<12288xf32, #tpu.memory_space<vmem>>[vector<16xi32>], vector<16xf32>,
        %mul3A_589 = arith.constant 3 : i32
        %mul3A_590 = vector.broadcast %mul3A_589 : i32 to vector<16xi32>
        %mul3A_591 = arith.muli %add3A_567, %mul3A_590 : vector<16xi32>
        %add3A_592 = arith.constant 1 : i32
        %add3A_593 = vector.broadcast %add3A_592 : i32 to vector<16xi32>
        %add3A_594 = arith.addi %mul3A_591, %add3A_593 : vector<16xi32>
        %gather3A_595 = tpu.vector_load_idx %arg11[%add3A_594] : memref<12288xf32, #tpu.memory_space<vmem>>[vector<16xi32>], vector<16xf32>,
        %mul3A_596 = arith.constant 3 : i32
        %mul3A_597 = vector.broadcast %mul3A_596 : i32 to vector<16xi32>
        %mul3A_598 = arith.muli %add3A_567, %mul3A_597 : vector<16xi32>
        %add3A_599 = arith.constant 2 : i32
        %add3A_600 = vector.broadcast %add3A_599 : i32 to vector<16xi32>
        %add3A_601 = arith.addi %mul3A_598, %add3A_600 : vector<16xi32>
        %gather3A_602 = tpu.vector_load_idx %arg11[%add3A_601] : memref<12288xf32, #tpu.memory_space<vmem>>[vector<16xi32>], vector<16xf32>,
        %add3A_603 = arith.addf %convert_element_type3A_573, %gather3A_588 : vector<16xf32>
        %mul3A_604 = arith.mulf %add3A_603, %get3A_40 : vector<16xf32>
        %add3A_605 = arith.addf %mul3A_604, %get3A_52 : vector<16xf32>
        %add3A_606 = arith.addf %convert_element_type3A_580, %gather3A_595 : vector<16xf32>
        %mul3A_607 = arith.mulf %add3A_606, %get3A_44 : vector<16xf32>
        %add3A_608 = arith.addf %mul3A_607, %get3A_56 : vector<16xf32>
        %add3A_609 = arith.addf %convert_element_type3A_584, %gather3A_602 : vector<16xf32>
        %mul3A_610 = arith.mulf %add3A_609, %get3A_48 : vector<16xf32>
        %add3A_611 = arith.addf %mul3A_610, %get3A_60 : vector<16xf32>
        %mul3A_612 = arith.constant 3 : i32
        %mul3A_613 = vector.broadcast %mul3A_612 : i32 to vector<16xi32>
        %mul3A_614 = arith.muli %and3A_563, %mul3A_613 : vector<16xi32>
        tpu.vector_store_idx %arg12[%and3A_563], %add3A_569 masked %gt3A_550 : memref<10240xi32, #tpu.memory_space<vmem>>[vector<16xi32>], vector<16xi32>, vector<16xi1>
        tpu.vector_store_idx %arg13[%mul3A_614], %add3A_605 masked %gt3A_550 : memref<30720xf32, #tpu.memory_space<vmem>>[vector<16xi32>], vector<16xf32>, vector<16xi1>
        %add3A_615 = arith.constant 1 : i32
        %add3A_616 = vector.broadcast %add3A_615 : i32 to vector<16xi32>
        %add3A_617 = arith.addi %mul3A_614, %add3A_616 : vector<16xi32>
        tpu.vector_store_idx %arg13[%add3A_617], %add3A_608 masked %gt3A_550 : memref<30720xf32, #tpu.memory_space<vmem>>[vector<16xi32>], vector<16xf32>, vector<16xi1>
        %add3A_618 = arith.constant 2 : i32
        %add3A_619 = vector.broadcast %add3A_618 : i32 to vector<16xi32>
        %add3A_620 = arith.addi %mul3A_614, %add3A_619 : vector<16xi32>
        tpu.vector_store_idx %arg13[%add3A_620], %add3A_611 masked %gt3A_550 : memref<30720xf32, #tpu.memory_space<vmem>>[vector<16xi32>], vector<16xf32>, vector<16xi1>
        %add3A_621 = arith.addi %add3A_539, %reduce_sum3A_558 : i32
        %mul3A_622 = arith.constant 4 : i32
        %mul3A_623 = arith.muli %scan3A_374, %mul3A_622 : i32
        %add3A_624 = arith.constant 3 : i32
        %add3A_625 = arith.addi %mul3A_623, %add3A_624 : i32
        %mul3A_626 = arith.constant 16 : i32
        %mul3A_627 = arith.muli %add3A_625, %mul3A_626 : i32
        %get3A_628 = arith.index_cast %mul3A_627 : i32 to index
        %get3A_629 = tpu.vector_load %arg10[%get3A_628] {strides = array<i32>} : memref<4096xi32, #tpu.memory_space<vmem>>, vector<16xi32>,
        %gt3A_630 = arith.constant 0 : i32
        %gt3A_631 = vector.broadcast %gt3A_630 : i32 to vector<16xi32>
        %gt3A_632 = arith.cmpi sgt, %get3A_629, %gt3A_631 : vector<16xi32>
        %broadcast_in_dim3A_633 = arith.constant true
        %broadcast_in_dim3A_634 = vector.broadcast %broadcast_in_dim3A_633 : i1 to vector<16xi1>
        %masked_cumsum3A_635 = tpu.scan <sum>, %get3A_629 masked %broadcast_in_dim3A_634 : vector<16xi32>, vector<16xi1> -> vector<16xi32>
        %sub3A_636 = arith.subi %masked_cumsum3A_635, %get3A_629 : vector<16xi32>
        %reduce_sum3A_637 = arith.constant true
        %reduce_sum3A_638 = vector.broadcast %reduce_sum3A_637 : i1 to vector<16xi1>
        %reduce_sum3A_639 = tpu.scan <sum>, %get3A_629 masked %reduce_sum3A_638 : vector<16xi32>, vector<16xi1> -> vector<16xi32>
        %reduce_sum3A_640 = vector.extract %reduce_sum3A_639[15] : i32 from vector<16xi32>
        %add3A_641 = vector.broadcast %add3A_621 : i32 to vector<16xi32>
        %add3A_642 = arith.addi %add3A_641, %sub3A_636 : vector<16xi32>
        %and3A_643 = arith.constant 8191 : i32
        %and3A_644 = vector.broadcast %and3A_643 : i32 to vector<16xi32>
        %and3A_645 = arith.andi %add3A_642, %and3A_644 : vector<16xi32>
        %mul3A_646 = arith.constant 16 : i32
        %mul3A_647 = arith.muli %add3A_625, %mul3A_646 : i32
        %add3A_648 = vector.broadcast %mul3A_647 : i32 to vector<16xi32>
        %add3A_649 = arith.addi %add3A_648, %iota3A : vector<16xi32>
        %add3A_650 = vector.broadcast %add3A_339 : i32 to vector<16xi32>
        %add3A_651 = arith.addi %add3A_650, %add3A_649 : vector<16xi32>
        %shift_right_arithmetic3A_652 = arith.constant 14 : i32
        %shift_right_arithmetic3A_653 = vector.broadcast %shift_right_arithmetic3A_652 : i32 to vector<16xi32>
        %shift_right_arithmetic3A_654 = arith.shrsi %add3A_651, %shift_right_arithmetic3A_653 : vector<16xi32>
        %convert_element_type3A_655 = arith.sitofp %shift_right_arithmetic3A_654 : vector<16xi32> to vector<16xf32>
        %shift_right_arithmetic3A_656 = arith.constant 7 : i32
        %shift_right_arithmetic3A_657 = vector.broadcast %shift_right_arithmetic3A_656 : i32 to vector<16xi32>
        %shift_right_arithmetic3A_658 = arith.shrsi %add3A_651, %shift_right_arithmetic3A_657 : vector<16xi32>
        %and3A_659 = arith.constant 127 : i32
        %and3A_660 = vector.broadcast %and3A_659 : i32 to vector<16xi32>
        %and3A_661 = arith.andi %shift_right_arithmetic3A_658, %and3A_660 : vector<16xi32>
        %convert_element_type3A_662 = arith.sitofp %and3A_661 : vector<16xi32> to vector<16xf32>
        %and3A_663 = arith.constant 127 : i32
        %and3A_664 = vector.broadcast %and3A_663 : i32 to vector<16xi32>
        %and3A_665 = arith.andi %add3A_651, %and3A_664 : vector<16xi32>
        %convert_element_type3A_666 = arith.sitofp %and3A_665 : vector<16xi32> to vector<16xf32>
        %mul3A_667 = arith.constant 3 : i32
        %mul3A_668 = vector.broadcast %mul3A_667 : i32 to vector<16xi32>
        %mul3A_669 = arith.muli %add3A_649, %mul3A_668 : vector<16xi32>
        %gather3A_670 = tpu.vector_load_idx %arg11[%mul3A_669] : memref<12288xf32, #tpu.memory_space<vmem>>[vector<16xi32>], vector<16xf32>,
        %mul3A_671 = arith.constant 3 : i32
        %mul3A_672 = vector.broadcast %mul3A_671 : i32 to vector<16xi32>
        %mul3A_673 = arith.muli %add3A_649, %mul3A_672 : vector<16xi32>
        %add3A_674 = arith.constant 1 : i32
        %add3A_675 = vector.broadcast %add3A_674 : i32 to vector<16xi32>
        %add3A_676 = arith.addi %mul3A_673, %add3A_675 : vector<16xi32>
        %gather3A_677 = tpu.vector_load_idx %arg11[%add3A_676] : memref<12288xf32, #tpu.memory_space<vmem>>[vector<16xi32>], vector<16xf32>,
        %mul3A_678 = arith.constant 3 : i32
        %mul3A_679 = vector.broadcast %mul3A_678 : i32 to vector<16xi32>
        %mul3A_680 = arith.muli %add3A_649, %mul3A_679 : vector<16xi32>
        %add3A_681 = arith.constant 2 : i32
        %add3A_682 = vector.broadcast %add3A_681 : i32 to vector<16xi32>
        %add3A_683 = arith.addi %mul3A_680, %add3A_682 : vector<16xi32>
        %gather3A_684 = tpu.vector_load_idx %arg11[%add3A_683] : memref<12288xf32, #tpu.memory_space<vmem>>[vector<16xi32>], vector<16xf32>,
        %add3A_685 = arith.addf %convert_element_type3A_655, %gather3A_670 : vector<16xf32>
        %mul3A_686 = arith.mulf %add3A_685, %get3A_40 : vector<16xf32>
        %add3A_687 = arith.addf %mul3A_686, %get3A_52 : vector<16xf32>
        %add3A_688 = arith.addf %convert_element_type3A_662, %gather3A_677 : vector<16xf32>
        %mul3A_689 = arith.mulf %add3A_688, %get3A_44 : vector<16xf32>
        %add3A_690 = arith.addf %mul3A_689, %get3A_56 : vector<16xf32>
        %add3A_691 = arith.addf %convert_element_type3A_666, %gather3A_684 : vector<16xf32>
        %mul3A_692 = arith.mulf %add3A_691, %get3A_48 : vector<16xf32>
        %add3A_693 = arith.addf %mul3A_692, %get3A_60 : vector<16xf32>
        %mul3A_694 = arith.constant 3 : i32
        %mul3A_695 = vector.broadcast %mul3A_694 : i32 to vector<16xi32>
        %mul3A_696 = arith.muli %and3A_645, %mul3A_695 : vector<16xi32>
        tpu.vector_store_idx %arg12[%and3A_645], %add3A_651 masked %gt3A_632 : memref<10240xi32, #tpu.memory_space<vmem>>[vector<16xi32>], vector<16xi32>, vector<16xi1>
        tpu.vector_store_idx %arg13[%mul3A_696], %add3A_687 masked %gt3A_632 : memref<30720xf32, #tpu.memory_space<vmem>>[vector<16xi32>], vector<16xf32>, vector<16xi1>
        %add3A_697 = arith.constant 1 : i32
        %add3A_698 = vector.broadcast %add3A_697 : i32 to vector<16xi32>
        %add3A_699 = arith.addi %mul3A_696, %add3A_698 : vector<16xi32>
        tpu.vector_store_idx %arg13[%add3A_699], %add3A_690 masked %gt3A_632 : memref<30720xf32, #tpu.memory_space<vmem>>[vector<16xi32>], vector<16xf32>, vector<16xi1>
        %add3A_700 = arith.constant 2 : i32
        %add3A_701 = vector.broadcast %add3A_700 : i32 to vector<16xi32>
        %add3A_702 = arith.addi %mul3A_696, %add3A_701 : vector<16xi32>
        tpu.vector_store_idx %arg13[%add3A_702], %add3A_693 masked %gt3A_632 : memref<30720xf32, #tpu.memory_space<vmem>>[vector<16xi32>], vector<16xf32>, vector<16xi1>
        %add3A_703 = arith.addi %add3A_621, %reduce_sum3A_640 : i32
        scf.yield %add3A_703 : i32
      }
      %scan3A_348 = arith.constant 64 : i32
      %sub3A_349 = arith.subi %scan3A_347, %scan3A_335 : i32
      %max3A_350 = arith.constant 0 : i32
      %max3A_351 = arith.maxsi %sub3A_349, %max3A_350 : i32
      %shift_right_arithmetic3A_352 = arith.constant 11 : i32
      %shift_right_arithmetic3A_353 = arith.shrsi %max3A_351, %shift_right_arithmetic3A_352 : i32
      %while3A_354 = arith.constant 0 : i32
      %while3A_355 = arith.subi %shift_right_arithmetic3A_353, %while3A_354 : i32
      %while3A_356 = arith.addi %while3A_354, %while3A_355 : i32
      %while3A_357 = arith.constant 1 : i32
      %while3A_358 = arith.divsi %while3A_355, %while3A_357 : i32
      %while3A_359 = arith.muli %while3A_358, %while3A_357 : i32
      %while3A_360 = arith.addi %while3A_354, %while3A_359 : i32
      %while3A_361 = arith.constant 1 : i32
      %while3A_362 = scf.for %while3A_374 = %while3A_354 to %while3A_360 step %while3A_361 iter_args(%while3A_375 = %scan3A_335) -> (i32)  : i32 {
        %and3A_376 = arith.constant 8191 : i32
        %and3A_377 = arith.andi %while3A_375, %and3A_376 : i32
        %gt3A_378 = arith.constant 6144 : i32
        %gt3A_379 = arith.cmpi sgt, %and3A_377, %gt3A_378 : i32
        %convert_element_type3A_380 = arith.extui %gt3A_379 : i1 to i32
        %cond3A_381 = arith.constant 0 : i32
        %cond3A_382 = arith.cmpi ne, %convert_element_type3A_380, %cond3A_381 : i32
        scf.if %cond3A_382 {
          %scan3A_393 = arith.constant 0 : i32
          %scan3A_394 = arith.constant 0 : i32
          %scan3A_395 = arith.constant 128 : i32
          %scan3A_396 = arith.addi %scan3A_394, %scan3A_395 : i32
          %scan3A_397 = arith.constant 1 : i32
          %scan3A_398 = scf.for %scan3A_407 = %scan3A_394 to %scan3A_396 step %scan3A_397 iter_args(%scan3A_408 = %scan3A_393) -> (i32)  : i32 {
            %mul3A_409 = arith.constant 16 : i32
            %mul3A_410 = arith.muli %scan3A_407, %mul3A_409 : i32
            %get3A_411 = arith.index_cast %mul3A_410 : i32 to index
            %get3A_412 = tpu.vector_load %arg12[%get3A_411] {strides = array<i32>} : memref<10240xi32, #tpu.memory_space<vmem>>, vector<16xi32>,
            %mul3A_413 = arith.constant 16 : i32
            %mul3A_414 = arith.muli %scan3A_407, %mul3A_413 : i32
            %add3A_415 = arith.constant 8192 : i32
            %add3A_416 = arith.addi %add3A_415, %mul3A_414 : i32
            %swap3A_417 = arith.index_cast %add3A_416 : i32 to index
            %swap3A_418 = tpu.vector_load %arg12[%swap3A_417] {strides = array<i32>} : memref<10240xi32, #tpu.memory_space<vmem>>, vector<16xi32>,
            tpu.vector_store %arg12[%swap3A_417], %get3A_412 {strides = array<i32>} : memref<10240xi32, #tpu.memory_space<vmem>>, vector<16xi32>,
            %scan3A_419 = arith.constant 0 : i32
            scf.yield %scan3A_419 : i32
          }
          %scan3A_399 = arith.constant 128 : i32
          %scan3A_400 = arith.constant 0 : i32
          %scan3A_401 = arith.constant 0 : i32
          %scan3A_402 = arith.constant 384 : i32
          %scan3A_403 = arith.addi %scan3A_401, %scan3A_402 : i32
          %scan3A_404 = arith.constant 1 : i32
          %scan3A_405 = scf.for %scan3A_407 = %scan3A_401 to %scan3A_403 step %scan3A_404 iter_args(%scan3A_408 = %scan3A_400) -> (i32)  : i32 {
            %mul3A_409 = arith.constant 16 : i32
            %mul3A_410 = arith.muli %scan3A_407, %mul3A_409 : i32
            %get3A_411 = arith.index_cast %mul3A_410 : i32 to index
            %get3A_412 = tpu.vector_load %arg13[%get3A_411] {strides = array<i32>} : memref<30720xf32, #tpu.memory_space<vmem>>, vector<16xf32>,
            %mul3A_413 = arith.constant 16 : i32
            %mul3A_414 = arith.muli %scan3A_407, %mul3A_413 : i32
            %add3A_415 = arith.constant 24576 : i32
            %add3A_416 = arith.addi %add3A_415, %mul3A_414 : i32
            %swap3A_417 = arith.index_cast %add3A_416 : i32 to index
            %swap3A_418 = tpu.vector_load %arg13[%swap3A_417] {strides = array<i32>} : memref<30720xf32, #tpu.memory_space<vmem>>, vector<16xf32>,
            tpu.vector_store %arg13[%swap3A_417], %get3A_412 {strides = array<i32>} : memref<30720xf32, #tpu.memory_space<vmem>>, vector<16xf32>,
            %scan3A_419 = arith.constant 0 : i32
            scf.yield %scan3A_419 : i32
          }
          %scan3A_406 = arith.constant 384 : i32
        } else {
        }
        %multiple_of3A_383 = tpu.assume_multiple %and3A_377, 8 : i32
        %multiple_of3A_384 = tpu.assume_multiple %while3A_375, 8 : i32
        "tpu.region"() ({
          %run_scoped3A = tpu.sem_alloc : memref<!tpu.dma_semaphore, #tpu.memory_space<semaphore_mem>>
          %dma_start3A = tpu.memref_slice %arg12[%multiple_of3A_383] : memref<10240xi32, #tpu.memory_space<vmem>> -> memref<2048xi32, #tpu.memory_space<vmem>>
          %dma_start3A_393 = tpu.memref_slice %arg9[%multiple_of3A_384] : memref<2097152xi32, #tpu.memory_space<hbm>> -> memref<2048xi32, #tpu.memory_space<hbm>>
          %dma_start3A_394 = tpu.memref_slice %arg9[%multiple_of3A_384] : memref<2097152xi32, #tpu.memory_space<hbm>> -> memref<2048xi32, #tpu.memory_space<hbm>>
          %dma_start3A_395 = tpu.memref_slice %arg12[%multiple_of3A_383] : memref<10240xi32, #tpu.memory_space<vmem>> -> memref<2048xi32, #tpu.memory_space<vmem>>
          tpu.enqueue_dma source(%dma_start3A_395 : memref<2048xi32, #tpu.memory_space<vmem>>) target(%dma_start3A_394 : memref<2048xi32, #tpu.memory_space<hbm>>) target_semaphore(%run_scoped3A : memref<!tpu.dma_semaphore, #tpu.memory_space<semaphore_mem>>)
          %dma_wait3A = tpu.memref_slice %arg12[%multiple_of3A_383] : memref<10240xi32, #tpu.memory_space<vmem>> -> memref<2048xi32, #tpu.memory_space<vmem>>
          %dma_wait3A_396 = tpu.memref_slice %arg9[%multiple_of3A_384] : memref<2097152xi32, #tpu.memory_space<hbm>> -> memref<2048xi32, #tpu.memory_space<hbm>>
          %dma_wait3A_397 = tpu.memref_slice %arg9[%multiple_of3A_384] : memref<2097152xi32, #tpu.memory_space<hbm>> -> memref<2048xi32, #tpu.memory_space<hbm>>
          %dma_wait3A_398 = tpu.memref_slice %arg12[%multiple_of3A_383] : memref<10240xi32, #tpu.memory_space<vmem>> -> memref<2048xi32, #tpu.memory_space<vmem>>
          tpu.wait_dma2 semaphore(%run_scoped3A : memref<!tpu.dma_semaphore, #tpu.memory_space<semaphore_mem>>) src(%dma_wait3A_398 : memref<2048xi32, #tpu.memory_space<vmem>>) dst(%dma_wait3A_397 : memref<2048xi32, #tpu.memory_space<hbm>>)
          tpu.yield
        }) : () -> ()
        %mul3A_385 = arith.constant 3 : i32
        %mul3A_386 = arith.muli %and3A_377, %mul3A_385 : i32
        %multiple_of3A_387 = tpu.assume_multiple %mul3A_386, 8 : i32
        %mul3A_388 = arith.constant 3 : i32
        %mul3A_389 = arith.muli %while3A_375, %mul3A_388 : i32
        %multiple_of3A_390 = tpu.assume_multiple %mul3A_389, 8 : i32
        "tpu.region"() ({
          %run_scoped3A = tpu.sem_alloc : memref<!tpu.dma_semaphore, #tpu.memory_space<semaphore_mem>>
          %dma_start3A = tpu.memref_slice %arg13[%multiple_of3A_387] : memref<30720xf32, #tpu.memory_space<vmem>> -> memref<6144xf32, #tpu.memory_space<vmem>>
          %dma_start3A_393 = tpu.memref_slice %arg8[%multiple_of3A_390] : memref<6291456xf32, #tpu.memory_space<hbm>> -> memref<6144xf32, #tpu.memory_space<hbm>>
          %dma_start3A_394 = tpu.memref_slice %arg8[%multiple_of3A_390] : memref<6291456xf32, #tpu.memory_space<hbm>> -> memref<6144xf32, #tpu.memory_space<hbm>>
          %dma_start3A_395 = tpu.memref_slice %arg13[%multiple_of3A_387] : memref<30720xf32, #tpu.memory_space<vmem>> -> memref<6144xf32, #tpu.memory_space<vmem>>
          tpu.enqueue_dma source(%dma_start3A_395 : memref<6144xf32, #tpu.memory_space<vmem>>) target(%dma_start3A_394 : memref<6144xf32, #tpu.memory_space<hbm>>) target_semaphore(%run_scoped3A : memref<!tpu.dma_semaphore, #tpu.memory_space<semaphore_mem>>)
          %dma_wait3A = tpu.memref_slice %arg13[%multiple_of3A_387] : memref<30720xf32, #tpu.memory_space<vmem>> -> memref<6144xf32, #tpu.memory_space<vmem>>
          %dma_wait3A_396 = tpu.memref_slice %arg8[%multiple_of3A_390] : memref<6291456xf32, #tpu.memory_space<hbm>> -> memref<6144xf32, #tpu.memory_space<hbm>>
          %dma_wait3A_397 = tpu.memref_slice %arg8[%multiple_of3A_390] : memref<6291456xf32, #tpu.memory_space<hbm>> -> memref<6144xf32, #tpu.memory_space<hbm>>
          %dma_wait3A_398 = tpu.memref_slice %arg13[%multiple_of3A_387] : memref<30720xf32, #tpu.memory_space<vmem>> -> memref<6144xf32, #tpu.memory_space<vmem>>
          tpu.wait_dma2 semaphore(%run_scoped3A : memref<!tpu.dma_semaphore, #tpu.memory_space<semaphore_mem>>) src(%dma_wait3A_398 : memref<6144xf32, #tpu.memory_space<vmem>>) dst(%dma_wait3A_397 : memref<6144xf32, #tpu.memory_space<hbm>>)
          tpu.yield
        }) : () -> ()
        %add3A_391 = arith.constant 2048 : i32
        %add3A_392 = arith.addi %while3A_375, %add3A_391 : i32
        scf.yield %add3A_392 : i32
      }
      %while3A_363 = arith.constant 1 : i32
      %while3A_364 = scf.for %while3A_374 = %while3A_360 to %while3A_356 step %while3A_363 iter_args(%while3A_375 = %while3A_362) -> (i32)  : i32 {
        %and3A_376 = arith.constant 8191 : i32
        %and3A_377 = arith.andi %while3A_375, %and3A_376 : i32
        %gt3A_378 = arith.constant 6144 : i32
        %gt3A_379 = arith.cmpi sgt, %and3A_377, %gt3A_378 : i32
        %convert_element_type3A_380 = arith.extui %gt3A_379 : i1 to i32
        %cond3A_381 = arith.constant 0 : i32
        %cond3A_382 = arith.cmpi ne, %convert_element_type3A_380, %cond3A_381 : i32
        scf.if %cond3A_382 {
          %scan3A_393 = arith.constant 0 : i32
          %scan3A_394 = arith.constant 0 : i32
          %scan3A_395 = arith.constant 128 : i32
          %scan3A_396 = arith.addi %scan3A_394, %scan3A_395 : i32
          %scan3A_397 = arith.constant 1 : i32
          %scan3A_398 = scf.for %scan3A_407 = %scan3A_394 to %scan3A_396 step %scan3A_397 iter_args(%scan3A_408 = %scan3A_393) -> (i32)  : i32 {
            %mul3A_409 = arith.constant 16 : i32
            %mul3A_410 = arith.muli %scan3A_407, %mul3A_409 : i32
            %get3A_411 = arith.index_cast %mul3A_410 : i32 to index
            %get3A_412 = tpu.vector_load %arg12[%get3A_411] {strides = array<i32>} : memref<10240xi32, #tpu.memory_space<vmem>>, vector<16xi32>,
            %mul3A_413 = arith.constant 16 : i32
            %mul3A_414 = arith.muli %scan3A_407, %mul3A_413 : i32
            %add3A_415 = arith.constant 8192 : i32
            %add3A_416 = arith.addi %add3A_415, %mul3A_414 : i32
            %swap3A_417 = arith.index_cast %add3A_416 : i32 to index
            %swap3A_418 = tpu.vector_load %arg12[%swap3A_417] {strides = array<i32>} : memref<10240xi32, #tpu.memory_space<vmem>>, vector<16xi32>,
            tpu.vector_store %arg12[%swap3A_417], %get3A_412 {strides = array<i32>} : memref<10240xi32, #tpu.memory_space<vmem>>, vector<16xi32>,
            %scan3A_419 = arith.constant 0 : i32
            scf.yield %scan3A_419 : i32
          }
          %scan3A_399 = arith.constant 128 : i32
          %scan3A_400 = arith.constant 0 : i32
          %scan3A_401 = arith.constant 0 : i32
          %scan3A_402 = arith.constant 384 : i32
          %scan3A_403 = arith.addi %scan3A_401, %scan3A_402 : i32
          %scan3A_404 = arith.constant 1 : i32
          %scan3A_405 = scf.for %scan3A_407 = %scan3A_401 to %scan3A_403 step %scan3A_404 iter_args(%scan3A_408 = %scan3A_400) -> (i32)  : i32 {
            %mul3A_409 = arith.constant 16 : i32
            %mul3A_410 = arith.muli %scan3A_407, %mul3A_409 : i32
            %get3A_411 = arith.index_cast %mul3A_410 : i32 to index
            %get3A_412 = tpu.vector_load %arg13[%get3A_411] {strides = array<i32>} : memref<30720xf32, #tpu.memory_space<vmem>>, vector<16xf32>,
            %mul3A_413 = arith.constant 16 : i32
            %mul3A_414 = arith.muli %scan3A_407, %mul3A_413 : i32
            %add3A_415 = arith.constant 24576 : i32
            %add3A_416 = arith.addi %add3A_415, %mul3A_414 : i32
            %swap3A_417 = arith.index_cast %add3A_416 : i32 to index
            %swap3A_418 = tpu.vector_load %arg13[%swap3A_417] {strides = array<i32>} : memref<30720xf32, #tpu.memory_space<vmem>>, vector<16xf32>,
            tpu.vector_store %arg13[%swap3A_417], %get3A_412 {strides = array<i32>} : memref<30720xf32, #tpu.memory_space<vmem>>, vector<16xf32>,
            %scan3A_419 = arith.constant 0 : i32
            scf.yield %scan3A_419 : i32
          }
          %scan3A_406 = arith.constant 384 : i32
        } else {
        }
        %multiple_of3A_383 = tpu.assume_multiple %and3A_377, 8 : i32
        %multiple_of3A_384 = tpu.assume_multiple %while3A_375, 8 : i32
        "tpu.region"() ({
          %run_scoped3A = tpu.sem_alloc : memref<!tpu.dma_semaphore, #tpu.memory_space<semaphore_mem>>
          %dma_start3A = tpu.memref_slice %arg12[%multiple_of3A_383] : memref<10240xi32, #tpu.memory_space<vmem>> -> memref<2048xi32, #tpu.memory_space<vmem>>
          %dma_start3A_393 = tpu.memref_slice %arg9[%multiple_of3A_384] : memref<2097152xi32, #tpu.memory_space<hbm>> -> memref<2048xi32, #tpu.memory_space<hbm>>
          %dma_start3A_394 = tpu.memref_slice %arg9[%multiple_of3A_384] : memref<2097152xi32, #tpu.memory_space<hbm>> -> memref<2048xi32, #tpu.memory_space<hbm>>
          %dma_start3A_395 = tpu.memref_slice %arg12[%multiple_of3A_383] : memref<10240xi32, #tpu.memory_space<vmem>> -> memref<2048xi32, #tpu.memory_space<vmem>>
          tpu.enqueue_dma source(%dma_start3A_395 : memref<2048xi32, #tpu.memory_space<vmem>>) target(%dma_start3A_394 : memref<2048xi32, #tpu.memory_space<hbm>>) target_semaphore(%run_scoped3A : memref<!tpu.dma_semaphore, #tpu.memory_space<semaphore_mem>>)
          %dma_wait3A = tpu.memref_slice %arg12[%multiple_of3A_383] : memref<10240xi32, #tpu.memory_space<vmem>> -> memref<2048xi32, #tpu.memory_space<vmem>>
          %dma_wait3A_396 = tpu.memref_slice %arg9[%multiple_of3A_384] : memref<2097152xi32, #tpu.memory_space<hbm>> -> memref<2048xi32, #tpu.memory_space<hbm>>
          %dma_wait3A_397 = tpu.memref_slice %arg9[%multiple_of3A_384] : memref<2097152xi32, #tpu.memory_space<hbm>> -> memref<2048xi32, #tpu.memory_space<hbm>>
          %dma_wait3A_398 = tpu.memref_slice %arg12[%multiple_of3A_383] : memref<10240xi32, #tpu.memory_space<vmem>> -> memref<2048xi32, #tpu.memory_space<vmem>>
          tpu.wait_dma2 semaphore(%run_scoped3A : memref<!tpu.dma_semaphore, #tpu.memory_space<semaphore_mem>>) src(%dma_wait3A_398 : memref<2048xi32, #tpu.memory_space<vmem>>) dst(%dma_wait3A_397 : memref<2048xi32, #tpu.memory_space<hbm>>)
          tpu.yield
        }) : () -> ()
        %mul3A_385 = arith.constant 3 : i32
        %mul3A_386 = arith.muli %and3A_377, %mul3A_385 : i32
        %multiple_of3A_387 = tpu.assume_multiple %mul3A_386, 8 : i32
        %mul3A_388 = arith.constant 3 : i32
        %mul3A_389 = arith.muli %while3A_375, %mul3A_388 : i32
        %multiple_of3A_390 = tpu.assume_multiple %mul3A_389, 8 : i32
        "tpu.region"() ({
          %run_scoped3A = tpu.sem_alloc : memref<!tpu.dma_semaphore, #tpu.memory_space<semaphore_mem>>
          %dma_start3A = tpu.memref_slice %arg13[%multiple_of3A_387] : memref<30720xf32, #tpu.memory_space<vmem>> -> memref<6144xf32, #tpu.memory_space<vmem>>
          %dma_start3A_393 = tpu.memref_slice %arg8[%multiple_of3A_390] : memref<6291456xf32, #tpu.memory_space<hbm>> -> memref<6144xf32, #tpu.memory_space<hbm>>
          %dma_start3A_394 = tpu.memref_slice %arg8[%multiple_of3A_390] : memref<6291456xf32, #tpu.memory_space<hbm>> -> memref<6144xf32, #tpu.memory_space<hbm>>
          %dma_start3A_395 = tpu.memref_slice %arg13[%multiple_of3A_387] : memref<30720xf32, #tpu.memory_space<vmem>> -> memref<6144xf32, #tpu.memory_space<vmem>>
          tpu.enqueue_dma source(%dma_start3A_395 : memref<6144xf32, #tpu.memory_space<vmem>>) target(%dma_start3A_394 : memref<6144xf32, #tpu.memory_space<hbm>>) target_semaphore(%run_scoped3A : memref<!tpu.dma_semaphore, #tpu.memory_space<semaphore_mem>>)
          %dma_wait3A = tpu.memref_slice %arg13[%multiple_of3A_387] : memref<30720xf32, #tpu.memory_space<vmem>> -> memref<6144xf32, #tpu.memory_space<vmem>>
          %dma_wait3A_396 = tpu.memref_slice %arg8[%multiple_of3A_390] : memref<6291456xf32, #tpu.memory_space<hbm>> -> memref<6144xf32, #tpu.memory_space<hbm>>
          %dma_wait3A_397 = tpu.memref_slice %arg8[%multiple_of3A_390] : memref<6291456xf32, #tpu.memory_space<hbm>> -> memref<6144xf32, #tpu.memory_space<hbm>>
          %dma_wait3A_398 = tpu.memref_slice %arg13[%multiple_of3A_387] : memref<30720xf32, #tpu.memory_space<vmem>> -> memref<6144xf32, #tpu.memory_space<vmem>>
          tpu.wait_dma2 semaphore(%run_scoped3A : memref<!tpu.dma_semaphore, #tpu.memory_space<semaphore_mem>>) src(%dma_wait3A_398 : memref<6144xf32, #tpu.memory_space<vmem>>) dst(%dma_wait3A_397 : memref<6144xf32, #tpu.memory_space<hbm>>)
          tpu.yield
        }) : () -> ()
        %add3A_391 = arith.constant 2048 : i32
        %add3A_392 = arith.addi %while3A_375, %add3A_391 : i32
        scf.yield %add3A_392 : i32
      }
      %eq3A = arith.constant 0 : i32
      %eq3A_365 = arith.cmpi eq, %scan3A_336, %eq3A : i32
      %sub3A_366 = arith.subi %scan3A_347, %squeeze3A : i32
      %ge3A = arith.cmpi sge, %sub3A_366, %min3A : i32
      %eq3A_367 = arith.constant 15 : i32
      %eq3A_368 = arith.cmpi eq, %scan3A_333, %eq3A_367 : i32
      %or3A = arith.ori %ge3A, %eq3A_368 : i1
      %and3A_369 = arith.andi %eq3A_365, %or3A : i1
      %convert_element_type3A_370 = arith.extui %and3A_369 : i1 to i32
      %cond3A_371 = arith.constant 0 : i32
      %cond3A_372 = arith.cmpi ne, %convert_element_type3A_370, %cond3A_371 : i32
      scf.if %cond3A_372 {
        %gt3A_374 = arith.constant 0 : i32
        %gt3A_375 = arith.cmpi sgt, %min3A, %gt3A_374 : i32
        %convert_element_type3A_376 = arith.extui %gt3A_375 : i1 to i32
        %cond3A_377 = arith.constant 0 : i32
        %cond3A_378 = arith.cmpi ne, %convert_element_type3A_376, %cond3A_377 : i32
        scf.if %cond3A_378 {
          %add3A_384 = arith.constant 0 : i32
          %add3A_385 = vector.broadcast %add3A_384 : i32 to vector<16xi32>
          %add3A_386 = arith.addi %add3A_385, %iota3A : vector<16xi32>
          %sub3A_387 = arith.constant 1 : i32
          %sub3A_388 = arith.subi %min3A, %sub3A_387 : i32
          %min3A_389 = vector.broadcast %sub3A_388 : i32 to vector<16xi32>
          %min3A_390 = arith.minsi %add3A_386, %min3A_389 : vector<16xi32>
          %add3A_391 = vector.broadcast %squeeze3A : i32 to vector<16xi32>
          %add3A_392 = arith.addi %add3A_391, %min3A_390 : vector<16xi32>
          %swap3A_393 = arith.constant 0 : index
          %swap3A_394 = tpu.vector_load %arg19[%swap3A_393] {strides = array<i32>} : memref<128xi32, #tpu.memory_space<vmem>>, vector<16xi32>,
          tpu.vector_store %arg19[%swap3A_393], %add3A_392 {strides = array<i32>} : memref<128xi32, #tpu.memory_space<vmem>>, vector<16xi32>,
          %and3A_395 = arith.constant 8191 : i32
          %and3A_396 = vector.broadcast %and3A_395 : i32 to vector<16xi32>
          %and3A_397 = arith.andi %add3A_392, %and3A_396 : vector<16xi32>
          %gather3A_398 = tpu.vector_load_idx %arg12[%and3A_397] : memref<10240xi32, #tpu.memory_space<vmem>>[vector<16xi32>], vector<16xi32>,
          %swap3A_399 = arith.constant 0 : index
          %swap3A_400 = tpu.vector_load %arg20[%swap3A_399] {strides = array<i32>} : memref<128xi32, #tpu.memory_space<vmem>>, vector<16xi32>,
          tpu.vector_store %arg20[%swap3A_399], %gather3A_398 {strides = array<i32>} : memref<128xi32, #tpu.memory_space<vmem>>, vector<16xi32>,
          %add3A_401 = arith.constant 16 : i32
          %add3A_402 = vector.broadcast %add3A_401 : i32 to vector<16xi32>
          %add3A_403 = arith.addi %add3A_402, %iota3A : vector<16xi32>
          %sub3A_404 = arith.constant 1 : i32
          %sub3A_405 = arith.subi %min3A, %sub3A_404 : i32
          %min3A_406 = vector.broadcast %sub3A_405 : i32 to vector<16xi32>
          %min3A_407 = arith.minsi %add3A_403, %min3A_406 : vector<16xi32>
          %add3A_408 = vector.broadcast %squeeze3A : i32 to vector<16xi32>
          %add3A_409 = arith.addi %add3A_408, %min3A_407 : vector<16xi32>
          %swap3A_410 = arith.constant 16 : index
          %swap3A_411 = tpu.vector_load %arg19[%swap3A_410] {strides = array<i32>} : memref<128xi32, #tpu.memory_space<vmem>>, vector<16xi32>,
          tpu.vector_store %arg19[%swap3A_410], %add3A_409 {strides = array<i32>} : memref<128xi32, #tpu.memory_space<vmem>>, vector<16xi32>,
          %and3A_412 = arith.constant 8191 : i32
          %and3A_413 = vector.broadcast %and3A_412 : i32 to vector<16xi32>
          %and3A_414 = arith.andi %add3A_409, %and3A_413 : vector<16xi32>
          %gather3A_415 = tpu.vector_load_idx %arg12[%and3A_414] : memref<10240xi32, #tpu.memory_space<vmem>>[vector<16xi32>], vector<16xi32>,
          %swap3A_416 = arith.constant 16 : index
          %swap3A_417 = tpu.vector_load %arg20[%swap3A_416] {strides = array<i32>} : memref<128xi32, #tpu.memory_space<vmem>>, vector<16xi32>,
          tpu.vector_store %arg20[%swap3A_416], %gather3A_415 {strides = array<i32>} : memref<128xi32, #tpu.memory_space<vmem>>, vector<16xi32>,
          %add3A_418 = arith.constant 32 : i32
          %add3A_419 = vector.broadcast %add3A_418 : i32 to vector<16xi32>
          %add3A_420 = arith.addi %add3A_419, %iota3A : vector<16xi32>
          %sub3A_421 = arith.constant 1 : i32
          %sub3A_422 = arith.subi %min3A, %sub3A_421 : i32
          %min3A_423 = vector.broadcast %sub3A_422 : i32 to vector<16xi32>
          %min3A_424 = arith.minsi %add3A_420, %min3A_423 : vector<16xi32>
          %add3A_425 = vector.broadcast %squeeze3A : i32 to vector<16xi32>
          %add3A_426 = arith.addi %add3A_425, %min3A_424 : vector<16xi32>
          %swap3A_427 = arith.constant 32 : index
          %swap3A_428 = tpu.vector_load %arg19[%swap3A_427] {strides = array<i32>} : memref<128xi32, #tpu.memory_space<vmem>>, vector<16xi32>,
          tpu.vector_store %arg19[%swap3A_427], %add3A_426 {strides = array<i32>} : memref<128xi32, #tpu.memory_space<vmem>>, vector<16xi32>,
          %and3A_429 = arith.constant 8191 : i32
          %and3A_430 = vector.broadcast %and3A_429 : i32 to vector<16xi32>
          %and3A_431 = arith.andi %add3A_426, %and3A_430 : vector<16xi32>
          %gather3A_432 = tpu.vector_load_idx %arg12[%and3A_431] : memref<10240xi32, #tpu.memory_space<vmem>>[vector<16xi32>], vector<16xi32>,
          %swap3A_433 = arith.constant 32 : index
          %swap3A_434 = tpu.vector_load %arg20[%swap3A_433] {strides = array<i32>} : memref<128xi32, #tpu.memory_space<vmem>>, vector<16xi32>,
          tpu.vector_store %arg20[%swap3A_433], %gather3A_432 {strides = array<i32>} : memref<128xi32, #tpu.memory_space<vmem>>, vector<16xi32>,
          %add3A_435 = arith.constant 48 : i32
          %add3A_436 = vector.broadcast %add3A_435 : i32 to vector<16xi32>
          %add3A_437 = arith.addi %add3A_436, %iota3A : vector<16xi32>
          %sub3A_438 = arith.constant 1 : i32
          %sub3A_439 = arith.subi %min3A, %sub3A_438 : i32
          %min3A_440 = vector.broadcast %sub3A_439 : i32 to vector<16xi32>
          %min3A_441 = arith.minsi %add3A_437, %min3A_440 : vector<16xi32>
          %add3A_442 = vector.broadcast %squeeze3A : i32 to vector<16xi32>
          %add3A_443 = arith.addi %add3A_442, %min3A_441 : vector<16xi32>
          %swap3A_444 = arith.constant 48 : index
          %swap3A_445 = tpu.vector_load %arg19[%swap3A_444] {strides = array<i32>} : memref<128xi32, #tpu.memory_space<vmem>>, vector<16xi32>,
          tpu.vector_store %arg19[%swap3A_444], %add3A_443 {strides = array<i32>} : memref<128xi32, #tpu.memory_space<vmem>>, vector<16xi32>,
          %and3A_446 = arith.constant 8191 : i32
          %and3A_447 = vector.broadcast %and3A_446 : i32 to vector<16xi32>
          %and3A_448 = arith.andi %add3A_443, %and3A_447 : vector<16xi32>
          %gather3A_449 = tpu.vector_load_idx %arg12[%and3A_448] : memref<10240xi32, #tpu.memory_space<vmem>>[vector<16xi32>], vector<16xi32>,
          %swap3A_450 = arith.constant 48 : index
          %swap3A_451 = tpu.vector_load %arg20[%swap3A_450] {strides = array<i32>} : memref<128xi32, #tpu.memory_space<vmem>>, vector<16xi32>,
          tpu.vector_store %arg20[%swap3A_450], %gather3A_449 {strides = array<i32>} : memref<128xi32, #tpu.memory_space<vmem>>, vector<16xi32>,
          %add3A_452 = arith.constant 64 : i32
          %add3A_453 = vector.broadcast %add3A_452 : i32 to vector<16xi32>
          %add3A_454 = arith.addi %add3A_453, %iota3A : vector<16xi32>
          %sub3A_455 = arith.constant 1 : i32
          %sub3A_456 = arith.subi %min3A, %sub3A_455 : i32
          %min3A_457 = vector.broadcast %sub3A_456 : i32 to vector<16xi32>
          %min3A_458 = arith.minsi %add3A_454, %min3A_457 : vector<16xi32>
          %add3A_459 = vector.broadcast %squeeze3A : i32 to vector<16xi32>
          %add3A_460 = arith.addi %add3A_459, %min3A_458 : vector<16xi32>
          %swap3A_461 = arith.constant 64 : index
          %swap3A_462 = tpu.vector_load %arg19[%swap3A_461] {strides = array<i32>} : memref<128xi32, #tpu.memory_space<vmem>>, vector<16xi32>,
          tpu.vector_store %arg19[%swap3A_461], %add3A_460 {strides = array<i32>} : memref<128xi32, #tpu.memory_space<vmem>>, vector<16xi32>,
          %and3A_463 = arith.constant 8191 : i32
          %and3A_464 = vector.broadcast %and3A_463 : i32 to vector<16xi32>
          %and3A_465 = arith.andi %add3A_460, %and3A_464 : vector<16xi32>
          %gather3A_466 = tpu.vector_load_idx %arg12[%and3A_465] : memref<10240xi32, #tpu.memory_space<vmem>>[vector<16xi32>], vector<16xi32>,
          %swap3A_467 = arith.constant 64 : index
          %swap3A_468 = tpu.vector_load %arg20[%swap3A_467] {strides = array<i32>} : memref<128xi32, #tpu.memory_space<vmem>>, vector<16xi32>,
          tpu.vector_store %arg20[%swap3A_467], %gather3A_466 {strides = array<i32>} : memref<128xi32, #tpu.memory_space<vmem>>, vector<16xi32>,
          %add3A_469 = arith.constant 80 : i32
          %add3A_470 = vector.broadcast %add3A_469 : i32 to vector<16xi32>
          %add3A_471 = arith.addi %add3A_470, %iota3A : vector<16xi32>
          %sub3A_472 = arith.constant 1 : i32
          %sub3A_473 = arith.subi %min3A, %sub3A_472 : i32
          %min3A_474 = vector.broadcast %sub3A_473 : i32 to vector<16xi32>
          %min3A_475 = arith.minsi %add3A_471, %min3A_474 : vector<16xi32>
          %add3A_476 = vector.broadcast %squeeze3A : i32 to vector<16xi32>
          %add3A_477 = arith.addi %add3A_476, %min3A_475 : vector<16xi32>
          %swap3A_478 = arith.constant 80 : index
          %swap3A_479 = tpu.vector_load %arg19[%swap3A_478] {strides = array<i32>} : memref<128xi32, #tpu.memory_space<vmem>>, vector<16xi32>,
          tpu.vector_store %arg19[%swap3A_478], %add3A_477 {strides = array<i32>} : memref<128xi32, #tpu.memory_space<vmem>>, vector<16xi32>,
          %and3A_480 = arith.constant 8191 : i32
          %and3A_481 = vector.broadcast %and3A_480 : i32 to vector<16xi32>
          %and3A_482 = arith.andi %add3A_477, %and3A_481 : vector<16xi32>
          %gather3A_483 = tpu.vector_load_idx %arg12[%and3A_482] : memref<10240xi32, #tpu.memory_space<vmem>>[vector<16xi32>], vector<16xi32>,
          %swap3A_484 = arith.constant 80 : index
          %swap3A_485 = tpu.vector_load %arg20[%swap3A_484] {strides = array<i32>} : memref<128xi32, #tpu.memory_space<vmem>>, vector<16xi32>,
          tpu.vector_store %arg20[%swap3A_484], %gather3A_483 {strides = array<i32>} : memref<128xi32, #tpu.memory_space<vmem>>, vector<16xi32>,
          %add3A_486 = arith.constant 96 : i32
          %add3A_487 = vector.broadcast %add3A_486 : i32 to vector<16xi32>
          %add3A_488 = arith.addi %add3A_487, %iota3A : vector<16xi32>
          %sub3A_489 = arith.constant 1 : i32
          %sub3A_490 = arith.subi %min3A, %sub3A_489 : i32
          %min3A_491 = vector.broadcast %sub3A_490 : i32 to vector<16xi32>
          %min3A_492 = arith.minsi %add3A_488, %min3A_491 : vector<16xi32>
          %add3A_493 = vector.broadcast %squeeze3A : i32 to vector<16xi32>
          %add3A_494 = arith.addi %add3A_493, %min3A_492 : vector<16xi32>
          %swap3A_495 = arith.constant 96 : index
          %swap3A_496 = tpu.vector_load %arg19[%swap3A_495] {strides = array<i32>} : memref<128xi32, #tpu.memory_space<vmem>>, vector<16xi32>,
          tpu.vector_store %arg19[%swap3A_495], %add3A_494 {strides = array<i32>} : memref<128xi32, #tpu.memory_space<vmem>>, vector<16xi32>,
          %and3A_497 = arith.constant 8191 : i32
          %and3A_498 = vector.broadcast %and3A_497 : i32 to vector<16xi32>
          %and3A_499 = arith.andi %add3A_494, %and3A_498 : vector<16xi32>
          %gather3A_500 = tpu.vector_load_idx %arg12[%and3A_499] : memref<10240xi32, #tpu.memory_space<vmem>>[vector<16xi32>], vector<16xi32>,
          %swap3A_501 = arith.constant 96 : index
          %swap3A_502 = tpu.vector_load %arg20[%swap3A_501] {strides = array<i32>} : memref<128xi32, #tpu.memory_space<vmem>>, vector<16xi32>,
          tpu.vector_store %arg20[%swap3A_501], %gather3A_500 {strides = array<i32>} : memref<128xi32, #tpu.memory_space<vmem>>, vector<16xi32>,
          %add3A_503 = arith.constant 112 : i32
          %add3A_504 = vector.broadcast %add3A_503 : i32 to vector<16xi32>
          %add3A_505 = arith.addi %add3A_504, %iota3A : vector<16xi32>
          %sub3A_506 = arith.constant 1 : i32
          %sub3A_507 = arith.subi %min3A, %sub3A_506 : i32
          %min3A_508 = vector.broadcast %sub3A_507 : i32 to vector<16xi32>
          %min3A_509 = arith.minsi %add3A_505, %min3A_508 : vector<16xi32>
          %add3A_510 = vector.broadcast %squeeze3A : i32 to vector<16xi32>
          %add3A_511 = arith.addi %add3A_510, %min3A_509 : vector<16xi32>
          %swap3A_512 = arith.constant 112 : index
          %swap3A_513 = tpu.vector_load %arg19[%swap3A_512] {strides = array<i32>} : memref<128xi32, #tpu.memory_space<vmem>>, vector<16xi32>,
          tpu.vector_store %arg19[%swap3A_512], %add3A_511 {strides = array<i32>} : memref<128xi32, #tpu.memory_space<vmem>>, vector<16xi32>,
          %and3A_514 = arith.constant 8191 : i32
          %and3A_515 = vector.broadcast %and3A_514 : i32 to vector<16xi32>
          %and3A_516 = arith.andi %add3A_511, %and3A_515 : vector<16xi32>
          %gather3A_517 = tpu.vector_load_idx %arg12[%and3A_516] : memref<10240xi32, #tpu.memory_space<vmem>>[vector<16xi32>], vector<16xi32>,
          %swap3A_518 = arith.constant 112 : index
          %swap3A_519 = tpu.vector_load %arg20[%swap3A_518] {strides = array<i32>} : memref<128xi32, #tpu.memory_space<vmem>>, vector<16xi32>,
          tpu.vector_store %arg20[%swap3A_518], %gather3A_517 {strides = array<i32>} : memref<128xi32, #tpu.memory_space<vmem>>, vector<16xi32>,
          %dma_start3A = arith.constant 0 : i32
          %dma_start3A_520 = tpu.memref_slice %arg9[%dma_start3A] : memref<2097152xi32, #tpu.memory_space<hbm>> -> memref<2097152xi32, #tpu.memory_space<hbm>>
          tpu.enqueue_indirect_dma source(%arg20 : memref<128xi32, #tpu.memory_space<vmem>>) target(%dma_start3A_520 : memref<2097152xi32, #tpu.memory_space<hbm>>) offsets(%arg19 : memref<128xi32, #tpu.memory_space<vmem>>) semaphore(%arg22 : memref<!tpu.dma_semaphore, #tpu.memory_space<semaphore_mem>>)
          %dma_wait3A = arith.constant 0 : i32
          %dma_wait3A_521 = tpu.memref_slice %arg9[%dma_wait3A] : memref<2097152xi32, #tpu.memory_space<hbm>> -> memref<2097152xi32, #tpu.memory_space<hbm>>
          tpu.wait_indirect_dma semaphore(%arg22 : memref<!tpu.dma_semaphore, #tpu.memory_space<semaphore_mem>>) src(%arg20 : memref<128xi32, #tpu.memory_space<vmem>>) dst(%dma_wait3A_521 : memref<2097152xi32, #tpu.memory_space<hbm>>)
        } else {
        }
        %gt3A_379 = arith.constant 0 : i32
        %gt3A_380 = arith.cmpi sgt, %min3A, %gt3A_379 : i32
        %convert_element_type3A_381 = arith.extui %gt3A_380 : i1 to i32
        %cond3A_382 = arith.constant 0 : i32
        %cond3A_383 = arith.cmpi ne, %convert_element_type3A_381, %cond3A_382 : i32
        scf.if %cond3A_383 {
          %add3A_384 = arith.constant 0 : i32
          %add3A_385 = vector.broadcast %add3A_384 : i32 to vector<16xi32>
          %add3A_386 = arith.addi %add3A_385, %iota3A : vector<16xi32>
          %mul3A_387 = arith.constant 3 : i32
          %mul3A_388 = arith.muli %mul3A_387, %min3A : i32
          %sub3A_389 = arith.constant 1 : i32
          %sub3A_390 = arith.subi %mul3A_388, %sub3A_389 : i32
          %min3A_391 = vector.broadcast %sub3A_390 : i32 to vector<16xi32>
          %min3A_392 = arith.minsi %add3A_386, %min3A_391 : vector<16xi32>
          %mul3A_393 = arith.constant 11 : i32
          %mul3A_394 = vector.broadcast %mul3A_393 : i32 to vector<16xi32>
          %mul3A_395 = arith.muli %min3A_392, %mul3A_394 : vector<16xi32>
          %shift_right_arithmetic3A_396 = arith.constant 5 : i32
          %shift_right_arithmetic3A_397 = vector.broadcast %shift_right_arithmetic3A_396 : i32 to vector<16xi32>
          %shift_right_arithmetic3A_398 = arith.shrsi %mul3A_395, %shift_right_arithmetic3A_397 : vector<16xi32>
          %mul3A_399 = arith.constant 3 : i32
          %mul3A_400 = vector.broadcast %mul3A_399 : i32 to vector<16xi32>
          %mul3A_401 = arith.muli %shift_right_arithmetic3A_398, %mul3A_400 : vector<16xi32>
          %sub3A_402 = arith.subi %min3A_392, %mul3A_401 : vector<16xi32>
          %add3A_403 = vector.broadcast %squeeze3A : i32 to vector<16xi32>
          %add3A_404 = arith.addi %add3A_403, %shift_right_arithmetic3A_398 : vector<16xi32>
          %mul3A_405 = arith.constant 3 : i32
          %mul3A_406 = vector.broadcast %mul3A_405 : i32 to vector<16xi32>
          %mul3A_407 = arith.muli %add3A_404, %mul3A_406 : vector<16xi32>
          %add3A_408 = arith.addi %mul3A_407, %sub3A_402 : vector<16xi32>
          %swap3A_409 = arith.constant 0 : index
          %swap3A_410 = tpu.vector_load %arg19[%swap3A_409] {strides = array<i32>} : memref<128xi32, #tpu.memory_space<vmem>>, vector<16xi32>,
          tpu.vector_store %arg19[%swap3A_409], %add3A_408 {strides = array<i32>} : memref<128xi32, #tpu.memory_space<vmem>>, vector<16xi32>,
          %and3A_411 = arith.constant 8191 : i32
          %and3A_412 = vector.broadcast %and3A_411 : i32 to vector<16xi32>
          %and3A_413 = arith.andi %add3A_404, %and3A_412 : vector<16xi32>
          %mul3A_414 = arith.constant 3 : i32
          %mul3A_415 = vector.broadcast %mul3A_414 : i32 to vector<16xi32>
          %mul3A_416 = arith.muli %and3A_413, %mul3A_415 : vector<16xi32>
          %add3A_417 = arith.addi %mul3A_416, %sub3A_402 : vector<16xi32>
          %gather3A_418 = tpu.vector_load_idx %arg13[%add3A_417] : memref<30720xf32, #tpu.memory_space<vmem>>[vector<16xi32>], vector<16xf32>,
          %swap3A_419 = arith.constant 0 : index
          %swap3A_420 = tpu.vector_load %arg21[%swap3A_419] {strides = array<i32>} : memref<128xf32, #tpu.memory_space<vmem>>, vector<16xf32>,
          tpu.vector_store %arg21[%swap3A_419], %gather3A_418 {strides = array<i32>} : memref<128xf32, #tpu.memory_space<vmem>>, vector<16xf32>,
          %add3A_421 = arith.constant 16 : i32
          %add3A_422 = vector.broadcast %add3A_421 : i32 to vector<16xi32>
          %add3A_423 = arith.addi %add3A_422, %iota3A : vector<16xi32>
          %mul3A_424 = arith.constant 3 : i32
          %mul3A_425 = arith.muli %mul3A_424, %min3A : i32
          %sub3A_426 = arith.constant 1 : i32
          %sub3A_427 = arith.subi %mul3A_425, %sub3A_426 : i32
          %min3A_428 = vector.broadcast %sub3A_427 : i32 to vector<16xi32>
          %min3A_429 = arith.minsi %add3A_423, %min3A_428 : vector<16xi32>
          %mul3A_430 = arith.constant 11 : i32
          %mul3A_431 = vector.broadcast %mul3A_430 : i32 to vector<16xi32>
          %mul3A_432 = arith.muli %min3A_429, %mul3A_431 : vector<16xi32>
          %shift_right_arithmetic3A_433 = arith.constant 5 : i32
          %shift_right_arithmetic3A_434 = vector.broadcast %shift_right_arithmetic3A_433 : i32 to vector<16xi32>
          %shift_right_arithmetic3A_435 = arith.shrsi %mul3A_432, %shift_right_arithmetic3A_434 : vector<16xi32>
          %mul3A_436 = arith.constant 3 : i32
          %mul3A_437 = vector.broadcast %mul3A_436 : i32 to vector<16xi32>
          %mul3A_438 = arith.muli %shift_right_arithmetic3A_435, %mul3A_437 : vector<16xi32>
          %sub3A_439 = arith.subi %min3A_429, %mul3A_438 : vector<16xi32>
          %add3A_440 = vector.broadcast %squeeze3A : i32 to vector<16xi32>
          %add3A_441 = arith.addi %add3A_440, %shift_right_arithmetic3A_435 : vector<16xi32>
          %mul3A_442 = arith.constant 3 : i32
          %mul3A_443 = vector.broadcast %mul3A_442 : i32 to vector<16xi32>
          %mul3A_444 = arith.muli %add3A_441, %mul3A_443 : vector<16xi32>
          %add3A_445 = arith.addi %mul3A_444, %sub3A_439 : vector<16xi32>
          %swap3A_446 = arith.constant 16 : index
          %swap3A_447 = tpu.vector_load %arg19[%swap3A_446] {strides = array<i32>} : memref<128xi32, #tpu.memory_space<vmem>>, vector<16xi32>,
          tpu.vector_store %arg19[%swap3A_446], %add3A_445 {strides = array<i32>} : memref<128xi32, #tpu.memory_space<vmem>>, vector<16xi32>,
          %and3A_448 = arith.constant 8191 : i32
          %and3A_449 = vector.broadcast %and3A_448 : i32 to vector<16xi32>
          %and3A_450 = arith.andi %add3A_441, %and3A_449 : vector<16xi32>
          %mul3A_451 = arith.constant 3 : i32
          %mul3A_452 = vector.broadcast %mul3A_451 : i32 to vector<16xi32>
          %mul3A_453 = arith.muli %and3A_450, %mul3A_452 : vector<16xi32>
          %add3A_454 = arith.addi %mul3A_453, %sub3A_439 : vector<16xi32>
          %gather3A_455 = tpu.vector_load_idx %arg13[%add3A_454] : memref<30720xf32, #tpu.memory_space<vmem>>[vector<16xi32>], vector<16xf32>,
          %swap3A_456 = arith.constant 16 : index
          %swap3A_457 = tpu.vector_load %arg21[%swap3A_456] {strides = array<i32>} : memref<128xf32, #tpu.memory_space<vmem>>, vector<16xf32>,
          tpu.vector_store %arg21[%swap3A_456], %gather3A_455 {strides = array<i32>} : memref<128xf32, #tpu.memory_space<vmem>>, vector<16xf32>,
          %add3A_458 = arith.constant 32 : i32
          %add3A_459 = vector.broadcast %add3A_458 : i32 to vector<16xi32>
          %add3A_460 = arith.addi %add3A_459, %iota3A : vector<16xi32>
          %mul3A_461 = arith.constant 3 : i32
          %mul3A_462 = arith.muli %mul3A_461, %min3A : i32
          %sub3A_463 = arith.constant 1 : i32
          %sub3A_464 = arith.subi %mul3A_462, %sub3A_463 : i32
          %min3A_465 = vector.broadcast %sub3A_464 : i32 to vector<16xi32>
          %min3A_466 = arith.minsi %add3A_460, %min3A_465 : vector<16xi32>
          %mul3A_467 = arith.constant 11 : i32
          %mul3A_468 = vector.broadcast %mul3A_467 : i32 to vector<16xi32>
          %mul3A_469 = arith.muli %min3A_466, %mul3A_468 : vector<16xi32>
          %shift_right_arithmetic3A_470 = arith.constant 5 : i32
          %shift_right_arithmetic3A_471 = vector.broadcast %shift_right_arithmetic3A_470 : i32 to vector<16xi32>
          %shift_right_arithmetic3A_472 = arith.shrsi %mul3A_469, %shift_right_arithmetic3A_471 : vector<16xi32>
          %mul3A_473 = arith.constant 3 : i32
          %mul3A_474 = vector.broadcast %mul3A_473 : i32 to vector<16xi32>
          %mul3A_475 = arith.muli %shift_right_arithmetic3A_472, %mul3A_474 : vector<16xi32>
          %sub3A_476 = arith.subi %min3A_466, %mul3A_475 : vector<16xi32>
          %add3A_477 = vector.broadcast %squeeze3A : i32 to vector<16xi32>
          %add3A_478 = arith.addi %add3A_477, %shift_right_arithmetic3A_472 : vector<16xi32>
          %mul3A_479 = arith.constant 3 : i32
          %mul3A_480 = vector.broadcast %mul3A_479 : i32 to vector<16xi32>
          %mul3A_481 = arith.muli %add3A_478, %mul3A_480 : vector<16xi32>
          %add3A_482 = arith.addi %mul3A_481, %sub3A_476 : vector<16xi32>
          %swap3A_483 = arith.constant 32 : index
          %swap3A_484 = tpu.vector_load %arg19[%swap3A_483] {strides = array<i32>} : memref<128xi32, #tpu.memory_space<vmem>>, vector<16xi32>,
          tpu.vector_store %arg19[%swap3A_483], %add3A_482 {strides = array<i32>} : memref<128xi32, #tpu.memory_space<vmem>>, vector<16xi32>,
          %and3A_485 = arith.constant 8191 : i32
          %and3A_486 = vector.broadcast %and3A_485 : i32 to vector<16xi32>
          %and3A_487 = arith.andi %add3A_478, %and3A_486 : vector<16xi32>
          %mul3A_488 = arith.constant 3 : i32
          %mul3A_489 = vector.broadcast %mul3A_488 : i32 to vector<16xi32>
          %mul3A_490 = arith.muli %and3A_487, %mul3A_489 : vector<16xi32>
          %add3A_491 = arith.addi %mul3A_490, %sub3A_476 : vector<16xi32>
          %gather3A_492 = tpu.vector_load_idx %arg13[%add3A_491] : memref<30720xf32, #tpu.memory_space<vmem>>[vector<16xi32>], vector<16xf32>,
          %swap3A_493 = arith.constant 32 : index
          %swap3A_494 = tpu.vector_load %arg21[%swap3A_493] {strides = array<i32>} : memref<128xf32, #tpu.memory_space<vmem>>, vector<16xf32>,
          tpu.vector_store %arg21[%swap3A_493], %gather3A_492 {strides = array<i32>} : memref<128xf32, #tpu.memory_space<vmem>>, vector<16xf32>,
          %add3A_495 = arith.constant 48 : i32
          %add3A_496 = vector.broadcast %add3A_495 : i32 to vector<16xi32>
          %add3A_497 = arith.addi %add3A_496, %iota3A : vector<16xi32>
          %mul3A_498 = arith.constant 3 : i32
          %mul3A_499 = arith.muli %mul3A_498, %min3A : i32
          %sub3A_500 = arith.constant 1 : i32
          %sub3A_501 = arith.subi %mul3A_499, %sub3A_500 : i32
          %min3A_502 = vector.broadcast %sub3A_501 : i32 to vector<16xi32>
          %min3A_503 = arith.minsi %add3A_497, %min3A_502 : vector<16xi32>
          %mul3A_504 = arith.constant 11 : i32
          %mul3A_505 = vector.broadcast %mul3A_504 : i32 to vector<16xi32>
          %mul3A_506 = arith.muli %min3A_503, %mul3A_505 : vector<16xi32>
          %shift_right_arithmetic3A_507 = arith.constant 5 : i32
          %shift_right_arithmetic3A_508 = vector.broadcast %shift_right_arithmetic3A_507 : i32 to vector<16xi32>
          %shift_right_arithmetic3A_509 = arith.shrsi %mul3A_506, %shift_right_arithmetic3A_508 : vector<16xi32>
          %mul3A_510 = arith.constant 3 : i32
          %mul3A_511 = vector.broadcast %mul3A_510 : i32 to vector<16xi32>
          %mul3A_512 = arith.muli %shift_right_arithmetic3A_509, %mul3A_511 : vector<16xi32>
          %sub3A_513 = arith.subi %min3A_503, %mul3A_512 : vector<16xi32>
          %add3A_514 = vector.broadcast %squeeze3A : i32 to vector<16xi32>
          %add3A_515 = arith.addi %add3A_514, %shift_right_arithmetic3A_509 : vector<16xi32>
          %mul3A_516 = arith.constant 3 : i32
          %mul3A_517 = vector.broadcast %mul3A_516 : i32 to vector<16xi32>
          %mul3A_518 = arith.muli %add3A_515, %mul3A_517 : vector<16xi32>
          %add3A_519 = arith.addi %mul3A_518, %sub3A_513 : vector<16xi32>
          %swap3A_520 = arith.constant 48 : index
          %swap3A_521 = tpu.vector_load %arg19[%swap3A_520] {strides = array<i32>} : memref<128xi32, #tpu.memory_space<vmem>>, vector<16xi32>,
          tpu.vector_store %arg19[%swap3A_520], %add3A_519 {strides = array<i32>} : memref<128xi32, #tpu.memory_space<vmem>>, vector<16xi32>,
          %and3A_522 = arith.constant 8191 : i32
          %and3A_523 = vector.broadcast %and3A_522 : i32 to vector<16xi32>
          %and3A_524 = arith.andi %add3A_515, %and3A_523 : vector<16xi32>
          %mul3A_525 = arith.constant 3 : i32
          %mul3A_526 = vector.broadcast %mul3A_525 : i32 to vector<16xi32>
          %mul3A_527 = arith.muli %and3A_524, %mul3A_526 : vector<16xi32>
          %add3A_528 = arith.addi %mul3A_527, %sub3A_513 : vector<16xi32>
          %gather3A_529 = tpu.vector_load_idx %arg13[%add3A_528] : memref<30720xf32, #tpu.memory_space<vmem>>[vector<16xi32>], vector<16xf32>,
          %swap3A_530 = arith.constant 48 : index
          %swap3A_531 = tpu.vector_load %arg21[%swap3A_530] {strides = array<i32>} : memref<128xf32, #tpu.memory_space<vmem>>, vector<16xf32>,
          tpu.vector_store %arg21[%swap3A_530], %gather3A_529 {strides = array<i32>} : memref<128xf32, #tpu.memory_space<vmem>>, vector<16xf32>,
          %add3A_532 = arith.constant 64 : i32
          %add3A_533 = vector.broadcast %add3A_532 : i32 to vector<16xi32>
          %add3A_534 = arith.addi %add3A_533, %iota3A : vector<16xi32>
          %mul3A_535 = arith.constant 3 : i32
          %mul3A_536 = arith.muli %mul3A_535, %min3A : i32
          %sub3A_537 = arith.constant 1 : i32
          %sub3A_538 = arith.subi %mul3A_536, %sub3A_537 : i32
          %min3A_539 = vector.broadcast %sub3A_538 : i32 to vector<16xi32>
          %min3A_540 = arith.minsi %add3A_534, %min3A_539 : vector<16xi32>
          %mul3A_541 = arith.constant 11 : i32
          %mul3A_542 = vector.broadcast %mul3A_541 : i32 to vector<16xi32>
          %mul3A_543 = arith.muli %min3A_540, %mul3A_542 : vector<16xi32>
          %shift_right_arithmetic3A_544 = arith.constant 5 : i32
          %shift_right_arithmetic3A_545 = vector.broadcast %shift_right_arithmetic3A_544 : i32 to vector<16xi32>
          %shift_right_arithmetic3A_546 = arith.shrsi %mul3A_543, %shift_right_arithmetic3A_545 : vector<16xi32>
          %mul3A_547 = arith.constant 3 : i32
          %mul3A_548 = vector.broadcast %mul3A_547 : i32 to vector<16xi32>
          %mul3A_549 = arith.muli %shift_right_arithmetic3A_546, %mul3A_548 : vector<16xi32>
          %sub3A_550 = arith.subi %min3A_540, %mul3A_549 : vector<16xi32>
          %add3A_551 = vector.broadcast %squeeze3A : i32 to vector<16xi32>
          %add3A_552 = arith.addi %add3A_551, %shift_right_arithmetic3A_546 : vector<16xi32>
          %mul3A_553 = arith.constant 3 : i32
          %mul3A_554 = vector.broadcast %mul3A_553 : i32 to vector<16xi32>
          %mul3A_555 = arith.muli %add3A_552, %mul3A_554 : vector<16xi32>
          %add3A_556 = arith.addi %mul3A_555, %sub3A_550 : vector<16xi32>
          %swap3A_557 = arith.constant 64 : index
          %swap3A_558 = tpu.vector_load %arg19[%swap3A_557] {strides = array<i32>} : memref<128xi32, #tpu.memory_space<vmem>>, vector<16xi32>,
          tpu.vector_store %arg19[%swap3A_557], %add3A_556 {strides = array<i32>} : memref<128xi32, #tpu.memory_space<vmem>>, vector<16xi32>,
          %and3A_559 = arith.constant 8191 : i32
          %and3A_560 = vector.broadcast %and3A_559 : i32 to vector<16xi32>
          %and3A_561 = arith.andi %add3A_552, %and3A_560 : vector<16xi32>
          %mul3A_562 = arith.constant 3 : i32
          %mul3A_563 = vector.broadcast %mul3A_562 : i32 to vector<16xi32>
          %mul3A_564 = arith.muli %and3A_561, %mul3A_563 : vector<16xi32>
          %add3A_565 = arith.addi %mul3A_564, %sub3A_550 : vector<16xi32>
          %gather3A_566 = tpu.vector_load_idx %arg13[%add3A_565] : memref<30720xf32, #tpu.memory_space<vmem>>[vector<16xi32>], vector<16xf32>,
          %swap3A_567 = arith.constant 64 : index
          %swap3A_568 = tpu.vector_load %arg21[%swap3A_567] {strides = array<i32>} : memref<128xf32, #tpu.memory_space<vmem>>, vector<16xf32>,
          tpu.vector_store %arg21[%swap3A_567], %gather3A_566 {strides = array<i32>} : memref<128xf32, #tpu.memory_space<vmem>>, vector<16xf32>,
          %add3A_569 = arith.constant 80 : i32
          %add3A_570 = vector.broadcast %add3A_569 : i32 to vector<16xi32>
          %add3A_571 = arith.addi %add3A_570, %iota3A : vector<16xi32>
          %mul3A_572 = arith.constant 3 : i32
          %mul3A_573 = arith.muli %mul3A_572, %min3A : i32
          %sub3A_574 = arith.constant 1 : i32
          %sub3A_575 = arith.subi %mul3A_573, %sub3A_574 : i32
          %min3A_576 = vector.broadcast %sub3A_575 : i32 to vector<16xi32>
          %min3A_577 = arith.minsi %add3A_571, %min3A_576 : vector<16xi32>
          %mul3A_578 = arith.constant 11 : i32
          %mul3A_579 = vector.broadcast %mul3A_578 : i32 to vector<16xi32>
          %mul3A_580 = arith.muli %min3A_577, %mul3A_579 : vector<16xi32>
          %shift_right_arithmetic3A_581 = arith.constant 5 : i32
          %shift_right_arithmetic3A_582 = vector.broadcast %shift_right_arithmetic3A_581 : i32 to vector<16xi32>
          %shift_right_arithmetic3A_583 = arith.shrsi %mul3A_580, %shift_right_arithmetic3A_582 : vector<16xi32>
          %mul3A_584 = arith.constant 3 : i32
          %mul3A_585 = vector.broadcast %mul3A_584 : i32 to vector<16xi32>
          %mul3A_586 = arith.muli %shift_right_arithmetic3A_583, %mul3A_585 : vector<16xi32>
          %sub3A_587 = arith.subi %min3A_577, %mul3A_586 : vector<16xi32>
          %add3A_588 = vector.broadcast %squeeze3A : i32 to vector<16xi32>
          %add3A_589 = arith.addi %add3A_588, %shift_right_arithmetic3A_583 : vector<16xi32>
          %mul3A_590 = arith.constant 3 : i32
          %mul3A_591 = vector.broadcast %mul3A_590 : i32 to vector<16xi32>
          %mul3A_592 = arith.muli %add3A_589, %mul3A_591 : vector<16xi32>
          %add3A_593 = arith.addi %mul3A_592, %sub3A_587 : vector<16xi32>
          %swap3A_594 = arith.constant 80 : index
          %swap3A_595 = tpu.vector_load %arg19[%swap3A_594] {strides = array<i32>} : memref<128xi32, #tpu.memory_space<vmem>>, vector<16xi32>,
          tpu.vector_store %arg19[%swap3A_594], %add3A_593 {strides = array<i32>} : memref<128xi32, #tpu.memory_space<vmem>>, vector<16xi32>,
          %and3A_596 = arith.constant 8191 : i32
          %and3A_597 = vector.broadcast %and3A_596 : i32 to vector<16xi32>
          %and3A_598 = arith.andi %add3A_589, %and3A_597 : vector<16xi32>
          %mul3A_599 = arith.constant 3 : i32
          %mul3A_600 = vector.broadcast %mul3A_599 : i32 to vector<16xi32>
          %mul3A_601 = arith.muli %and3A_598, %mul3A_600 : vector<16xi32>
          %add3A_602 = arith.addi %mul3A_601, %sub3A_587 : vector<16xi32>
          %gather3A_603 = tpu.vector_load_idx %arg13[%add3A_602] : memref<30720xf32, #tpu.memory_space<vmem>>[vector<16xi32>], vector<16xf32>,
          %swap3A_604 = arith.constant 80 : index
          %swap3A_605 = tpu.vector_load %arg21[%swap3A_604] {strides = array<i32>} : memref<128xf32, #tpu.memory_space<vmem>>, vector<16xf32>,
          tpu.vector_store %arg21[%swap3A_604], %gather3A_603 {strides = array<i32>} : memref<128xf32, #tpu.memory_space<vmem>>, vector<16xf32>,
          %add3A_606 = arith.constant 96 : i32
          %add3A_607 = vector.broadcast %add3A_606 : i32 to vector<16xi32>
          %add3A_608 = arith.addi %add3A_607, %iota3A : vector<16xi32>
          %mul3A_609 = arith.constant 3 : i32
          %mul3A_610 = arith.muli %mul3A_609, %min3A : i32
          %sub3A_611 = arith.constant 1 : i32
          %sub3A_612 = arith.subi %mul3A_610, %sub3A_611 : i32
          %min3A_613 = vector.broadcast %sub3A_612 : i32 to vector<16xi32>
          %min3A_614 = arith.minsi %add3A_608, %min3A_613 : vector<16xi32>
          %mul3A_615 = arith.constant 11 : i32
          %mul3A_616 = vector.broadcast %mul3A_615 : i32 to vector<16xi32>
          %mul3A_617 = arith.muli %min3A_614, %mul3A_616 : vector<16xi32>
          %shift_right_arithmetic3A_618 = arith.constant 5 : i32
          %shift_right_arithmetic3A_619 = vector.broadcast %shift_right_arithmetic3A_618 : i32 to vector<16xi32>
          %shift_right_arithmetic3A_620 = arith.shrsi %mul3A_617, %shift_right_arithmetic3A_619 : vector<16xi32>
          %mul3A_621 = arith.constant 3 : i32
          %mul3A_622 = vector.broadcast %mul3A_621 : i32 to vector<16xi32>
          %mul3A_623 = arith.muli %shift_right_arithmetic3A_620, %mul3A_622 : vector<16xi32>
          %sub3A_624 = arith.subi %min3A_614, %mul3A_623 : vector<16xi32>
          %add3A_625 = vector.broadcast %squeeze3A : i32 to vector<16xi32>
          %add3A_626 = arith.addi %add3A_625, %shift_right_arithmetic3A_620 : vector<16xi32>
          %mul3A_627 = arith.constant 3 : i32
          %mul3A_628 = vector.broadcast %mul3A_627 : i32 to vector<16xi32>
          %mul3A_629 = arith.muli %add3A_626, %mul3A_628 : vector<16xi32>
          %add3A_630 = arith.addi %mul3A_629, %sub3A_624 : vector<16xi32>
          %swap3A_631 = arith.constant 96 : index
          %swap3A_632 = tpu.vector_load %arg19[%swap3A_631] {strides = array<i32>} : memref<128xi32, #tpu.memory_space<vmem>>, vector<16xi32>,
          tpu.vector_store %arg19[%swap3A_631], %add3A_630 {strides = array<i32>} : memref<128xi32, #tpu.memory_space<vmem>>, vector<16xi32>,
          %and3A_633 = arith.constant 8191 : i32
          %and3A_634 = vector.broadcast %and3A_633 : i32 to vector<16xi32>
          %and3A_635 = arith.andi %add3A_626, %and3A_634 : vector<16xi32>
          %mul3A_636 = arith.constant 3 : i32
          %mul3A_637 = vector.broadcast %mul3A_636 : i32 to vector<16xi32>
          %mul3A_638 = arith.muli %and3A_635, %mul3A_637 : vector<16xi32>
          %add3A_639 = arith.addi %mul3A_638, %sub3A_624 : vector<16xi32>
          %gather3A_640 = tpu.vector_load_idx %arg13[%add3A_639] : memref<30720xf32, #tpu.memory_space<vmem>>[vector<16xi32>], vector<16xf32>,
          %swap3A_641 = arith.constant 96 : index
          %swap3A_642 = tpu.vector_load %arg21[%swap3A_641] {strides = array<i32>} : memref<128xf32, #tpu.memory_space<vmem>>, vector<16xf32>,
          tpu.vector_store %arg21[%swap3A_641], %gather3A_640 {strides = array<i32>} : memref<128xf32, #tpu.memory_space<vmem>>, vector<16xf32>,
          %add3A_643 = arith.constant 112 : i32
          %add3A_644 = vector.broadcast %add3A_643 : i32 to vector<16xi32>
          %add3A_645 = arith.addi %add3A_644, %iota3A : vector<16xi32>
          %mul3A_646 = arith.constant 3 : i32
          %mul3A_647 = arith.muli %mul3A_646, %min3A : i32
          %sub3A_648 = arith.constant 1 : i32
          %sub3A_649 = arith.subi %mul3A_647, %sub3A_648 : i32
          %min3A_650 = vector.broadcast %sub3A_649 : i32 to vector<16xi32>
          %min3A_651 = arith.minsi %add3A_645, %min3A_650 : vector<16xi32>
          %mul3A_652 = arith.constant 11 : i32
          %mul3A_653 = vector.broadcast %mul3A_652 : i32 to vector<16xi32>
          %mul3A_654 = arith.muli %min3A_651, %mul3A_653 : vector<16xi32>
          %shift_right_arithmetic3A_655 = arith.constant 5 : i32
          %shift_right_arithmetic3A_656 = vector.broadcast %shift_right_arithmetic3A_655 : i32 to vector<16xi32>
          %shift_right_arithmetic3A_657 = arith.shrsi %mul3A_654, %shift_right_arithmetic3A_656 : vector<16xi32>
          %mul3A_658 = arith.constant 3 : i32
          %mul3A_659 = vector.broadcast %mul3A_658 : i32 to vector<16xi32>
          %mul3A_660 = arith.muli %shift_right_arithmetic3A_657, %mul3A_659 : vector<16xi32>
          %sub3A_661 = arith.subi %min3A_651, %mul3A_660 : vector<16xi32>
          %add3A_662 = vector.broadcast %squeeze3A : i32 to vector<16xi32>
          %add3A_663 = arith.addi %add3A_662, %shift_right_arithmetic3A_657 : vector<16xi32>
          %mul3A_664 = arith.constant 3 : i32
          %mul3A_665 = vector.broadcast %mul3A_664 : i32 to vector<16xi32>
          %mul3A_666 = arith.muli %add3A_663, %mul3A_665 : vector<16xi32>
          %add3A_667 = arith.addi %mul3A_666, %sub3A_661 : vector<16xi32>
          %swap3A_668 = arith.constant 112 : index
          %swap3A_669 = tpu.vector_load %arg19[%swap3A_668] {strides = array<i32>} : memref<128xi32, #tpu.memory_space<vmem>>, vector<16xi32>,
          tpu.vector_store %arg19[%swap3A_668], %add3A_667 {strides = array<i32>} : memref<128xi32, #tpu.memory_space<vmem>>, vector<16xi32>,
          %and3A_670 = arith.constant 8191 : i32
          %and3A_671 = vector.broadcast %and3A_670 : i32 to vector<16xi32>
          %and3A_672 = arith.andi %add3A_663, %and3A_671 : vector<16xi32>
          %mul3A_673 = arith.constant 3 : i32
          %mul3A_674 = vector.broadcast %mul3A_673 : i32 to vector<16xi32>
          %mul3A_675 = arith.muli %and3A_672, %mul3A_674 : vector<16xi32>
          %add3A_676 = arith.addi %mul3A_675, %sub3A_661 : vector<16xi32>
          %gather3A_677 = tpu.vector_load_idx %arg13[%add3A_676] : memref<30720xf32, #tpu.memory_space<vmem>>[vector<16xi32>], vector<16xf32>,
          %swap3A_678 = arith.constant 112 : index
          %swap3A_679 = tpu.vector_load %arg21[%swap3A_678] {strides = array<i32>} : memref<128xf32, #tpu.memory_space<vmem>>, vector<16xf32>,
          tpu.vector_store %arg21[%swap3A_678], %gather3A_677 {strides = array<i32>} : memref<128xf32, #tpu.memory_space<vmem>>, vector<16xf32>,
          %dma_start3A = arith.constant 0 : i32
          %dma_start3A_680 = tpu.memref_slice %arg8[%dma_start3A] : memref<6291456xf32, #tpu.memory_space<hbm>> -> memref<6291456xf32, #tpu.memory_space<hbm>>
          tpu.enqueue_indirect_dma source(%arg21 : memref<128xf32, #tpu.memory_space<vmem>>) target(%dma_start3A_680 : memref<6291456xf32, #tpu.memory_space<hbm>>) offsets(%arg19 : memref<128xi32, #tpu.memory_space<vmem>>) semaphore(%arg22 : memref<!tpu.dma_semaphore, #tpu.memory_space<semaphore_mem>>)
          %dma_wait3A = arith.constant 0 : i32
          %dma_wait3A_681 = tpu.memref_slice %arg8[%dma_wait3A] : memref<6291456xf32, #tpu.memory_space<hbm>> -> memref<6291456xf32, #tpu.memory_space<hbm>>
          tpu.wait_indirect_dma semaphore(%arg22 : memref<!tpu.dma_semaphore, #tpu.memory_space<semaphore_mem>>) src(%arg21 : memref<128xf32, #tpu.memory_space<vmem>>) dst(%dma_wait3A_681 : memref<6291456xf32, #tpu.memory_space<hbm>>)
        } else {
        }
      } else {
      }
      %jit3A = arith.constant 1 : i32
      %select_n3A_373 = arith.select %and3A_369, %jit3A, %scan3A_336 : i32
      scf.yield %scan3A_347, %while3A_364, %select_n3A_373 : i32, i32, i32
    }
    %scan3A_74 = arith.constant 16 : i32
    %sub3A_75 = arith.constant 65536 : i32
    %sub3A_76 = arith.subi %sub3A_75, %squeeze3A_36 : i32
    %add3A_77 = arith.addi %add3A_18, %mul3A_62 : i32
    %add3A_78 = arith.constant 65536 : i32
    %add3A_79 = arith.addi %add3A_77, %add3A_78 : i32
    %sub3A_80 = arith.subi %add3A_79, %add3A_37 : i32
    %sub3A_81 = arith.subi %sub3A_80, %sub3A_76 : i32
    %and3A_82 = arith.constant 7 : i32
    %and3A_83 = arith.andi %sub3A_81, %and3A_82 : i32
    %sub3A_84 = arith.constant 8 : i32
    %sub3A_85 = arith.subi %sub3A_84, %and3A_83 : i32
    %and3A_86 = arith.constant 7 : i32
    %and3A_87 = arith.andi %sub3A_85, %and3A_86 : i32
    %min3A_88 = arith.minsi %and3A_87, %sub3A_76 : i32
    %add3A_89 = arith.addi %sub3A_81, %min3A_88 : i32
    %sub3A_90 = arith.subi %sub3A_76, %min3A_88 : i32
    %max3A = arith.constant 0 : i32
    %max3A_91 = arith.maxsi %sub3A_90, %max3A : i32
    %shift_right_arithmetic3A = arith.constant 11 : i32
    %shift_right_arithmetic3A_92 = arith.shrsi %max3A_91, %shift_right_arithmetic3A : i32
    %while3A = arith.constant 0 : i32
    %while3A_93 = arith.subi %shift_right_arithmetic3A_92, %while3A : i32
    %while3A_94 = arith.addi %while3A, %while3A_93 : i32
    %while3A_95 = arith.constant 1 : i32
    %while3A_96 = arith.divsi %while3A_93, %while3A_95 : i32
    %while3A_97 = arith.muli %while3A_96, %while3A_95 : i32
    %while3A_98 = arith.addi %while3A, %while3A_97 : i32
    %while3A_99 = arith.constant 1 : i32
    %while3A_100 = scf.for %while3A_333 = %while3A to %while3A_98 step %while3A_99 iter_args(%while3A_334 = %add3A_89) -> (i32)  : i32 {
      %multiple_of3A = tpu.assume_multiple %while3A_334, 8 : i32
      %dma_start3A = tpu.memref_slice %arg9[%multiple_of3A] : memref<2097152xi32, #tpu.memory_space<hbm>> -> memref<2048xi32, #tpu.memory_space<hbm>>
      %dma_start3A_335 = tpu.memref_slice %arg9[%multiple_of3A] : memref<2097152xi32, #tpu.memory_space<hbm>> -> memref<2048xi32, #tpu.memory_space<hbm>>
      tpu.enqueue_dma source(%arg17 : memref<2048xi32, #tpu.memory_space<vmem>>) target(%dma_start3A_335 : memref<2048xi32, #tpu.memory_space<hbm>>) target_semaphore(%arg23 : memref<!tpu.dma_semaphore, #tpu.memory_space<semaphore_mem>>)
      %mul3A_336 = arith.constant 3 : i32
      %mul3A_337 = arith.muli %while3A_334, %mul3A_336 : i32
      %multiple_of3A_338 = tpu.assume_multiple %mul3A_337, 8 : i32
      %dma_start3A_339 = tpu.memref_slice %arg8[%multiple_of3A_338] : memref<6291456xf32, #tpu.memory_space<hbm>> -> memref<6144xf32, #tpu.memory_space<hbm>>
      %dma_start3A_340 = tpu.memref_slice %arg8[%multiple_of3A_338] : memref<6291456xf32, #tpu.memory_space<hbm>> -> memref<6144xf32, #tpu.memory_space<hbm>>
      tpu.enqueue_dma source(%arg18 : memref<6144xf32, #tpu.memory_space<vmem>>) target(%dma_start3A_340 : memref<6144xf32, #tpu.memory_space<hbm>>) target_semaphore(%arg23 : memref<!tpu.dma_semaphore, #tpu.memory_space<semaphore_mem>>)
      %add3A_341 = arith.constant 2048 : i32
      %add3A_342 = arith.addi %while3A_334, %add3A_341 : i32
      scf.yield %add3A_342 : i32
    }
    %while3A_101 = arith.constant 1 : i32
    %while3A_102 = scf.for %while3A_333 = %while3A_98 to %while3A_94 step %while3A_101 iter_args(%while3A_334 = %while3A_100) -> (i32)  : i32 {
      %multiple_of3A = tpu.assume_multiple %while3A_334, 8 : i32
      %dma_start3A = tpu.memref_slice %arg9[%multiple_of3A] : memref<2097152xi32, #tpu.memory_space<hbm>> -> memref<2048xi32, #tpu.memory_space<hbm>>
      %dma_start3A_335 = tpu.memref_slice %arg9[%multiple_of3A] : memref<2097152xi32, #tpu.memory_space<hbm>> -> memref<2048xi32, #tpu.memory_space<hbm>>
      tpu.enqueue_dma source(%arg17 : memref<2048xi32, #tpu.memory_space<vmem>>) target(%dma_start3A_335 : memref<2048xi32, #tpu.memory_space<hbm>>) target_semaphore(%arg23 : memref<!tpu.dma_semaphore, #tpu.memory_space<semaphore_mem>>)
      %mul3A_336 = arith.constant 3 : i32
      %mul3A_337 = arith.muli %while3A_334, %mul3A_336 : i32
      %multiple_of3A_338 = tpu.assume_multiple %mul3A_337, 8 : i32
      %dma_start3A_339 = tpu.memref_slice %arg8[%multiple_of3A_338] : memref<6291456xf32, #tpu.memory_space<hbm>> -> memref<6144xf32, #tpu.memory_space<hbm>>
      %dma_start3A_340 = tpu.memref_slice %arg8[%multiple_of3A_338] : memref<6291456xf32, #tpu.memory_space<hbm>> -> memref<6144xf32, #tpu.memory_space<hbm>>
      tpu.enqueue_dma source(%arg18 : memref<6144xf32, #tpu.memory_space<vmem>>) target(%dma_start3A_340 : memref<6144xf32, #tpu.memory_space<hbm>>) target_semaphore(%arg23 : memref<!tpu.dma_semaphore, #tpu.memory_space<semaphore_mem>>)
      %add3A_341 = arith.constant 2048 : i32
      %add3A_342 = arith.addi %while3A_334, %add3A_341 : i32
      scf.yield %add3A_342 : i32
    }
    %scan3A_103 = arith.constant 0 : i32
    %scan3A_104 = arith.constant 0 : i32
    %scan3A_105 = arith.constant 128 : i32
    %scan3A_106 = arith.addi %scan3A_104, %scan3A_105 : i32
    %scan3A_107 = arith.constant 1 : i32
    %scan3A_108 = scf.for %scan3A_333 = %scan3A_104 to %scan3A_106 step %scan3A_107 iter_args(%scan3A_334 = %scan3A_103) -> (i32)  : i32 {
      %mul3A_335 = arith.constant 16 : i32
      %mul3A_336 = arith.muli %scan3A_333, %mul3A_335 : i32
      %get3A_337 = arith.index_cast %mul3A_336 : i32 to index
      %get3A_338 = tpu.vector_load %arg12[%get3A_337] {strides = array<i32>} : memref<10240xi32, #tpu.memory_space<vmem>>, vector<16xi32>,
      %mul3A_339 = arith.constant 16 : i32
      %mul3A_340 = arith.muli %scan3A_333, %mul3A_339 : i32
      %add3A_341 = arith.constant 8192 : i32
      %add3A_342 = arith.addi %add3A_341, %mul3A_340 : i32
      %swap3A_343 = arith.index_cast %add3A_342 : i32 to index
      %swap3A_344 = tpu.vector_load %arg12[%swap3A_343] {strides = array<i32>} : memref<10240xi32, #tpu.memory_space<vmem>>, vector<16xi32>,
      tpu.vector_store %arg12[%swap3A_343], %get3A_338 {strides = array<i32>} : memref<10240xi32, #tpu.memory_space<vmem>>, vector<16xi32>,
      %scan3A_345 = arith.constant 0 : i32
      scf.yield %scan3A_345 : i32
    }
    %scan3A_109 = arith.constant 128 : i32
    %scan3A_110 = arith.constant 0 : i32
    %scan3A_111 = arith.constant 0 : i32
    %scan3A_112 = arith.constant 384 : i32
    %scan3A_113 = arith.addi %scan3A_111, %scan3A_112 : i32
    %scan3A_114 = arith.constant 1 : i32
    %scan3A_115 = scf.for %scan3A_333 = %scan3A_111 to %scan3A_113 step %scan3A_114 iter_args(%scan3A_334 = %scan3A_110) -> (i32)  : i32 {
      %mul3A_335 = arith.constant 16 : i32
      %mul3A_336 = arith.muli %scan3A_333, %mul3A_335 : i32
      %get3A_337 = arith.index_cast %mul3A_336 : i32 to index
      %get3A_338 = tpu.vector_load %arg13[%get3A_337] {strides = array<i32>} : memref<30720xf32, #tpu.memory_space<vmem>>, vector<16xf32>,
      %mul3A_339 = arith.constant 16 : i32
      %mul3A_340 = arith.muli %scan3A_333, %mul3A_339 : i32
      %add3A_341 = arith.constant 24576 : i32
      %add3A_342 = arith.addi %add3A_341, %mul3A_340 : i32
      %swap3A_343 = arith.index_cast %add3A_342 : i32 to index
      %swap3A_344 = tpu.vector_load %arg13[%swap3A_343] {strides = array<i32>} : memref<30720xf32, #tpu.memory_space<vmem>>, vector<16xf32>,
      tpu.vector_store %arg13[%swap3A_343], %get3A_338 {strides = array<i32>} : memref<30720xf32, #tpu.memory_space<vmem>>, vector<16xf32>,
      %scan3A_345 = arith.constant 0 : i32
      scf.yield %scan3A_345 : i32
    }
    %scan3A_116 = arith.constant 384 : i32
    %sub3A_117 = arith.subi %add3A_37, %scan3A_73#1 : i32
    %and3A_118 = arith.constant 1024 : i32
    %and3A_119 = arith.andi %sub3A_117, %and3A_118 : i32
    %ne3A = arith.constant 0 : i32
    %ne3A_120 = arith.cmpi ne, %and3A_119, %ne3A : i32
    %convert_element_type3A = arith.extui %ne3A_120 : i1 to i32
    %cond3A = arith.constant 0 : i32
    %cond3A_121 = arith.cmpi ne, %convert_element_type3A, %cond3A : i32
    scf.if %cond3A_121 {
      %and3A_333 = arith.constant 8191 : i32
      %and3A_334 = arith.andi %scan3A_73#1, %and3A_333 : i32
      %multiple_of3A = tpu.assume_multiple %and3A_334, 8 : i32
      %multiple_of3A_335 = tpu.assume_multiple %scan3A_73#1, 8 : i32
      "tpu.region"() ({
        %run_scoped3A = tpu.sem_alloc : memref<!tpu.dma_semaphore, #tpu.memory_space<semaphore_mem>>
        %dma_start3A = tpu.memref_slice %arg12[%multiple_of3A] : memref<10240xi32, #tpu.memory_space<vmem>> -> memref<1024xi32, #tpu.memory_space<vmem>>
        %dma_start3A_342 = tpu.memref_slice %arg9[%multiple_of3A_335] : memref<2097152xi32, #tpu.memory_space<hbm>> -> memref<1024xi32, #tpu.memory_space<hbm>>
        %dma_start3A_343 = tpu.memref_slice %arg9[%multiple_of3A_335] : memref<2097152xi32, #tpu.memory_space<hbm>> -> memref<1024xi32, #tpu.memory_space<hbm>>
        %dma_start3A_344 = tpu.memref_slice %arg12[%multiple_of3A] : memref<10240xi32, #tpu.memory_space<vmem>> -> memref<1024xi32, #tpu.memory_space<vmem>>
        tpu.enqueue_dma source(%dma_start3A_344 : memref<1024xi32, #tpu.memory_space<vmem>>) target(%dma_start3A_343 : memref<1024xi32, #tpu.memory_space<hbm>>) target_semaphore(%run_scoped3A : memref<!tpu.dma_semaphore, #tpu.memory_space<semaphore_mem>>)
        %dma_wait3A = tpu.memref_slice %arg12[%multiple_of3A] : memref<10240xi32, #tpu.memory_space<vmem>> -> memref<1024xi32, #tpu.memory_space<vmem>>
        %dma_wait3A_345 = tpu.memref_slice %arg9[%multiple_of3A_335] : memref<2097152xi32, #tpu.memory_space<hbm>> -> memref<1024xi32, #tpu.memory_space<hbm>>
        %dma_wait3A_346 = tpu.memref_slice %arg9[%multiple_of3A_335] : memref<2097152xi32, #tpu.memory_space<hbm>> -> memref<1024xi32, #tpu.memory_space<hbm>>
        %dma_wait3A_347 = tpu.memref_slice %arg12[%multiple_of3A] : memref<10240xi32, #tpu.memory_space<vmem>> -> memref<1024xi32, #tpu.memory_space<vmem>>
        tpu.wait_dma2 semaphore(%run_scoped3A : memref<!tpu.dma_semaphore, #tpu.memory_space<semaphore_mem>>) src(%dma_wait3A_347 : memref<1024xi32, #tpu.memory_space<vmem>>) dst(%dma_wait3A_346 : memref<1024xi32, #tpu.memory_space<hbm>>)
        tpu.yield
      }) : () -> ()
      %mul3A_336 = arith.constant 3 : i32
      %mul3A_337 = arith.muli %and3A_334, %mul3A_336 : i32
      %multiple_of3A_338 = tpu.assume_multiple %mul3A_337, 8 : i32
      %mul3A_339 = arith.constant 3 : i32
      %mul3A_340 = arith.muli %scan3A_73#1, %mul3A_339 : i32
      %multiple_of3A_341 = tpu.assume_multiple %mul3A_340, 8 : i32
      "tpu.region"() ({
        %run_scoped3A = tpu.sem_alloc : memref<!tpu.dma_semaphore, #tpu.memory_space<semaphore_mem>>
        %dma_start3A = tpu.memref_slice %arg13[%multiple_of3A_338] : memref<30720xf32, #tpu.memory_space<vmem>> -> memref<3072xf32, #tpu.memory_space<vmem>>
        %dma_start3A_342 = tpu.memref_slice %arg8[%multiple_of3A_341] : memref<6291456xf32, #tpu.memory_space<hbm>> -> memref<3072xf32, #tpu.memory_space<hbm>>
        %dma_start3A_343 = tpu.memref_slice %arg8[%multiple_of3A_341] : memref<6291456xf32, #tpu.memory_space<hbm>> -> memref<3072xf32, #tpu.memory_space<hbm>>
        %dma_start3A_344 = tpu.memref_slice %arg13[%multiple_of3A_338] : memref<30720xf32, #tpu.memory_space<vmem>> -> memref<3072xf32, #tpu.memory_space<vmem>>
        tpu.enqueue_dma source(%dma_start3A_344 : memref<3072xf32, #tpu.memory_space<vmem>>) target(%dma_start3A_343 : memref<3072xf32, #tpu.memory_space<hbm>>) target_semaphore(%run_scoped3A : memref<!tpu.dma_semaphore, #tpu.memory_space<semaphore_mem>>)
        %dma_wait3A = tpu.memref_slice %arg13[%multiple_of3A_338] : memref<30720xf32, #tpu.memory_space<vmem>> -> memref<3072xf32, #tpu.memory_space<vmem>>
        %dma_wait3A_345 = tpu.memref_slice %arg8[%multiple_of3A_341] : memref<6291456xf32, #tpu.memory_space<hbm>> -> memref<3072xf32, #tpu.memory_space<hbm>>
        %dma_wait3A_346 = tpu.memref_slice %arg8[%multiple_of3A_341] : memref<6291456xf32, #tpu.memory_space<hbm>> -> memref<3072xf32, #tpu.memory_space<hbm>>
        %dma_wait3A_347 = tpu.memref_slice %arg13[%multiple_of3A_338] : memref<30720xf32, #tpu.memory_space<vmem>> -> memref<3072xf32, #tpu.memory_space<vmem>>
        tpu.wait_dma2 semaphore(%run_scoped3A : memref<!tpu.dma_semaphore, #tpu.memory_space<semaphore_mem>>) src(%dma_wait3A_347 : memref<3072xf32, #tpu.memory_space<vmem>>) dst(%dma_wait3A_346 : memref<3072xf32, #tpu.memory_space<hbm>>)
        tpu.yield
      }) : () -> ()
    } else {
    }
    %add3A_122 = arith.constant 1024 : i32
    %add3A_123 = arith.addi %scan3A_73#1, %add3A_122 : i32
    %select_n3A = arith.select %ne3A_120, %add3A_123, %scan3A_73#1 : i32
    %sub3A_124 = arith.subi %add3A_37, %select_n3A : i32
    %and3A_125 = arith.constant 512 : i32
    %and3A_126 = arith.andi %sub3A_124, %and3A_125 : i32
    %ne3A_127 = arith.constant 0 : i32
    %ne3A_128 = arith.cmpi ne, %and3A_126, %ne3A_127 : i32
    %convert_element_type3A_129 = arith.extui %ne3A_128 : i1 to i32
    %cond3A_130 = arith.constant 0 : i32
    %cond3A_131 = arith.cmpi ne, %convert_element_type3A_129, %cond3A_130 : i32
    scf.if %cond3A_131 {
      %and3A_333 = arith.constant 8191 : i32
      %and3A_334 = arith.andi %select_n3A, %and3A_333 : i32
      %multiple_of3A = tpu.assume_multiple %and3A_334, 8 : i32
      %multiple_of3A_335 = tpu.assume_multiple %select_n3A, 8 : i32
      "tpu.region"() ({
        %run_scoped3A = tpu.sem_alloc : memref<!tpu.dma_semaphore, #tpu.memory_space<semaphore_mem>>
        %dma_start3A = tpu.memref_slice %arg12[%multiple_of3A] : memref<10240xi32, #tpu.memory_space<vmem>> -> memref<512xi32, #tpu.memory_space<vmem>>
        %dma_start3A_342 = tpu.memref_slice %arg9[%multiple_of3A_335] : memref<2097152xi32, #tpu.memory_space<hbm>> -> memref<512xi32, #tpu.memory_space<hbm>>
        %dma_start3A_343 = tpu.memref_slice %arg9[%multiple_of3A_335] : memref<2097152xi32, #tpu.memory_space<hbm>> -> memref<512xi32, #tpu.memory_space<hbm>>
        %dma_start3A_344 = tpu.memref_slice %arg12[%multiple_of3A] : memref<10240xi32, #tpu.memory_space<vmem>> -> memref<512xi32, #tpu.memory_space<vmem>>
        tpu.enqueue_dma source(%dma_start3A_344 : memref<512xi32, #tpu.memory_space<vmem>>) target(%dma_start3A_343 : memref<512xi32, #tpu.memory_space<hbm>>) target_semaphore(%run_scoped3A : memref<!tpu.dma_semaphore, #tpu.memory_space<semaphore_mem>>)
        %dma_wait3A = tpu.memref_slice %arg12[%multiple_of3A] : memref<10240xi32, #tpu.memory_space<vmem>> -> memref<512xi32, #tpu.memory_space<vmem>>
        %dma_wait3A_345 = tpu.memref_slice %arg9[%multiple_of3A_335] : memref<2097152xi32, #tpu.memory_space<hbm>> -> memref<512xi32, #tpu.memory_space<hbm>>
        %dma_wait3A_346 = tpu.memref_slice %arg9[%multiple_of3A_335] : memref<2097152xi32, #tpu.memory_space<hbm>> -> memref<512xi32, #tpu.memory_space<hbm>>
        %dma_wait3A_347 = tpu.memref_slice %arg12[%multiple_of3A] : memref<10240xi32, #tpu.memory_space<vmem>> -> memref<512xi32, #tpu.memory_space<vmem>>
        tpu.wait_dma2 semaphore(%run_scoped3A : memref<!tpu.dma_semaphore, #tpu.memory_space<semaphore_mem>>) src(%dma_wait3A_347 : memref<512xi32, #tpu.memory_space<vmem>>) dst(%dma_wait3A_346 : memref<512xi32, #tpu.memory_space<hbm>>)
        tpu.yield
      }) : () -> ()
      %mul3A_336 = arith.constant 3 : i32
      %mul3A_337 = arith.muli %and3A_334, %mul3A_336 : i32
      %multiple_of3A_338 = tpu.assume_multiple %mul3A_337, 8 : i32
      %mul3A_339 = arith.constant 3 : i32
      %mul3A_340 = arith.muli %select_n3A, %mul3A_339 : i32
      %multiple_of3A_341 = tpu.assume_multiple %mul3A_340, 8 : i32
      "tpu.region"() ({
        %run_scoped3A = tpu.sem_alloc : memref<!tpu.dma_semaphore, #tpu.memory_space<semaphore_mem>>
        %dma_start3A = tpu.memref_slice %arg13[%multiple_of3A_338] : memref<30720xf32, #tpu.memory_space<vmem>> -> memref<1536xf32, #tpu.memory_space<vmem>>
        %dma_start3A_342 = tpu.memref_slice %arg8[%multiple_of3A_341] : memref<6291456xf32, #tpu.memory_space<hbm>> -> memref<1536xf32, #tpu.memory_space<hbm>>
        %dma_start3A_343 = tpu.memref_slice %arg8[%multiple_of3A_341] : memref<6291456xf32, #tpu.memory_space<hbm>> -> memref<1536xf32, #tpu.memory_space<hbm>>
        %dma_start3A_344 = tpu.memref_slice %arg13[%multiple_of3A_338] : memref<30720xf32, #tpu.memory_space<vmem>> -> memref<1536xf32, #tpu.memory_space<vmem>>
        tpu.enqueue_dma source(%dma_start3A_344 : memref<1536xf32, #tpu.memory_space<vmem>>) target(%dma_start3A_343 : memref<1536xf32, #tpu.memory_space<hbm>>) target_semaphore(%run_scoped3A : memref<!tpu.dma_semaphore, #tpu.memory_space<semaphore_mem>>)
        %dma_wait3A = tpu.memref_slice %arg13[%multiple_of3A_338] : memref<30720xf32, #tpu.memory_space<vmem>> -> memref<1536xf32, #tpu.memory_space<vmem>>
        %dma_wait3A_345 = tpu.memref_slice %arg8[%multiple_of3A_341] : memref<6291456xf32, #tpu.memory_space<hbm>> -> memref<1536xf32, #tpu.memory_space<hbm>>
        %dma_wait3A_346 = tpu.memref_slice %arg8[%multiple_of3A_341] : memref<6291456xf32, #tpu.memory_space<hbm>> -> memref<1536xf32, #tpu.memory_space<hbm>>
        %dma_wait3A_347 = tpu.memref_slice %arg13[%multiple_of3A_338] : memref<30720xf32, #tpu.memory_space<vmem>> -> memref<1536xf32, #tpu.memory_space<vmem>>
        tpu.wait_dma2 semaphore(%run_scoped3A : memref<!tpu.dma_semaphore, #tpu.memory_space<semaphore_mem>>) src(%dma_wait3A_347 : memref<1536xf32, #tpu.memory_space<vmem>>) dst(%dma_wait3A_346 : memref<1536xf32, #tpu.memory_space<hbm>>)
        tpu.yield
      }) : () -> ()
    } else {
    }
    %add3A_132 = arith.constant 512 : i32
    %add3A_133 = arith.addi %select_n3A, %add3A_132 : i32
    %select_n3A_134 = arith.select %ne3A_128, %add3A_133, %select_n3A : i32
    %sub3A_135 = arith.subi %add3A_37, %select_n3A_134 : i32
    %and3A_136 = arith.constant 256 : i32
    %and3A_137 = arith.andi %sub3A_135, %and3A_136 : i32
    %ne3A_138 = arith.constant 0 : i32
    %ne3A_139 = arith.cmpi ne, %and3A_137, %ne3A_138 : i32
    %convert_element_type3A_140 = arith.extui %ne3A_139 : i1 to i32
    %cond3A_141 = arith.constant 0 : i32
    %cond3A_142 = arith.cmpi ne, %convert_element_type3A_140, %cond3A_141 : i32
    scf.if %cond3A_142 {
      %and3A_333 = arith.constant 8191 : i32
      %and3A_334 = arith.andi %select_n3A_134, %and3A_333 : i32
      %multiple_of3A = tpu.assume_multiple %and3A_334, 8 : i32
      %multiple_of3A_335 = tpu.assume_multiple %select_n3A_134, 8 : i32
      "tpu.region"() ({
        %run_scoped3A = tpu.sem_alloc : memref<!tpu.dma_semaphore, #tpu.memory_space<semaphore_mem>>
        %dma_start3A = tpu.memref_slice %arg12[%multiple_of3A] : memref<10240xi32, #tpu.memory_space<vmem>> -> memref<256xi32, #tpu.memory_space<vmem>>
        %dma_start3A_342 = tpu.memref_slice %arg9[%multiple_of3A_335] : memref<2097152xi32, #tpu.memory_space<hbm>> -> memref<256xi32, #tpu.memory_space<hbm>>
        %dma_start3A_343 = tpu.memref_slice %arg9[%multiple_of3A_335] : memref<2097152xi32, #tpu.memory_space<hbm>> -> memref<256xi32, #tpu.memory_space<hbm>>
        %dma_start3A_344 = tpu.memref_slice %arg12[%multiple_of3A] : memref<10240xi32, #tpu.memory_space<vmem>> -> memref<256xi32, #tpu.memory_space<vmem>>
        tpu.enqueue_dma source(%dma_start3A_344 : memref<256xi32, #tpu.memory_space<vmem>>) target(%dma_start3A_343 : memref<256xi32, #tpu.memory_space<hbm>>) target_semaphore(%run_scoped3A : memref<!tpu.dma_semaphore, #tpu.memory_space<semaphore_mem>>)
        %dma_wait3A = tpu.memref_slice %arg12[%multiple_of3A] : memref<10240xi32, #tpu.memory_space<vmem>> -> memref<256xi32, #tpu.memory_space<vmem>>
        %dma_wait3A_345 = tpu.memref_slice %arg9[%multiple_of3A_335] : memref<2097152xi32, #tpu.memory_space<hbm>> -> memref<256xi32, #tpu.memory_space<hbm>>
        %dma_wait3A_346 = tpu.memref_slice %arg9[%multiple_of3A_335] : memref<2097152xi32, #tpu.memory_space<hbm>> -> memref<256xi32, #tpu.memory_space<hbm>>
        %dma_wait3A_347 = tpu.memref_slice %arg12[%multiple_of3A] : memref<10240xi32, #tpu.memory_space<vmem>> -> memref<256xi32, #tpu.memory_space<vmem>>
        tpu.wait_dma2 semaphore(%run_scoped3A : memref<!tpu.dma_semaphore, #tpu.memory_space<semaphore_mem>>) src(%dma_wait3A_347 : memref<256xi32, #tpu.memory_space<vmem>>) dst(%dma_wait3A_346 : memref<256xi32, #tpu.memory_space<hbm>>)
        tpu.yield
      }) : () -> ()
      %mul3A_336 = arith.constant 3 : i32
      %mul3A_337 = arith.muli %and3A_334, %mul3A_336 : i32
      %multiple_of3A_338 = tpu.assume_multiple %mul3A_337, 8 : i32
      %mul3A_339 = arith.constant 3 : i32
      %mul3A_340 = arith.muli %select_n3A_134, %mul3A_339 : i32
      %multiple_of3A_341 = tpu.assume_multiple %mul3A_340, 8 : i32
      "tpu.region"() ({
        %run_scoped3A = tpu.sem_alloc : memref<!tpu.dma_semaphore, #tpu.memory_space<semaphore_mem>>
        %dma_start3A = tpu.memref_slice %arg13[%multiple_of3A_338] : memref<30720xf32, #tpu.memory_space<vmem>> -> memref<768xf32, #tpu.memory_space<vmem>>
        %dma_start3A_342 = tpu.memref_slice %arg8[%multiple_of3A_341] : memref<6291456xf32, #tpu.memory_space<hbm>> -> memref<768xf32, #tpu.memory_space<hbm>>
        %dma_start3A_343 = tpu.memref_slice %arg8[%multiple_of3A_341] : memref<6291456xf32, #tpu.memory_space<hbm>> -> memref<768xf32, #tpu.memory_space<hbm>>
        %dma_start3A_344 = tpu.memref_slice %arg13[%multiple_of3A_338] : memref<30720xf32, #tpu.memory_space<vmem>> -> memref<768xf32, #tpu.memory_space<vmem>>
        tpu.enqueue_dma source(%dma_start3A_344 : memref<768xf32, #tpu.memory_space<vmem>>) target(%dma_start3A_343 : memref<768xf32, #tpu.memory_space<hbm>>) target_semaphore(%run_scoped3A : memref<!tpu.dma_semaphore, #tpu.memory_space<semaphore_mem>>)
        %dma_wait3A = tpu.memref_slice %arg13[%multiple_of3A_338] : memref<30720xf32, #tpu.memory_space<vmem>> -> memref<768xf32, #tpu.memory_space<vmem>>
        %dma_wait3A_345 = tpu.memref_slice %arg8[%multiple_of3A_341] : memref<6291456xf32, #tpu.memory_space<hbm>> -> memref<768xf32, #tpu.memory_space<hbm>>
        %dma_wait3A_346 = tpu.memref_slice %arg8[%multiple_of3A_341] : memref<6291456xf32, #tpu.memory_space<hbm>> -> memref<768xf32, #tpu.memory_space<hbm>>
        %dma_wait3A_347 = tpu.memref_slice %arg13[%multiple_of3A_338] : memref<30720xf32, #tpu.memory_space<vmem>> -> memref<768xf32, #tpu.memory_space<vmem>>
        tpu.wait_dma2 semaphore(%run_scoped3A : memref<!tpu.dma_semaphore, #tpu.memory_space<semaphore_mem>>) src(%dma_wait3A_347 : memref<768xf32, #tpu.memory_space<vmem>>) dst(%dma_wait3A_346 : memref<768xf32, #tpu.memory_space<hbm>>)
        tpu.yield
      }) : () -> ()
    } else {
    }
    %add3A_143 = arith.constant 256 : i32
    %add3A_144 = arith.addi %select_n3A_134, %add3A_143 : i32
    %select_n3A_145 = arith.select %ne3A_139, %add3A_144, %select_n3A_134 : i32
    %sub3A_146 = arith.subi %add3A_37, %select_n3A_145 : i32
    %and3A_147 = arith.constant 128 : i32
    %and3A_148 = arith.andi %sub3A_146, %and3A_147 : i32
    %ne3A_149 = arith.constant 0 : i32
    %ne3A_150 = arith.cmpi ne, %and3A_148, %ne3A_149 : i32
    %convert_element_type3A_151 = arith.extui %ne3A_150 : i1 to i32
    %cond3A_152 = arith.constant 0 : i32
    %cond3A_153 = arith.cmpi ne, %convert_element_type3A_151, %cond3A_152 : i32
    scf.if %cond3A_153 {
      %and3A_333 = arith.constant 8191 : i32
      %and3A_334 = arith.andi %select_n3A_145, %and3A_333 : i32
      %multiple_of3A = tpu.assume_multiple %and3A_334, 8 : i32
      %multiple_of3A_335 = tpu.assume_multiple %select_n3A_145, 8 : i32
      "tpu.region"() ({
        %run_scoped3A = tpu.sem_alloc : memref<!tpu.dma_semaphore, #tpu.memory_space<semaphore_mem>>
        %dma_start3A = tpu.memref_slice %arg12[%multiple_of3A] : memref<10240xi32, #tpu.memory_space<vmem>> -> memref<128xi32, #tpu.memory_space<vmem>>
        %dma_start3A_342 = tpu.memref_slice %arg9[%multiple_of3A_335] : memref<2097152xi32, #tpu.memory_space<hbm>> -> memref<128xi32, #tpu.memory_space<hbm>>
        %dma_start3A_343 = tpu.memref_slice %arg9[%multiple_of3A_335] : memref<2097152xi32, #tpu.memory_space<hbm>> -> memref<128xi32, #tpu.memory_space<hbm>>
        %dma_start3A_344 = tpu.memref_slice %arg12[%multiple_of3A] : memref<10240xi32, #tpu.memory_space<vmem>> -> memref<128xi32, #tpu.memory_space<vmem>>
        tpu.enqueue_dma source(%dma_start3A_344 : memref<128xi32, #tpu.memory_space<vmem>>) target(%dma_start3A_343 : memref<128xi32, #tpu.memory_space<hbm>>) target_semaphore(%run_scoped3A : memref<!tpu.dma_semaphore, #tpu.memory_space<semaphore_mem>>)
        %dma_wait3A = tpu.memref_slice %arg12[%multiple_of3A] : memref<10240xi32, #tpu.memory_space<vmem>> -> memref<128xi32, #tpu.memory_space<vmem>>
        %dma_wait3A_345 = tpu.memref_slice %arg9[%multiple_of3A_335] : memref<2097152xi32, #tpu.memory_space<hbm>> -> memref<128xi32, #tpu.memory_space<hbm>>
        %dma_wait3A_346 = tpu.memref_slice %arg9[%multiple_of3A_335] : memref<2097152xi32, #tpu.memory_space<hbm>> -> memref<128xi32, #tpu.memory_space<hbm>>
        %dma_wait3A_347 = tpu.memref_slice %arg12[%multiple_of3A] : memref<10240xi32, #tpu.memory_space<vmem>> -> memref<128xi32, #tpu.memory_space<vmem>>
        tpu.wait_dma2 semaphore(%run_scoped3A : memref<!tpu.dma_semaphore, #tpu.memory_space<semaphore_mem>>) src(%dma_wait3A_347 : memref<128xi32, #tpu.memory_space<vmem>>) dst(%dma_wait3A_346 : memref<128xi32, #tpu.memory_space<hbm>>)
        tpu.yield
      }) : () -> ()
      %mul3A_336 = arith.constant 3 : i32
      %mul3A_337 = arith.muli %and3A_334, %mul3A_336 : i32
      %multiple_of3A_338 = tpu.assume_multiple %mul3A_337, 8 : i32
      %mul3A_339 = arith.constant 3 : i32
      %mul3A_340 = arith.muli %select_n3A_145, %mul3A_339 : i32
      %multiple_of3A_341 = tpu.assume_multiple %mul3A_340, 8 : i32
      "tpu.region"() ({
        %run_scoped3A = tpu.sem_alloc : memref<!tpu.dma_semaphore, #tpu.memory_space<semaphore_mem>>
        %dma_start3A = tpu.memref_slice %arg13[%multiple_of3A_338] : memref<30720xf32, #tpu.memory_space<vmem>> -> memref<384xf32, #tpu.memory_space<vmem>>
        %dma_start3A_342 = tpu.memref_slice %arg8[%multiple_of3A_341] : memref<6291456xf32, #tpu.memory_space<hbm>> -> memref<384xf32, #tpu.memory_space<hbm>>
        %dma_start3A_343 = tpu.memref_slice %arg8[%multiple_of3A_341] : memref<6291456xf32, #tpu.memory_space<hbm>> -> memref<384xf32, #tpu.memory_space<hbm>>
        %dma_start3A_344 = tpu.memref_slice %arg13[%multiple_of3A_338] : memref<30720xf32, #tpu.memory_space<vmem>> -> memref<384xf32, #tpu.memory_space<vmem>>
        tpu.enqueue_dma source(%dma_start3A_344 : memref<384xf32, #tpu.memory_space<vmem>>) target(%dma_start3A_343 : memref<384xf32, #tpu.memory_space<hbm>>) target_semaphore(%run_scoped3A : memref<!tpu.dma_semaphore, #tpu.memory_space<semaphore_mem>>)
        %dma_wait3A = tpu.memref_slice %arg13[%multiple_of3A_338] : memref<30720xf32, #tpu.memory_space<vmem>> -> memref<384xf32, #tpu.memory_space<vmem>>
        %dma_wait3A_345 = tpu.memref_slice %arg8[%multiple_of3A_341] : memref<6291456xf32, #tpu.memory_space<hbm>> -> memref<384xf32, #tpu.memory_space<hbm>>
        %dma_wait3A_346 = tpu.memref_slice %arg8[%multiple_of3A_341] : memref<6291456xf32, #tpu.memory_space<hbm>> -> memref<384xf32, #tpu.memory_space<hbm>>
        %dma_wait3A_347 = tpu.memref_slice %arg13[%multiple_of3A_338] : memref<30720xf32, #tpu.memory_space<vmem>> -> memref<384xf32, #tpu.memory_space<vmem>>
        tpu.wait_dma2 semaphore(%run_scoped3A : memref<!tpu.dma_semaphore, #tpu.memory_space<semaphore_mem>>) src(%dma_wait3A_347 : memref<384xf32, #tpu.memory_space<vmem>>) dst(%dma_wait3A_346 : memref<384xf32, #tpu.memory_space<hbm>>)
        tpu.yield
      }) : () -> ()
    } else {
    }
    %add3A_154 = arith.constant 128 : i32
    %add3A_155 = arith.addi %select_n3A_145, %add3A_154 : i32
    %select_n3A_156 = arith.select %ne3A_150, %add3A_155, %select_n3A_145 : i32
    %sub3A_157 = arith.subi %add3A_37, %select_n3A_156 : i32
    %and3A_158 = arith.constant 64 : i32
    %and3A_159 = arith.andi %sub3A_157, %and3A_158 : i32
    %ne3A_160 = arith.constant 0 : i32
    %ne3A_161 = arith.cmpi ne, %and3A_159, %ne3A_160 : i32
    %convert_element_type3A_162 = arith.extui %ne3A_161 : i1 to i32
    %cond3A_163 = arith.constant 0 : i32
    %cond3A_164 = arith.cmpi ne, %convert_element_type3A_162, %cond3A_163 : i32
    scf.if %cond3A_164 {
      %and3A_333 = arith.constant 8191 : i32
      %and3A_334 = arith.andi %select_n3A_156, %and3A_333 : i32
      %multiple_of3A = tpu.assume_multiple %and3A_334, 8 : i32
      %multiple_of3A_335 = tpu.assume_multiple %select_n3A_156, 8 : i32
      "tpu.region"() ({
        %run_scoped3A = tpu.sem_alloc : memref<!tpu.dma_semaphore, #tpu.memory_space<semaphore_mem>>
        %dma_start3A = tpu.memref_slice %arg12[%multiple_of3A] : memref<10240xi32, #tpu.memory_space<vmem>> -> memref<64xi32, #tpu.memory_space<vmem>>
        %dma_start3A_342 = tpu.memref_slice %arg9[%multiple_of3A_335] : memref<2097152xi32, #tpu.memory_space<hbm>> -> memref<64xi32, #tpu.memory_space<hbm>>
        %dma_start3A_343 = tpu.memref_slice %arg9[%multiple_of3A_335] : memref<2097152xi32, #tpu.memory_space<hbm>> -> memref<64xi32, #tpu.memory_space<hbm>>
        %dma_start3A_344 = tpu.memref_slice %arg12[%multiple_of3A] : memref<10240xi32, #tpu.memory_space<vmem>> -> memref<64xi32, #tpu.memory_space<vmem>>
        tpu.enqueue_dma source(%dma_start3A_344 : memref<64xi32, #tpu.memory_space<vmem>>) target(%dma_start3A_343 : memref<64xi32, #tpu.memory_space<hbm>>) target_semaphore(%run_scoped3A : memref<!tpu.dma_semaphore, #tpu.memory_space<semaphore_mem>>)
        %dma_wait3A = tpu.memref_slice %arg12[%multiple_of3A] : memref<10240xi32, #tpu.memory_space<vmem>> -> memref<64xi32, #tpu.memory_space<vmem>>
        %dma_wait3A_345 = tpu.memref_slice %arg9[%multiple_of3A_335] : memref<2097152xi32, #tpu.memory_space<hbm>> -> memref<64xi32, #tpu.memory_space<hbm>>
        %dma_wait3A_346 = tpu.memref_slice %arg9[%multiple_of3A_335] : memref<2097152xi32, #tpu.memory_space<hbm>> -> memref<64xi32, #tpu.memory_space<hbm>>
        %dma_wait3A_347 = tpu.memref_slice %arg12[%multiple_of3A] : memref<10240xi32, #tpu.memory_space<vmem>> -> memref<64xi32, #tpu.memory_space<vmem>>
        tpu.wait_dma2 semaphore(%run_scoped3A : memref<!tpu.dma_semaphore, #tpu.memory_space<semaphore_mem>>) src(%dma_wait3A_347 : memref<64xi32, #tpu.memory_space<vmem>>) dst(%dma_wait3A_346 : memref<64xi32, #tpu.memory_space<hbm>>)
        tpu.yield
      }) : () -> ()
      %mul3A_336 = arith.constant 3 : i32
      %mul3A_337 = arith.muli %and3A_334, %mul3A_336 : i32
      %multiple_of3A_338 = tpu.assume_multiple %mul3A_337, 8 : i32
      %mul3A_339 = arith.constant 3 : i32
      %mul3A_340 = arith.muli %select_n3A_156, %mul3A_339 : i32
      %multiple_of3A_341 = tpu.assume_multiple %mul3A_340, 8 : i32
      "tpu.region"() ({
        %run_scoped3A = tpu.sem_alloc : memref<!tpu.dma_semaphore, #tpu.memory_space<semaphore_mem>>
        %dma_start3A = tpu.memref_slice %arg13[%multiple_of3A_338] : memref<30720xf32, #tpu.memory_space<vmem>> -> memref<192xf32, #tpu.memory_space<vmem>>
        %dma_start3A_342 = tpu.memref_slice %arg8[%multiple_of3A_341] : memref<6291456xf32, #tpu.memory_space<hbm>> -> memref<192xf32, #tpu.memory_space<hbm>>
        %dma_start3A_343 = tpu.memref_slice %arg8[%multiple_of3A_341] : memref<6291456xf32, #tpu.memory_space<hbm>> -> memref<192xf32, #tpu.memory_space<hbm>>
        %dma_start3A_344 = tpu.memref_slice %arg13[%multiple_of3A_338] : memref<30720xf32, #tpu.memory_space<vmem>> -> memref<192xf32, #tpu.memory_space<vmem>>
        tpu.enqueue_dma source(%dma_start3A_344 : memref<192xf32, #tpu.memory_space<vmem>>) target(%dma_start3A_343 : memref<192xf32, #tpu.memory_space<hbm>>) target_semaphore(%run_scoped3A : memref<!tpu.dma_semaphore, #tpu.memory_space<semaphore_mem>>)
        %dma_wait3A = tpu.memref_slice %arg13[%multiple_of3A_338] : memref<30720xf32, #tpu.memory_space<vmem>> -> memref<192xf32, #tpu.memory_space<vmem>>
        %dma_wait3A_345 = tpu.memref_slice %arg8[%multiple_of3A_341] : memref<6291456xf32, #tpu.memory_space<hbm>> -> memref<192xf32, #tpu.memory_space<hbm>>
        %dma_wait3A_346 = tpu.memref_slice %arg8[%multiple_of3A_341] : memref<6291456xf32, #tpu.memory_space<hbm>> -> memref<192xf32, #tpu.memory_space<hbm>>
        %dma_wait3A_347 = tpu.memref_slice %arg13[%multiple_of3A_338] : memref<30720xf32, #tpu.memory_space<vmem>> -> memref<192xf32, #tpu.memory_space<vmem>>
        tpu.wait_dma2 semaphore(%run_scoped3A : memref<!tpu.dma_semaphore, #tpu.memory_space<semaphore_mem>>) src(%dma_wait3A_347 : memref<192xf32, #tpu.memory_space<vmem>>) dst(%dma_wait3A_346 : memref<192xf32, #tpu.memory_space<hbm>>)
        tpu.yield
      }) : () -> ()
    } else {
    }
    %add3A_165 = arith.constant 64 : i32
    %add3A_166 = arith.addi %select_n3A_156, %add3A_165 : i32
    %select_n3A_167 = arith.select %ne3A_161, %add3A_166, %select_n3A_156 : i32
    %sub3A_168 = arith.subi %add3A_37, %select_n3A_167 : i32
    %and3A_169 = arith.constant 32 : i32
    %and3A_170 = arith.andi %sub3A_168, %and3A_169 : i32
    %ne3A_171 = arith.constant 0 : i32
    %ne3A_172 = arith.cmpi ne, %and3A_170, %ne3A_171 : i32
    %convert_element_type3A_173 = arith.extui %ne3A_172 : i1 to i32
    %cond3A_174 = arith.constant 0 : i32
    %cond3A_175 = arith.cmpi ne, %convert_element_type3A_173, %cond3A_174 : i32
    scf.if %cond3A_175 {
      %and3A_333 = arith.constant 8191 : i32
      %and3A_334 = arith.andi %select_n3A_167, %and3A_333 : i32
      %multiple_of3A = tpu.assume_multiple %and3A_334, 8 : i32
      %multiple_of3A_335 = tpu.assume_multiple %select_n3A_167, 8 : i32
      "tpu.region"() ({
        %run_scoped3A = tpu.sem_alloc : memref<!tpu.dma_semaphore, #tpu.memory_space<semaphore_mem>>
        %dma_start3A = tpu.memref_slice %arg12[%multiple_of3A] : memref<10240xi32, #tpu.memory_space<vmem>> -> memref<32xi32, #tpu.memory_space<vmem>>
        %dma_start3A_342 = tpu.memref_slice %arg9[%multiple_of3A_335] : memref<2097152xi32, #tpu.memory_space<hbm>> -> memref<32xi32, #tpu.memory_space<hbm>>
        %dma_start3A_343 = tpu.memref_slice %arg9[%multiple_of3A_335] : memref<2097152xi32, #tpu.memory_space<hbm>> -> memref<32xi32, #tpu.memory_space<hbm>>
        %dma_start3A_344 = tpu.memref_slice %arg12[%multiple_of3A] : memref<10240xi32, #tpu.memory_space<vmem>> -> memref<32xi32, #tpu.memory_space<vmem>>
        tpu.enqueue_dma source(%dma_start3A_344 : memref<32xi32, #tpu.memory_space<vmem>>) target(%dma_start3A_343 : memref<32xi32, #tpu.memory_space<hbm>>) target_semaphore(%run_scoped3A : memref<!tpu.dma_semaphore, #tpu.memory_space<semaphore_mem>>)
        %dma_wait3A = tpu.memref_slice %arg12[%multiple_of3A] : memref<10240xi32, #tpu.memory_space<vmem>> -> memref<32xi32, #tpu.memory_space<vmem>>
        %dma_wait3A_345 = tpu.memref_slice %arg9[%multiple_of3A_335] : memref<2097152xi32, #tpu.memory_space<hbm>> -> memref<32xi32, #tpu.memory_space<hbm>>
        %dma_wait3A_346 = tpu.memref_slice %arg9[%multiple_of3A_335] : memref<2097152xi32, #tpu.memory_space<hbm>> -> memref<32xi32, #tpu.memory_space<hbm>>
        %dma_wait3A_347 = tpu.memref_slice %arg12[%multiple_of3A] : memref<10240xi32, #tpu.memory_space<vmem>> -> memref<32xi32, #tpu.memory_space<vmem>>
        tpu.wait_dma2 semaphore(%run_scoped3A : memref<!tpu.dma_semaphore, #tpu.memory_space<semaphore_mem>>) src(%dma_wait3A_347 : memref<32xi32, #tpu.memory_space<vmem>>) dst(%dma_wait3A_346 : memref<32xi32, #tpu.memory_space<hbm>>)
        tpu.yield
      }) : () -> ()
      %mul3A_336 = arith.constant 3 : i32
      %mul3A_337 = arith.muli %and3A_334, %mul3A_336 : i32
      %multiple_of3A_338 = tpu.assume_multiple %mul3A_337, 8 : i32
      %mul3A_339 = arith.constant 3 : i32
      %mul3A_340 = arith.muli %select_n3A_167, %mul3A_339 : i32
      %multiple_of3A_341 = tpu.assume_multiple %mul3A_340, 8 : i32
      "tpu.region"() ({
        %run_scoped3A = tpu.sem_alloc : memref<!tpu.dma_semaphore, #tpu.memory_space<semaphore_mem>>
        %dma_start3A = tpu.memref_slice %arg13[%multiple_of3A_338] : memref<30720xf32, #tpu.memory_space<vmem>> -> memref<96xf32, #tpu.memory_space<vmem>>
        %dma_start3A_342 = tpu.memref_slice %arg8[%multiple_of3A_341] : memref<6291456xf32, #tpu.memory_space<hbm>> -> memref<96xf32, #tpu.memory_space<hbm>>
        %dma_start3A_343 = tpu.memref_slice %arg8[%multiple_of3A_341] : memref<6291456xf32, #tpu.memory_space<hbm>> -> memref<96xf32, #tpu.memory_space<hbm>>
        %dma_start3A_344 = tpu.memref_slice %arg13[%multiple_of3A_338] : memref<30720xf32, #tpu.memory_space<vmem>> -> memref<96xf32, #tpu.memory_space<vmem>>
        tpu.enqueue_dma source(%dma_start3A_344 : memref<96xf32, #tpu.memory_space<vmem>>) target(%dma_start3A_343 : memref<96xf32, #tpu.memory_space<hbm>>) target_semaphore(%run_scoped3A : memref<!tpu.dma_semaphore, #tpu.memory_space<semaphore_mem>>)
        %dma_wait3A = tpu.memref_slice %arg13[%multiple_of3A_338] : memref<30720xf32, #tpu.memory_space<vmem>> -> memref<96xf32, #tpu.memory_space<vmem>>
        %dma_wait3A_345 = tpu.memref_slice %arg8[%multiple_of3A_341] : memref<6291456xf32, #tpu.memory_space<hbm>> -> memref<96xf32, #tpu.memory_space<hbm>>
        %dma_wait3A_346 = tpu.memref_slice %arg8[%multiple_of3A_341] : memref<6291456xf32, #tpu.memory_space<hbm>> -> memref<96xf32, #tpu.memory_space<hbm>>
        %dma_wait3A_347 = tpu.memref_slice %arg13[%multiple_of3A_338] : memref<30720xf32, #tpu.memory_space<vmem>> -> memref<96xf32, #tpu.memory_space<vmem>>
        tpu.wait_dma2 semaphore(%run_scoped3A : memref<!tpu.dma_semaphore, #tpu.memory_space<semaphore_mem>>) src(%dma_wait3A_347 : memref<96xf32, #tpu.memory_space<vmem>>) dst(%dma_wait3A_346 : memref<96xf32, #tpu.memory_space<hbm>>)
        tpu.yield
      }) : () -> ()
    } else {
    }
    %add3A_176 = arith.constant 32 : i32
    %add3A_177 = arith.addi %select_n3A_167, %add3A_176 : i32
    %select_n3A_178 = arith.select %ne3A_172, %add3A_177, %select_n3A_167 : i32
    %sub3A_179 = arith.subi %add3A_37, %select_n3A_178 : i32
    %and3A_180 = arith.constant 16 : i32
    %and3A_181 = arith.andi %sub3A_179, %and3A_180 : i32
    %ne3A_182 = arith.constant 0 : i32
    %ne3A_183 = arith.cmpi ne, %and3A_181, %ne3A_182 : i32
    %convert_element_type3A_184 = arith.extui %ne3A_183 : i1 to i32
    %cond3A_185 = arith.constant 0 : i32
    %cond3A_186 = arith.cmpi ne, %convert_element_type3A_184, %cond3A_185 : i32
    scf.if %cond3A_186 {
      %and3A_333 = arith.constant 8191 : i32
      %and3A_334 = arith.andi %select_n3A_178, %and3A_333 : i32
      %multiple_of3A = tpu.assume_multiple %and3A_334, 8 : i32
      %multiple_of3A_335 = tpu.assume_multiple %select_n3A_178, 8 : i32
      "tpu.region"() ({
        %run_scoped3A = tpu.sem_alloc : memref<!tpu.dma_semaphore, #tpu.memory_space<semaphore_mem>>
        %dma_start3A = tpu.memref_slice %arg12[%multiple_of3A] : memref<10240xi32, #tpu.memory_space<vmem>> -> memref<16xi32, #tpu.memory_space<vmem>>
        %dma_start3A_342 = tpu.memref_slice %arg9[%multiple_of3A_335] : memref<2097152xi32, #tpu.memory_space<hbm>> -> memref<16xi32, #tpu.memory_space<hbm>>
        %dma_start3A_343 = tpu.memref_slice %arg9[%multiple_of3A_335] : memref<2097152xi32, #tpu.memory_space<hbm>> -> memref<16xi32, #tpu.memory_space<hbm>>
        %dma_start3A_344 = tpu.memref_slice %arg12[%multiple_of3A] : memref<10240xi32, #tpu.memory_space<vmem>> -> memref<16xi32, #tpu.memory_space<vmem>>
        tpu.enqueue_dma source(%dma_start3A_344 : memref<16xi32, #tpu.memory_space<vmem>>) target(%dma_start3A_343 : memref<16xi32, #tpu.memory_space<hbm>>) target_semaphore(%run_scoped3A : memref<!tpu.dma_semaphore, #tpu.memory_space<semaphore_mem>>)
        %dma_wait3A = tpu.memref_slice %arg12[%multiple_of3A] : memref<10240xi32, #tpu.memory_space<vmem>> -> memref<16xi32, #tpu.memory_space<vmem>>
        %dma_wait3A_345 = tpu.memref_slice %arg9[%multiple_of3A_335] : memref<2097152xi32, #tpu.memory_space<hbm>> -> memref<16xi32, #tpu.memory_space<hbm>>
        %dma_wait3A_346 = tpu.memref_slice %arg9[%multiple_of3A_335] : memref<2097152xi32, #tpu.memory_space<hbm>> -> memref<16xi32, #tpu.memory_space<hbm>>
        %dma_wait3A_347 = tpu.memref_slice %arg12[%multiple_of3A] : memref<10240xi32, #tpu.memory_space<vmem>> -> memref<16xi32, #tpu.memory_space<vmem>>
        tpu.wait_dma2 semaphore(%run_scoped3A : memref<!tpu.dma_semaphore, #tpu.memory_space<semaphore_mem>>) src(%dma_wait3A_347 : memref<16xi32, #tpu.memory_space<vmem>>) dst(%dma_wait3A_346 : memref<16xi32, #tpu.memory_space<hbm>>)
        tpu.yield
      }) : () -> ()
      %mul3A_336 = arith.constant 3 : i32
      %mul3A_337 = arith.muli %and3A_334, %mul3A_336 : i32
      %multiple_of3A_338 = tpu.assume_multiple %mul3A_337, 8 : i32
      %mul3A_339 = arith.constant 3 : i32
      %mul3A_340 = arith.muli %select_n3A_178, %mul3A_339 : i32
      %multiple_of3A_341 = tpu.assume_multiple %mul3A_340, 8 : i32
      "tpu.region"() ({
        %run_scoped3A = tpu.sem_alloc : memref<!tpu.dma_semaphore, #tpu.memory_space<semaphore_mem>>
        %dma_start3A = tpu.memref_slice %arg13[%multiple_of3A_338] : memref<30720xf32, #tpu.memory_space<vmem>> -> memref<48xf32, #tpu.memory_space<vmem>>
        %dma_start3A_342 = tpu.memref_slice %arg8[%multiple_of3A_341] : memref<6291456xf32, #tpu.memory_space<hbm>> -> memref<48xf32, #tpu.memory_space<hbm>>
        %dma_start3A_343 = tpu.memref_slice %arg8[%multiple_of3A_341] : memref<6291456xf32, #tpu.memory_space<hbm>> -> memref<48xf32, #tpu.memory_space<hbm>>
        %dma_start3A_344 = tpu.memref_slice %arg13[%multiple_of3A_338] : memref<30720xf32, #tpu.memory_space<vmem>> -> memref<48xf32, #tpu.memory_space<vmem>>
        tpu.enqueue_dma source(%dma_start3A_344 : memref<48xf32, #tpu.memory_space<vmem>>) target(%dma_start3A_343 : memref<48xf32, #tpu.memory_space<hbm>>) target_semaphore(%run_scoped3A : memref<!tpu.dma_semaphore, #tpu.memory_space<semaphore_mem>>)
        %dma_wait3A = tpu.memref_slice %arg13[%multiple_of3A_338] : memref<30720xf32, #tpu.memory_space<vmem>> -> memref<48xf32, #tpu.memory_space<vmem>>
        %dma_wait3A_345 = tpu.memref_slice %arg8[%multiple_of3A_341] : memref<6291456xf32, #tpu.memory_space<hbm>> -> memref<48xf32, #tpu.memory_space<hbm>>
        %dma_wait3A_346 = tpu.memref_slice %arg8[%multiple_of3A_341] : memref<6291456xf32, #tpu.memory_space<hbm>> -> memref<48xf32, #tpu.memory_space<hbm>>
        %dma_wait3A_347 = tpu.memref_slice %arg13[%multiple_of3A_338] : memref<30720xf32, #tpu.memory_space<vmem>> -> memref<48xf32, #tpu.memory_space<vmem>>
        tpu.wait_dma2 semaphore(%run_scoped3A : memref<!tpu.dma_semaphore, #tpu.memory_space<semaphore_mem>>) src(%dma_wait3A_347 : memref<48xf32, #tpu.memory_space<vmem>>) dst(%dma_wait3A_346 : memref<48xf32, #tpu.memory_space<hbm>>)
        tpu.yield
      }) : () -> ()
    } else {
    }
    %add3A_187 = arith.constant 16 : i32
    %add3A_188 = arith.addi %select_n3A_178, %add3A_187 : i32
    %select_n3A_189 = arith.select %ne3A_183, %add3A_188, %select_n3A_178 : i32
    %sub3A_190 = arith.subi %add3A_37, %select_n3A_189 : i32
    %and3A_191 = arith.constant 8 : i32
    %and3A_192 = arith.andi %sub3A_190, %and3A_191 : i32
    %ne3A_193 = arith.constant 0 : i32
    %ne3A_194 = arith.cmpi ne, %and3A_192, %ne3A_193 : i32
    %convert_element_type3A_195 = arith.extui %ne3A_194 : i1 to i32
    %cond3A_196 = arith.constant 0 : i32
    %cond3A_197 = arith.cmpi ne, %convert_element_type3A_195, %cond3A_196 : i32
    scf.if %cond3A_197 {
      %and3A_333 = arith.constant 8191 : i32
      %and3A_334 = arith.andi %select_n3A_189, %and3A_333 : i32
      %multiple_of3A = tpu.assume_multiple %and3A_334, 8 : i32
      %multiple_of3A_335 = tpu.assume_multiple %select_n3A_189, 8 : i32
      "tpu.region"() ({
        %run_scoped3A = tpu.sem_alloc : memref<!tpu.dma_semaphore, #tpu.memory_space<semaphore_mem>>
        %dma_start3A = tpu.memref_slice %arg12[%multiple_of3A] : memref<10240xi32, #tpu.memory_space<vmem>> -> memref<8xi32, #tpu.memory_space<vmem>>
        %dma_start3A_342 = tpu.memref_slice %arg9[%multiple_of3A_335] : memref<2097152xi32, #tpu.memory_space<hbm>> -> memref<8xi32, #tpu.memory_space<hbm>>
        %dma_start3A_343 = tpu.memref_slice %arg9[%multiple_of3A_335] : memref<2097152xi32, #tpu.memory_space<hbm>> -> memref<8xi32, #tpu.memory_space<hbm>>
        %dma_start3A_344 = tpu.memref_slice %arg12[%multiple_of3A] : memref<10240xi32, #tpu.memory_space<vmem>> -> memref<8xi32, #tpu.memory_space<vmem>>
        tpu.enqueue_dma source(%dma_start3A_344 : memref<8xi32, #tpu.memory_space<vmem>>) target(%dma_start3A_343 : memref<8xi32, #tpu.memory_space<hbm>>) target_semaphore(%run_scoped3A : memref<!tpu.dma_semaphore, #tpu.memory_space<semaphore_mem>>)
        %dma_wait3A = tpu.memref_slice %arg12[%multiple_of3A] : memref<10240xi32, #tpu.memory_space<vmem>> -> memref<8xi32, #tpu.memory_space<vmem>>
        %dma_wait3A_345 = tpu.memref_slice %arg9[%multiple_of3A_335] : memref<2097152xi32, #tpu.memory_space<hbm>> -> memref<8xi32, #tpu.memory_space<hbm>>
        %dma_wait3A_346 = tpu.memref_slice %arg9[%multiple_of3A_335] : memref<2097152xi32, #tpu.memory_space<hbm>> -> memref<8xi32, #tpu.memory_space<hbm>>
        %dma_wait3A_347 = tpu.memref_slice %arg12[%multiple_of3A] : memref<10240xi32, #tpu.memory_space<vmem>> -> memref<8xi32, #tpu.memory_space<vmem>>
        tpu.wait_dma2 semaphore(%run_scoped3A : memref<!tpu.dma_semaphore, #tpu.memory_space<semaphore_mem>>) src(%dma_wait3A_347 : memref<8xi32, #tpu.memory_space<vmem>>) dst(%dma_wait3A_346 : memref<8xi32, #tpu.memory_space<hbm>>)
        tpu.yield
      }) : () -> ()
      %mul3A_336 = arith.constant 3 : i32
      %mul3A_337 = arith.muli %and3A_334, %mul3A_336 : i32
      %multiple_of3A_338 = tpu.assume_multiple %mul3A_337, 8 : i32
      %mul3A_339 = arith.constant 3 : i32
      %mul3A_340 = arith.muli %select_n3A_189, %mul3A_339 : i32
      %multiple_of3A_341 = tpu.assume_multiple %mul3A_340, 8 : i32
      "tpu.region"() ({
        %run_scoped3A = tpu.sem_alloc : memref<!tpu.dma_semaphore, #tpu.memory_space<semaphore_mem>>
        %dma_start3A = tpu.memref_slice %arg13[%multiple_of3A_338] : memref<30720xf32, #tpu.memory_space<vmem>> -> memref<24xf32, #tpu.memory_space<vmem>>
        %dma_start3A_342 = tpu.memref_slice %arg8[%multiple_of3A_341] : memref<6291456xf32, #tpu.memory_space<hbm>> -> memref<24xf32, #tpu.memory_space<hbm>>
        %dma_start3A_343 = tpu.memref_slice %arg8[%multiple_of3A_341] : memref<6291456xf32, #tpu.memory_space<hbm>> -> memref<24xf32, #tpu.memory_space<hbm>>
        %dma_start3A_344 = tpu.memref_slice %arg13[%multiple_of3A_338] : memref<30720xf32, #tpu.memory_space<vmem>> -> memref<24xf32, #tpu.memory_space<vmem>>
        tpu.enqueue_dma source(%dma_start3A_344 : memref<24xf32, #tpu.memory_space<vmem>>) target(%dma_start3A_343 : memref<24xf32, #tpu.memory_space<hbm>>) target_semaphore(%run_scoped3A : memref<!tpu.dma_semaphore, #tpu.memory_space<semaphore_mem>>)
        %dma_wait3A = tpu.memref_slice %arg13[%multiple_of3A_338] : memref<30720xf32, #tpu.memory_space<vmem>> -> memref<24xf32, #tpu.memory_space<vmem>>
        %dma_wait3A_345 = tpu.memref_slice %arg8[%multiple_of3A_341] : memref<6291456xf32, #tpu.memory_space<hbm>> -> memref<24xf32, #tpu.memory_space<hbm>>
        %dma_wait3A_346 = tpu.memref_slice %arg8[%multiple_of3A_341] : memref<6291456xf32, #tpu.memory_space<hbm>> -> memref<24xf32, #tpu.memory_space<hbm>>
        %dma_wait3A_347 = tpu.memref_slice %arg13[%multiple_of3A_338] : memref<30720xf32, #tpu.memory_space<vmem>> -> memref<24xf32, #tpu.memory_space<vmem>>
        tpu.wait_dma2 semaphore(%run_scoped3A : memref<!tpu.dma_semaphore, #tpu.memory_space<semaphore_mem>>) src(%dma_wait3A_347 : memref<24xf32, #tpu.memory_space<vmem>>) dst(%dma_wait3A_346 : memref<24xf32, #tpu.memory_space<hbm>>)
        tpu.yield
      }) : () -> ()
    } else {
    }
    %add3A_198 = arith.constant 8 : i32
    %add3A_199 = arith.addi %select_n3A_189, %add3A_198 : i32
    %select_n3A_200 = arith.select %ne3A_194, %add3A_199, %select_n3A_189 : i32
    %sub3A_201 = arith.subi %add3A_37, %select_n3A_200 : i32
    %gt3A = arith.constant 0 : i32
    %gt3A_202 = arith.cmpi sgt, %sub3A_201, %gt3A : i32
    %convert_element_type3A_203 = arith.extui %gt3A_202 : i1 to i32
    %cond3A_204 = arith.constant 0 : i32
    %cond3A_205 = arith.cmpi ne, %convert_element_type3A_203, %cond3A_204 : i32
    scf.if %cond3A_205 {
      %add3A_333 = arith.constant 0 : i32
      %add3A_334 = vector.broadcast %add3A_333 : i32 to vector<16xi32>
      %add3A_335 = arith.addi %add3A_334, %iota3A : vector<16xi32>
      %sub3A_336 = arith.constant 1 : i32
      %sub3A_337 = arith.subi %sub3A_201, %sub3A_336 : i32
      %min3A_338 = vector.broadcast %sub3A_337 : i32 to vector<16xi32>
      %min3A_339 = arith.minsi %add3A_335, %min3A_338 : vector<16xi32>
      %add3A_340 = vector.broadcast %select_n3A_200 : i32 to vector<16xi32>
      %add3A_341 = arith.addi %add3A_340, %min3A_339 : vector<16xi32>
      %swap3A_342 = arith.constant 0 : index
      %swap3A_343 = tpu.vector_load %arg19[%swap3A_342] {strides = array<i32>} : memref<128xi32, #tpu.memory_space<vmem>>, vector<16xi32>,
      tpu.vector_store %arg19[%swap3A_342], %add3A_341 {strides = array<i32>} : memref<128xi32, #tpu.memory_space<vmem>>, vector<16xi32>,
      %and3A_344 = arith.constant 8191 : i32
      %and3A_345 = vector.broadcast %and3A_344 : i32 to vector<16xi32>
      %and3A_346 = arith.andi %add3A_341, %and3A_345 : vector<16xi32>
      %gather3A_347 = tpu.vector_load_idx %arg12[%and3A_346] : memref<10240xi32, #tpu.memory_space<vmem>>[vector<16xi32>], vector<16xi32>,
      %swap3A_348 = arith.constant 0 : index
      %swap3A_349 = tpu.vector_load %arg20[%swap3A_348] {strides = array<i32>} : memref<128xi32, #tpu.memory_space<vmem>>, vector<16xi32>,
      tpu.vector_store %arg20[%swap3A_348], %gather3A_347 {strides = array<i32>} : memref<128xi32, #tpu.memory_space<vmem>>, vector<16xi32>,
      %add3A_350 = arith.constant 16 : i32
      %add3A_351 = vector.broadcast %add3A_350 : i32 to vector<16xi32>
      %add3A_352 = arith.addi %add3A_351, %iota3A : vector<16xi32>
      %sub3A_353 = arith.constant 1 : i32
      %sub3A_354 = arith.subi %sub3A_201, %sub3A_353 : i32
      %min3A_355 = vector.broadcast %sub3A_354 : i32 to vector<16xi32>
      %min3A_356 = arith.minsi %add3A_352, %min3A_355 : vector<16xi32>
      %add3A_357 = vector.broadcast %select_n3A_200 : i32 to vector<16xi32>
      %add3A_358 = arith.addi %add3A_357, %min3A_356 : vector<16xi32>
      %swap3A_359 = arith.constant 16 : index
      %swap3A_360 = tpu.vector_load %arg19[%swap3A_359] {strides = array<i32>} : memref<128xi32, #tpu.memory_space<vmem>>, vector<16xi32>,
      tpu.vector_store %arg19[%swap3A_359], %add3A_358 {strides = array<i32>} : memref<128xi32, #tpu.memory_space<vmem>>, vector<16xi32>,
      %and3A_361 = arith.constant 8191 : i32
      %and3A_362 = vector.broadcast %and3A_361 : i32 to vector<16xi32>
      %and3A_363 = arith.andi %add3A_358, %and3A_362 : vector<16xi32>
      %gather3A_364 = tpu.vector_load_idx %arg12[%and3A_363] : memref<10240xi32, #tpu.memory_space<vmem>>[vector<16xi32>], vector<16xi32>,
      %swap3A_365 = arith.constant 16 : index
      %swap3A_366 = tpu.vector_load %arg20[%swap3A_365] {strides = array<i32>} : memref<128xi32, #tpu.memory_space<vmem>>, vector<16xi32>,
      tpu.vector_store %arg20[%swap3A_365], %gather3A_364 {strides = array<i32>} : memref<128xi32, #tpu.memory_space<vmem>>, vector<16xi32>,
      %add3A_367 = arith.constant 32 : i32
      %add3A_368 = vector.broadcast %add3A_367 : i32 to vector<16xi32>
      %add3A_369 = arith.addi %add3A_368, %iota3A : vector<16xi32>
      %sub3A_370 = arith.constant 1 : i32
      %sub3A_371 = arith.subi %sub3A_201, %sub3A_370 : i32
      %min3A_372 = vector.broadcast %sub3A_371 : i32 to vector<16xi32>
      %min3A_373 = arith.minsi %add3A_369, %min3A_372 : vector<16xi32>
      %add3A_374 = vector.broadcast %select_n3A_200 : i32 to vector<16xi32>
      %add3A_375 = arith.addi %add3A_374, %min3A_373 : vector<16xi32>
      %swap3A_376 = arith.constant 32 : index
      %swap3A_377 = tpu.vector_load %arg19[%swap3A_376] {strides = array<i32>} : memref<128xi32, #tpu.memory_space<vmem>>, vector<16xi32>,
      tpu.vector_store %arg19[%swap3A_376], %add3A_375 {strides = array<i32>} : memref<128xi32, #tpu.memory_space<vmem>>, vector<16xi32>,
      %and3A_378 = arith.constant 8191 : i32
      %and3A_379 = vector.broadcast %and3A_378 : i32 to vector<16xi32>
      %and3A_380 = arith.andi %add3A_375, %and3A_379 : vector<16xi32>
      %gather3A_381 = tpu.vector_load_idx %arg12[%and3A_380] : memref<10240xi32, #tpu.memory_space<vmem>>[vector<16xi32>], vector<16xi32>,
      %swap3A_382 = arith.constant 32 : index
      %swap3A_383 = tpu.vector_load %arg20[%swap3A_382] {strides = array<i32>} : memref<128xi32, #tpu.memory_space<vmem>>, vector<16xi32>,
      tpu.vector_store %arg20[%swap3A_382], %gather3A_381 {strides = array<i32>} : memref<128xi32, #tpu.memory_space<vmem>>, vector<16xi32>,
      %add3A_384 = arith.constant 48 : i32
      %add3A_385 = vector.broadcast %add3A_384 : i32 to vector<16xi32>
      %add3A_386 = arith.addi %add3A_385, %iota3A : vector<16xi32>
      %sub3A_387 = arith.constant 1 : i32
      %sub3A_388 = arith.subi %sub3A_201, %sub3A_387 : i32
      %min3A_389 = vector.broadcast %sub3A_388 : i32 to vector<16xi32>
      %min3A_390 = arith.minsi %add3A_386, %min3A_389 : vector<16xi32>
      %add3A_391 = vector.broadcast %select_n3A_200 : i32 to vector<16xi32>
      %add3A_392 = arith.addi %add3A_391, %min3A_390 : vector<16xi32>
      %swap3A_393 = arith.constant 48 : index
      %swap3A_394 = tpu.vector_load %arg19[%swap3A_393] {strides = array<i32>} : memref<128xi32, #tpu.memory_space<vmem>>, vector<16xi32>,
      tpu.vector_store %arg19[%swap3A_393], %add3A_392 {strides = array<i32>} : memref<128xi32, #tpu.memory_space<vmem>>, vector<16xi32>,
      %and3A_395 = arith.constant 8191 : i32
      %and3A_396 = vector.broadcast %and3A_395 : i32 to vector<16xi32>
      %and3A_397 = arith.andi %add3A_392, %and3A_396 : vector<16xi32>
      %gather3A_398 = tpu.vector_load_idx %arg12[%and3A_397] : memref<10240xi32, #tpu.memory_space<vmem>>[vector<16xi32>], vector<16xi32>,
      %swap3A_399 = arith.constant 48 : index
      %swap3A_400 = tpu.vector_load %arg20[%swap3A_399] {strides = array<i32>} : memref<128xi32, #tpu.memory_space<vmem>>, vector<16xi32>,
      tpu.vector_store %arg20[%swap3A_399], %gather3A_398 {strides = array<i32>} : memref<128xi32, #tpu.memory_space<vmem>>, vector<16xi32>,
      %add3A_401 = arith.constant 64 : i32
      %add3A_402 = vector.broadcast %add3A_401 : i32 to vector<16xi32>
      %add3A_403 = arith.addi %add3A_402, %iota3A : vector<16xi32>
      %sub3A_404 = arith.constant 1 : i32
      %sub3A_405 = arith.subi %sub3A_201, %sub3A_404 : i32
      %min3A_406 = vector.broadcast %sub3A_405 : i32 to vector<16xi32>
      %min3A_407 = arith.minsi %add3A_403, %min3A_406 : vector<16xi32>
      %add3A_408 = vector.broadcast %select_n3A_200 : i32 to vector<16xi32>
      %add3A_409 = arith.addi %add3A_408, %min3A_407 : vector<16xi32>
      %swap3A_410 = arith.constant 64 : index
      %swap3A_411 = tpu.vector_load %arg19[%swap3A_410] {strides = array<i32>} : memref<128xi32, #tpu.memory_space<vmem>>, vector<16xi32>,
      tpu.vector_store %arg19[%swap3A_410], %add3A_409 {strides = array<i32>} : memref<128xi32, #tpu.memory_space<vmem>>, vector<16xi32>,
      %and3A_412 = arith.constant 8191 : i32
      %and3A_413 = vector.broadcast %and3A_412 : i32 to vector<16xi32>
      %and3A_414 = arith.andi %add3A_409, %and3A_413 : vector<16xi32>
      %gather3A_415 = tpu.vector_load_idx %arg12[%and3A_414] : memref<10240xi32, #tpu.memory_space<vmem>>[vector<16xi32>], vector<16xi32>,
      %swap3A_416 = arith.constant 64 : index
      %swap3A_417 = tpu.vector_load %arg20[%swap3A_416] {strides = array<i32>} : memref<128xi32, #tpu.memory_space<vmem>>, vector<16xi32>,
      tpu.vector_store %arg20[%swap3A_416], %gather3A_415 {strides = array<i32>} : memref<128xi32, #tpu.memory_space<vmem>>, vector<16xi32>,
      %add3A_418 = arith.constant 80 : i32
      %add3A_419 = vector.broadcast %add3A_418 : i32 to vector<16xi32>
      %add3A_420 = arith.addi %add3A_419, %iota3A : vector<16xi32>
      %sub3A_421 = arith.constant 1 : i32
      %sub3A_422 = arith.subi %sub3A_201, %sub3A_421 : i32
      %min3A_423 = vector.broadcast %sub3A_422 : i32 to vector<16xi32>
      %min3A_424 = arith.minsi %add3A_420, %min3A_423 : vector<16xi32>
      %add3A_425 = vector.broadcast %select_n3A_200 : i32 to vector<16xi32>
      %add3A_426 = arith.addi %add3A_425, %min3A_424 : vector<16xi32>
      %swap3A_427 = arith.constant 80 : index
      %swap3A_428 = tpu.vector_load %arg19[%swap3A_427] {strides = array<i32>} : memref<128xi32, #tpu.memory_space<vmem>>, vector<16xi32>,
      tpu.vector_store %arg19[%swap3A_427], %add3A_426 {strides = array<i32>} : memref<128xi32, #tpu.memory_space<vmem>>, vector<16xi32>,
      %and3A_429 = arith.constant 8191 : i32
      %and3A_430 = vector.broadcast %and3A_429 : i32 to vector<16xi32>
      %and3A_431 = arith.andi %add3A_426, %and3A_430 : vector<16xi32>
      %gather3A_432 = tpu.vector_load_idx %arg12[%and3A_431] : memref<10240xi32, #tpu.memory_space<vmem>>[vector<16xi32>], vector<16xi32>,
      %swap3A_433 = arith.constant 80 : index
      %swap3A_434 = tpu.vector_load %arg20[%swap3A_433] {strides = array<i32>} : memref<128xi32, #tpu.memory_space<vmem>>, vector<16xi32>,
      tpu.vector_store %arg20[%swap3A_433], %gather3A_432 {strides = array<i32>} : memref<128xi32, #tpu.memory_space<vmem>>, vector<16xi32>,
      %add3A_435 = arith.constant 96 : i32
      %add3A_436 = vector.broadcast %add3A_435 : i32 to vector<16xi32>
      %add3A_437 = arith.addi %add3A_436, %iota3A : vector<16xi32>
      %sub3A_438 = arith.constant 1 : i32
      %sub3A_439 = arith.subi %sub3A_201, %sub3A_438 : i32
      %min3A_440 = vector.broadcast %sub3A_439 : i32 to vector<16xi32>
      %min3A_441 = arith.minsi %add3A_437, %min3A_440 : vector<16xi32>
      %add3A_442 = vector.broadcast %select_n3A_200 : i32 to vector<16xi32>
      %add3A_443 = arith.addi %add3A_442, %min3A_441 : vector<16xi32>
      %swap3A_444 = arith.constant 96 : index
      %swap3A_445 = tpu.vector_load %arg19[%swap3A_444] {strides = array<i32>} : memref<128xi32, #tpu.memory_space<vmem>>, vector<16xi32>,
      tpu.vector_store %arg19[%swap3A_444], %add3A_443 {strides = array<i32>} : memref<128xi32, #tpu.memory_space<vmem>>, vector<16xi32>,
      %and3A_446 = arith.constant 8191 : i32
      %and3A_447 = vector.broadcast %and3A_446 : i32 to vector<16xi32>
      %and3A_448 = arith.andi %add3A_443, %and3A_447 : vector<16xi32>
      %gather3A_449 = tpu.vector_load_idx %arg12[%and3A_448] : memref<10240xi32, #tpu.memory_space<vmem>>[vector<16xi32>], vector<16xi32>,
      %swap3A_450 = arith.constant 96 : index
      %swap3A_451 = tpu.vector_load %arg20[%swap3A_450] {strides = array<i32>} : memref<128xi32, #tpu.memory_space<vmem>>, vector<16xi32>,
      tpu.vector_store %arg20[%swap3A_450], %gather3A_449 {strides = array<i32>} : memref<128xi32, #tpu.memory_space<vmem>>, vector<16xi32>,
      %add3A_452 = arith.constant 112 : i32
      %add3A_453 = vector.broadcast %add3A_452 : i32 to vector<16xi32>
      %add3A_454 = arith.addi %add3A_453, %iota3A : vector<16xi32>
      %sub3A_455 = arith.constant 1 : i32
      %sub3A_456 = arith.subi %sub3A_201, %sub3A_455 : i32
      %min3A_457 = vector.broadcast %sub3A_456 : i32 to vector<16xi32>
      %min3A_458 = arith.minsi %add3A_454, %min3A_457 : vector<16xi32>
      %add3A_459 = vector.broadcast %select_n3A_200 : i32 to vector<16xi32>
      %add3A_460 = arith.addi %add3A_459, %min3A_458 : vector<16xi32>
      %swap3A_461 = arith.constant 112 : index
      %swap3A_462 = tpu.vector_load %arg19[%swap3A_461] {strides = array<i32>} : memref<128xi32, #tpu.memory_space<vmem>>, vector<16xi32>,
      tpu.vector_store %arg19[%swap3A_461], %add3A_460 {strides = array<i32>} : memref<128xi32, #tpu.memory_space<vmem>>, vector<16xi32>,
      %and3A_463 = arith.constant 8191 : i32
      %and3A_464 = vector.broadcast %and3A_463 : i32 to vector<16xi32>
      %and3A_465 = arith.andi %add3A_460, %and3A_464 : vector<16xi32>
      %gather3A_466 = tpu.vector_load_idx %arg12[%and3A_465] : memref<10240xi32, #tpu.memory_space<vmem>>[vector<16xi32>], vector<16xi32>,
      %swap3A_467 = arith.constant 112 : index
      %swap3A_468 = tpu.vector_load %arg20[%swap3A_467] {strides = array<i32>} : memref<128xi32, #tpu.memory_space<vmem>>, vector<16xi32>,
      tpu.vector_store %arg20[%swap3A_467], %gather3A_466 {strides = array<i32>} : memref<128xi32, #tpu.memory_space<vmem>>, vector<16xi32>,
      %dma_start3A = arith.constant 0 : i32
      %dma_start3A_469 = tpu.memref_slice %arg9[%dma_start3A] : memref<2097152xi32, #tpu.memory_space<hbm>> -> memref<2097152xi32, #tpu.memory_space<hbm>>
      tpu.enqueue_indirect_dma source(%arg20 : memref<128xi32, #tpu.memory_space<vmem>>) target(%dma_start3A_469 : memref<2097152xi32, #tpu.memory_space<hbm>>) offsets(%arg19 : memref<128xi32, #tpu.memory_space<vmem>>) semaphore(%arg22 : memref<!tpu.dma_semaphore, #tpu.memory_space<semaphore_mem>>)
      %dma_wait3A = arith.constant 0 : i32
      %dma_wait3A_470 = tpu.memref_slice %arg9[%dma_wait3A] : memref<2097152xi32, #tpu.memory_space<hbm>> -> memref<2097152xi32, #tpu.memory_space<hbm>>
      tpu.wait_indirect_dma semaphore(%arg22 : memref<!tpu.dma_semaphore, #tpu.memory_space<semaphore_mem>>) src(%arg20 : memref<128xi32, #tpu.memory_space<vmem>>) dst(%dma_wait3A_470 : memref<2097152xi32, #tpu.memory_space<hbm>>)
    } else {
    }
    %sub3A_206 = arith.subi %add3A_37, %select_n3A_200 : i32
    %gt3A_207 = arith.constant 0 : i32
    %gt3A_208 = arith.cmpi sgt, %sub3A_206, %gt3A_207 : i32
    %convert_element_type3A_209 = arith.extui %gt3A_208 : i1 to i32
    %cond3A_210 = arith.constant 0 : i32
    %cond3A_211 = arith.cmpi ne, %convert_element_type3A_209, %cond3A_210 : i32
    scf.if %cond3A_211 {
      %add3A_333 = arith.constant 0 : i32
      %add3A_334 = vector.broadcast %add3A_333 : i32 to vector<16xi32>
      %add3A_335 = arith.addi %add3A_334, %iota3A : vector<16xi32>
      %mul3A_336 = arith.constant 3 : i32
      %mul3A_337 = arith.muli %mul3A_336, %sub3A_206 : i32
      %sub3A_338 = arith.constant 1 : i32
      %sub3A_339 = arith.subi %mul3A_337, %sub3A_338 : i32
      %min3A_340 = vector.broadcast %sub3A_339 : i32 to vector<16xi32>
      %min3A_341 = arith.minsi %add3A_335, %min3A_340 : vector<16xi32>
      %mul3A_342 = arith.constant 11 : i32
      %mul3A_343 = vector.broadcast %mul3A_342 : i32 to vector<16xi32>
      %mul3A_344 = arith.muli %min3A_341, %mul3A_343 : vector<16xi32>
      %shift_right_arithmetic3A_345 = arith.constant 5 : i32
      %shift_right_arithmetic3A_346 = vector.broadcast %shift_right_arithmetic3A_345 : i32 to vector<16xi32>
      %shift_right_arithmetic3A_347 = arith.shrsi %mul3A_344, %shift_right_arithmetic3A_346 : vector<16xi32>
      %mul3A_348 = arith.constant 3 : i32
      %mul3A_349 = vector.broadcast %mul3A_348 : i32 to vector<16xi32>
      %mul3A_350 = arith.muli %shift_right_arithmetic3A_347, %mul3A_349 : vector<16xi32>
      %sub3A_351 = arith.subi %min3A_341, %mul3A_350 : vector<16xi32>
      %add3A_352 = vector.broadcast %select_n3A_200 : i32 to vector<16xi32>
      %add3A_353 = arith.addi %add3A_352, %shift_right_arithmetic3A_347 : vector<16xi32>
      %mul3A_354 = arith.constant 3 : i32
      %mul3A_355 = vector.broadcast %mul3A_354 : i32 to vector<16xi32>
      %mul3A_356 = arith.muli %add3A_353, %mul3A_355 : vector<16xi32>
      %add3A_357 = arith.addi %mul3A_356, %sub3A_351 : vector<16xi32>
      %swap3A_358 = arith.constant 0 : index
      %swap3A_359 = tpu.vector_load %arg19[%swap3A_358] {strides = array<i32>} : memref<128xi32, #tpu.memory_space<vmem>>, vector<16xi32>,
      tpu.vector_store %arg19[%swap3A_358], %add3A_357 {strides = array<i32>} : memref<128xi32, #tpu.memory_space<vmem>>, vector<16xi32>,
      %and3A_360 = arith.constant 8191 : i32
      %and3A_361 = vector.broadcast %and3A_360 : i32 to vector<16xi32>
      %and3A_362 = arith.andi %add3A_353, %and3A_361 : vector<16xi32>
      %mul3A_363 = arith.constant 3 : i32
      %mul3A_364 = vector.broadcast %mul3A_363 : i32 to vector<16xi32>
      %mul3A_365 = arith.muli %and3A_362, %mul3A_364 : vector<16xi32>
      %add3A_366 = arith.addi %mul3A_365, %sub3A_351 : vector<16xi32>
      %gather3A_367 = tpu.vector_load_idx %arg13[%add3A_366] : memref<30720xf32, #tpu.memory_space<vmem>>[vector<16xi32>], vector<16xf32>,
      %swap3A_368 = arith.constant 0 : index
      %swap3A_369 = tpu.vector_load %arg21[%swap3A_368] {strides = array<i32>} : memref<128xf32, #tpu.memory_space<vmem>>, vector<16xf32>,
      tpu.vector_store %arg21[%swap3A_368], %gather3A_367 {strides = array<i32>} : memref<128xf32, #tpu.memory_space<vmem>>, vector<16xf32>,
      %add3A_370 = arith.constant 16 : i32
      %add3A_371 = vector.broadcast %add3A_370 : i32 to vector<16xi32>
      %add3A_372 = arith.addi %add3A_371, %iota3A : vector<16xi32>
      %mul3A_373 = arith.constant 3 : i32
      %mul3A_374 = arith.muli %mul3A_373, %sub3A_206 : i32
      %sub3A_375 = arith.constant 1 : i32
      %sub3A_376 = arith.subi %mul3A_374, %sub3A_375 : i32
      %min3A_377 = vector.broadcast %sub3A_376 : i32 to vector<16xi32>
      %min3A_378 = arith.minsi %add3A_372, %min3A_377 : vector<16xi32>
      %mul3A_379 = arith.constant 11 : i32
      %mul3A_380 = vector.broadcast %mul3A_379 : i32 to vector<16xi32>
      %mul3A_381 = arith.muli %min3A_378, %mul3A_380 : vector<16xi32>
      %shift_right_arithmetic3A_382 = arith.constant 5 : i32
      %shift_right_arithmetic3A_383 = vector.broadcast %shift_right_arithmetic3A_382 : i32 to vector<16xi32>
      %shift_right_arithmetic3A_384 = arith.shrsi %mul3A_381, %shift_right_arithmetic3A_383 : vector<16xi32>
      %mul3A_385 = arith.constant 3 : i32
      %mul3A_386 = vector.broadcast %mul3A_385 : i32 to vector<16xi32>
      %mul3A_387 = arith.muli %shift_right_arithmetic3A_384, %mul3A_386 : vector<16xi32>
      %sub3A_388 = arith.subi %min3A_378, %mul3A_387 : vector<16xi32>
      %add3A_389 = vector.broadcast %select_n3A_200 : i32 to vector<16xi32>
      %add3A_390 = arith.addi %add3A_389, %shift_right_arithmetic3A_384 : vector<16xi32>
      %mul3A_391 = arith.constant 3 : i32
      %mul3A_392 = vector.broadcast %mul3A_391 : i32 to vector<16xi32>
      %mul3A_393 = arith.muli %add3A_390, %mul3A_392 : vector<16xi32>
      %add3A_394 = arith.addi %mul3A_393, %sub3A_388 : vector<16xi32>
      %swap3A_395 = arith.constant 16 : index
      %swap3A_396 = tpu.vector_load %arg19[%swap3A_395] {strides = array<i32>} : memref<128xi32, #tpu.memory_space<vmem>>, vector<16xi32>,
      tpu.vector_store %arg19[%swap3A_395], %add3A_394 {strides = array<i32>} : memref<128xi32, #tpu.memory_space<vmem>>, vector<16xi32>,
      %and3A_397 = arith.constant 8191 : i32
      %and3A_398 = vector.broadcast %and3A_397 : i32 to vector<16xi32>
      %and3A_399 = arith.andi %add3A_390, %and3A_398 : vector<16xi32>
      %mul3A_400 = arith.constant 3 : i32
      %mul3A_401 = vector.broadcast %mul3A_400 : i32 to vector<16xi32>
      %mul3A_402 = arith.muli %and3A_399, %mul3A_401 : vector<16xi32>
      %add3A_403 = arith.addi %mul3A_402, %sub3A_388 : vector<16xi32>
      %gather3A_404 = tpu.vector_load_idx %arg13[%add3A_403] : memref<30720xf32, #tpu.memory_space<vmem>>[vector<16xi32>], vector<16xf32>,
      %swap3A_405 = arith.constant 16 : index
      %swap3A_406 = tpu.vector_load %arg21[%swap3A_405] {strides = array<i32>} : memref<128xf32, #tpu.memory_space<vmem>>, vector<16xf32>,
      tpu.vector_store %arg21[%swap3A_405], %gather3A_404 {strides = array<i32>} : memref<128xf32, #tpu.memory_space<vmem>>, vector<16xf32>,
      %add3A_407 = arith.constant 32 : i32
      %add3A_408 = vector.broadcast %add3A_407 : i32 to vector<16xi32>
      %add3A_409 = arith.addi %add3A_408, %iota3A : vector<16xi32>
      %mul3A_410 = arith.constant 3 : i32
      %mul3A_411 = arith.muli %mul3A_410, %sub3A_206 : i32
      %sub3A_412 = arith.constant 1 : i32
      %sub3A_413 = arith.subi %mul3A_411, %sub3A_412 : i32
      %min3A_414 = vector.broadcast %sub3A_413 : i32 to vector<16xi32>
      %min3A_415 = arith.minsi %add3A_409, %min3A_414 : vector<16xi32>
      %mul3A_416 = arith.constant 11 : i32
      %mul3A_417 = vector.broadcast %mul3A_416 : i32 to vector<16xi32>
      %mul3A_418 = arith.muli %min3A_415, %mul3A_417 : vector<16xi32>
      %shift_right_arithmetic3A_419 = arith.constant 5 : i32
      %shift_right_arithmetic3A_420 = vector.broadcast %shift_right_arithmetic3A_419 : i32 to vector<16xi32>
      %shift_right_arithmetic3A_421 = arith.shrsi %mul3A_418, %shift_right_arithmetic3A_420 : vector<16xi32>
      %mul3A_422 = arith.constant 3 : i32
      %mul3A_423 = vector.broadcast %mul3A_422 : i32 to vector<16xi32>
      %mul3A_424 = arith.muli %shift_right_arithmetic3A_421, %mul3A_423 : vector<16xi32>
      %sub3A_425 = arith.subi %min3A_415, %mul3A_424 : vector<16xi32>
      %add3A_426 = vector.broadcast %select_n3A_200 : i32 to vector<16xi32>
      %add3A_427 = arith.addi %add3A_426, %shift_right_arithmetic3A_421 : vector<16xi32>
      %mul3A_428 = arith.constant 3 : i32
      %mul3A_429 = vector.broadcast %mul3A_428 : i32 to vector<16xi32>
      %mul3A_430 = arith.muli %add3A_427, %mul3A_429 : vector<16xi32>
      %add3A_431 = arith.addi %mul3A_430, %sub3A_425 : vector<16xi32>
      %swap3A_432 = arith.constant 32 : index
      %swap3A_433 = tpu.vector_load %arg19[%swap3A_432] {strides = array<i32>} : memref<128xi32, #tpu.memory_space<vmem>>, vector<16xi32>,
      tpu.vector_store %arg19[%swap3A_432], %add3A_431 {strides = array<i32>} : memref<128xi32, #tpu.memory_space<vmem>>, vector<16xi32>,
      %and3A_434 = arith.constant 8191 : i32
      %and3A_435 = vector.broadcast %and3A_434 : i32 to vector<16xi32>
      %and3A_436 = arith.andi %add3A_427, %and3A_435 : vector<16xi32>
      %mul3A_437 = arith.constant 3 : i32
      %mul3A_438 = vector.broadcast %mul3A_437 : i32 to vector<16xi32>
      %mul3A_439 = arith.muli %and3A_436, %mul3A_438 : vector<16xi32>
      %add3A_440 = arith.addi %mul3A_439, %sub3A_425 : vector<16xi32>
      %gather3A_441 = tpu.vector_load_idx %arg13[%add3A_440] : memref<30720xf32, #tpu.memory_space<vmem>>[vector<16xi32>], vector<16xf32>,
      %swap3A_442 = arith.constant 32 : index
      %swap3A_443 = tpu.vector_load %arg21[%swap3A_442] {strides = array<i32>} : memref<128xf32, #tpu.memory_space<vmem>>, vector<16xf32>,
      tpu.vector_store %arg21[%swap3A_442], %gather3A_441 {strides = array<i32>} : memref<128xf32, #tpu.memory_space<vmem>>, vector<16xf32>,
      %add3A_444 = arith.constant 48 : i32
      %add3A_445 = vector.broadcast %add3A_444 : i32 to vector<16xi32>
      %add3A_446 = arith.addi %add3A_445, %iota3A : vector<16xi32>
      %mul3A_447 = arith.constant 3 : i32
      %mul3A_448 = arith.muli %mul3A_447, %sub3A_206 : i32
      %sub3A_449 = arith.constant 1 : i32
      %sub3A_450 = arith.subi %mul3A_448, %sub3A_449 : i32
      %min3A_451 = vector.broadcast %sub3A_450 : i32 to vector<16xi32>
      %min3A_452 = arith.minsi %add3A_446, %min3A_451 : vector<16xi32>
      %mul3A_453 = arith.constant 11 : i32
      %mul3A_454 = vector.broadcast %mul3A_453 : i32 to vector<16xi32>
      %mul3A_455 = arith.muli %min3A_452, %mul3A_454 : vector<16xi32>
      %shift_right_arithmetic3A_456 = arith.constant 5 : i32
      %shift_right_arithmetic3A_457 = vector.broadcast %shift_right_arithmetic3A_456 : i32 to vector<16xi32>
      %shift_right_arithmetic3A_458 = arith.shrsi %mul3A_455, %shift_right_arithmetic3A_457 : vector<16xi32>
      %mul3A_459 = arith.constant 3 : i32
      %mul3A_460 = vector.broadcast %mul3A_459 : i32 to vector<16xi32>
      %mul3A_461 = arith.muli %shift_right_arithmetic3A_458, %mul3A_460 : vector<16xi32>
      %sub3A_462 = arith.subi %min3A_452, %mul3A_461 : vector<16xi32>
      %add3A_463 = vector.broadcast %select_n3A_200 : i32 to vector<16xi32>
      %add3A_464 = arith.addi %add3A_463, %shift_right_arithmetic3A_458 : vector<16xi32>
      %mul3A_465 = arith.constant 3 : i32
      %mul3A_466 = vector.broadcast %mul3A_465 : i32 to vector<16xi32>
      %mul3A_467 = arith.muli %add3A_464, %mul3A_466 : vector<16xi32>
      %add3A_468 = arith.addi %mul3A_467, %sub3A_462 : vector<16xi32>
      %swap3A_469 = arith.constant 48 : index
      %swap3A_470 = tpu.vector_load %arg19[%swap3A_469] {strides = array<i32>} : memref<128xi32, #tpu.memory_space<vmem>>, vector<16xi32>,
      tpu.vector_store %arg19[%swap3A_469], %add3A_468 {strides = array<i32>} : memref<128xi32, #tpu.memory_space<vmem>>, vector<16xi32>,
      %and3A_471 = arith.constant 8191 : i32
      %and3A_472 = vector.broadcast %and3A_471 : i32 to vector<16xi32>
      %and3A_473 = arith.andi %add3A_464, %and3A_472 : vector<16xi32>
      %mul3A_474 = arith.constant 3 : i32
      %mul3A_475 = vector.broadcast %mul3A_474 : i32 to vector<16xi32>
      %mul3A_476 = arith.muli %and3A_473, %mul3A_475 : vector<16xi32>
      %add3A_477 = arith.addi %mul3A_476, %sub3A_462 : vector<16xi32>
      %gather3A_478 = tpu.vector_load_idx %arg13[%add3A_477] : memref<30720xf32, #tpu.memory_space<vmem>>[vector<16xi32>], vector<16xf32>,
      %swap3A_479 = arith.constant 48 : index
      %swap3A_480 = tpu.vector_load %arg21[%swap3A_479] {strides = array<i32>} : memref<128xf32, #tpu.memory_space<vmem>>, vector<16xf32>,
      tpu.vector_store %arg21[%swap3A_479], %gather3A_478 {strides = array<i32>} : memref<128xf32, #tpu.memory_space<vmem>>, vector<16xf32>,
      %add3A_481 = arith.constant 64 : i32
      %add3A_482 = vector.broadcast %add3A_481 : i32 to vector<16xi32>
      %add3A_483 = arith.addi %add3A_482, %iota3A : vector<16xi32>
      %mul3A_484 = arith.constant 3 : i32
      %mul3A_485 = arith.muli %mul3A_484, %sub3A_206 : i32
      %sub3A_486 = arith.constant 1 : i32
      %sub3A_487 = arith.subi %mul3A_485, %sub3A_486 : i32
      %min3A_488 = vector.broadcast %sub3A_487 : i32 to vector<16xi32>
      %min3A_489 = arith.minsi %add3A_483, %min3A_488 : vector<16xi32>
      %mul3A_490 = arith.constant 11 : i32
      %mul3A_491 = vector.broadcast %mul3A_490 : i32 to vector<16xi32>
      %mul3A_492 = arith.muli %min3A_489, %mul3A_491 : vector<16xi32>
      %shift_right_arithmetic3A_493 = arith.constant 5 : i32
      %shift_right_arithmetic3A_494 = vector.broadcast %shift_right_arithmetic3A_493 : i32 to vector<16xi32>
      %shift_right_arithmetic3A_495 = arith.shrsi %mul3A_492, %shift_right_arithmetic3A_494 : vector<16xi32>
      %mul3A_496 = arith.constant 3 : i32
      %mul3A_497 = vector.broadcast %mul3A_496 : i32 to vector<16xi32>
      %mul3A_498 = arith.muli %shift_right_arithmetic3A_495, %mul3A_497 : vector<16xi32>
      %sub3A_499 = arith.subi %min3A_489, %mul3A_498 : vector<16xi32>
      %add3A_500 = vector.broadcast %select_n3A_200 : i32 to vector<16xi32>
      %add3A_501 = arith.addi %add3A_500, %shift_right_arithmetic3A_495 : vector<16xi32>
      %mul3A_502 = arith.constant 3 : i32
      %mul3A_503 = vector.broadcast %mul3A_502 : i32 to vector<16xi32>
      %mul3A_504 = arith.muli %add3A_501, %mul3A_503 : vector<16xi32>
      %add3A_505 = arith.addi %mul3A_504, %sub3A_499 : vector<16xi32>
      %swap3A_506 = arith.constant 64 : index
      %swap3A_507 = tpu.vector_load %arg19[%swap3A_506] {strides = array<i32>} : memref<128xi32, #tpu.memory_space<vmem>>, vector<16xi32>,
      tpu.vector_store %arg19[%swap3A_506], %add3A_505 {strides = array<i32>} : memref<128xi32, #tpu.memory_space<vmem>>, vector<16xi32>,
      %and3A_508 = arith.constant 8191 : i32
      %and3A_509 = vector.broadcast %and3A_508 : i32 to vector<16xi32>
      %and3A_510 = arith.andi %add3A_501, %and3A_509 : vector<16xi32>
      %mul3A_511 = arith.constant 3 : i32
      %mul3A_512 = vector.broadcast %mul3A_511 : i32 to vector<16xi32>
      %mul3A_513 = arith.muli %and3A_510, %mul3A_512 : vector<16xi32>
      %add3A_514 = arith.addi %mul3A_513, %sub3A_499 : vector<16xi32>
      %gather3A_515 = tpu.vector_load_idx %arg13[%add3A_514] : memref<30720xf32, #tpu.memory_space<vmem>>[vector<16xi32>], vector<16xf32>,
      %swap3A_516 = arith.constant 64 : index
      %swap3A_517 = tpu.vector_load %arg21[%swap3A_516] {strides = array<i32>} : memref<128xf32, #tpu.memory_space<vmem>>, vector<16xf32>,
      tpu.vector_store %arg21[%swap3A_516], %gather3A_515 {strides = array<i32>} : memref<128xf32, #tpu.memory_space<vmem>>, vector<16xf32>,
      %add3A_518 = arith.constant 80 : i32
      %add3A_519 = vector.broadcast %add3A_518 : i32 to vector<16xi32>
      %add3A_520 = arith.addi %add3A_519, %iota3A : vector<16xi32>
      %mul3A_521 = arith.constant 3 : i32
      %mul3A_522 = arith.muli %mul3A_521, %sub3A_206 : i32
      %sub3A_523 = arith.constant 1 : i32
      %sub3A_524 = arith.subi %mul3A_522, %sub3A_523 : i32
      %min3A_525 = vector.broadcast %sub3A_524 : i32 to vector<16xi32>
      %min3A_526 = arith.minsi %add3A_520, %min3A_525 : vector<16xi32>
      %mul3A_527 = arith.constant 11 : i32
      %mul3A_528 = vector.broadcast %mul3A_527 : i32 to vector<16xi32>
      %mul3A_529 = arith.muli %min3A_526, %mul3A_528 : vector<16xi32>
      %shift_right_arithmetic3A_530 = arith.constant 5 : i32
      %shift_right_arithmetic3A_531 = vector.broadcast %shift_right_arithmetic3A_530 : i32 to vector<16xi32>
      %shift_right_arithmetic3A_532 = arith.shrsi %mul3A_529, %shift_right_arithmetic3A_531 : vector<16xi32>
      %mul3A_533 = arith.constant 3 : i32
      %mul3A_534 = vector.broadcast %mul3A_533 : i32 to vector<16xi32>
      %mul3A_535 = arith.muli %shift_right_arithmetic3A_532, %mul3A_534 : vector<16xi32>
      %sub3A_536 = arith.subi %min3A_526, %mul3A_535 : vector<16xi32>
      %add3A_537 = vector.broadcast %select_n3A_200 : i32 to vector<16xi32>
      %add3A_538 = arith.addi %add3A_537, %shift_right_arithmetic3A_532 : vector<16xi32>
      %mul3A_539 = arith.constant 3 : i32
      %mul3A_540 = vector.broadcast %mul3A_539 : i32 to vector<16xi32>
      %mul3A_541 = arith.muli %add3A_538, %mul3A_540 : vector<16xi32>
      %add3A_542 = arith.addi %mul3A_541, %sub3A_536 : vector<16xi32>
      %swap3A_543 = arith.constant 80 : index
      %swap3A_544 = tpu.vector_load %arg19[%swap3A_543] {strides = array<i32>} : memref<128xi32, #tpu.memory_space<vmem>>, vector<16xi32>,
      tpu.vector_store %arg19[%swap3A_543], %add3A_542 {strides = array<i32>} : memref<128xi32, #tpu.memory_space<vmem>>, vector<16xi32>,
      %and3A_545 = arith.constant 8191 : i32
      %and3A_546 = vector.broadcast %and3A_545 : i32 to vector<16xi32>
      %and3A_547 = arith.andi %add3A_538, %and3A_546 : vector<16xi32>
      %mul3A_548 = arith.constant 3 : i32
      %mul3A_549 = vector.broadcast %mul3A_548 : i32 to vector<16xi32>
      %mul3A_550 = arith.muli %and3A_547, %mul3A_549 : vector<16xi32>
      %add3A_551 = arith.addi %mul3A_550, %sub3A_536 : vector<16xi32>
      %gather3A_552 = tpu.vector_load_idx %arg13[%add3A_551] : memref<30720xf32, #tpu.memory_space<vmem>>[vector<16xi32>], vector<16xf32>,
      %swap3A_553 = arith.constant 80 : index
      %swap3A_554 = tpu.vector_load %arg21[%swap3A_553] {strides = array<i32>} : memref<128xf32, #tpu.memory_space<vmem>>, vector<16xf32>,
      tpu.vector_store %arg21[%swap3A_553], %gather3A_552 {strides = array<i32>} : memref<128xf32, #tpu.memory_space<vmem>>, vector<16xf32>,
      %add3A_555 = arith.constant 96 : i32
      %add3A_556 = vector.broadcast %add3A_555 : i32 to vector<16xi32>
      %add3A_557 = arith.addi %add3A_556, %iota3A : vector<16xi32>
      %mul3A_558 = arith.constant 3 : i32
      %mul3A_559 = arith.muli %mul3A_558, %sub3A_206 : i32
      %sub3A_560 = arith.constant 1 : i32
      %sub3A_561 = arith.subi %mul3A_559, %sub3A_560 : i32
      %min3A_562 = vector.broadcast %sub3A_561 : i32 to vector<16xi32>
      %min3A_563 = arith.minsi %add3A_557, %min3A_562 : vector<16xi32>
      %mul3A_564 = arith.constant 11 : i32
      %mul3A_565 = vector.broadcast %mul3A_564 : i32 to vector<16xi32>
      %mul3A_566 = arith.muli %min3A_563, %mul3A_565 : vector<16xi32>
      %shift_right_arithmetic3A_567 = arith.constant 5 : i32
      %shift_right_arithmetic3A_568 = vector.broadcast %shift_right_arithmetic3A_567 : i32 to vector<16xi32>
      %shift_right_arithmetic3A_569 = arith.shrsi %mul3A_566, %shift_right_arithmetic3A_568 : vector<16xi32>
      %mul3A_570 = arith.constant 3 : i32
      %mul3A_571 = vector.broadcast %mul3A_570 : i32 to vector<16xi32>
      %mul3A_572 = arith.muli %shift_right_arithmetic3A_569, %mul3A_571 : vector<16xi32>
      %sub3A_573 = arith.subi %min3A_563, %mul3A_572 : vector<16xi32>
      %add3A_574 = vector.broadcast %select_n3A_200 : i32 to vector<16xi32>
      %add3A_575 = arith.addi %add3A_574, %shift_right_arithmetic3A_569 : vector<16xi32>
      %mul3A_576 = arith.constant 3 : i32
      %mul3A_577 = vector.broadcast %mul3A_576 : i32 to vector<16xi32>
      %mul3A_578 = arith.muli %add3A_575, %mul3A_577 : vector<16xi32>
      %add3A_579 = arith.addi %mul3A_578, %sub3A_573 : vector<16xi32>
      %swap3A_580 = arith.constant 96 : index
      %swap3A_581 = tpu.vector_load %arg19[%swap3A_580] {strides = array<i32>} : memref<128xi32, #tpu.memory_space<vmem>>, vector<16xi32>,
      tpu.vector_store %arg19[%swap3A_580], %add3A_579 {strides = array<i32>} : memref<128xi32, #tpu.memory_space<vmem>>, vector<16xi32>,
      %and3A_582 = arith.constant 8191 : i32
      %and3A_583 = vector.broadcast %and3A_582 : i32 to vector<16xi32>
      %and3A_584 = arith.andi %add3A_575, %and3A_583 : vector<16xi32>
      %mul3A_585 = arith.constant 3 : i32
      %mul3A_586 = vector.broadcast %mul3A_585 : i32 to vector<16xi32>
      %mul3A_587 = arith.muli %and3A_584, %mul3A_586 : vector<16xi32>
      %add3A_588 = arith.addi %mul3A_587, %sub3A_573 : vector<16xi32>
      %gather3A_589 = tpu.vector_load_idx %arg13[%add3A_588] : memref<30720xf32, #tpu.memory_space<vmem>>[vector<16xi32>], vector<16xf32>,
      %swap3A_590 = arith.constant 96 : index
      %swap3A_591 = tpu.vector_load %arg21[%swap3A_590] {strides = array<i32>} : memref<128xf32, #tpu.memory_space<vmem>>, vector<16xf32>,
      tpu.vector_store %arg21[%swap3A_590], %gather3A_589 {strides = array<i32>} : memref<128xf32, #tpu.memory_space<vmem>>, vector<16xf32>,
      %add3A_592 = arith.constant 112 : i32
      %add3A_593 = vector.broadcast %add3A_592 : i32 to vector<16xi32>
      %add3A_594 = arith.addi %add3A_593, %iota3A : vector<16xi32>
      %mul3A_595 = arith.constant 3 : i32
      %mul3A_596 = arith.muli %mul3A_595, %sub3A_206 : i32
      %sub3A_597 = arith.constant 1 : i32
      %sub3A_598 = arith.subi %mul3A_596, %sub3A_597 : i32
      %min3A_599 = vector.broadcast %sub3A_598 : i32 to vector<16xi32>
      %min3A_600 = arith.minsi %add3A_594, %min3A_599 : vector<16xi32>
      %mul3A_601 = arith.constant 11 : i32
      %mul3A_602 = vector.broadcast %mul3A_601 : i32 to vector<16xi32>
      %mul3A_603 = arith.muli %min3A_600, %mul3A_602 : vector<16xi32>
      %shift_right_arithmetic3A_604 = arith.constant 5 : i32
      %shift_right_arithmetic3A_605 = vector.broadcast %shift_right_arithmetic3A_604 : i32 to vector<16xi32>
      %shift_right_arithmetic3A_606 = arith.shrsi %mul3A_603, %shift_right_arithmetic3A_605 : vector<16xi32>
      %mul3A_607 = arith.constant 3 : i32
      %mul3A_608 = vector.broadcast %mul3A_607 : i32 to vector<16xi32>
      %mul3A_609 = arith.muli %shift_right_arithmetic3A_606, %mul3A_608 : vector<16xi32>
      %sub3A_610 = arith.subi %min3A_600, %mul3A_609 : vector<16xi32>
      %add3A_611 = vector.broadcast %select_n3A_200 : i32 to vector<16xi32>
      %add3A_612 = arith.addi %add3A_611, %shift_right_arithmetic3A_606 : vector<16xi32>
      %mul3A_613 = arith.constant 3 : i32
      %mul3A_614 = vector.broadcast %mul3A_613 : i32 to vector<16xi32>
      %mul3A_615 = arith.muli %add3A_612, %mul3A_614 : vector<16xi32>
      %add3A_616 = arith.addi %mul3A_615, %sub3A_610 : vector<16xi32>
      %swap3A_617 = arith.constant 112 : index
      %swap3A_618 = tpu.vector_load %arg19[%swap3A_617] {strides = array<i32>} : memref<128xi32, #tpu.memory_space<vmem>>, vector<16xi32>,
      tpu.vector_store %arg19[%swap3A_617], %add3A_616 {strides = array<i32>} : memref<128xi32, #tpu.memory_space<vmem>>, vector<16xi32>,
      %and3A_619 = arith.constant 8191 : i32
      %and3A_620 = vector.broadcast %and3A_619 : i32 to vector<16xi32>
      %and3A_621 = arith.andi %add3A_612, %and3A_620 : vector<16xi32>
      %mul3A_622 = arith.constant 3 : i32
      %mul3A_623 = vector.broadcast %mul3A_622 : i32 to vector<16xi32>
      %mul3A_624 = arith.muli %and3A_621, %mul3A_623 : vector<16xi32>
      %add3A_625 = arith.addi %mul3A_624, %sub3A_610 : vector<16xi32>
      %gather3A_626 = tpu.vector_load_idx %arg13[%add3A_625] : memref<30720xf32, #tpu.memory_space<vmem>>[vector<16xi32>], vector<16xf32>,
      %swap3A_627 = arith.constant 112 : index
      %swap3A_628 = tpu.vector_load %arg21[%swap3A_627] {strides = array<i32>} : memref<128xf32, #tpu.memory_space<vmem>>, vector<16xf32>,
      tpu.vector_store %arg21[%swap3A_627], %gather3A_626 {strides = array<i32>} : memref<128xf32, #tpu.memory_space<vmem>>, vector<16xf32>,
      %dma_start3A = arith.constant 0 : i32
      %dma_start3A_629 = tpu.memref_slice %arg8[%dma_start3A] : memref<6291456xf32, #tpu.memory_space<hbm>> -> memref<6291456xf32, #tpu.memory_space<hbm>>
      tpu.enqueue_indirect_dma source(%arg21 : memref<128xf32, #tpu.memory_space<vmem>>) target(%dma_start3A_629 : memref<6291456xf32, #tpu.memory_space<hbm>>) offsets(%arg19 : memref<128xi32, #tpu.memory_space<vmem>>) semaphore(%arg22 : memref<!tpu.dma_semaphore, #tpu.memory_space<semaphore_mem>>)
      %dma_wait3A = arith.constant 0 : i32
      %dma_wait3A_630 = tpu.memref_slice %arg8[%dma_wait3A] : memref<6291456xf32, #tpu.memory_space<hbm>> -> memref<6291456xf32, #tpu.memory_space<hbm>>
      tpu.wait_indirect_dma semaphore(%arg22 : memref<!tpu.dma_semaphore, #tpu.memory_space<semaphore_mem>>) src(%arg21 : memref<128xf32, #tpu.memory_space<vmem>>) dst(%dma_wait3A_630 : memref<6291456xf32, #tpu.memory_space<hbm>>)
    } else {
    }
    %sub3A_212 = arith.subi %sub3A_80, %while3A_102 : i32
    %and3A_213 = arith.constant 1024 : i32
    %and3A_214 = arith.andi %sub3A_212, %and3A_213 : i32
    %ne3A_215 = arith.constant 0 : i32
    %ne3A_216 = arith.cmpi ne, %and3A_214, %ne3A_215 : i32
    %convert_element_type3A_217 = arith.extui %ne3A_216 : i1 to i32
    %cond3A_218 = arith.constant 0 : i32
    %cond3A_219 = arith.cmpi ne, %convert_element_type3A_217, %cond3A_218 : i32
    scf.if %cond3A_219 {
      %multiple_of3A = tpu.assume_multiple %while3A_102, 8 : i32
      "tpu.region"() ({
        %run_scoped3A = tpu.sem_alloc : memref<!tpu.dma_semaphore, #tpu.memory_space<semaphore_mem>>
        %dma_start3A = arith.constant 0 : i32
        %dma_start3A_336 = tpu.memref_slice %arg17[%dma_start3A] : memref<2048xi32, #tpu.memory_space<vmem>> -> memref<1024xi32, #tpu.memory_space<vmem>>
        %dma_start3A_337 = tpu.memref_slice %arg9[%multiple_of3A] : memref<2097152xi32, #tpu.memory_space<hbm>> -> memref<1024xi32, #tpu.memory_space<hbm>>
        %dma_start3A_338 = tpu.memref_slice %arg9[%multiple_of3A] : memref<2097152xi32, #tpu.memory_space<hbm>> -> memref<1024xi32, #tpu.memory_space<hbm>>
        %dma_start3A_339 = arith.constant 0 : i32
        %dma_start3A_340 = tpu.memref_slice %arg17[%dma_start3A_339] : memref<2048xi32, #tpu.memory_space<vmem>> -> memref<1024xi32, #tpu.memory_space<vmem>>
        tpu.enqueue_dma source(%dma_start3A_340 : memref<1024xi32, #tpu.memory_space<vmem>>) target(%dma_start3A_338 : memref<1024xi32, #tpu.memory_space<hbm>>) target_semaphore(%run_scoped3A : memref<!tpu.dma_semaphore, #tpu.memory_space<semaphore_mem>>)
        %dma_wait3A = arith.constant 0 : i32
        %dma_wait3A_341 = tpu.memref_slice %arg17[%dma_wait3A] : memref<2048xi32, #tpu.memory_space<vmem>> -> memref<1024xi32, #tpu.memory_space<vmem>>
        %dma_wait3A_342 = tpu.memref_slice %arg9[%multiple_of3A] : memref<2097152xi32, #tpu.memory_space<hbm>> -> memref<1024xi32, #tpu.memory_space<hbm>>
        %dma_wait3A_343 = tpu.memref_slice %arg9[%multiple_of3A] : memref<2097152xi32, #tpu.memory_space<hbm>> -> memref<1024xi32, #tpu.memory_space<hbm>>
        %dma_wait3A_344 = arith.constant 0 : i32
        %dma_wait3A_345 = tpu.memref_slice %arg17[%dma_wait3A_344] : memref<2048xi32, #tpu.memory_space<vmem>> -> memref<1024xi32, #tpu.memory_space<vmem>>
        tpu.wait_dma2 semaphore(%run_scoped3A : memref<!tpu.dma_semaphore, #tpu.memory_space<semaphore_mem>>) src(%dma_wait3A_345 : memref<1024xi32, #tpu.memory_space<vmem>>) dst(%dma_wait3A_343 : memref<1024xi32, #tpu.memory_space<hbm>>)
        tpu.yield
      }) : () -> ()
      %mul3A_333 = arith.constant 3 : i32
      %mul3A_334 = arith.muli %while3A_102, %mul3A_333 : i32
      %multiple_of3A_335 = tpu.assume_multiple %mul3A_334, 8 : i32
      "tpu.region"() ({
        %run_scoped3A = tpu.sem_alloc : memref<!tpu.dma_semaphore, #tpu.memory_space<semaphore_mem>>
        %dma_start3A = arith.constant 0 : i32
        %dma_start3A_336 = tpu.memref_slice %arg18[%dma_start3A] : memref<6144xf32, #tpu.memory_space<vmem>> -> memref<3072xf32, #tpu.memory_space<vmem>>
        %dma_start3A_337 = tpu.memref_slice %arg8[%multiple_of3A_335] : memref<6291456xf32, #tpu.memory_space<hbm>> -> memref<3072xf32, #tpu.memory_space<hbm>>
        %dma_start3A_338 = tpu.memref_slice %arg8[%multiple_of3A_335] : memref<6291456xf32, #tpu.memory_space<hbm>> -> memref<3072xf32, #tpu.memory_space<hbm>>
        %dma_start3A_339 = arith.constant 0 : i32
        %dma_start3A_340 = tpu.memref_slice %arg18[%dma_start3A_339] : memref<6144xf32, #tpu.memory_space<vmem>> -> memref<3072xf32, #tpu.memory_space<vmem>>
        tpu.enqueue_dma source(%dma_start3A_340 : memref<3072xf32, #tpu.memory_space<vmem>>) target(%dma_start3A_338 : memref<3072xf32, #tpu.memory_space<hbm>>) target_semaphore(%run_scoped3A : memref<!tpu.dma_semaphore, #tpu.memory_space<semaphore_mem>>)
        %dma_wait3A = arith.constant 0 : i32
        %dma_wait3A_341 = tpu.memref_slice %arg18[%dma_wait3A] : memref<6144xf32, #tpu.memory_space<vmem>> -> memref<3072xf32, #tpu.memory_space<vmem>>
        %dma_wait3A_342 = tpu.memref_slice %arg8[%multiple_of3A_335] : memref<6291456xf32, #tpu.memory_space<hbm>> -> memref<3072xf32, #tpu.memory_space<hbm>>
        %dma_wait3A_343 = tpu.memref_slice %arg8[%multiple_of3A_335] : memref<6291456xf32, #tpu.memory_space<hbm>> -> memref<3072xf32, #tpu.memory_space<hbm>>
        %dma_wait3A_344 = arith.constant 0 : i32
        %dma_wait3A_345 = tpu.memref_slice %arg18[%dma_wait3A_344] : memref<6144xf32, #tpu.memory_space<vmem>> -> memref<3072xf32, #tpu.memory_space<vmem>>
        tpu.wait_dma2 semaphore(%run_scoped3A : memref<!tpu.dma_semaphore, #tpu.memory_space<semaphore_mem>>) src(%dma_wait3A_345 : memref<3072xf32, #tpu.memory_space<vmem>>) dst(%dma_wait3A_343 : memref<3072xf32, #tpu.memory_space<hbm>>)
        tpu.yield
      }) : () -> ()
    } else {
    }
    %add3A_220 = arith.constant 1024 : i32
    %add3A_221 = arith.addi %while3A_102, %add3A_220 : i32
    %select_n3A_222 = arith.select %ne3A_216, %add3A_221, %while3A_102 : i32
    %sub3A_223 = arith.subi %sub3A_80, %select_n3A_222 : i32
    %and3A_224 = arith.constant 512 : i32
    %and3A_225 = arith.andi %sub3A_223, %and3A_224 : i32
    %ne3A_226 = arith.constant 0 : i32
    %ne3A_227 = arith.cmpi ne, %and3A_225, %ne3A_226 : i32
    %convert_element_type3A_228 = arith.extui %ne3A_227 : i1 to i32
    %cond3A_229 = arith.constant 0 : i32
    %cond3A_230 = arith.cmpi ne, %convert_element_type3A_228, %cond3A_229 : i32
    scf.if %cond3A_230 {
      %multiple_of3A = tpu.assume_multiple %select_n3A_222, 8 : i32
      "tpu.region"() ({
        %run_scoped3A = tpu.sem_alloc : memref<!tpu.dma_semaphore, #tpu.memory_space<semaphore_mem>>
        %dma_start3A = arith.constant 0 : i32
        %dma_start3A_336 = tpu.memref_slice %arg17[%dma_start3A] : memref<2048xi32, #tpu.memory_space<vmem>> -> memref<512xi32, #tpu.memory_space<vmem>>
        %dma_start3A_337 = tpu.memref_slice %arg9[%multiple_of3A] : memref<2097152xi32, #tpu.memory_space<hbm>> -> memref<512xi32, #tpu.memory_space<hbm>>
        %dma_start3A_338 = tpu.memref_slice %arg9[%multiple_of3A] : memref<2097152xi32, #tpu.memory_space<hbm>> -> memref<512xi32, #tpu.memory_space<hbm>>
        %dma_start3A_339 = arith.constant 0 : i32
        %dma_start3A_340 = tpu.memref_slice %arg17[%dma_start3A_339] : memref<2048xi32, #tpu.memory_space<vmem>> -> memref<512xi32, #tpu.memory_space<vmem>>
        tpu.enqueue_dma source(%dma_start3A_340 : memref<512xi32, #tpu.memory_space<vmem>>) target(%dma_start3A_338 : memref<512xi32, #tpu.memory_space<hbm>>) target_semaphore(%run_scoped3A : memref<!tpu.dma_semaphore, #tpu.memory_space<semaphore_mem>>)
        %dma_wait3A = arith.constant 0 : i32
        %dma_wait3A_341 = tpu.memref_slice %arg17[%dma_wait3A] : memref<2048xi32, #tpu.memory_space<vmem>> -> memref<512xi32, #tpu.memory_space<vmem>>
        %dma_wait3A_342 = tpu.memref_slice %arg9[%multiple_of3A] : memref<2097152xi32, #tpu.memory_space<hbm>> -> memref<512xi32, #tpu.memory_space<hbm>>
        %dma_wait3A_343 = tpu.memref_slice %arg9[%multiple_of3A] : memref<2097152xi32, #tpu.memory_space<hbm>> -> memref<512xi32, #tpu.memory_space<hbm>>
        %dma_wait3A_344 = arith.constant 0 : i32
        %dma_wait3A_345 = tpu.memref_slice %arg17[%dma_wait3A_344] : memref<2048xi32, #tpu.memory_space<vmem>> -> memref<512xi32, #tpu.memory_space<vmem>>
        tpu.wait_dma2 semaphore(%run_scoped3A : memref<!tpu.dma_semaphore, #tpu.memory_space<semaphore_mem>>) src(%dma_wait3A_345 : memref<512xi32, #tpu.memory_space<vmem>>) dst(%dma_wait3A_343 : memref<512xi32, #tpu.memory_space<hbm>>)
        tpu.yield
      }) : () -> ()
      %mul3A_333 = arith.constant 3 : i32
      %mul3A_334 = arith.muli %select_n3A_222, %mul3A_333 : i32
      %multiple_of3A_335 = tpu.assume_multiple %mul3A_334, 8 : i32
      "tpu.region"() ({
        %run_scoped3A = tpu.sem_alloc : memref<!tpu.dma_semaphore, #tpu.memory_space<semaphore_mem>>
        %dma_start3A = arith.constant 0 : i32
        %dma_start3A_336 = tpu.memref_slice %arg18[%dma_start3A] : memref<6144xf32, #tpu.memory_space<vmem>> -> memref<1536xf32, #tpu.memory_space<vmem>>
        %dma_start3A_337 = tpu.memref_slice %arg8[%multiple_of3A_335] : memref<6291456xf32, #tpu.memory_space<hbm>> -> memref<1536xf32, #tpu.memory_space<hbm>>
        %dma_start3A_338 = tpu.memref_slice %arg8[%multiple_of3A_335] : memref<6291456xf32, #tpu.memory_space<hbm>> -> memref<1536xf32, #tpu.memory_space<hbm>>
        %dma_start3A_339 = arith.constant 0 : i32
        %dma_start3A_340 = tpu.memref_slice %arg18[%dma_start3A_339] : memref<6144xf32, #tpu.memory_space<vmem>> -> memref<1536xf32, #tpu.memory_space<vmem>>
        tpu.enqueue_dma source(%dma_start3A_340 : memref<1536xf32, #tpu.memory_space<vmem>>) target(%dma_start3A_338 : memref<1536xf32, #tpu.memory_space<hbm>>) target_semaphore(%run_scoped3A : memref<!tpu.dma_semaphore, #tpu.memory_space<semaphore_mem>>)
        %dma_wait3A = arith.constant 0 : i32
        %dma_wait3A_341 = tpu.memref_slice %arg18[%dma_wait3A] : memref<6144xf32, #tpu.memory_space<vmem>> -> memref<1536xf32, #tpu.memory_space<vmem>>
        %dma_wait3A_342 = tpu.memref_slice %arg8[%multiple_of3A_335] : memref<6291456xf32, #tpu.memory_space<hbm>> -> memref<1536xf32, #tpu.memory_space<hbm>>
        %dma_wait3A_343 = tpu.memref_slice %arg8[%multiple_of3A_335] : memref<6291456xf32, #tpu.memory_space<hbm>> -> memref<1536xf32, #tpu.memory_space<hbm>>
        %dma_wait3A_344 = arith.constant 0 : i32
        %dma_wait3A_345 = tpu.memref_slice %arg18[%dma_wait3A_344] : memref<6144xf32, #tpu.memory_space<vmem>> -> memref<1536xf32, #tpu.memory_space<vmem>>
        tpu.wait_dma2 semaphore(%run_scoped3A : memref<!tpu.dma_semaphore, #tpu.memory_space<semaphore_mem>>) src(%dma_wait3A_345 : memref<1536xf32, #tpu.memory_space<vmem>>) dst(%dma_wait3A_343 : memref<1536xf32, #tpu.memory_space<hbm>>)
        tpu.yield
      }) : () -> ()
    } else {
    }
    %add3A_231 = arith.constant 512 : i32
    %add3A_232 = arith.addi %select_n3A_222, %add3A_231 : i32
    %select_n3A_233 = arith.select %ne3A_227, %add3A_232, %select_n3A_222 : i32
    %sub3A_234 = arith.subi %sub3A_80, %select_n3A_233 : i32
    %and3A_235 = arith.constant 256 : i32
    %and3A_236 = arith.andi %sub3A_234, %and3A_235 : i32
    %ne3A_237 = arith.constant 0 : i32
    %ne3A_238 = arith.cmpi ne, %and3A_236, %ne3A_237 : i32
    %convert_element_type3A_239 = arith.extui %ne3A_238 : i1 to i32
    %cond3A_240 = arith.constant 0 : i32
    %cond3A_241 = arith.cmpi ne, %convert_element_type3A_239, %cond3A_240 : i32
    scf.if %cond3A_241 {
      %multiple_of3A = tpu.assume_multiple %select_n3A_233, 8 : i32
      "tpu.region"() ({
        %run_scoped3A = tpu.sem_alloc : memref<!tpu.dma_semaphore, #tpu.memory_space<semaphore_mem>>
        %dma_start3A = arith.constant 0 : i32
        %dma_start3A_336 = tpu.memref_slice %arg17[%dma_start3A] : memref<2048xi32, #tpu.memory_space<vmem>> -> memref<256xi32, #tpu.memory_space<vmem>>
        %dma_start3A_337 = tpu.memref_slice %arg9[%multiple_of3A] : memref<2097152xi32, #tpu.memory_space<hbm>> -> memref<256xi32, #tpu.memory_space<hbm>>
        %dma_start3A_338 = tpu.memref_slice %arg9[%multiple_of3A] : memref<2097152xi32, #tpu.memory_space<hbm>> -> memref<256xi32, #tpu.memory_space<hbm>>
        %dma_start3A_339 = arith.constant 0 : i32
        %dma_start3A_340 = tpu.memref_slice %arg17[%dma_start3A_339] : memref<2048xi32, #tpu.memory_space<vmem>> -> memref<256xi32, #tpu.memory_space<vmem>>
        tpu.enqueue_dma source(%dma_start3A_340 : memref<256xi32, #tpu.memory_space<vmem>>) target(%dma_start3A_338 : memref<256xi32, #tpu.memory_space<hbm>>) target_semaphore(%run_scoped3A : memref<!tpu.dma_semaphore, #tpu.memory_space<semaphore_mem>>)
        %dma_wait3A = arith.constant 0 : i32
        %dma_wait3A_341 = tpu.memref_slice %arg17[%dma_wait3A] : memref<2048xi32, #tpu.memory_space<vmem>> -> memref<256xi32, #tpu.memory_space<vmem>>
        %dma_wait3A_342 = tpu.memref_slice %arg9[%multiple_of3A] : memref<2097152xi32, #tpu.memory_space<hbm>> -> memref<256xi32, #tpu.memory_space<hbm>>
        %dma_wait3A_343 = tpu.memref_slice %arg9[%multiple_of3A] : memref<2097152xi32, #tpu.memory_space<hbm>> -> memref<256xi32, #tpu.memory_space<hbm>>
        %dma_wait3A_344 = arith.constant 0 : i32
        %dma_wait3A_345 = tpu.memref_slice %arg17[%dma_wait3A_344] : memref<2048xi32, #tpu.memory_space<vmem>> -> memref<256xi32, #tpu.memory_space<vmem>>
        tpu.wait_dma2 semaphore(%run_scoped3A : memref<!tpu.dma_semaphore, #tpu.memory_space<semaphore_mem>>) src(%dma_wait3A_345 : memref<256xi32, #tpu.memory_space<vmem>>) dst(%dma_wait3A_343 : memref<256xi32, #tpu.memory_space<hbm>>)
        tpu.yield
      }) : () -> ()
      %mul3A_333 = arith.constant 3 : i32
      %mul3A_334 = arith.muli %select_n3A_233, %mul3A_333 : i32
      %multiple_of3A_335 = tpu.assume_multiple %mul3A_334, 8 : i32
      "tpu.region"() ({
        %run_scoped3A = tpu.sem_alloc : memref<!tpu.dma_semaphore, #tpu.memory_space<semaphore_mem>>
        %dma_start3A = arith.constant 0 : i32
        %dma_start3A_336 = tpu.memref_slice %arg18[%dma_start3A] : memref<6144xf32, #tpu.memory_space<vmem>> -> memref<768xf32, #tpu.memory_space<vmem>>
        %dma_start3A_337 = tpu.memref_slice %arg8[%multiple_of3A_335] : memref<6291456xf32, #tpu.memory_space<hbm>> -> memref<768xf32, #tpu.memory_space<hbm>>
        %dma_start3A_338 = tpu.memref_slice %arg8[%multiple_of3A_335] : memref<6291456xf32, #tpu.memory_space<hbm>> -> memref<768xf32, #tpu.memory_space<hbm>>
        %dma_start3A_339 = arith.constant 0 : i32
        %dma_start3A_340 = tpu.memref_slice %arg18[%dma_start3A_339] : memref<6144xf32, #tpu.memory_space<vmem>> -> memref<768xf32, #tpu.memory_space<vmem>>
        tpu.enqueue_dma source(%dma_start3A_340 : memref<768xf32, #tpu.memory_space<vmem>>) target(%dma_start3A_338 : memref<768xf32, #tpu.memory_space<hbm>>) target_semaphore(%run_scoped3A : memref<!tpu.dma_semaphore, #tpu.memory_space<semaphore_mem>>)
        %dma_wait3A = arith.constant 0 : i32
        %dma_wait3A_341 = tpu.memref_slice %arg18[%dma_wait3A] : memref<6144xf32, #tpu.memory_space<vmem>> -> memref<768xf32, #tpu.memory_space<vmem>>
        %dma_wait3A_342 = tpu.memref_slice %arg8[%multiple_of3A_335] : memref<6291456xf32, #tpu.memory_space<hbm>> -> memref<768xf32, #tpu.memory_space<hbm>>
        %dma_wait3A_343 = tpu.memref_slice %arg8[%multiple_of3A_335] : memref<6291456xf32, #tpu.memory_space<hbm>> -> memref<768xf32, #tpu.memory_space<hbm>>
        %dma_wait3A_344 = arith.constant 0 : i32
        %dma_wait3A_345 = tpu.memref_slice %arg18[%dma_wait3A_344] : memref<6144xf32, #tpu.memory_space<vmem>> -> memref<768xf32, #tpu.memory_space<vmem>>
        tpu.wait_dma2 semaphore(%run_scoped3A : memref<!tpu.dma_semaphore, #tpu.memory_space<semaphore_mem>>) src(%dma_wait3A_345 : memref<768xf32, #tpu.memory_space<vmem>>) dst(%dma_wait3A_343 : memref<768xf32, #tpu.memory_space<hbm>>)
        tpu.yield
      }) : () -> ()
    } else {
    }
    %add3A_242 = arith.constant 256 : i32
    %add3A_243 = arith.addi %select_n3A_233, %add3A_242 : i32
    %select_n3A_244 = arith.select %ne3A_238, %add3A_243, %select_n3A_233 : i32
    %sub3A_245 = arith.subi %sub3A_80, %select_n3A_244 : i32
    %and3A_246 = arith.constant 128 : i32
    %and3A_247 = arith.andi %sub3A_245, %and3A_246 : i32
    %ne3A_248 = arith.constant 0 : i32
    %ne3A_249 = arith.cmpi ne, %and3A_247, %ne3A_248 : i32
    %convert_element_type3A_250 = arith.extui %ne3A_249 : i1 to i32
    %cond3A_251 = arith.constant 0 : i32
    %cond3A_252 = arith.cmpi ne, %convert_element_type3A_250, %cond3A_251 : i32
    scf.if %cond3A_252 {
      %multiple_of3A = tpu.assume_multiple %select_n3A_244, 8 : i32
      "tpu.region"() ({
        %run_scoped3A = tpu.sem_alloc : memref<!tpu.dma_semaphore, #tpu.memory_space<semaphore_mem>>
        %dma_start3A = arith.constant 0 : i32
        %dma_start3A_336 = tpu.memref_slice %arg17[%dma_start3A] : memref<2048xi32, #tpu.memory_space<vmem>> -> memref<128xi32, #tpu.memory_space<vmem>>
        %dma_start3A_337 = tpu.memref_slice %arg9[%multiple_of3A] : memref<2097152xi32, #tpu.memory_space<hbm>> -> memref<128xi32, #tpu.memory_space<hbm>>
        %dma_start3A_338 = tpu.memref_slice %arg9[%multiple_of3A] : memref<2097152xi32, #tpu.memory_space<hbm>> -> memref<128xi32, #tpu.memory_space<hbm>>
        %dma_start3A_339 = arith.constant 0 : i32
        %dma_start3A_340 = tpu.memref_slice %arg17[%dma_start3A_339] : memref<2048xi32, #tpu.memory_space<vmem>> -> memref<128xi32, #tpu.memory_space<vmem>>
        tpu.enqueue_dma source(%dma_start3A_340 : memref<128xi32, #tpu.memory_space<vmem>>) target(%dma_start3A_338 : memref<128xi32, #tpu.memory_space<hbm>>) target_semaphore(%run_scoped3A : memref<!tpu.dma_semaphore, #tpu.memory_space<semaphore_mem>>)
        %dma_wait3A = arith.constant 0 : i32
        %dma_wait3A_341 = tpu.memref_slice %arg17[%dma_wait3A] : memref<2048xi32, #tpu.memory_space<vmem>> -> memref<128xi32, #tpu.memory_space<vmem>>
        %dma_wait3A_342 = tpu.memref_slice %arg9[%multiple_of3A] : memref<2097152xi32, #tpu.memory_space<hbm>> -> memref<128xi32, #tpu.memory_space<hbm>>
        %dma_wait3A_343 = tpu.memref_slice %arg9[%multiple_of3A] : memref<2097152xi32, #tpu.memory_space<hbm>> -> memref<128xi32, #tpu.memory_space<hbm>>
        %dma_wait3A_344 = arith.constant 0 : i32
        %dma_wait3A_345 = tpu.memref_slice %arg17[%dma_wait3A_344] : memref<2048xi32, #tpu.memory_space<vmem>> -> memref<128xi32, #tpu.memory_space<vmem>>
        tpu.wait_dma2 semaphore(%run_scoped3A : memref<!tpu.dma_semaphore, #tpu.memory_space<semaphore_mem>>) src(%dma_wait3A_345 : memref<128xi32, #tpu.memory_space<vmem>>) dst(%dma_wait3A_343 : memref<128xi32, #tpu.memory_space<hbm>>)
        tpu.yield
      }) : () -> ()
      %mul3A_333 = arith.constant 3 : i32
      %mul3A_334 = arith.muli %select_n3A_244, %mul3A_333 : i32
      %multiple_of3A_335 = tpu.assume_multiple %mul3A_334, 8 : i32
      "tpu.region"() ({
        %run_scoped3A = tpu.sem_alloc : memref<!tpu.dma_semaphore, #tpu.memory_space<semaphore_mem>>
        %dma_start3A = arith.constant 0 : i32
        %dma_start3A_336 = tpu.memref_slice %arg18[%dma_start3A] : memref<6144xf32, #tpu.memory_space<vmem>> -> memref<384xf32, #tpu.memory_space<vmem>>
        %dma_start3A_337 = tpu.memref_slice %arg8[%multiple_of3A_335] : memref<6291456xf32, #tpu.memory_space<hbm>> -> memref<384xf32, #tpu.memory_space<hbm>>
        %dma_start3A_338 = tpu.memref_slice %arg8[%multiple_of3A_335] : memref<6291456xf32, #tpu.memory_space<hbm>> -> memref<384xf32, #tpu.memory_space<hbm>>
        %dma_start3A_339 = arith.constant 0 : i32
        %dma_start3A_340 = tpu.memref_slice %arg18[%dma_start3A_339] : memref<6144xf32, #tpu.memory_space<vmem>> -> memref<384xf32, #tpu.memory_space<vmem>>
        tpu.enqueue_dma source(%dma_start3A_340 : memref<384xf32, #tpu.memory_space<vmem>>) target(%dma_start3A_338 : memref<384xf32, #tpu.memory_space<hbm>>) target_semaphore(%run_scoped3A : memref<!tpu.dma_semaphore, #tpu.memory_space<semaphore_mem>>)
        %dma_wait3A = arith.constant 0 : i32
        %dma_wait3A_341 = tpu.memref_slice %arg18[%dma_wait3A] : memref<6144xf32, #tpu.memory_space<vmem>> -> memref<384xf32, #tpu.memory_space<vmem>>
        %dma_wait3A_342 = tpu.memref_slice %arg8[%multiple_of3A_335] : memref<6291456xf32, #tpu.memory_space<hbm>> -> memref<384xf32, #tpu.memory_space<hbm>>
        %dma_wait3A_343 = tpu.memref_slice %arg8[%multiple_of3A_335] : memref<6291456xf32, #tpu.memory_space<hbm>> -> memref<384xf32, #tpu.memory_space<hbm>>
        %dma_wait3A_344 = arith.constant 0 : i32
        %dma_wait3A_345 = tpu.memref_slice %arg18[%dma_wait3A_344] : memref<6144xf32, #tpu.memory_space<vmem>> -> memref<384xf32, #tpu.memory_space<vmem>>
        tpu.wait_dma2 semaphore(%run_scoped3A : memref<!tpu.dma_semaphore, #tpu.memory_space<semaphore_mem>>) src(%dma_wait3A_345 : memref<384xf32, #tpu.memory_space<vmem>>) dst(%dma_wait3A_343 : memref<384xf32, #tpu.memory_space<hbm>>)
        tpu.yield
      }) : () -> ()
    } else {
    }
    %add3A_253 = arith.constant 128 : i32
    %add3A_254 = arith.addi %select_n3A_244, %add3A_253 : i32
    %select_n3A_255 = arith.select %ne3A_249, %add3A_254, %select_n3A_244 : i32
    %sub3A_256 = arith.subi %sub3A_80, %select_n3A_255 : i32
    %and3A_257 = arith.constant 64 : i32
    %and3A_258 = arith.andi %sub3A_256, %and3A_257 : i32
    %ne3A_259 = arith.constant 0 : i32
    %ne3A_260 = arith.cmpi ne, %and3A_258, %ne3A_259 : i32
    %convert_element_type3A_261 = arith.extui %ne3A_260 : i1 to i32
    %cond3A_262 = arith.constant 0 : i32
    %cond3A_263 = arith.cmpi ne, %convert_element_type3A_261, %cond3A_262 : i32
    scf.if %cond3A_263 {
      %multiple_of3A = tpu.assume_multiple %select_n3A_255, 8 : i32
      "tpu.region"() ({
        %run_scoped3A = tpu.sem_alloc : memref<!tpu.dma_semaphore, #tpu.memory_space<semaphore_mem>>
        %dma_start3A = arith.constant 0 : i32
        %dma_start3A_336 = tpu.memref_slice %arg17[%dma_start3A] : memref<2048xi32, #tpu.memory_space<vmem>> -> memref<64xi32, #tpu.memory_space<vmem>>
        %dma_start3A_337 = tpu.memref_slice %arg9[%multiple_of3A] : memref<2097152xi32, #tpu.memory_space<hbm>> -> memref<64xi32, #tpu.memory_space<hbm>>
        %dma_start3A_338 = tpu.memref_slice %arg9[%multiple_of3A] : memref<2097152xi32, #tpu.memory_space<hbm>> -> memref<64xi32, #tpu.memory_space<hbm>>
        %dma_start3A_339 = arith.constant 0 : i32
        %dma_start3A_340 = tpu.memref_slice %arg17[%dma_start3A_339] : memref<2048xi32, #tpu.memory_space<vmem>> -> memref<64xi32, #tpu.memory_space<vmem>>
        tpu.enqueue_dma source(%dma_start3A_340 : memref<64xi32, #tpu.memory_space<vmem>>) target(%dma_start3A_338 : memref<64xi32, #tpu.memory_space<hbm>>) target_semaphore(%run_scoped3A : memref<!tpu.dma_semaphore, #tpu.memory_space<semaphore_mem>>)
        %dma_wait3A = arith.constant 0 : i32
        %dma_wait3A_341 = tpu.memref_slice %arg17[%dma_wait3A] : memref<2048xi32, #tpu.memory_space<vmem>> -> memref<64xi32, #tpu.memory_space<vmem>>
        %dma_wait3A_342 = tpu.memref_slice %arg9[%multiple_of3A] : memref<2097152xi32, #tpu.memory_space<hbm>> -> memref<64xi32, #tpu.memory_space<hbm>>
        %dma_wait3A_343 = tpu.memref_slice %arg9[%multiple_of3A] : memref<2097152xi32, #tpu.memory_space<hbm>> -> memref<64xi32, #tpu.memory_space<hbm>>
        %dma_wait3A_344 = arith.constant 0 : i32
        %dma_wait3A_345 = tpu.memref_slice %arg17[%dma_wait3A_344] : memref<2048xi32, #tpu.memory_space<vmem>> -> memref<64xi32, #tpu.memory_space<vmem>>
        tpu.wait_dma2 semaphore(%run_scoped3A : memref<!tpu.dma_semaphore, #tpu.memory_space<semaphore_mem>>) src(%dma_wait3A_345 : memref<64xi32, #tpu.memory_space<vmem>>) dst(%dma_wait3A_343 : memref<64xi32, #tpu.memory_space<hbm>>)
        tpu.yield
      }) : () -> ()
      %mul3A_333 = arith.constant 3 : i32
      %mul3A_334 = arith.muli %select_n3A_255, %mul3A_333 : i32
      %multiple_of3A_335 = tpu.assume_multiple %mul3A_334, 8 : i32
      "tpu.region"() ({
        %run_scoped3A = tpu.sem_alloc : memref<!tpu.dma_semaphore, #tpu.memory_space<semaphore_mem>>
        %dma_start3A = arith.constant 0 : i32
        %dma_start3A_336 = tpu.memref_slice %arg18[%dma_start3A] : memref<6144xf32, #tpu.memory_space<vmem>> -> memref<192xf32, #tpu.memory_space<vmem>>
        %dma_start3A_337 = tpu.memref_slice %arg8[%multiple_of3A_335] : memref<6291456xf32, #tpu.memory_space<hbm>> -> memref<192xf32, #tpu.memory_space<hbm>>
        %dma_start3A_338 = tpu.memref_slice %arg8[%multiple_of3A_335] : memref<6291456xf32, #tpu.memory_space<hbm>> -> memref<192xf32, #tpu.memory_space<hbm>>
        %dma_start3A_339 = arith.constant 0 : i32
        %dma_start3A_340 = tpu.memref_slice %arg18[%dma_start3A_339] : memref<6144xf32, #tpu.memory_space<vmem>> -> memref<192xf32, #tpu.memory_space<vmem>>
        tpu.enqueue_dma source(%dma_start3A_340 : memref<192xf32, #tpu.memory_space<vmem>>) target(%dma_start3A_338 : memref<192xf32, #tpu.memory_space<hbm>>) target_semaphore(%run_scoped3A : memref<!tpu.dma_semaphore, #tpu.memory_space<semaphore_mem>>)
        %dma_wait3A = arith.constant 0 : i32
        %dma_wait3A_341 = tpu.memref_slice %arg18[%dma_wait3A] : memref<6144xf32, #tpu.memory_space<vmem>> -> memref<192xf32, #tpu.memory_space<vmem>>
        %dma_wait3A_342 = tpu.memref_slice %arg8[%multiple_of3A_335] : memref<6291456xf32, #tpu.memory_space<hbm>> -> memref<192xf32, #tpu.memory_space<hbm>>
        %dma_wait3A_343 = tpu.memref_slice %arg8[%multiple_of3A_335] : memref<6291456xf32, #tpu.memory_space<hbm>> -> memref<192xf32, #tpu.memory_space<hbm>>
        %dma_wait3A_344 = arith.constant 0 : i32
        %dma_wait3A_345 = tpu.memref_slice %arg18[%dma_wait3A_344] : memref<6144xf32, #tpu.memory_space<vmem>> -> memref<192xf32, #tpu.memory_space<vmem>>
        tpu.wait_dma2 semaphore(%run_scoped3A : memref<!tpu.dma_semaphore, #tpu.memory_space<semaphore_mem>>) src(%dma_wait3A_345 : memref<192xf32, #tpu.memory_space<vmem>>) dst(%dma_wait3A_343 : memref<192xf32, #tpu.memory_space<hbm>>)
        tpu.yield
      }) : () -> ()
    } else {
    }
    %add3A_264 = arith.constant 64 : i32
    %add3A_265 = arith.addi %select_n3A_255, %add3A_264 : i32
    %select_n3A_266 = arith.select %ne3A_260, %add3A_265, %select_n3A_255 : i32
    %sub3A_267 = arith.subi %sub3A_80, %select_n3A_266 : i32
    %and3A_268 = arith.constant 32 : i32
    %and3A_269 = arith.andi %sub3A_267, %and3A_268 : i32
    %ne3A_270 = arith.constant 0 : i32
    %ne3A_271 = arith.cmpi ne, %and3A_269, %ne3A_270 : i32
    %convert_element_type3A_272 = arith.extui %ne3A_271 : i1 to i32
    %cond3A_273 = arith.constant 0 : i32
    %cond3A_274 = arith.cmpi ne, %convert_element_type3A_272, %cond3A_273 : i32
    scf.if %cond3A_274 {
      %multiple_of3A = tpu.assume_multiple %select_n3A_266, 8 : i32
      "tpu.region"() ({
        %run_scoped3A = tpu.sem_alloc : memref<!tpu.dma_semaphore, #tpu.memory_space<semaphore_mem>>
        %dma_start3A = arith.constant 0 : i32
        %dma_start3A_336 = tpu.memref_slice %arg17[%dma_start3A] : memref<2048xi32, #tpu.memory_space<vmem>> -> memref<32xi32, #tpu.memory_space<vmem>>
        %dma_start3A_337 = tpu.memref_slice %arg9[%multiple_of3A] : memref<2097152xi32, #tpu.memory_space<hbm>> -> memref<32xi32, #tpu.memory_space<hbm>>
        %dma_start3A_338 = tpu.memref_slice %arg9[%multiple_of3A] : memref<2097152xi32, #tpu.memory_space<hbm>> -> memref<32xi32, #tpu.memory_space<hbm>>
        %dma_start3A_339 = arith.constant 0 : i32
        %dma_start3A_340 = tpu.memref_slice %arg17[%dma_start3A_339] : memref<2048xi32, #tpu.memory_space<vmem>> -> memref<32xi32, #tpu.memory_space<vmem>>
        tpu.enqueue_dma source(%dma_start3A_340 : memref<32xi32, #tpu.memory_space<vmem>>) target(%dma_start3A_338 : memref<32xi32, #tpu.memory_space<hbm>>) target_semaphore(%run_scoped3A : memref<!tpu.dma_semaphore, #tpu.memory_space<semaphore_mem>>)
        %dma_wait3A = arith.constant 0 : i32
        %dma_wait3A_341 = tpu.memref_slice %arg17[%dma_wait3A] : memref<2048xi32, #tpu.memory_space<vmem>> -> memref<32xi32, #tpu.memory_space<vmem>>
        %dma_wait3A_342 = tpu.memref_slice %arg9[%multiple_of3A] : memref<2097152xi32, #tpu.memory_space<hbm>> -> memref<32xi32, #tpu.memory_space<hbm>>
        %dma_wait3A_343 = tpu.memref_slice %arg9[%multiple_of3A] : memref<2097152xi32, #tpu.memory_space<hbm>> -> memref<32xi32, #tpu.memory_space<hbm>>
        %dma_wait3A_344 = arith.constant 0 : i32
        %dma_wait3A_345 = tpu.memref_slice %arg17[%dma_wait3A_344] : memref<2048xi32, #tpu.memory_space<vmem>> -> memref<32xi32, #tpu.memory_space<vmem>>
        tpu.wait_dma2 semaphore(%run_scoped3A : memref<!tpu.dma_semaphore, #tpu.memory_space<semaphore_mem>>) src(%dma_wait3A_345 : memref<32xi32, #tpu.memory_space<vmem>>) dst(%dma_wait3A_343 : memref<32xi32, #tpu.memory_space<hbm>>)
        tpu.yield
      }) : () -> ()
      %mul3A_333 = arith.constant 3 : i32
      %mul3A_334 = arith.muli %select_n3A_266, %mul3A_333 : i32
      %multiple_of3A_335 = tpu.assume_multiple %mul3A_334, 8 : i32
      "tpu.region"() ({
        %run_scoped3A = tpu.sem_alloc : memref<!tpu.dma_semaphore, #tpu.memory_space<semaphore_mem>>
        %dma_start3A = arith.constant 0 : i32
        %dma_start3A_336 = tpu.memref_slice %arg18[%dma_start3A] : memref<6144xf32, #tpu.memory_space<vmem>> -> memref<96xf32, #tpu.memory_space<vmem>>
        %dma_start3A_337 = tpu.memref_slice %arg8[%multiple_of3A_335] : memref<6291456xf32, #tpu.memory_space<hbm>> -> memref<96xf32, #tpu.memory_space<hbm>>
        %dma_start3A_338 = tpu.memref_slice %arg8[%multiple_of3A_335] : memref<6291456xf32, #tpu.memory_space<hbm>> -> memref<96xf32, #tpu.memory_space<hbm>>
        %dma_start3A_339 = arith.constant 0 : i32
        %dma_start3A_340 = tpu.memref_slice %arg18[%dma_start3A_339] : memref<6144xf32, #tpu.memory_space<vmem>> -> memref<96xf32, #tpu.memory_space<vmem>>
        tpu.enqueue_dma source(%dma_start3A_340 : memref<96xf32, #tpu.memory_space<vmem>>) target(%dma_start3A_338 : memref<96xf32, #tpu.memory_space<hbm>>) target_semaphore(%run_scoped3A : memref<!tpu.dma_semaphore, #tpu.memory_space<semaphore_mem>>)
        %dma_wait3A = arith.constant 0 : i32
        %dma_wait3A_341 = tpu.memref_slice %arg18[%dma_wait3A] : memref<6144xf32, #tpu.memory_space<vmem>> -> memref<96xf32, #tpu.memory_space<vmem>>
        %dma_wait3A_342 = tpu.memref_slice %arg8[%multiple_of3A_335] : memref<6291456xf32, #tpu.memory_space<hbm>> -> memref<96xf32, #tpu.memory_space<hbm>>
        %dma_wait3A_343 = tpu.memref_slice %arg8[%multiple_of3A_335] : memref<6291456xf32, #tpu.memory_space<hbm>> -> memref<96xf32, #tpu.memory_space<hbm>>
        %dma_wait3A_344 = arith.constant 0 : i32
        %dma_wait3A_345 = tpu.memref_slice %arg18[%dma_wait3A_344] : memref<6144xf32, #tpu.memory_space<vmem>> -> memref<96xf32, #tpu.memory_space<vmem>>
        tpu.wait_dma2 semaphore(%run_scoped3A : memref<!tpu.dma_semaphore, #tpu.memory_space<semaphore_mem>>) src(%dma_wait3A_345 : memref<96xf32, #tpu.memory_space<vmem>>) dst(%dma_wait3A_343 : memref<96xf32, #tpu.memory_space<hbm>>)
        tpu.yield
      }) : () -> ()
    } else {
    }
    %add3A_275 = arith.constant 32 : i32
    %add3A_276 = arith.addi %select_n3A_266, %add3A_275 : i32
    %select_n3A_277 = arith.select %ne3A_271, %add3A_276, %select_n3A_266 : i32
    %sub3A_278 = arith.subi %sub3A_80, %select_n3A_277 : i32
    %and3A_279 = arith.constant 16 : i32
    %and3A_280 = arith.andi %sub3A_278, %and3A_279 : i32
    %ne3A_281 = arith.constant 0 : i32
    %ne3A_282 = arith.cmpi ne, %and3A_280, %ne3A_281 : i32
    %convert_element_type3A_283 = arith.extui %ne3A_282 : i1 to i32
    %cond3A_284 = arith.constant 0 : i32
    %cond3A_285 = arith.cmpi ne, %convert_element_type3A_283, %cond3A_284 : i32
    scf.if %cond3A_285 {
      %multiple_of3A = tpu.assume_multiple %select_n3A_277, 8 : i32
      "tpu.region"() ({
        %run_scoped3A = tpu.sem_alloc : memref<!tpu.dma_semaphore, #tpu.memory_space<semaphore_mem>>
        %dma_start3A = arith.constant 0 : i32
        %dma_start3A_336 = tpu.memref_slice %arg17[%dma_start3A] : memref<2048xi32, #tpu.memory_space<vmem>> -> memref<16xi32, #tpu.memory_space<vmem>>
        %dma_start3A_337 = tpu.memref_slice %arg9[%multiple_of3A] : memref<2097152xi32, #tpu.memory_space<hbm>> -> memref<16xi32, #tpu.memory_space<hbm>>
        %dma_start3A_338 = tpu.memref_slice %arg9[%multiple_of3A] : memref<2097152xi32, #tpu.memory_space<hbm>> -> memref<16xi32, #tpu.memory_space<hbm>>
        %dma_start3A_339 = arith.constant 0 : i32
        %dma_start3A_340 = tpu.memref_slice %arg17[%dma_start3A_339] : memref<2048xi32, #tpu.memory_space<vmem>> -> memref<16xi32, #tpu.memory_space<vmem>>
        tpu.enqueue_dma source(%dma_start3A_340 : memref<16xi32, #tpu.memory_space<vmem>>) target(%dma_start3A_338 : memref<16xi32, #tpu.memory_space<hbm>>) target_semaphore(%run_scoped3A : memref<!tpu.dma_semaphore, #tpu.memory_space<semaphore_mem>>)
        %dma_wait3A = arith.constant 0 : i32
        %dma_wait3A_341 = tpu.memref_slice %arg17[%dma_wait3A] : memref<2048xi32, #tpu.memory_space<vmem>> -> memref<16xi32, #tpu.memory_space<vmem>>
        %dma_wait3A_342 = tpu.memref_slice %arg9[%multiple_of3A] : memref<2097152xi32, #tpu.memory_space<hbm>> -> memref<16xi32, #tpu.memory_space<hbm>>
        %dma_wait3A_343 = tpu.memref_slice %arg9[%multiple_of3A] : memref<2097152xi32, #tpu.memory_space<hbm>> -> memref<16xi32, #tpu.memory_space<hbm>>
        %dma_wait3A_344 = arith.constant 0 : i32
        %dma_wait3A_345 = tpu.memref_slice %arg17[%dma_wait3A_344] : memref<2048xi32, #tpu.memory_space<vmem>> -> memref<16xi32, #tpu.memory_space<vmem>>
        tpu.wait_dma2 semaphore(%run_scoped3A : memref<!tpu.dma_semaphore, #tpu.memory_space<semaphore_mem>>) src(%dma_wait3A_345 : memref<16xi32, #tpu.memory_space<vmem>>) dst(%dma_wait3A_343 : memref<16xi32, #tpu.memory_space<hbm>>)
        tpu.yield
      }) : () -> ()
      %mul3A_333 = arith.constant 3 : i32
      %mul3A_334 = arith.muli %select_n3A_277, %mul3A_333 : i32
      %multiple_of3A_335 = tpu.assume_multiple %mul3A_334, 8 : i32
      "tpu.region"() ({
        %run_scoped3A = tpu.sem_alloc : memref<!tpu.dma_semaphore, #tpu.memory_space<semaphore_mem>>
        %dma_start3A = arith.constant 0 : i32
        %dma_start3A_336 = tpu.memref_slice %arg18[%dma_start3A] : memref<6144xf32, #tpu.memory_space<vmem>> -> memref<48xf32, #tpu.memory_space<vmem>>
        %dma_start3A_337 = tpu.memref_slice %arg8[%multiple_of3A_335] : memref<6291456xf32, #tpu.memory_space<hbm>> -> memref<48xf32, #tpu.memory_space<hbm>>
        %dma_start3A_338 = tpu.memref_slice %arg8[%multiple_of3A_335] : memref<6291456xf32, #tpu.memory_space<hbm>> -> memref<48xf32, #tpu.memory_space<hbm>>
        %dma_start3A_339 = arith.constant 0 : i32
        %dma_start3A_340 = tpu.memref_slice %arg18[%dma_start3A_339] : memref<6144xf32, #tpu.memory_space<vmem>> -> memref<48xf32, #tpu.memory_space<vmem>>
        tpu.enqueue_dma source(%dma_start3A_340 : memref<48xf32, #tpu.memory_space<vmem>>) target(%dma_start3A_338 : memref<48xf32, #tpu.memory_space<hbm>>) target_semaphore(%run_scoped3A : memref<!tpu.dma_semaphore, #tpu.memory_space<semaphore_mem>>)
        %dma_wait3A = arith.constant 0 : i32
        %dma_wait3A_341 = tpu.memref_slice %arg18[%dma_wait3A] : memref<6144xf32, #tpu.memory_space<vmem>> -> memref<48xf32, #tpu.memory_space<vmem>>
        %dma_wait3A_342 = tpu.memref_slice %arg8[%multiple_of3A_335] : memref<6291456xf32, #tpu.memory_space<hbm>> -> memref<48xf32, #tpu.memory_space<hbm>>
        %dma_wait3A_343 = tpu.memref_slice %arg8[%multiple_of3A_335] : memref<6291456xf32, #tpu.memory_space<hbm>> -> memref<48xf32, #tpu.memory_space<hbm>>
        %dma_wait3A_344 = arith.constant 0 : i32
        %dma_wait3A_345 = tpu.memref_slice %arg18[%dma_wait3A_344] : memref<6144xf32, #tpu.memory_space<vmem>> -> memref<48xf32, #tpu.memory_space<vmem>>
        tpu.wait_dma2 semaphore(%run_scoped3A : memref<!tpu.dma_semaphore, #tpu.memory_space<semaphore_mem>>) src(%dma_wait3A_345 : memref<48xf32, #tpu.memory_space<vmem>>) dst(%dma_wait3A_343 : memref<48xf32, #tpu.memory_space<hbm>>)
        tpu.yield
      }) : () -> ()
    } else {
    }
    %add3A_286 = arith.constant 16 : i32
    %add3A_287 = arith.addi %select_n3A_277, %add3A_286 : i32
    %select_n3A_288 = arith.select %ne3A_282, %add3A_287, %select_n3A_277 : i32
    %sub3A_289 = arith.subi %sub3A_80, %select_n3A_288 : i32
    %and3A_290 = arith.constant 8 : i32
    %and3A_291 = arith.andi %sub3A_289, %and3A_290 : i32
    %ne3A_292 = arith.constant 0 : i32
    %ne3A_293 = arith.cmpi ne, %and3A_291, %ne3A_292 : i32
    %convert_element_type3A_294 = arith.extui %ne3A_293 : i1 to i32
    %cond3A_295 = arith.constant 0 : i32
    %cond3A_296 = arith.cmpi ne, %convert_element_type3A_294, %cond3A_295 : i32
    scf.if %cond3A_296 {
      %multiple_of3A = tpu.assume_multiple %select_n3A_288, 8 : i32
      "tpu.region"() ({
        %run_scoped3A = tpu.sem_alloc : memref<!tpu.dma_semaphore, #tpu.memory_space<semaphore_mem>>
        %dma_start3A = arith.constant 0 : i32
        %dma_start3A_336 = tpu.memref_slice %arg17[%dma_start3A] : memref<2048xi32, #tpu.memory_space<vmem>> -> memref<8xi32, #tpu.memory_space<vmem>>
        %dma_start3A_337 = tpu.memref_slice %arg9[%multiple_of3A] : memref<2097152xi32, #tpu.memory_space<hbm>> -> memref<8xi32, #tpu.memory_space<hbm>>
        %dma_start3A_338 = tpu.memref_slice %arg9[%multiple_of3A] : memref<2097152xi32, #tpu.memory_space<hbm>> -> memref<8xi32, #tpu.memory_space<hbm>>
        %dma_start3A_339 = arith.constant 0 : i32
        %dma_start3A_340 = tpu.memref_slice %arg17[%dma_start3A_339] : memref<2048xi32, #tpu.memory_space<vmem>> -> memref<8xi32, #tpu.memory_space<vmem>>
        tpu.enqueue_dma source(%dma_start3A_340 : memref<8xi32, #tpu.memory_space<vmem>>) target(%dma_start3A_338 : memref<8xi32, #tpu.memory_space<hbm>>) target_semaphore(%run_scoped3A : memref<!tpu.dma_semaphore, #tpu.memory_space<semaphore_mem>>)
        %dma_wait3A = arith.constant 0 : i32
        %dma_wait3A_341 = tpu.memref_slice %arg17[%dma_wait3A] : memref<2048xi32, #tpu.memory_space<vmem>> -> memref<8xi32, #tpu.memory_space<vmem>>
        %dma_wait3A_342 = tpu.memref_slice %arg9[%multiple_of3A] : memref<2097152xi32, #tpu.memory_space<hbm>> -> memref<8xi32, #tpu.memory_space<hbm>>
        %dma_wait3A_343 = tpu.memref_slice %arg9[%multiple_of3A] : memref<2097152xi32, #tpu.memory_space<hbm>> -> memref<8xi32, #tpu.memory_space<hbm>>
        %dma_wait3A_344 = arith.constant 0 : i32
        %dma_wait3A_345 = tpu.memref_slice %arg17[%dma_wait3A_344] : memref<2048xi32, #tpu.memory_space<vmem>> -> memref<8xi32, #tpu.memory_space<vmem>>
        tpu.wait_dma2 semaphore(%run_scoped3A : memref<!tpu.dma_semaphore, #tpu.memory_space<semaphore_mem>>) src(%dma_wait3A_345 : memref<8xi32, #tpu.memory_space<vmem>>) dst(%dma_wait3A_343 : memref<8xi32, #tpu.memory_space<hbm>>)
        tpu.yield
      }) : () -> ()
      %mul3A_333 = arith.constant 3 : i32
      %mul3A_334 = arith.muli %select_n3A_288, %mul3A_333 : i32
      %multiple_of3A_335 = tpu.assume_multiple %mul3A_334, 8 : i32
      "tpu.region"() ({
        %run_scoped3A = tpu.sem_alloc : memref<!tpu.dma_semaphore, #tpu.memory_space<semaphore_mem>>
        %dma_start3A = arith.constant 0 : i32
        %dma_start3A_336 = tpu.memref_slice %arg18[%dma_start3A] : memref<6144xf32, #tpu.memory_space<vmem>> -> memref<24xf32, #tpu.memory_space<vmem>>
        %dma_start3A_337 = tpu.memref_slice %arg8[%multiple_of3A_335] : memref<6291456xf32, #tpu.memory_space<hbm>> -> memref<24xf32, #tpu.memory_space<hbm>>
        %dma_start3A_338 = tpu.memref_slice %arg8[%multiple_of3A_335] : memref<6291456xf32, #tpu.memory_space<hbm>> -> memref<24xf32, #tpu.memory_space<hbm>>
        %dma_start3A_339 = arith.constant 0 : i32
        %dma_start3A_340 = tpu.memref_slice %arg18[%dma_start3A_339] : memref<6144xf32, #tpu.memory_space<vmem>> -> memref<24xf32, #tpu.memory_space<vmem>>
        tpu.enqueue_dma source(%dma_start3A_340 : memref<24xf32, #tpu.memory_space<vmem>>) target(%dma_start3A_338 : memref<24xf32, #tpu.memory_space<hbm>>) target_semaphore(%run_scoped3A : memref<!tpu.dma_semaphore, #tpu.memory_space<semaphore_mem>>)
        %dma_wait3A = arith.constant 0 : i32
        %dma_wait3A_341 = tpu.memref_slice %arg18[%dma_wait3A] : memref<6144xf32, #tpu.memory_space<vmem>> -> memref<24xf32, #tpu.memory_space<vmem>>
        %dma_wait3A_342 = tpu.memref_slice %arg8[%multiple_of3A_335] : memref<6291456xf32, #tpu.memory_space<hbm>> -> memref<24xf32, #tpu.memory_space<hbm>>
        %dma_wait3A_343 = tpu.memref_slice %arg8[%multiple_of3A_335] : memref<6291456xf32, #tpu.memory_space<hbm>> -> memref<24xf32, #tpu.memory_space<hbm>>
        %dma_wait3A_344 = arith.constant 0 : i32
        %dma_wait3A_345 = tpu.memref_slice %arg18[%dma_wait3A_344] : memref<6144xf32, #tpu.memory_space<vmem>> -> memref<24xf32, #tpu.memory_space<vmem>>
        tpu.wait_dma2 semaphore(%run_scoped3A : memref<!tpu.dma_semaphore, #tpu.memory_space<semaphore_mem>>) src(%dma_wait3A_345 : memref<24xf32, #tpu.memory_space<vmem>>) dst(%dma_wait3A_343 : memref<24xf32, #tpu.memory_space<hbm>>)
        tpu.yield
      }) : () -> ()
    } else {
    }
    %add3A_297 = arith.constant 8 : i32
    %add3A_298 = arith.addi %select_n3A_288, %add3A_297 : i32
    %select_n3A_299 = arith.select %ne3A_293, %add3A_298, %select_n3A_288 : i32
    %sub3A_300 = arith.subi %sub3A_80, %select_n3A_299 : i32
    %gt3A_301 = arith.constant 0 : i32
    %gt3A_302 = arith.cmpi sgt, %sub3A_300, %gt3A_301 : i32
    %convert_element_type3A_303 = arith.extui %gt3A_302 : i1 to i32
    %cond3A_304 = arith.constant 0 : i32
    %cond3A_305 = arith.cmpi ne, %convert_element_type3A_303, %cond3A_304 : i32
    scf.if %cond3A_305 {
      %add3A_333 = arith.constant 0 : i32
      %add3A_334 = vector.broadcast %add3A_333 : i32 to vector<16xi32>
      %add3A_335 = arith.addi %add3A_334, %iota3A : vector<16xi32>
      %sub3A_336 = arith.constant 1 : i32
      %sub3A_337 = arith.subi %sub3A_300, %sub3A_336 : i32
      %min3A_338 = vector.broadcast %sub3A_337 : i32 to vector<16xi32>
      %min3A_339 = arith.minsi %add3A_335, %min3A_338 : vector<16xi32>
      %add3A_340 = vector.broadcast %select_n3A_299 : i32 to vector<16xi32>
      %add3A_341 = arith.addi %add3A_340, %min3A_339 : vector<16xi32>
      %swap3A_342 = arith.constant 0 : index
      %swap3A_343 = tpu.vector_load %arg19[%swap3A_342] {strides = array<i32>} : memref<128xi32, #tpu.memory_space<vmem>>, vector<16xi32>,
      tpu.vector_store %arg19[%swap3A_342], %add3A_341 {strides = array<i32>} : memref<128xi32, #tpu.memory_space<vmem>>, vector<16xi32>,
      %broadcast_in_dim3A_344 = arith.constant 0 : i32
      %broadcast_in_dim3A_345 = vector.broadcast %broadcast_in_dim3A_344 : i32 to vector<16xi32>
      %swap3A_346 = arith.constant 0 : index
      %swap3A_347 = tpu.vector_load %arg20[%swap3A_346] {strides = array<i32>} : memref<128xi32, #tpu.memory_space<vmem>>, vector<16xi32>,
      tpu.vector_store %arg20[%swap3A_346], %broadcast_in_dim3A_345 {strides = array<i32>} : memref<128xi32, #tpu.memory_space<vmem>>, vector<16xi32>,
      %add3A_348 = arith.constant 16 : i32
      %add3A_349 = vector.broadcast %add3A_348 : i32 to vector<16xi32>
      %add3A_350 = arith.addi %add3A_349, %iota3A : vector<16xi32>
      %sub3A_351 = arith.constant 1 : i32
      %sub3A_352 = arith.subi %sub3A_300, %sub3A_351 : i32
      %min3A_353 = vector.broadcast %sub3A_352 : i32 to vector<16xi32>
      %min3A_354 = arith.minsi %add3A_350, %min3A_353 : vector<16xi32>
      %add3A_355 = vector.broadcast %select_n3A_299 : i32 to vector<16xi32>
      %add3A_356 = arith.addi %add3A_355, %min3A_354 : vector<16xi32>
      %swap3A_357 = arith.constant 16 : index
      %swap3A_358 = tpu.vector_load %arg19[%swap3A_357] {strides = array<i32>} : memref<128xi32, #tpu.memory_space<vmem>>, vector<16xi32>,
      tpu.vector_store %arg19[%swap3A_357], %add3A_356 {strides = array<i32>} : memref<128xi32, #tpu.memory_space<vmem>>, vector<16xi32>,
      %broadcast_in_dim3A_359 = arith.constant 0 : i32
      %broadcast_in_dim3A_360 = vector.broadcast %broadcast_in_dim3A_359 : i32 to vector<16xi32>
      %swap3A_361 = arith.constant 16 : index
      %swap3A_362 = tpu.vector_load %arg20[%swap3A_361] {strides = array<i32>} : memref<128xi32, #tpu.memory_space<vmem>>, vector<16xi32>,
      tpu.vector_store %arg20[%swap3A_361], %broadcast_in_dim3A_360 {strides = array<i32>} : memref<128xi32, #tpu.memory_space<vmem>>, vector<16xi32>,
      %add3A_363 = arith.constant 32 : i32
      %add3A_364 = vector.broadcast %add3A_363 : i32 to vector<16xi32>
      %add3A_365 = arith.addi %add3A_364, %iota3A : vector<16xi32>
      %sub3A_366 = arith.constant 1 : i32
      %sub3A_367 = arith.subi %sub3A_300, %sub3A_366 : i32
      %min3A_368 = vector.broadcast %sub3A_367 : i32 to vector<16xi32>
      %min3A_369 = arith.minsi %add3A_365, %min3A_368 : vector<16xi32>
      %add3A_370 = vector.broadcast %select_n3A_299 : i32 to vector<16xi32>
      %add3A_371 = arith.addi %add3A_370, %min3A_369 : vector<16xi32>
      %swap3A_372 = arith.constant 32 : index
      %swap3A_373 = tpu.vector_load %arg19[%swap3A_372] {strides = array<i32>} : memref<128xi32, #tpu.memory_space<vmem>>, vector<16xi32>,
      tpu.vector_store %arg19[%swap3A_372], %add3A_371 {strides = array<i32>} : memref<128xi32, #tpu.memory_space<vmem>>, vector<16xi32>,
      %broadcast_in_dim3A_374 = arith.constant 0 : i32
      %broadcast_in_dim3A_375 = vector.broadcast %broadcast_in_dim3A_374 : i32 to vector<16xi32>
      %swap3A_376 = arith.constant 32 : index
      %swap3A_377 = tpu.vector_load %arg20[%swap3A_376] {strides = array<i32>} : memref<128xi32, #tpu.memory_space<vmem>>, vector<16xi32>,
      tpu.vector_store %arg20[%swap3A_376], %broadcast_in_dim3A_375 {strides = array<i32>} : memref<128xi32, #tpu.memory_space<vmem>>, vector<16xi32>,
      %add3A_378 = arith.constant 48 : i32
      %add3A_379 = vector.broadcast %add3A_378 : i32 to vector<16xi32>
      %add3A_380 = arith.addi %add3A_379, %iota3A : vector<16xi32>
      %sub3A_381 = arith.constant 1 : i32
      %sub3A_382 = arith.subi %sub3A_300, %sub3A_381 : i32
      %min3A_383 = vector.broadcast %sub3A_382 : i32 to vector<16xi32>
      %min3A_384 = arith.minsi %add3A_380, %min3A_383 : vector<16xi32>
      %add3A_385 = vector.broadcast %select_n3A_299 : i32 to vector<16xi32>
      %add3A_386 = arith.addi %add3A_385, %min3A_384 : vector<16xi32>
      %swap3A_387 = arith.constant 48 : index
      %swap3A_388 = tpu.vector_load %arg19[%swap3A_387] {strides = array<i32>} : memref<128xi32, #tpu.memory_space<vmem>>, vector<16xi32>,
      tpu.vector_store %arg19[%swap3A_387], %add3A_386 {strides = array<i32>} : memref<128xi32, #tpu.memory_space<vmem>>, vector<16xi32>,
      %broadcast_in_dim3A_389 = arith.constant 0 : i32
      %broadcast_in_dim3A_390 = vector.broadcast %broadcast_in_dim3A_389 : i32 to vector<16xi32>
      %swap3A_391 = arith.constant 48 : index
      %swap3A_392 = tpu.vector_load %arg20[%swap3A_391] {strides = array<i32>} : memref<128xi32, #tpu.memory_space<vmem>>, vector<16xi32>,
      tpu.vector_store %arg20[%swap3A_391], %broadcast_in_dim3A_390 {strides = array<i32>} : memref<128xi32, #tpu.memory_space<vmem>>, vector<16xi32>,
      %add3A_393 = arith.constant 64 : i32
      %add3A_394 = vector.broadcast %add3A_393 : i32 to vector<16xi32>
      %add3A_395 = arith.addi %add3A_394, %iota3A : vector<16xi32>
      %sub3A_396 = arith.constant 1 : i32
      %sub3A_397 = arith.subi %sub3A_300, %sub3A_396 : i32
      %min3A_398 = vector.broadcast %sub3A_397 : i32 to vector<16xi32>
      %min3A_399 = arith.minsi %add3A_395, %min3A_398 : vector<16xi32>
      %add3A_400 = vector.broadcast %select_n3A_299 : i32 to vector<16xi32>
      %add3A_401 = arith.addi %add3A_400, %min3A_399 : vector<16xi32>
      %swap3A_402 = arith.constant 64 : index
      %swap3A_403 = tpu.vector_load %arg19[%swap3A_402] {strides = array<i32>} : memref<128xi32, #tpu.memory_space<vmem>>, vector<16xi32>,
      tpu.vector_store %arg19[%swap3A_402], %add3A_401 {strides = array<i32>} : memref<128xi32, #tpu.memory_space<vmem>>, vector<16xi32>,
      %broadcast_in_dim3A_404 = arith.constant 0 : i32
      %broadcast_in_dim3A_405 = vector.broadcast %broadcast_in_dim3A_404 : i32 to vector<16xi32>
      %swap3A_406 = arith.constant 64 : index
      %swap3A_407 = tpu.vector_load %arg20[%swap3A_406] {strides = array<i32>} : memref<128xi32, #tpu.memory_space<vmem>>, vector<16xi32>,
      tpu.vector_store %arg20[%swap3A_406], %broadcast_in_dim3A_405 {strides = array<i32>} : memref<128xi32, #tpu.memory_space<vmem>>, vector<16xi32>,
      %add3A_408 = arith.constant 80 : i32
      %add3A_409 = vector.broadcast %add3A_408 : i32 to vector<16xi32>
      %add3A_410 = arith.addi %add3A_409, %iota3A : vector<16xi32>
      %sub3A_411 = arith.constant 1 : i32
      %sub3A_412 = arith.subi %sub3A_300, %sub3A_411 : i32
      %min3A_413 = vector.broadcast %sub3A_412 : i32 to vector<16xi32>
      %min3A_414 = arith.minsi %add3A_410, %min3A_413 : vector<16xi32>
      %add3A_415 = vector.broadcast %select_n3A_299 : i32 to vector<16xi32>
      %add3A_416 = arith.addi %add3A_415, %min3A_414 : vector<16xi32>
      %swap3A_417 = arith.constant 80 : index
      %swap3A_418 = tpu.vector_load %arg19[%swap3A_417] {strides = array<i32>} : memref<128xi32, #tpu.memory_space<vmem>>, vector<16xi32>,
      tpu.vector_store %arg19[%swap3A_417], %add3A_416 {strides = array<i32>} : memref<128xi32, #tpu.memory_space<vmem>>, vector<16xi32>,
      %broadcast_in_dim3A_419 = arith.constant 0 : i32
      %broadcast_in_dim3A_420 = vector.broadcast %broadcast_in_dim3A_419 : i32 to vector<16xi32>
      %swap3A_421 = arith.constant 80 : index
      %swap3A_422 = tpu.vector_load %arg20[%swap3A_421] {strides = array<i32>} : memref<128xi32, #tpu.memory_space<vmem>>, vector<16xi32>,
      tpu.vector_store %arg20[%swap3A_421], %broadcast_in_dim3A_420 {strides = array<i32>} : memref<128xi32, #tpu.memory_space<vmem>>, vector<16xi32>,
      %add3A_423 = arith.constant 96 : i32
      %add3A_424 = vector.broadcast %add3A_423 : i32 to vector<16xi32>
      %add3A_425 = arith.addi %add3A_424, %iota3A : vector<16xi32>
      %sub3A_426 = arith.constant 1 : i32
      %sub3A_427 = arith.subi %sub3A_300, %sub3A_426 : i32
      %min3A_428 = vector.broadcast %sub3A_427 : i32 to vector<16xi32>
      %min3A_429 = arith.minsi %add3A_425, %min3A_428 : vector<16xi32>
      %add3A_430 = vector.broadcast %select_n3A_299 : i32 to vector<16xi32>
      %add3A_431 = arith.addi %add3A_430, %min3A_429 : vector<16xi32>
      %swap3A_432 = arith.constant 96 : index
      %swap3A_433 = tpu.vector_load %arg19[%swap3A_432] {strides = array<i32>} : memref<128xi32, #tpu.memory_space<vmem>>, vector<16xi32>,
      tpu.vector_store %arg19[%swap3A_432], %add3A_431 {strides = array<i32>} : memref<128xi32, #tpu.memory_space<vmem>>, vector<16xi32>,
      %broadcast_in_dim3A_434 = arith.constant 0 : i32
      %broadcast_in_dim3A_435 = vector.broadcast %broadcast_in_dim3A_434 : i32 to vector<16xi32>
      %swap3A_436 = arith.constant 96 : index
      %swap3A_437 = tpu.vector_load %arg20[%swap3A_436] {strides = array<i32>} : memref<128xi32, #tpu.memory_space<vmem>>, vector<16xi32>,
      tpu.vector_store %arg20[%swap3A_436], %broadcast_in_dim3A_435 {strides = array<i32>} : memref<128xi32, #tpu.memory_space<vmem>>, vector<16xi32>,
      %add3A_438 = arith.constant 112 : i32
      %add3A_439 = vector.broadcast %add3A_438 : i32 to vector<16xi32>
      %add3A_440 = arith.addi %add3A_439, %iota3A : vector<16xi32>
      %sub3A_441 = arith.constant 1 : i32
      %sub3A_442 = arith.subi %sub3A_300, %sub3A_441 : i32
      %min3A_443 = vector.broadcast %sub3A_442 : i32 to vector<16xi32>
      %min3A_444 = arith.minsi %add3A_440, %min3A_443 : vector<16xi32>
      %add3A_445 = vector.broadcast %select_n3A_299 : i32 to vector<16xi32>
      %add3A_446 = arith.addi %add3A_445, %min3A_444 : vector<16xi32>
      %swap3A_447 = arith.constant 112 : index
      %swap3A_448 = tpu.vector_load %arg19[%swap3A_447] {strides = array<i32>} : memref<128xi32, #tpu.memory_space<vmem>>, vector<16xi32>,
      tpu.vector_store %arg19[%swap3A_447], %add3A_446 {strides = array<i32>} : memref<128xi32, #tpu.memory_space<vmem>>, vector<16xi32>,
      %broadcast_in_dim3A_449 = arith.constant 0 : i32
      %broadcast_in_dim3A_450 = vector.broadcast %broadcast_in_dim3A_449 : i32 to vector<16xi32>
      %swap3A_451 = arith.constant 112 : index
      %swap3A_452 = tpu.vector_load %arg20[%swap3A_451] {strides = array<i32>} : memref<128xi32, #tpu.memory_space<vmem>>, vector<16xi32>,
      tpu.vector_store %arg20[%swap3A_451], %broadcast_in_dim3A_450 {strides = array<i32>} : memref<128xi32, #tpu.memory_space<vmem>>, vector<16xi32>,
      %dma_start3A = arith.constant 0 : i32
      %dma_start3A_453 = tpu.memref_slice %arg9[%dma_start3A] : memref<2097152xi32, #tpu.memory_space<hbm>> -> memref<2097152xi32, #tpu.memory_space<hbm>>
      tpu.enqueue_indirect_dma source(%arg20 : memref<128xi32, #tpu.memory_space<vmem>>) target(%dma_start3A_453 : memref<2097152xi32, #tpu.memory_space<hbm>>) offsets(%arg19 : memref<128xi32, #tpu.memory_space<vmem>>) semaphore(%arg22 : memref<!tpu.dma_semaphore, #tpu.memory_space<semaphore_mem>>)
      %dma_wait3A = arith.constant 0 : i32
      %dma_wait3A_454 = tpu.memref_slice %arg9[%dma_wait3A] : memref<2097152xi32, #tpu.memory_space<hbm>> -> memref<2097152xi32, #tpu.memory_space<hbm>>
      tpu.wait_indirect_dma semaphore(%arg22 : memref<!tpu.dma_semaphore, #tpu.memory_space<semaphore_mem>>) src(%arg20 : memref<128xi32, #tpu.memory_space<vmem>>) dst(%dma_wait3A_454 : memref<2097152xi32, #tpu.memory_space<hbm>>)
    } else {
    }
    %sub3A_306 = arith.subi %sub3A_80, %select_n3A_299 : i32
    %gt3A_307 = arith.constant 0 : i32
    %gt3A_308 = arith.cmpi sgt, %sub3A_306, %gt3A_307 : i32
    %convert_element_type3A_309 = arith.extui %gt3A_308 : i1 to i32
    %cond3A_310 = arith.constant 0 : i32
    %cond3A_311 = arith.cmpi ne, %convert_element_type3A_309, %cond3A_310 : i32
    scf.if %cond3A_311 {
      %add3A_333 = arith.constant 0 : i32
      %add3A_334 = vector.broadcast %add3A_333 : i32 to vector<16xi32>
      %add3A_335 = arith.addi %add3A_334, %iota3A : vector<16xi32>
      %mul3A_336 = arith.constant 3 : i32
      %mul3A_337 = arith.muli %mul3A_336, %sub3A_306 : i32
      %sub3A_338 = arith.constant 1 : i32
      %sub3A_339 = arith.subi %mul3A_337, %sub3A_338 : i32
      %min3A_340 = vector.broadcast %sub3A_339 : i32 to vector<16xi32>
      %min3A_341 = arith.minsi %add3A_335, %min3A_340 : vector<16xi32>
      %mul3A_342 = arith.constant 11 : i32
      %mul3A_343 = vector.broadcast %mul3A_342 : i32 to vector<16xi32>
      %mul3A_344 = arith.muli %min3A_341, %mul3A_343 : vector<16xi32>
      %shift_right_arithmetic3A_345 = arith.constant 5 : i32
      %shift_right_arithmetic3A_346 = vector.broadcast %shift_right_arithmetic3A_345 : i32 to vector<16xi32>
      %shift_right_arithmetic3A_347 = arith.shrsi %mul3A_344, %shift_right_arithmetic3A_346 : vector<16xi32>
      %mul3A_348 = arith.constant 3 : i32
      %mul3A_349 = vector.broadcast %mul3A_348 : i32 to vector<16xi32>
      %mul3A_350 = arith.muli %shift_right_arithmetic3A_347, %mul3A_349 : vector<16xi32>
      %sub3A_351 = arith.subi %min3A_341, %mul3A_350 : vector<16xi32>
      %add3A_352 = vector.broadcast %select_n3A_299 : i32 to vector<16xi32>
      %add3A_353 = arith.addi %add3A_352, %shift_right_arithmetic3A_347 : vector<16xi32>
      %mul3A_354 = arith.constant 3 : i32
      %mul3A_355 = vector.broadcast %mul3A_354 : i32 to vector<16xi32>
      %mul3A_356 = arith.muli %add3A_353, %mul3A_355 : vector<16xi32>
      %add3A_357 = arith.addi %mul3A_356, %sub3A_351 : vector<16xi32>
      %swap3A_358 = arith.constant 0 : index
      %swap3A_359 = tpu.vector_load %arg19[%swap3A_358] {strides = array<i32>} : memref<128xi32, #tpu.memory_space<vmem>>, vector<16xi32>,
      tpu.vector_store %arg19[%swap3A_358], %add3A_357 {strides = array<i32>} : memref<128xi32, #tpu.memory_space<vmem>>, vector<16xi32>,
      %gather3A_360 = tpu.vector_load_idx %arg18[%sub3A_351] : memref<6144xf32, #tpu.memory_space<vmem>>[vector<16xi32>], vector<16xf32>,
      %swap3A_361 = arith.constant 0 : index
      %swap3A_362 = tpu.vector_load %arg21[%swap3A_361] {strides = array<i32>} : memref<128xf32, #tpu.memory_space<vmem>>, vector<16xf32>,
      tpu.vector_store %arg21[%swap3A_361], %gather3A_360 {strides = array<i32>} : memref<128xf32, #tpu.memory_space<vmem>>, vector<16xf32>,
      %add3A_363 = arith.constant 16 : i32
      %add3A_364 = vector.broadcast %add3A_363 : i32 to vector<16xi32>
      %add3A_365 = arith.addi %add3A_364, %iota3A : vector<16xi32>
      %mul3A_366 = arith.constant 3 : i32
      %mul3A_367 = arith.muli %mul3A_366, %sub3A_306 : i32
      %sub3A_368 = arith.constant 1 : i32
      %sub3A_369 = arith.subi %mul3A_367, %sub3A_368 : i32
      %min3A_370 = vector.broadcast %sub3A_369 : i32 to vector<16xi32>
      %min3A_371 = arith.minsi %add3A_365, %min3A_370 : vector<16xi32>
      %mul3A_372 = arith.constant 11 : i32
      %mul3A_373 = vector.broadcast %mul3A_372 : i32 to vector<16xi32>
      %mul3A_374 = arith.muli %min3A_371, %mul3A_373 : vector<16xi32>
      %shift_right_arithmetic3A_375 = arith.constant 5 : i32
      %shift_right_arithmetic3A_376 = vector.broadcast %shift_right_arithmetic3A_375 : i32 to vector<16xi32>
      %shift_right_arithmetic3A_377 = arith.shrsi %mul3A_374, %shift_right_arithmetic3A_376 : vector<16xi32>
      %mul3A_378 = arith.constant 3 : i32
      %mul3A_379 = vector.broadcast %mul3A_378 : i32 to vector<16xi32>
      %mul3A_380 = arith.muli %shift_right_arithmetic3A_377, %mul3A_379 : vector<16xi32>
      %sub3A_381 = arith.subi %min3A_371, %mul3A_380 : vector<16xi32>
      %add3A_382 = vector.broadcast %select_n3A_299 : i32 to vector<16xi32>
      %add3A_383 = arith.addi %add3A_382, %shift_right_arithmetic3A_377 : vector<16xi32>
      %mul3A_384 = arith.constant 3 : i32
      %mul3A_385 = vector.broadcast %mul3A_384 : i32 to vector<16xi32>
      %mul3A_386 = arith.muli %add3A_383, %mul3A_385 : vector<16xi32>
      %add3A_387 = arith.addi %mul3A_386, %sub3A_381 : vector<16xi32>
      %swap3A_388 = arith.constant 16 : index
      %swap3A_389 = tpu.vector_load %arg19[%swap3A_388] {strides = array<i32>} : memref<128xi32, #tpu.memory_space<vmem>>, vector<16xi32>,
      tpu.vector_store %arg19[%swap3A_388], %add3A_387 {strides = array<i32>} : memref<128xi32, #tpu.memory_space<vmem>>, vector<16xi32>,
      %gather3A_390 = tpu.vector_load_idx %arg18[%sub3A_381] : memref<6144xf32, #tpu.memory_space<vmem>>[vector<16xi32>], vector<16xf32>,
      %swap3A_391 = arith.constant 16 : index
      %swap3A_392 = tpu.vector_load %arg21[%swap3A_391] {strides = array<i32>} : memref<128xf32, #tpu.memory_space<vmem>>, vector<16xf32>,
      tpu.vector_store %arg21[%swap3A_391], %gather3A_390 {strides = array<i32>} : memref<128xf32, #tpu.memory_space<vmem>>, vector<16xf32>,
      %add3A_393 = arith.constant 32 : i32
      %add3A_394 = vector.broadcast %add3A_393 : i32 to vector<16xi32>
      %add3A_395 = arith.addi %add3A_394, %iota3A : vector<16xi32>
      %mul3A_396 = arith.constant 3 : i32
      %mul3A_397 = arith.muli %mul3A_396, %sub3A_306 : i32
      %sub3A_398 = arith.constant 1 : i32
      %sub3A_399 = arith.subi %mul3A_397, %sub3A_398 : i32
      %min3A_400 = vector.broadcast %sub3A_399 : i32 to vector<16xi32>
      %min3A_401 = arith.minsi %add3A_395, %min3A_400 : vector<16xi32>
      %mul3A_402 = arith.constant 11 : i32
      %mul3A_403 = vector.broadcast %mul3A_402 : i32 to vector<16xi32>
      %mul3A_404 = arith.muli %min3A_401, %mul3A_403 : vector<16xi32>
      %shift_right_arithmetic3A_405 = arith.constant 5 : i32
      %shift_right_arithmetic3A_406 = vector.broadcast %shift_right_arithmetic3A_405 : i32 to vector<16xi32>
      %shift_right_arithmetic3A_407 = arith.shrsi %mul3A_404, %shift_right_arithmetic3A_406 : vector<16xi32>
      %mul3A_408 = arith.constant 3 : i32
      %mul3A_409 = vector.broadcast %mul3A_408 : i32 to vector<16xi32>
      %mul3A_410 = arith.muli %shift_right_arithmetic3A_407, %mul3A_409 : vector<16xi32>
      %sub3A_411 = arith.subi %min3A_401, %mul3A_410 : vector<16xi32>
      %add3A_412 = vector.broadcast %select_n3A_299 : i32 to vector<16xi32>
      %add3A_413 = arith.addi %add3A_412, %shift_right_arithmetic3A_407 : vector<16xi32>
      %mul3A_414 = arith.constant 3 : i32
      %mul3A_415 = vector.broadcast %mul3A_414 : i32 to vector<16xi32>
      %mul3A_416 = arith.muli %add3A_413, %mul3A_415 : vector<16xi32>
      %add3A_417 = arith.addi %mul3A_416, %sub3A_411 : vector<16xi32>
      %swap3A_418 = arith.constant 32 : index
      %swap3A_419 = tpu.vector_load %arg19[%swap3A_418] {strides = array<i32>} : memref<128xi32, #tpu.memory_space<vmem>>, vector<16xi32>,
      tpu.vector_store %arg19[%swap3A_418], %add3A_417 {strides = array<i32>} : memref<128xi32, #tpu.memory_space<vmem>>, vector<16xi32>,
      %gather3A_420 = tpu.vector_load_idx %arg18[%sub3A_411] : memref<6144xf32, #tpu.memory_space<vmem>>[vector<16xi32>], vector<16xf32>,
      %swap3A_421 = arith.constant 32 : index
      %swap3A_422 = tpu.vector_load %arg21[%swap3A_421] {strides = array<i32>} : memref<128xf32, #tpu.memory_space<vmem>>, vector<16xf32>,
      tpu.vector_store %arg21[%swap3A_421], %gather3A_420 {strides = array<i32>} : memref<128xf32, #tpu.memory_space<vmem>>, vector<16xf32>,
      %add3A_423 = arith.constant 48 : i32
      %add3A_424 = vector.broadcast %add3A_423 : i32 to vector<16xi32>
      %add3A_425 = arith.addi %add3A_424, %iota3A : vector<16xi32>
      %mul3A_426 = arith.constant 3 : i32
      %mul3A_427 = arith.muli %mul3A_426, %sub3A_306 : i32
      %sub3A_428 = arith.constant 1 : i32
      %sub3A_429 = arith.subi %mul3A_427, %sub3A_428 : i32
      %min3A_430 = vector.broadcast %sub3A_429 : i32 to vector<16xi32>
      %min3A_431 = arith.minsi %add3A_425, %min3A_430 : vector<16xi32>
      %mul3A_432 = arith.constant 11 : i32
      %mul3A_433 = vector.broadcast %mul3A_432 : i32 to vector<16xi32>
      %mul3A_434 = arith.muli %min3A_431, %mul3A_433 : vector<16xi32>
      %shift_right_arithmetic3A_435 = arith.constant 5 : i32
      %shift_right_arithmetic3A_436 = vector.broadcast %shift_right_arithmetic3A_435 : i32 to vector<16xi32>
      %shift_right_arithmetic3A_437 = arith.shrsi %mul3A_434, %shift_right_arithmetic3A_436 : vector<16xi32>
      %mul3A_438 = arith.constant 3 : i32
      %mul3A_439 = vector.broadcast %mul3A_438 : i32 to vector<16xi32>
      %mul3A_440 = arith.muli %shift_right_arithmetic3A_437, %mul3A_439 : vector<16xi32>
      %sub3A_441 = arith.subi %min3A_431, %mul3A_440 : vector<16xi32>
      %add3A_442 = vector.broadcast %select_n3A_299 : i32 to vector<16xi32>
      %add3A_443 = arith.addi %add3A_442, %shift_right_arithmetic3A_437 : vector<16xi32>
      %mul3A_444 = arith.constant 3 : i32
      %mul3A_445 = vector.broadcast %mul3A_444 : i32 to vector<16xi32>
      %mul3A_446 = arith.muli %add3A_443, %mul3A_445 : vector<16xi32>
      %add3A_447 = arith.addi %mul3A_446, %sub3A_441 : vector<16xi32>
      %swap3A_448 = arith.constant 48 : index
      %swap3A_449 = tpu.vector_load %arg19[%swap3A_448] {strides = array<i32>} : memref<128xi32, #tpu.memory_space<vmem>>, vector<16xi32>,
      tpu.vector_store %arg19[%swap3A_448], %add3A_447 {strides = array<i32>} : memref<128xi32, #tpu.memory_space<vmem>>, vector<16xi32>,
      %gather3A_450 = tpu.vector_load_idx %arg18[%sub3A_441] : memref<6144xf32, #tpu.memory_space<vmem>>[vector<16xi32>], vector<16xf32>,
      %swap3A_451 = arith.constant 48 : index
      %swap3A_452 = tpu.vector_load %arg21[%swap3A_451] {strides = array<i32>} : memref<128xf32, #tpu.memory_space<vmem>>, vector<16xf32>,
      tpu.vector_store %arg21[%swap3A_451], %gather3A_450 {strides = array<i32>} : memref<128xf32, #tpu.memory_space<vmem>>, vector<16xf32>,
      %add3A_453 = arith.constant 64 : i32
      %add3A_454 = vector.broadcast %add3A_453 : i32 to vector<16xi32>
      %add3A_455 = arith.addi %add3A_454, %iota3A : vector<16xi32>
      %mul3A_456 = arith.constant 3 : i32
      %mul3A_457 = arith.muli %mul3A_456, %sub3A_306 : i32
      %sub3A_458 = arith.constant 1 : i32
      %sub3A_459 = arith.subi %mul3A_457, %sub3A_458 : i32
      %min3A_460 = vector.broadcast %sub3A_459 : i32 to vector<16xi32>
      %min3A_461 = arith.minsi %add3A_455, %min3A_460 : vector<16xi32>
      %mul3A_462 = arith.constant 11 : i32
      %mul3A_463 = vector.broadcast %mul3A_462 : i32 to vector<16xi32>
      %mul3A_464 = arith.muli %min3A_461, %mul3A_463 : vector<16xi32>
      %shift_right_arithmetic3A_465 = arith.constant 5 : i32
      %shift_right_arithmetic3A_466 = vector.broadcast %shift_right_arithmetic3A_465 : i32 to vector<16xi32>
      %shift_right_arithmetic3A_467 = arith.shrsi %mul3A_464, %shift_right_arithmetic3A_466 : vector<16xi32>
      %mul3A_468 = arith.constant 3 : i32
      %mul3A_469 = vector.broadcast %mul3A_468 : i32 to vector<16xi32>
      %mul3A_470 = arith.muli %shift_right_arithmetic3A_467, %mul3A_469 : vector<16xi32>
      %sub3A_471 = arith.subi %min3A_461, %mul3A_470 : vector<16xi32>
      %add3A_472 = vector.broadcast %select_n3A_299 : i32 to vector<16xi32>
      %add3A_473 = arith.addi %add3A_472, %shift_right_arithmetic3A_467 : vector<16xi32>
      %mul3A_474 = arith.constant 3 : i32
      %mul3A_475 = vector.broadcast %mul3A_474 : i32 to vector<16xi32>
      %mul3A_476 = arith.muli %add3A_473, %mul3A_475 : vector<16xi32>
      %add3A_477 = arith.addi %mul3A_476, %sub3A_471 : vector<16xi32>
      %swap3A_478 = arith.constant 64 : index
      %swap3A_479 = tpu.vector_load %arg19[%swap3A_478] {strides = array<i32>} : memref<128xi32, #tpu.memory_space<vmem>>, vector<16xi32>,
      tpu.vector_store %arg19[%swap3A_478], %add3A_477 {strides = array<i32>} : memref<128xi32, #tpu.memory_space<vmem>>, vector<16xi32>,
      %gather3A_480 = tpu.vector_load_idx %arg18[%sub3A_471] : memref<6144xf32, #tpu.memory_space<vmem>>[vector<16xi32>], vector<16xf32>,
      %swap3A_481 = arith.constant 64 : index
      %swap3A_482 = tpu.vector_load %arg21[%swap3A_481] {strides = array<i32>} : memref<128xf32, #tpu.memory_space<vmem>>, vector<16xf32>,
      tpu.vector_store %arg21[%swap3A_481], %gather3A_480 {strides = array<i32>} : memref<128xf32, #tpu.memory_space<vmem>>, vector<16xf32>,
      %add3A_483 = arith.constant 80 : i32
      %add3A_484 = vector.broadcast %add3A_483 : i32 to vector<16xi32>
      %add3A_485 = arith.addi %add3A_484, %iota3A : vector<16xi32>
      %mul3A_486 = arith.constant 3 : i32
      %mul3A_487 = arith.muli %mul3A_486, %sub3A_306 : i32
      %sub3A_488 = arith.constant 1 : i32
      %sub3A_489 = arith.subi %mul3A_487, %sub3A_488 : i32
      %min3A_490 = vector.broadcast %sub3A_489 : i32 to vector<16xi32>
      %min3A_491 = arith.minsi %add3A_485, %min3A_490 : vector<16xi32>
      %mul3A_492 = arith.constant 11 : i32
      %mul3A_493 = vector.broadcast %mul3A_492 : i32 to vector<16xi32>
      %mul3A_494 = arith.muli %min3A_491, %mul3A_493 : vector<16xi32>
      %shift_right_arithmetic3A_495 = arith.constant 5 : i32
      %shift_right_arithmetic3A_496 = vector.broadcast %shift_right_arithmetic3A_495 : i32 to vector<16xi32>
      %shift_right_arithmetic3A_497 = arith.shrsi %mul3A_494, %shift_right_arithmetic3A_496 : vector<16xi32>
      %mul3A_498 = arith.constant 3 : i32
      %mul3A_499 = vector.broadcast %mul3A_498 : i32 to vector<16xi32>
      %mul3A_500 = arith.muli %shift_right_arithmetic3A_497, %mul3A_499 : vector<16xi32>
      %sub3A_501 = arith.subi %min3A_491, %mul3A_500 : vector<16xi32>
      %add3A_502 = vector.broadcast %select_n3A_299 : i32 to vector<16xi32>
      %add3A_503 = arith.addi %add3A_502, %shift_right_arithmetic3A_497 : vector<16xi32>
      %mul3A_504 = arith.constant 3 : i32
      %mul3A_505 = vector.broadcast %mul3A_504 : i32 to vector<16xi32>
      %mul3A_506 = arith.muli %add3A_503, %mul3A_505 : vector<16xi32>
      %add3A_507 = arith.addi %mul3A_506, %sub3A_501 : vector<16xi32>
      %swap3A_508 = arith.constant 80 : index
      %swap3A_509 = tpu.vector_load %arg19[%swap3A_508] {strides = array<i32>} : memref<128xi32, #tpu.memory_space<vmem>>, vector<16xi32>,
      tpu.vector_store %arg19[%swap3A_508], %add3A_507 {strides = array<i32>} : memref<128xi32, #tpu.memory_space<vmem>>, vector<16xi32>,
      %gather3A_510 = tpu.vector_load_idx %arg18[%sub3A_501] : memref<6144xf32, #tpu.memory_space<vmem>>[vector<16xi32>], vector<16xf32>,
      %swap3A_511 = arith.constant 80 : index
      %swap3A_512 = tpu.vector_load %arg21[%swap3A_511] {strides = array<i32>} : memref<128xf32, #tpu.memory_space<vmem>>, vector<16xf32>,
      tpu.vector_store %arg21[%swap3A_511], %gather3A_510 {strides = array<i32>} : memref<128xf32, #tpu.memory_space<vmem>>, vector<16xf32>,
      %add3A_513 = arith.constant 96 : i32
      %add3A_514 = vector.broadcast %add3A_513 : i32 to vector<16xi32>
      %add3A_515 = arith.addi %add3A_514, %iota3A : vector<16xi32>
      %mul3A_516 = arith.constant 3 : i32
      %mul3A_517 = arith.muli %mul3A_516, %sub3A_306 : i32
      %sub3A_518 = arith.constant 1 : i32
      %sub3A_519 = arith.subi %mul3A_517, %sub3A_518 : i32
      %min3A_520 = vector.broadcast %sub3A_519 : i32 to vector<16xi32>
      %min3A_521 = arith.minsi %add3A_515, %min3A_520 : vector<16xi32>
      %mul3A_522 = arith.constant 11 : i32
      %mul3A_523 = vector.broadcast %mul3A_522 : i32 to vector<16xi32>
      %mul3A_524 = arith.muli %min3A_521, %mul3A_523 : vector<16xi32>
      %shift_right_arithmetic3A_525 = arith.constant 5 : i32
      %shift_right_arithmetic3A_526 = vector.broadcast %shift_right_arithmetic3A_525 : i32 to vector<16xi32>
      %shift_right_arithmetic3A_527 = arith.shrsi %mul3A_524, %shift_right_arithmetic3A_526 : vector<16xi32>
      %mul3A_528 = arith.constant 3 : i32
      %mul3A_529 = vector.broadcast %mul3A_528 : i32 to vector<16xi32>
      %mul3A_530 = arith.muli %shift_right_arithmetic3A_527, %mul3A_529 : vector<16xi32>
      %sub3A_531 = arith.subi %min3A_521, %mul3A_530 : vector<16xi32>
      %add3A_532 = vector.broadcast %select_n3A_299 : i32 to vector<16xi32>
      %add3A_533 = arith.addi %add3A_532, %shift_right_arithmetic3A_527 : vector<16xi32>
      %mul3A_534 = arith.constant 3 : i32
      %mul3A_535 = vector.broadcast %mul3A_534 : i32 to vector<16xi32>
      %mul3A_536 = arith.muli %add3A_533, %mul3A_535 : vector<16xi32>
      %add3A_537 = arith.addi %mul3A_536, %sub3A_531 : vector<16xi32>
      %swap3A_538 = arith.constant 96 : index
      %swap3A_539 = tpu.vector_load %arg19[%swap3A_538] {strides = array<i32>} : memref<128xi32, #tpu.memory_space<vmem>>, vector<16xi32>,
      tpu.vector_store %arg19[%swap3A_538], %add3A_537 {strides = array<i32>} : memref<128xi32, #tpu.memory_space<vmem>>, vector<16xi32>,
      %gather3A_540 = tpu.vector_load_idx %arg18[%sub3A_531] : memref<6144xf32, #tpu.memory_space<vmem>>[vector<16xi32>], vector<16xf32>,
      %swap3A_541 = arith.constant 96 : index
      %swap3A_542 = tpu.vector_load %arg21[%swap3A_541] {strides = array<i32>} : memref<128xf32, #tpu.memory_space<vmem>>, vector<16xf32>,
      tpu.vector_store %arg21[%swap3A_541], %gather3A_540 {strides = array<i32>} : memref<128xf32, #tpu.memory_space<vmem>>, vector<16xf32>,
      %add3A_543 = arith.constant 112 : i32
      %add3A_544 = vector.broadcast %add3A_543 : i32 to vector<16xi32>
      %add3A_545 = arith.addi %add3A_544, %iota3A : vector<16xi32>
      %mul3A_546 = arith.constant 3 : i32
      %mul3A_547 = arith.muli %mul3A_546, %sub3A_306 : i32
      %sub3A_548 = arith.constant 1 : i32
      %sub3A_549 = arith.subi %mul3A_547, %sub3A_548 : i32
      %min3A_550 = vector.broadcast %sub3A_549 : i32 to vector<16xi32>
      %min3A_551 = arith.minsi %add3A_545, %min3A_550 : vector<16xi32>
      %mul3A_552 = arith.constant 11 : i32
      %mul3A_553 = vector.broadcast %mul3A_552 : i32 to vector<16xi32>
      %mul3A_554 = arith.muli %min3A_551, %mul3A_553 : vector<16xi32>
      %shift_right_arithmetic3A_555 = arith.constant 5 : i32
      %shift_right_arithmetic3A_556 = vector.broadcast %shift_right_arithmetic3A_555 : i32 to vector<16xi32>
      %shift_right_arithmetic3A_557 = arith.shrsi %mul3A_554, %shift_right_arithmetic3A_556 : vector<16xi32>
      %mul3A_558 = arith.constant 3 : i32
      %mul3A_559 = vector.broadcast %mul3A_558 : i32 to vector<16xi32>
      %mul3A_560 = arith.muli %shift_right_arithmetic3A_557, %mul3A_559 : vector<16xi32>
      %sub3A_561 = arith.subi %min3A_551, %mul3A_560 : vector<16xi32>
      %add3A_562 = vector.broadcast %select_n3A_299 : i32 to vector<16xi32>
      %add3A_563 = arith.addi %add3A_562, %shift_right_arithmetic3A_557 : vector<16xi32>
      %mul3A_564 = arith.constant 3 : i32
      %mul3A_565 = vector.broadcast %mul3A_564 : i32 to vector<16xi32>
      %mul3A_566 = arith.muli %add3A_563, %mul3A_565 : vector<16xi32>
      %add3A_567 = arith.addi %mul3A_566, %sub3A_561 : vector<16xi32>
      %swap3A_568 = arith.constant 112 : index
      %swap3A_569 = tpu.vector_load %arg19[%swap3A_568] {strides = array<i32>} : memref<128xi32, #tpu.memory_space<vmem>>, vector<16xi32>,
      tpu.vector_store %arg19[%swap3A_568], %add3A_567 {strides = array<i32>} : memref<128xi32, #tpu.memory_space<vmem>>, vector<16xi32>,
      %gather3A_570 = tpu.vector_load_idx %arg18[%sub3A_561] : memref<6144xf32, #tpu.memory_space<vmem>>[vector<16xi32>], vector<16xf32>,
      %swap3A_571 = arith.constant 112 : index
      %swap3A_572 = tpu.vector_load %arg21[%swap3A_571] {strides = array<i32>} : memref<128xf32, #tpu.memory_space<vmem>>, vector<16xf32>,
      tpu.vector_store %arg21[%swap3A_571], %gather3A_570 {strides = array<i32>} : memref<128xf32, #tpu.memory_space<vmem>>, vector<16xf32>,
      %dma_start3A = arith.constant 0 : i32
      %dma_start3A_573 = tpu.memref_slice %arg8[%dma_start3A] : memref<6291456xf32, #tpu.memory_space<hbm>> -> memref<6291456xf32, #tpu.memory_space<hbm>>
      tpu.enqueue_indirect_dma source(%arg21 : memref<128xf32, #tpu.memory_space<vmem>>) target(%dma_start3A_573 : memref<6291456xf32, #tpu.memory_space<hbm>>) offsets(%arg19 : memref<128xi32, #tpu.memory_space<vmem>>) semaphore(%arg22 : memref<!tpu.dma_semaphore, #tpu.memory_space<semaphore_mem>>)
      %dma_wait3A = arith.constant 0 : i32
      %dma_wait3A_574 = tpu.memref_slice %arg8[%dma_wait3A] : memref<6291456xf32, #tpu.memory_space<hbm>> -> memref<6291456xf32, #tpu.memory_space<hbm>>
      tpu.wait_indirect_dma semaphore(%arg22 : memref<!tpu.dma_semaphore, #tpu.memory_space<semaphore_mem>>) src(%arg21 : memref<128xf32, #tpu.memory_space<vmem>>) dst(%dma_wait3A_574 : memref<6291456xf32, #tpu.memory_space<hbm>>)
    } else {
    }
    %gt3A_312 = arith.constant 0 : i32
    %gt3A_313 = arith.cmpi sgt, %min3A_88, %gt3A_312 : i32
    %convert_element_type3A_314 = arith.extui %gt3A_313 : i1 to i32
    %cond3A_315 = arith.constant 0 : i32
    %cond3A_316 = arith.cmpi ne, %convert_element_type3A_314, %cond3A_315 : i32
    scf.if %cond3A_316 {
      %add3A_333 = arith.constant 0 : i32
      %add3A_334 = vector.broadcast %add3A_333 : i32 to vector<16xi32>
      %add3A_335 = arith.addi %add3A_334, %iota3A : vector<16xi32>
      %sub3A_336 = arith.constant 1 : i32
      %sub3A_337 = arith.subi %min3A_88, %sub3A_336 : i32
      %min3A_338 = vector.broadcast %sub3A_337 : i32 to vector<16xi32>
      %min3A_339 = arith.minsi %add3A_335, %min3A_338 : vector<16xi32>
      %add3A_340 = vector.broadcast %sub3A_81 : i32 to vector<16xi32>
      %add3A_341 = arith.addi %add3A_340, %min3A_339 : vector<16xi32>
      %swap3A_342 = arith.constant 0 : index
      %swap3A_343 = tpu.vector_load %arg19[%swap3A_342] {strides = array<i32>} : memref<128xi32, #tpu.memory_space<vmem>>, vector<16xi32>,
      tpu.vector_store %arg19[%swap3A_342], %add3A_341 {strides = array<i32>} : memref<128xi32, #tpu.memory_space<vmem>>, vector<16xi32>,
      %broadcast_in_dim3A_344 = arith.constant 0 : i32
      %broadcast_in_dim3A_345 = vector.broadcast %broadcast_in_dim3A_344 : i32 to vector<16xi32>
      %swap3A_346 = arith.constant 0 : index
      %swap3A_347 = tpu.vector_load %arg20[%swap3A_346] {strides = array<i32>} : memref<128xi32, #tpu.memory_space<vmem>>, vector<16xi32>,
      tpu.vector_store %arg20[%swap3A_346], %broadcast_in_dim3A_345 {strides = array<i32>} : memref<128xi32, #tpu.memory_space<vmem>>, vector<16xi32>,
      %add3A_348 = arith.constant 16 : i32
      %add3A_349 = vector.broadcast %add3A_348 : i32 to vector<16xi32>
      %add3A_350 = arith.addi %add3A_349, %iota3A : vector<16xi32>
      %sub3A_351 = arith.constant 1 : i32
      %sub3A_352 = arith.subi %min3A_88, %sub3A_351 : i32
      %min3A_353 = vector.broadcast %sub3A_352 : i32 to vector<16xi32>
      %min3A_354 = arith.minsi %add3A_350, %min3A_353 : vector<16xi32>
      %add3A_355 = vector.broadcast %sub3A_81 : i32 to vector<16xi32>
      %add3A_356 = arith.addi %add3A_355, %min3A_354 : vector<16xi32>
      %swap3A_357 = arith.constant 16 : index
      %swap3A_358 = tpu.vector_load %arg19[%swap3A_357] {strides = array<i32>} : memref<128xi32, #tpu.memory_space<vmem>>, vector<16xi32>,
      tpu.vector_store %arg19[%swap3A_357], %add3A_356 {strides = array<i32>} : memref<128xi32, #tpu.memory_space<vmem>>, vector<16xi32>,
      %broadcast_in_dim3A_359 = arith.constant 0 : i32
      %broadcast_in_dim3A_360 = vector.broadcast %broadcast_in_dim3A_359 : i32 to vector<16xi32>
      %swap3A_361 = arith.constant 16 : index
      %swap3A_362 = tpu.vector_load %arg20[%swap3A_361] {strides = array<i32>} : memref<128xi32, #tpu.memory_space<vmem>>, vector<16xi32>,
      tpu.vector_store %arg20[%swap3A_361], %broadcast_in_dim3A_360 {strides = array<i32>} : memref<128xi32, #tpu.memory_space<vmem>>, vector<16xi32>,
      %add3A_363 = arith.constant 32 : i32
      %add3A_364 = vector.broadcast %add3A_363 : i32 to vector<16xi32>
      %add3A_365 = arith.addi %add3A_364, %iota3A : vector<16xi32>
      %sub3A_366 = arith.constant 1 : i32
      %sub3A_367 = arith.subi %min3A_88, %sub3A_366 : i32
      %min3A_368 = vector.broadcast %sub3A_367 : i32 to vector<16xi32>
      %min3A_369 = arith.minsi %add3A_365, %min3A_368 : vector<16xi32>
      %add3A_370 = vector.broadcast %sub3A_81 : i32 to vector<16xi32>
      %add3A_371 = arith.addi %add3A_370, %min3A_369 : vector<16xi32>
      %swap3A_372 = arith.constant 32 : index
      %swap3A_373 = tpu.vector_load %arg19[%swap3A_372] {strides = array<i32>} : memref<128xi32, #tpu.memory_space<vmem>>, vector<16xi32>,
      tpu.vector_store %arg19[%swap3A_372], %add3A_371 {strides = array<i32>} : memref<128xi32, #tpu.memory_space<vmem>>, vector<16xi32>,
      %broadcast_in_dim3A_374 = arith.constant 0 : i32
      %broadcast_in_dim3A_375 = vector.broadcast %broadcast_in_dim3A_374 : i32 to vector<16xi32>
      %swap3A_376 = arith.constant 32 : index
      %swap3A_377 = tpu.vector_load %arg20[%swap3A_376] {strides = array<i32>} : memref<128xi32, #tpu.memory_space<vmem>>, vector<16xi32>,
      tpu.vector_store %arg20[%swap3A_376], %broadcast_in_dim3A_375 {strides = array<i32>} : memref<128xi32, #tpu.memory_space<vmem>>, vector<16xi32>,
      %add3A_378 = arith.constant 48 : i32
      %add3A_379 = vector.broadcast %add3A_378 : i32 to vector<16xi32>
      %add3A_380 = arith.addi %add3A_379, %iota3A : vector<16xi32>
      %sub3A_381 = arith.constant 1 : i32
      %sub3A_382 = arith.subi %min3A_88, %sub3A_381 : i32
      %min3A_383 = vector.broadcast %sub3A_382 : i32 to vector<16xi32>
      %min3A_384 = arith.minsi %add3A_380, %min3A_383 : vector<16xi32>
      %add3A_385 = vector.broadcast %sub3A_81 : i32 to vector<16xi32>
      %add3A_386 = arith.addi %add3A_385, %min3A_384 : vector<16xi32>
      %swap3A_387 = arith.constant 48 : index
      %swap3A_388 = tpu.vector_load %arg19[%swap3A_387] {strides = array<i32>} : memref<128xi32, #tpu.memory_space<vmem>>, vector<16xi32>,
      tpu.vector_store %arg19[%swap3A_387], %add3A_386 {strides = array<i32>} : memref<128xi32, #tpu.memory_space<vmem>>, vector<16xi32>,
      %broadcast_in_dim3A_389 = arith.constant 0 : i32
      %broadcast_in_dim3A_390 = vector.broadcast %broadcast_in_dim3A_389 : i32 to vector<16xi32>
      %swap3A_391 = arith.constant 48 : index
      %swap3A_392 = tpu.vector_load %arg20[%swap3A_391] {strides = array<i32>} : memref<128xi32, #tpu.memory_space<vmem>>, vector<16xi32>,
      tpu.vector_store %arg20[%swap3A_391], %broadcast_in_dim3A_390 {strides = array<i32>} : memref<128xi32, #tpu.memory_space<vmem>>, vector<16xi32>,
      %add3A_393 = arith.constant 64 : i32
      %add3A_394 = vector.broadcast %add3A_393 : i32 to vector<16xi32>
      %add3A_395 = arith.addi %add3A_394, %iota3A : vector<16xi32>
      %sub3A_396 = arith.constant 1 : i32
      %sub3A_397 = arith.subi %min3A_88, %sub3A_396 : i32
      %min3A_398 = vector.broadcast %sub3A_397 : i32 to vector<16xi32>
      %min3A_399 = arith.minsi %add3A_395, %min3A_398 : vector<16xi32>
      %add3A_400 = vector.broadcast %sub3A_81 : i32 to vector<16xi32>
      %add3A_401 = arith.addi %add3A_400, %min3A_399 : vector<16xi32>
      %swap3A_402 = arith.constant 64 : index
      %swap3A_403 = tpu.vector_load %arg19[%swap3A_402] {strides = array<i32>} : memref<128xi32, #tpu.memory_space<vmem>>, vector<16xi32>,
      tpu.vector_store %arg19[%swap3A_402], %add3A_401 {strides = array<i32>} : memref<128xi32, #tpu.memory_space<vmem>>, vector<16xi32>,
      %broadcast_in_dim3A_404 = arith.constant 0 : i32
      %broadcast_in_dim3A_405 = vector.broadcast %broadcast_in_dim3A_404 : i32 to vector<16xi32>
      %swap3A_406 = arith.constant 64 : index
      %swap3A_407 = tpu.vector_load %arg20[%swap3A_406] {strides = array<i32>} : memref<128xi32, #tpu.memory_space<vmem>>, vector<16xi32>,
      tpu.vector_store %arg20[%swap3A_406], %broadcast_in_dim3A_405 {strides = array<i32>} : memref<128xi32, #tpu.memory_space<vmem>>, vector<16xi32>,
      %add3A_408 = arith.constant 80 : i32
      %add3A_409 = vector.broadcast %add3A_408 : i32 to vector<16xi32>
      %add3A_410 = arith.addi %add3A_409, %iota3A : vector<16xi32>
      %sub3A_411 = arith.constant 1 : i32
      %sub3A_412 = arith.subi %min3A_88, %sub3A_411 : i32
      %min3A_413 = vector.broadcast %sub3A_412 : i32 to vector<16xi32>
      %min3A_414 = arith.minsi %add3A_410, %min3A_413 : vector<16xi32>
      %add3A_415 = vector.broadcast %sub3A_81 : i32 to vector<16xi32>
      %add3A_416 = arith.addi %add3A_415, %min3A_414 : vector<16xi32>
      %swap3A_417 = arith.constant 80 : index
      %swap3A_418 = tpu.vector_load %arg19[%swap3A_417] {strides = array<i32>} : memref<128xi32, #tpu.memory_space<vmem>>, vector<16xi32>,
      tpu.vector_store %arg19[%swap3A_417], %add3A_416 {strides = array<i32>} : memref<128xi32, #tpu.memory_space<vmem>>, vector<16xi32>,
      %broadcast_in_dim3A_419 = arith.constant 0 : i32
      %broadcast_in_dim3A_420 = vector.broadcast %broadcast_in_dim3A_419 : i32 to vector<16xi32>
      %swap3A_421 = arith.constant 80 : index
      %swap3A_422 = tpu.vector_load %arg20[%swap3A_421] {strides = array<i32>} : memref<128xi32, #tpu.memory_space<vmem>>, vector<16xi32>,
      tpu.vector_store %arg20[%swap3A_421], %broadcast_in_dim3A_420 {strides = array<i32>} : memref<128xi32, #tpu.memory_space<vmem>>, vector<16xi32>,
      %add3A_423 = arith.constant 96 : i32
      %add3A_424 = vector.broadcast %add3A_423 : i32 to vector<16xi32>
      %add3A_425 = arith.addi %add3A_424, %iota3A : vector<16xi32>
      %sub3A_426 = arith.constant 1 : i32
      %sub3A_427 = arith.subi %min3A_88, %sub3A_426 : i32
      %min3A_428 = vector.broadcast %sub3A_427 : i32 to vector<16xi32>
      %min3A_429 = arith.minsi %add3A_425, %min3A_428 : vector<16xi32>
      %add3A_430 = vector.broadcast %sub3A_81 : i32 to vector<16xi32>
      %add3A_431 = arith.addi %add3A_430, %min3A_429 : vector<16xi32>
      %swap3A_432 = arith.constant 96 : index
      %swap3A_433 = tpu.vector_load %arg19[%swap3A_432] {strides = array<i32>} : memref<128xi32, #tpu.memory_space<vmem>>, vector<16xi32>,
      tpu.vector_store %arg19[%swap3A_432], %add3A_431 {strides = array<i32>} : memref<128xi32, #tpu.memory_space<vmem>>, vector<16xi32>,
      %broadcast_in_dim3A_434 = arith.constant 0 : i32
      %broadcast_in_dim3A_435 = vector.broadcast %broadcast_in_dim3A_434 : i32 to vector<16xi32>
      %swap3A_436 = arith.constant 96 : index
      %swap3A_437 = tpu.vector_load %arg20[%swap3A_436] {strides = array<i32>} : memref<128xi32, #tpu.memory_space<vmem>>, vector<16xi32>,
      tpu.vector_store %arg20[%swap3A_436], %broadcast_in_dim3A_435 {strides = array<i32>} : memref<128xi32, #tpu.memory_space<vmem>>, vector<16xi32>,
      %add3A_438 = arith.constant 112 : i32
      %add3A_439 = vector.broadcast %add3A_438 : i32 to vector<16xi32>
      %add3A_440 = arith.addi %add3A_439, %iota3A : vector<16xi32>
      %sub3A_441 = arith.constant 1 : i32
      %sub3A_442 = arith.subi %min3A_88, %sub3A_441 : i32
      %min3A_443 = vector.broadcast %sub3A_442 : i32 to vector<16xi32>
      %min3A_444 = arith.minsi %add3A_440, %min3A_443 : vector<16xi32>
      %add3A_445 = vector.broadcast %sub3A_81 : i32 to vector<16xi32>
      %add3A_446 = arith.addi %add3A_445, %min3A_444 : vector<16xi32>
      %swap3A_447 = arith.constant 112 : index
      %swap3A_448 = tpu.vector_load %arg19[%swap3A_447] {strides = array<i32>} : memref<128xi32, #tpu.memory_space<vmem>>, vector<16xi32>,
      tpu.vector_store %arg19[%swap3A_447], %add3A_446 {strides = array<i32>} : memref<128xi32, #tpu.memory_space<vmem>>, vector<16xi32>,
      %broadcast_in_dim3A_449 = arith.constant 0 : i32
      %broadcast_in_dim3A_450 = vector.broadcast %broadcast_in_dim3A_449 : i32 to vector<16xi32>
      %swap3A_451 = arith.constant 112 : index
      %swap3A_452 = tpu.vector_load %arg20[%swap3A_451] {strides = array<i32>} : memref<128xi32, #tpu.memory_space<vmem>>, vector<16xi32>,
      tpu.vector_store %arg20[%swap3A_451], %broadcast_in_dim3A_450 {strides = array<i32>} : memref<128xi32, #tpu.memory_space<vmem>>, vector<16xi32>,
      %dma_start3A = arith.constant 0 : i32
      %dma_start3A_453 = tpu.memref_slice %arg9[%dma_start3A] : memref<2097152xi32, #tpu.memory_space<hbm>> -> memref<2097152xi32, #tpu.memory_space<hbm>>
      tpu.enqueue_indirect_dma source(%arg20 : memref<128xi32, #tpu.memory_space<vmem>>) target(%dma_start3A_453 : memref<2097152xi32, #tpu.memory_space<hbm>>) offsets(%arg19 : memref<128xi32, #tpu.memory_space<vmem>>) semaphore(%arg22 : memref<!tpu.dma_semaphore, #tpu.memory_space<semaphore_mem>>)
      %dma_wait3A = arith.constant 0 : i32
      %dma_wait3A_454 = tpu.memref_slice %arg9[%dma_wait3A] : memref<2097152xi32, #tpu.memory_space<hbm>> -> memref<2097152xi32, #tpu.memory_space<hbm>>
      tpu.wait_indirect_dma semaphore(%arg22 : memref<!tpu.dma_semaphore, #tpu.memory_space<semaphore_mem>>) src(%arg20 : memref<128xi32, #tpu.memory_space<vmem>>) dst(%dma_wait3A_454 : memref<2097152xi32, #tpu.memory_space<hbm>>)
    } else {
    }
    %gt3A_317 = arith.constant 0 : i32
    %gt3A_318 = arith.cmpi sgt, %min3A_88, %gt3A_317 : i32
    %convert_element_type3A_319 = arith.extui %gt3A_318 : i1 to i32
    %cond3A_320 = arith.constant 0 : i32
    %cond3A_321 = arith.cmpi ne, %convert_element_type3A_319, %cond3A_320 : i32
    scf.if %cond3A_321 {
      %add3A_333 = arith.constant 0 : i32
      %add3A_334 = vector.broadcast %add3A_333 : i32 to vector<16xi32>
      %add3A_335 = arith.addi %add3A_334, %iota3A : vector<16xi32>
      %mul3A_336 = arith.constant 3 : i32
      %mul3A_337 = arith.muli %mul3A_336, %min3A_88 : i32
      %sub3A_338 = arith.constant 1 : i32
      %sub3A_339 = arith.subi %mul3A_337, %sub3A_338 : i32
      %min3A_340 = vector.broadcast %sub3A_339 : i32 to vector<16xi32>
      %min3A_341 = arith.minsi %add3A_335, %min3A_340 : vector<16xi32>
      %mul3A_342 = arith.constant 11 : i32
      %mul3A_343 = vector.broadcast %mul3A_342 : i32 to vector<16xi32>
      %mul3A_344 = arith.muli %min3A_341, %mul3A_343 : vector<16xi32>
      %shift_right_arithmetic3A_345 = arith.constant 5 : i32
      %shift_right_arithmetic3A_346 = vector.broadcast %shift_right_arithmetic3A_345 : i32 to vector<16xi32>
      %shift_right_arithmetic3A_347 = arith.shrsi %mul3A_344, %shift_right_arithmetic3A_346 : vector<16xi32>
      %mul3A_348 = arith.constant 3 : i32
      %mul3A_349 = vector.broadcast %mul3A_348 : i32 to vector<16xi32>
      %mul3A_350 = arith.muli %shift_right_arithmetic3A_347, %mul3A_349 : vector<16xi32>
      %sub3A_351 = arith.subi %min3A_341, %mul3A_350 : vector<16xi32>
      %add3A_352 = vector.broadcast %sub3A_81 : i32 to vector<16xi32>
      %add3A_353 = arith.addi %add3A_352, %shift_right_arithmetic3A_347 : vector<16xi32>
      %mul3A_354 = arith.constant 3 : i32
      %mul3A_355 = vector.broadcast %mul3A_354 : i32 to vector<16xi32>
      %mul3A_356 = arith.muli %add3A_353, %mul3A_355 : vector<16xi32>
      %add3A_357 = arith.addi %mul3A_356, %sub3A_351 : vector<16xi32>
      %swap3A_358 = arith.constant 0 : index
      %swap3A_359 = tpu.vector_load %arg19[%swap3A_358] {strides = array<i32>} : memref<128xi32, #tpu.memory_space<vmem>>, vector<16xi32>,
      tpu.vector_store %arg19[%swap3A_358], %add3A_357 {strides = array<i32>} : memref<128xi32, #tpu.memory_space<vmem>>, vector<16xi32>,
      %gather3A_360 = tpu.vector_load_idx %arg18[%sub3A_351] : memref<6144xf32, #tpu.memory_space<vmem>>[vector<16xi32>], vector<16xf32>,
      %swap3A_361 = arith.constant 0 : index
      %swap3A_362 = tpu.vector_load %arg21[%swap3A_361] {strides = array<i32>} : memref<128xf32, #tpu.memory_space<vmem>>, vector<16xf32>,
      tpu.vector_store %arg21[%swap3A_361], %gather3A_360 {strides = array<i32>} : memref<128xf32, #tpu.memory_space<vmem>>, vector<16xf32>,
      %add3A_363 = arith.constant 16 : i32
      %add3A_364 = vector.broadcast %add3A_363 : i32 to vector<16xi32>
      %add3A_365 = arith.addi %add3A_364, %iota3A : vector<16xi32>
      %mul3A_366 = arith.constant 3 : i32
      %mul3A_367 = arith.muli %mul3A_366, %min3A_88 : i32
      %sub3A_368 = arith.constant 1 : i32
      %sub3A_369 = arith.subi %mul3A_367, %sub3A_368 : i32
      %min3A_370 = vector.broadcast %sub3A_369 : i32 to vector<16xi32>
      %min3A_371 = arith.minsi %add3A_365, %min3A_370 : vector<16xi32>
      %mul3A_372 = arith.constant 11 : i32
      %mul3A_373 = vector.broadcast %mul3A_372 : i32 to vector<16xi32>
      %mul3A_374 = arith.muli %min3A_371, %mul3A_373 : vector<16xi32>
      %shift_right_arithmetic3A_375 = arith.constant 5 : i32
      %shift_right_arithmetic3A_376 = vector.broadcast %shift_right_arithmetic3A_375 : i32 to vector<16xi32>
      %shift_right_arithmetic3A_377 = arith.shrsi %mul3A_374, %shift_right_arithmetic3A_376 : vector<16xi32>
      %mul3A_378 = arith.constant 3 : i32
      %mul3A_379 = vector.broadcast %mul3A_378 : i32 to vector<16xi32>
      %mul3A_380 = arith.muli %shift_right_arithmetic3A_377, %mul3A_379 : vector<16xi32>
      %sub3A_381 = arith.subi %min3A_371, %mul3A_380 : vector<16xi32>
      %add3A_382 = vector.broadcast %sub3A_81 : i32 to vector<16xi32>
      %add3A_383 = arith.addi %add3A_382, %shift_right_arithmetic3A_377 : vector<16xi32>
      %mul3A_384 = arith.constant 3 : i32
      %mul3A_385 = vector.broadcast %mul3A_384 : i32 to vector<16xi32>
      %mul3A_386 = arith.muli %add3A_383, %mul3A_385 : vector<16xi32>
      %add3A_387 = arith.addi %mul3A_386, %sub3A_381 : vector<16xi32>
      %swap3A_388 = arith.constant 16 : index
      %swap3A_389 = tpu.vector_load %arg19[%swap3A_388] {strides = array<i32>} : memref<128xi32, #tpu.memory_space<vmem>>, vector<16xi32>,
      tpu.vector_store %arg19[%swap3A_388], %add3A_387 {strides = array<i32>} : memref<128xi32, #tpu.memory_space<vmem>>, vector<16xi32>,
      %gather3A_390 = tpu.vector_load_idx %arg18[%sub3A_381] : memref<6144xf32, #tpu.memory_space<vmem>>[vector<16xi32>], vector<16xf32>,
      %swap3A_391 = arith.constant 16 : index
      %swap3A_392 = tpu.vector_load %arg21[%swap3A_391] {strides = array<i32>} : memref<128xf32, #tpu.memory_space<vmem>>, vector<16xf32>,
      tpu.vector_store %arg21[%swap3A_391], %gather3A_390 {strides = array<i32>} : memref<128xf32, #tpu.memory_space<vmem>>, vector<16xf32>,
      %add3A_393 = arith.constant 32 : i32
      %add3A_394 = vector.broadcast %add3A_393 : i32 to vector<16xi32>
      %add3A_395 = arith.addi %add3A_394, %iota3A : vector<16xi32>
      %mul3A_396 = arith.constant 3 : i32
      %mul3A_397 = arith.muli %mul3A_396, %min3A_88 : i32
      %sub3A_398 = arith.constant 1 : i32
      %sub3A_399 = arith.subi %mul3A_397, %sub3A_398 : i32
      %min3A_400 = vector.broadcast %sub3A_399 : i32 to vector<16xi32>
      %min3A_401 = arith.minsi %add3A_395, %min3A_400 : vector<16xi32>
      %mul3A_402 = arith.constant 11 : i32
      %mul3A_403 = vector.broadcast %mul3A_402 : i32 to vector<16xi32>
      %mul3A_404 = arith.muli %min3A_401, %mul3A_403 : vector<16xi32>
      %shift_right_arithmetic3A_405 = arith.constant 5 : i32
      %shift_right_arithmetic3A_406 = vector.broadcast %shift_right_arithmetic3A_405 : i32 to vector<16xi32>
      %shift_right_arithmetic3A_407 = arith.shrsi %mul3A_404, %shift_right_arithmetic3A_406 : vector<16xi32>
      %mul3A_408 = arith.constant 3 : i32
      %mul3A_409 = vector.broadcast %mul3A_408 : i32 to vector<16xi32>
      %mul3A_410 = arith.muli %shift_right_arithmetic3A_407, %mul3A_409 : vector<16xi32>
      %sub3A_411 = arith.subi %min3A_401, %mul3A_410 : vector<16xi32>
      %add3A_412 = vector.broadcast %sub3A_81 : i32 to vector<16xi32>
      %add3A_413 = arith.addi %add3A_412, %shift_right_arithmetic3A_407 : vector<16xi32>
      %mul3A_414 = arith.constant 3 : i32
      %mul3A_415 = vector.broadcast %mul3A_414 : i32 to vector<16xi32>
      %mul3A_416 = arith.muli %add3A_413, %mul3A_415 : vector<16xi32>
      %add3A_417 = arith.addi %mul3A_416, %sub3A_411 : vector<16xi32>
      %swap3A_418 = arith.constant 32 : index
      %swap3A_419 = tpu.vector_load %arg19[%swap3A_418] {strides = array<i32>} : memref<128xi32, #tpu.memory_space<vmem>>, vector<16xi32>,
      tpu.vector_store %arg19[%swap3A_418], %add3A_417 {strides = array<i32>} : memref<128xi32, #tpu.memory_space<vmem>>, vector<16xi32>,
      %gather3A_420 = tpu.vector_load_idx %arg18[%sub3A_411] : memref<6144xf32, #tpu.memory_space<vmem>>[vector<16xi32>], vector<16xf32>,
      %swap3A_421 = arith.constant 32 : index
      %swap3A_422 = tpu.vector_load %arg21[%swap3A_421] {strides = array<i32>} : memref<128xf32, #tpu.memory_space<vmem>>, vector<16xf32>,
      tpu.vector_store %arg21[%swap3A_421], %gather3A_420 {strides = array<i32>} : memref<128xf32, #tpu.memory_space<vmem>>, vector<16xf32>,
      %add3A_423 = arith.constant 48 : i32
      %add3A_424 = vector.broadcast %add3A_423 : i32 to vector<16xi32>
      %add3A_425 = arith.addi %add3A_424, %iota3A : vector<16xi32>
      %mul3A_426 = arith.constant 3 : i32
      %mul3A_427 = arith.muli %mul3A_426, %min3A_88 : i32
      %sub3A_428 = arith.constant 1 : i32
      %sub3A_429 = arith.subi %mul3A_427, %sub3A_428 : i32
      %min3A_430 = vector.broadcast %sub3A_429 : i32 to vector<16xi32>
      %min3A_431 = arith.minsi %add3A_425, %min3A_430 : vector<16xi32>
      %mul3A_432 = arith.constant 11 : i32
      %mul3A_433 = vector.broadcast %mul3A_432 : i32 to vector<16xi32>
      %mul3A_434 = arith.muli %min3A_431, %mul3A_433 : vector<16xi32>
      %shift_right_arithmetic3A_435 = arith.constant 5 : i32
      %shift_right_arithmetic3A_436 = vector.broadcast %shift_right_arithmetic3A_435 : i32 to vector<16xi32>
      %shift_right_arithmetic3A_437 = arith.shrsi %mul3A_434, %shift_right_arithmetic3A_436 : vector<16xi32>
      %mul3A_438 = arith.constant 3 : i32
      %mul3A_439 = vector.broadcast %mul3A_438 : i32 to vector<16xi32>
      %mul3A_440 = arith.muli %shift_right_arithmetic3A_437, %mul3A_439 : vector<16xi32>
      %sub3A_441 = arith.subi %min3A_431, %mul3A_440 : vector<16xi32>
      %add3A_442 = vector.broadcast %sub3A_81 : i32 to vector<16xi32>
      %add3A_443 = arith.addi %add3A_442, %shift_right_arithmetic3A_437 : vector<16xi32>
      %mul3A_444 = arith.constant 3 : i32
      %mul3A_445 = vector.broadcast %mul3A_444 : i32 to vector<16xi32>
      %mul3A_446 = arith.muli %add3A_443, %mul3A_445 : vector<16xi32>
      %add3A_447 = arith.addi %mul3A_446, %sub3A_441 : vector<16xi32>
      %swap3A_448 = arith.constant 48 : index
      %swap3A_449 = tpu.vector_load %arg19[%swap3A_448] {strides = array<i32>} : memref<128xi32, #tpu.memory_space<vmem>>, vector<16xi32>,
      tpu.vector_store %arg19[%swap3A_448], %add3A_447 {strides = array<i32>} : memref<128xi32, #tpu.memory_space<vmem>>, vector<16xi32>,
      %gather3A_450 = tpu.vector_load_idx %arg18[%sub3A_441] : memref<6144xf32, #tpu.memory_space<vmem>>[vector<16xi32>], vector<16xf32>,
      %swap3A_451 = arith.constant 48 : index
      %swap3A_452 = tpu.vector_load %arg21[%swap3A_451] {strides = array<i32>} : memref<128xf32, #tpu.memory_space<vmem>>, vector<16xf32>,
      tpu.vector_store %arg21[%swap3A_451], %gather3A_450 {strides = array<i32>} : memref<128xf32, #tpu.memory_space<vmem>>, vector<16xf32>,
      %add3A_453 = arith.constant 64 : i32
      %add3A_454 = vector.broadcast %add3A_453 : i32 to vector<16xi32>
      %add3A_455 = arith.addi %add3A_454, %iota3A : vector<16xi32>
      %mul3A_456 = arith.constant 3 : i32
      %mul3A_457 = arith.muli %mul3A_456, %min3A_88 : i32
      %sub3A_458 = arith.constant 1 : i32
      %sub3A_459 = arith.subi %mul3A_457, %sub3A_458 : i32
      %min3A_460 = vector.broadcast %sub3A_459 : i32 to vector<16xi32>
      %min3A_461 = arith.minsi %add3A_455, %min3A_460 : vector<16xi32>
      %mul3A_462 = arith.constant 11 : i32
      %mul3A_463 = vector.broadcast %mul3A_462 : i32 to vector<16xi32>
      %mul3A_464 = arith.muli %min3A_461, %mul3A_463 : vector<16xi32>
      %shift_right_arithmetic3A_465 = arith.constant 5 : i32
      %shift_right_arithmetic3A_466 = vector.broadcast %shift_right_arithmetic3A_465 : i32 to vector<16xi32>
      %shift_right_arithmetic3A_467 = arith.shrsi %mul3A_464, %shift_right_arithmetic3A_466 : vector<16xi32>
      %mul3A_468 = arith.constant 3 : i32
      %mul3A_469 = vector.broadcast %mul3A_468 : i32 to vector<16xi32>
      %mul3A_470 = arith.muli %shift_right_arithmetic3A_467, %mul3A_469 : vector<16xi32>
      %sub3A_471 = arith.subi %min3A_461, %mul3A_470 : vector<16xi32>
      %add3A_472 = vector.broadcast %sub3A_81 : i32 to vector<16xi32>
      %add3A_473 = arith.addi %add3A_472, %shift_right_arithmetic3A_467 : vector<16xi32>
      %mul3A_474 = arith.constant 3 : i32
      %mul3A_475 = vector.broadcast %mul3A_474 : i32 to vector<16xi32>
      %mul3A_476 = arith.muli %add3A_473, %mul3A_475 : vector<16xi32>
      %add3A_477 = arith.addi %mul3A_476, %sub3A_471 : vector<16xi32>
      %swap3A_478 = arith.constant 64 : index
      %swap3A_479 = tpu.vector_load %arg19[%swap3A_478] {strides = array<i32>} : memref<128xi32, #tpu.memory_space<vmem>>, vector<16xi32>,
      tpu.vector_store %arg19[%swap3A_478], %add3A_477 {strides = array<i32>} : memref<128xi32, #tpu.memory_space<vmem>>, vector<16xi32>,
      %gather3A_480 = tpu.vector_load_idx %arg18[%sub3A_471] : memref<6144xf32, #tpu.memory_space<vmem>>[vector<16xi32>], vector<16xf32>,
      %swap3A_481 = arith.constant 64 : index
      %swap3A_482 = tpu.vector_load %arg21[%swap3A_481] {strides = array<i32>} : memref<128xf32, #tpu.memory_space<vmem>>, vector<16xf32>,
      tpu.vector_store %arg21[%swap3A_481], %gather3A_480 {strides = array<i32>} : memref<128xf32, #tpu.memory_space<vmem>>, vector<16xf32>,
      %add3A_483 = arith.constant 80 : i32
      %add3A_484 = vector.broadcast %add3A_483 : i32 to vector<16xi32>
      %add3A_485 = arith.addi %add3A_484, %iota3A : vector<16xi32>
      %mul3A_486 = arith.constant 3 : i32
      %mul3A_487 = arith.muli %mul3A_486, %min3A_88 : i32
      %sub3A_488 = arith.constant 1 : i32
      %sub3A_489 = arith.subi %mul3A_487, %sub3A_488 : i32
      %min3A_490 = vector.broadcast %sub3A_489 : i32 to vector<16xi32>
      %min3A_491 = arith.minsi %add3A_485, %min3A_490 : vector<16xi32>
      %mul3A_492 = arith.constant 11 : i32
      %mul3A_493 = vector.broadcast %mul3A_492 : i32 to vector<16xi32>
      %mul3A_494 = arith.muli %min3A_491, %mul3A_493 : vector<16xi32>
      %shift_right_arithmetic3A_495 = arith.constant 5 : i32
      %shift_right_arithmetic3A_496 = vector.broadcast %shift_right_arithmetic3A_495 : i32 to vector<16xi32>
      %shift_right_arithmetic3A_497 = arith.shrsi %mul3A_494, %shift_right_arithmetic3A_496 : vector<16xi32>
      %mul3A_498 = arith.constant 3 : i32
      %mul3A_499 = vector.broadcast %mul3A_498 : i32 to vector<16xi32>
      %mul3A_500 = arith.muli %shift_right_arithmetic3A_497, %mul3A_499 : vector<16xi32>
      %sub3A_501 = arith.subi %min3A_491, %mul3A_500 : vector<16xi32>
      %add3A_502 = vector.broadcast %sub3A_81 : i32 to vector<16xi32>
      %add3A_503 = arith.addi %add3A_502, %shift_right_arithmetic3A_497 : vector<16xi32>
      %mul3A_504 = arith.constant 3 : i32
      %mul3A_505 = vector.broadcast %mul3A_504 : i32 to vector<16xi32>
      %mul3A_506 = arith.muli %add3A_503, %mul3A_505 : vector<16xi32>
      %add3A_507 = arith.addi %mul3A_506, %sub3A_501 : vector<16xi32>
      %swap3A_508 = arith.constant 80 : index
      %swap3A_509 = tpu.vector_load %arg19[%swap3A_508] {strides = array<i32>} : memref<128xi32, #tpu.memory_space<vmem>>, vector<16xi32>,
      tpu.vector_store %arg19[%swap3A_508], %add3A_507 {strides = array<i32>} : memref<128xi32, #tpu.memory_space<vmem>>, vector<16xi32>,
      %gather3A_510 = tpu.vector_load_idx %arg18[%sub3A_501] : memref<6144xf32, #tpu.memory_space<vmem>>[vector<16xi32>], vector<16xf32>,
      %swap3A_511 = arith.constant 80 : index
      %swap3A_512 = tpu.vector_load %arg21[%swap3A_511] {strides = array<i32>} : memref<128xf32, #tpu.memory_space<vmem>>, vector<16xf32>,
      tpu.vector_store %arg21[%swap3A_511], %gather3A_510 {strides = array<i32>} : memref<128xf32, #tpu.memory_space<vmem>>, vector<16xf32>,
      %add3A_513 = arith.constant 96 : i32
      %add3A_514 = vector.broadcast %add3A_513 : i32 to vector<16xi32>
      %add3A_515 = arith.addi %add3A_514, %iota3A : vector<16xi32>
      %mul3A_516 = arith.constant 3 : i32
      %mul3A_517 = arith.muli %mul3A_516, %min3A_88 : i32
      %sub3A_518 = arith.constant 1 : i32
      %sub3A_519 = arith.subi %mul3A_517, %sub3A_518 : i32
      %min3A_520 = vector.broadcast %sub3A_519 : i32 to vector<16xi32>
      %min3A_521 = arith.minsi %add3A_515, %min3A_520 : vector<16xi32>
      %mul3A_522 = arith.constant 11 : i32
      %mul3A_523 = vector.broadcast %mul3A_522 : i32 to vector<16xi32>
      %mul3A_524 = arith.muli %min3A_521, %mul3A_523 : vector<16xi32>
      %shift_right_arithmetic3A_525 = arith.constant 5 : i32
      %shift_right_arithmetic3A_526 = vector.broadcast %shift_right_arithmetic3A_525 : i32 to vector<16xi32>
      %shift_right_arithmetic3A_527 = arith.shrsi %mul3A_524, %shift_right_arithmetic3A_526 : vector<16xi32>
      %mul3A_528 = arith.constant 3 : i32
      %mul3A_529 = vector.broadcast %mul3A_528 : i32 to vector<16xi32>
      %mul3A_530 = arith.muli %shift_right_arithmetic3A_527, %mul3A_529 : vector<16xi32>
      %sub3A_531 = arith.subi %min3A_521, %mul3A_530 : vector<16xi32>
      %add3A_532 = vector.broadcast %sub3A_81 : i32 to vector<16xi32>
      %add3A_533 = arith.addi %add3A_532, %shift_right_arithmetic3A_527 : vector<16xi32>
      %mul3A_534 = arith.constant 3 : i32
      %mul3A_535 = vector.broadcast %mul3A_534 : i32 to vector<16xi32>
      %mul3A_536 = arith.muli %add3A_533, %mul3A_535 : vector<16xi32>
      %add3A_537 = arith.addi %mul3A_536, %sub3A_531 : vector<16xi32>
      %swap3A_538 = arith.constant 96 : index
      %swap3A_539 = tpu.vector_load %arg19[%swap3A_538] {strides = array<i32>} : memref<128xi32, #tpu.memory_space<vmem>>, vector<16xi32>,
      tpu.vector_store %arg19[%swap3A_538], %add3A_537 {strides = array<i32>} : memref<128xi32, #tpu.memory_space<vmem>>, vector<16xi32>,
      %gather3A_540 = tpu.vector_load_idx %arg18[%sub3A_531] : memref<6144xf32, #tpu.memory_space<vmem>>[vector<16xi32>], vector<16xf32>,
      %swap3A_541 = arith.constant 96 : index
      %swap3A_542 = tpu.vector_load %arg21[%swap3A_541] {strides = array<i32>} : memref<128xf32, #tpu.memory_space<vmem>>, vector<16xf32>,
      tpu.vector_store %arg21[%swap3A_541], %gather3A_540 {strides = array<i32>} : memref<128xf32, #tpu.memory_space<vmem>>, vector<16xf32>,
      %add3A_543 = arith.constant 112 : i32
      %add3A_544 = vector.broadcast %add3A_543 : i32 to vector<16xi32>
      %add3A_545 = arith.addi %add3A_544, %iota3A : vector<16xi32>
      %mul3A_546 = arith.constant 3 : i32
      %mul3A_547 = arith.muli %mul3A_546, %min3A_88 : i32
      %sub3A_548 = arith.constant 1 : i32
      %sub3A_549 = arith.subi %mul3A_547, %sub3A_548 : i32
      %min3A_550 = vector.broadcast %sub3A_549 : i32 to vector<16xi32>
      %min3A_551 = arith.minsi %add3A_545, %min3A_550 : vector<16xi32>
      %mul3A_552 = arith.constant 11 : i32
      %mul3A_553 = vector.broadcast %mul3A_552 : i32 to vector<16xi32>
      %mul3A_554 = arith.muli %min3A_551, %mul3A_553 : vector<16xi32>
      %shift_right_arithmetic3A_555 = arith.constant 5 : i32
      %shift_right_arithmetic3A_556 = vector.broadcast %shift_right_arithmetic3A_555 : i32 to vector<16xi32>
      %shift_right_arithmetic3A_557 = arith.shrsi %mul3A_554, %shift_right_arithmetic3A_556 : vector<16xi32>
      %mul3A_558 = arith.constant 3 : i32
      %mul3A_559 = vector.broadcast %mul3A_558 : i32 to vector<16xi32>
      %mul3A_560 = arith.muli %shift_right_arithmetic3A_557, %mul3A_559 : vector<16xi32>
      %sub3A_561 = arith.subi %min3A_551, %mul3A_560 : vector<16xi32>
      %add3A_562 = vector.broadcast %sub3A_81 : i32 to vector<16xi32>
      %add3A_563 = arith.addi %add3A_562, %shift_right_arithmetic3A_557 : vector<16xi32>
      %mul3A_564 = arith.constant 3 : i32
      %mul3A_565 = vector.broadcast %mul3A_564 : i32 to vector<16xi32>
      %mul3A_566 = arith.muli %add3A_563, %mul3A_565 : vector<16xi32>
      %add3A_567 = arith.addi %mul3A_566, %sub3A_561 : vector<16xi32>
      %swap3A_568 = arith.constant 112 : index
      %swap3A_569 = tpu.vector_load %arg19[%swap3A_568] {strides = array<i32>} : memref<128xi32, #tpu.memory_space<vmem>>, vector<16xi32>,
      tpu.vector_store %arg19[%swap3A_568], %add3A_567 {strides = array<i32>} : memref<128xi32, #tpu.memory_space<vmem>>, vector<16xi32>,
      %gather3A_570 = tpu.vector_load_idx %arg18[%sub3A_561] : memref<6144xf32, #tpu.memory_space<vmem>>[vector<16xi32>], vector<16xf32>,
      %swap3A_571 = arith.constant 112 : index
      %swap3A_572 = tpu.vector_load %arg21[%swap3A_571] {strides = array<i32>} : memref<128xf32, #tpu.memory_space<vmem>>, vector<16xf32>,
      tpu.vector_store %arg21[%swap3A_571], %gather3A_570 {strides = array<i32>} : memref<128xf32, #tpu.memory_space<vmem>>, vector<16xf32>,
      %dma_start3A = arith.constant 0 : i32
      %dma_start3A_573 = tpu.memref_slice %arg8[%dma_start3A] : memref<6291456xf32, #tpu.memory_space<hbm>> -> memref<6291456xf32, #tpu.memory_space<hbm>>
      tpu.enqueue_indirect_dma source(%arg21 : memref<128xf32, #tpu.memory_space<vmem>>) target(%dma_start3A_573 : memref<6291456xf32, #tpu.memory_space<hbm>>) offsets(%arg19 : memref<128xi32, #tpu.memory_space<vmem>>) semaphore(%arg22 : memref<!tpu.dma_semaphore, #tpu.memory_space<semaphore_mem>>)
      %dma_wait3A = arith.constant 0 : i32
      %dma_wait3A_574 = tpu.memref_slice %arg8[%dma_wait3A] : memref<6291456xf32, #tpu.memory_space<hbm>> -> memref<6291456xf32, #tpu.memory_space<hbm>>
      tpu.wait_indirect_dma semaphore(%arg22 : memref<!tpu.dma_semaphore, #tpu.memory_space<semaphore_mem>>) src(%arg21 : memref<128xf32, #tpu.memory_space<vmem>>) dst(%dma_wait3A_574 : memref<6291456xf32, #tpu.memory_space<hbm>>)
    } else {
    }
    %while3A_322 = arith.constant 0 : i32
    %while3A_323 = arith.subi %shift_right_arithmetic3A_92, %while3A_322 : i32
    %while3A_324 = arith.addi %while3A_322, %while3A_323 : i32
    %while3A_325 = arith.constant 1 : i32
    %while3A_326 = arith.divsi %while3A_323, %while3A_325 : i32
    %while3A_327 = arith.muli %while3A_326, %while3A_325 : i32
    %while3A_328 = arith.addi %while3A_322, %while3A_327 : i32
    %while3A_329 = arith.constant 1 : i32
    %while3A_330 = scf.for %while3A_333 = %while3A_322 to %while3A_328 step %while3A_329 iter_args(%while3A_334 = %add3A_89) -> (i32)  : i32 {
      %multiple_of3A = tpu.assume_multiple %while3A_334, 8 : i32
      %dma_wait3A = tpu.memref_slice %arg9[%multiple_of3A] : memref<2097152xi32, #tpu.memory_space<hbm>> -> memref<2048xi32, #tpu.memory_space<hbm>>
      %dma_wait3A_335 = tpu.memref_slice %arg9[%multiple_of3A] : memref<2097152xi32, #tpu.memory_space<hbm>> -> memref<2048xi32, #tpu.memory_space<hbm>>
      tpu.wait_dma2 semaphore(%arg23 : memref<!tpu.dma_semaphore, #tpu.memory_space<semaphore_mem>>) src(%arg17 : memref<2048xi32, #tpu.memory_space<vmem>>) dst(%dma_wait3A_335 : memref<2048xi32, #tpu.memory_space<hbm>>)
      %mul3A_336 = arith.constant 3 : i32
      %mul3A_337 = arith.muli %while3A_334, %mul3A_336 : i32
      %multiple_of3A_338 = tpu.assume_multiple %mul3A_337, 8 : i32
      %dma_wait3A_339 = tpu.memref_slice %arg8[%multiple_of3A_338] : memref<6291456xf32, #tpu.memory_space<hbm>> -> memref<6144xf32, #tpu.memory_space<hbm>>
      %dma_wait3A_340 = tpu.memref_slice %arg8[%multiple_of3A_338] : memref<6291456xf32, #tpu.memory_space<hbm>> -> memref<6144xf32, #tpu.memory_space<hbm>>
      tpu.wait_dma2 semaphore(%arg23 : memref<!tpu.dma_semaphore, #tpu.memory_space<semaphore_mem>>) src(%arg18 : memref<6144xf32, #tpu.memory_space<vmem>>) dst(%dma_wait3A_340 : memref<6144xf32, #tpu.memory_space<hbm>>)
      %add3A_341 = arith.constant 2048 : i32
      %add3A_342 = arith.addi %while3A_334, %add3A_341 : i32
      scf.yield %add3A_342 : i32
    }
    %while3A_331 = arith.constant 1 : i32
    %while3A_332 = scf.for %while3A_333 = %while3A_328 to %while3A_324 step %while3A_331 iter_args(%while3A_334 = %while3A_330) -> (i32)  : i32 {
      %multiple_of3A = tpu.assume_multiple %while3A_334, 8 : i32
      %dma_wait3A = tpu.memref_slice %arg9[%multiple_of3A] : memref<2097152xi32, #tpu.memory_space<hbm>> -> memref<2048xi32, #tpu.memory_space<hbm>>
      %dma_wait3A_335 = tpu.memref_slice %arg9[%multiple_of3A] : memref<2097152xi32, #tpu.memory_space<hbm>> -> memref<2048xi32, #tpu.memory_space<hbm>>
      tpu.wait_dma2 semaphore(%arg23 : memref<!tpu.dma_semaphore, #tpu.memory_space<semaphore_mem>>) src(%arg17 : memref<2048xi32, #tpu.memory_space<vmem>>) dst(%dma_wait3A_335 : memref<2048xi32, #tpu.memory_space<hbm>>)
      %mul3A_336 = arith.constant 3 : i32
      %mul3A_337 = arith.muli %while3A_334, %mul3A_336 : i32
      %multiple_of3A_338 = tpu.assume_multiple %mul3A_337, 8 : i32
      %dma_wait3A_339 = tpu.memref_slice %arg8[%multiple_of3A_338] : memref<6291456xf32, #tpu.memory_space<hbm>> -> memref<6144xf32, #tpu.memory_space<hbm>>
      %dma_wait3A_340 = tpu.memref_slice %arg8[%multiple_of3A_338] : memref<6291456xf32, #tpu.memory_space<hbm>> -> memref<6144xf32, #tpu.memory_space<hbm>>
      tpu.wait_dma2 semaphore(%arg23 : memref<!tpu.dma_semaphore, #tpu.memory_space<semaphore_mem>>) src(%arg18 : memref<6144xf32, #tpu.memory_space<vmem>>) dst(%dma_wait3A_340 : memref<6144xf32, #tpu.memory_space<hbm>>)
      %add3A_341 = arith.constant 2048 : i32
      %add3A_342 = arith.addi %while3A_334, %add3A_341 : i32
      scf.yield %add3A_342 : i32
    }
    return
  }
}

</mosaic_0001>

<sc_bundles>
// kernel: kernel.4.cloned.1.call-start
scs
__scs_entry_jumppad:
0x0: {  	(pc) =	sbr.rel $0x88, $3  }
0x1: {  	(tag) =	ssettag $0x0;
	lr =	simm.s32 $0x1  }
0x2: {  	[smem:$0x3F9E] =	sst lr;
	_ =	strace $0xD0000000  }
0x3: {  	_ = 	snop  }
0x4: {  	_ = 	snop  }
0x5: {  	_ = 	snop  }
0x6: {  	_ = 	snop  }
0x7: {  	_ = 	snop  }
__scs_overlays_trampoline_lowered:
0x8: {  	[smem:$0x3FAD] =	sst s0  }
0x9: {  	[smem:$0x3FAE] =	sst s1  }
0xa: {  	[smem:$0x3FAF] =	sst s2  }
0xb: {  	[smem:$0x3FB0] =	sst s3  }
0xc: {  	[smem:$0x3FB1] =	sst s4  }
0xd: {  	[smem:$0x3FB2] =	sst s5  }
0xe: {  	[smem:$0x3FB3] =	sst s6  }
0xf: {  	[smem:$0x3FB4] =	sst s7  }
0x10: {  	[smem:$0x3FB5] =	sst s8  }
0x11: {  	[smem:$0x3FB6] =	sst s9;
	s0 =	simm.s32 @!p0 $0x0  }
0x12: {  	s1 =	sld [smem:$0x3F9C];
	s0 =	simm.s32 @p0 $0x1  }
0x13: {  	[smem:$0x3FB7] =	sst s0;
	s0 =	simm.s32 @!p1 $0x0  }
0x14: {  	s2 =	sld [smem:$0x3F9B];
	s0 =	simm.s32 @p1 $0x1  }
0x15: {  	[smem:$0x3FB8] =	sst s0;
	s0 =	simm.s32 @!p2 $0x0  }
0x16: {  	s3 =	sld [smem:$0x3FDB];
	s0 =	simm.s32 @p2 $0x1  }
0x17: {  	s4 =	simm.s32 $0x1BF5;
	[smem:$0x3FBA] =	sst s0  }
0x18: {  	s0 =	sld [smem:$0x3F9D];
	_ =	swait.ge [sflag:s4], $0x0  }
0x19: {  	s7 =	sld [smem:$0x3F9E]  }
0x1a: {  	s8 =	sadd.s32 $0xFFFFE003, lr  }
0x1b: {  	s9 =	sadd.s32 $0xFFFFFEF7, lr;
	s5 =	simm.s32 $0xFFFFFFFF;
	p2 =	slt.u32 s8, $0xFFFFF086  }
0x1c: {  	p1 =	slt.u32 s9, $0xF7A;
	s5 =	simm.s32 @!p2 $0x0  }
0x1d: {  	s5 =	simm.s32 @p1 $0x1;
	p0 =	seq.s32 s7, s2  }
0x1e: {  	s7 =	smul.u32 @!p0 $0xF7A, s2;
	p2 =	seq.s32 @!p0 s5, $0x0  }
0x1f: {  	s9 =	smul.u32 $0xF7A, s1;
	s8 =	simm.s32 @!p0 $0x1BF5;
	p2 =	por !p2, p0  }
0x20: {  	[sflag:s8] =	ssyncset.s32 @!p0 $0xFFFFF086;
	s6 =	sadd.s32 @!p0 s3, s7;
	s7 =	simm.s32 @!p0 $0x108  }
0x21: {  	s3 =	sadd.s32 s3, s9;
	s6 =	sadd.s32 @!p0 $0x88, s6;
	s7 =	simm.s32 @p2 $0x1082  }
0x22: {  	[simem:s7], [sflag:s8] =	dma.local @!p0 [hbm:s6], $0xF7A  }
0x23: {  	s9 =	sor.u32 $0xD0000000, s2;
	s6 =	simm.s32 $0x108;
	_ =	swait.ge @!p0 [sflag:s8], $0x0  }
0x24: {  	s3 =	sadd.s32 $0x88, s3;
	s6 =	simm.s32 @!p1 $0x1082;
	[sflag:s4] =	ssyncset.s32 $0xFFFFF086  }
0x25: {  	[simem:s6], [sflag:s4] =	dma.local [hbm:s3], $0xF7A  }
0x26: {  	[smem:$0x3F9E] =	sst s1;
	(tag) =	ssettag s2;
	_ =	strace s9  }
0x27: {  	s1 =	sld [smem:$0x3FAE]  }
0x28: {  	s2 =	sld [smem:$0x3FAF]  }
0x29: {  	s4 =	sld [smem:$0x3FB1]  }
0x2a: {  	p0 =	seq.s32 s5, $0x0;
	s5 =	sld [smem:$0x3FB2]  }
0x2b: {  	s6 =	sld [smem:$0x3FB3]  }
0x2c: {  	s7 =	sld [smem:$0x3FB4]  }
0x2d: {  	s3 =	simm.s32 $0x108;
	s8 =	sld [smem:$0x3FB5]  }
0x2e: {  	s3 =	simm.s32 @!p0 $0x1082;
	s9 =	sld [smem:$0x3FB6]  }
0x2f: {  	lr =	sadd.s32 s0, s3;
	s0 =	sld [smem:$0x3FAD]  }
0x30: {  	s3 =	sld [smem:$0x3FB0]  }
0x31: {  	[smem:$0x3FB9] =	sst s10  }
0x32: {  	s10 =	sld [smem:$0x3FB7];
	_ =	sdelay $0x3  }
0x33: {  	p0 =	seq.s32 s10, $0x1;
	s10 =	sld [smem:$0x3FB9];
	_ =	sdelay $0x3  }
0x34: {  	[smem:$0x3FB9] =	sst s10  }
0x35: {  	s10 =	sld [smem:$0x3FB8];
	_ =	sdelay $0x3  }
0x36: {  	p1 =	seq.s32 s10, $0x1;
	s10 =	sld [smem:$0x3FB9];
	_ =	sdelay $0x3  }
0x37: {  	[smem:$0x3FB9] =	sst s10  }
0x38: {  	s10 =	sld [smem:$0x3FBA]  }
0x39: {  	_ = 	snop;
	(pc) =	sbr.ind lr, $3  }
0x3a: {  	_ = 	snop  }
0x3b: {  	_ = 	snop  }
0x3c: {  	p2 =	seq.s32 s10, $0x1;
	s10 =	sld [smem:$0x3FB9]  }
0x3d: {  	_ =	shalt  }
0x3e: {  	_ =	shalt  }
0x3f: {  	_ =	shalt  }
0x40: {  	_ =	shalt  }
0x41: {  	_ =	shalt  }
0x42: {  	_ =	shalt  }
0x43: {  	_ =	shalt  }
0x44: {  	_ =	shalt  }
0x45: {  	_ =	shalt  }
0x46: {  	_ =	shalt  }
0x47: {  	_ =	shalt  }
0x48: {  	_ =	shalt  }
0x49: {  	_ =	shalt  }
0x4a: {  	_ =	shalt  }
0x4b: {  	_ =	shalt  }
0x4c: {  	_ =	shalt  }
0x4d: {  	_ =	shalt  }
0x4e: {  	_ =	shalt  }
0x4f: {  	_ =	shalt  }
0x50: {  	_ =	shalt  }
0x51: {  	_ =	shalt  }
0x52: {  	_ =	shalt  }
0x53: {  	_ =	shalt  }
0x54: {  	_ =	shalt  }
0x55: {  	_ =	shalt  }
0x56: {  	_ =	shalt  }
0x57: {  	_ =	shalt  }
0x58: {  	_ =	shalt  }
0x59: {  	_ =	shalt  }
0x5a: {  	_ =	shalt  }
0x5b: {  	_ =	shalt  }
0x5c: {  	_ =	shalt  }
0x5d: {  	_ =	shalt  }
0x5e: {  	_ =	shalt  }
0x5f: {  	_ =	shalt  }
0x60: {  	_ =	shalt  }
0x61: {  	_ =	shalt  }
0x62: {  	_ =	shalt  }
0x63: {  	_ =	shalt  }
0x64: {  	_ =	shalt  }
0x65: {  	_ =	shalt  }
0x66: {  	_ =	shalt  }
0x67: {  	_ =	shalt  }
0x68: {  	_ =	shalt  }
0x69: {  	_ =	shalt  }
0x6a: {  	_ =	shalt  }
0x6b: {  	_ =	shalt  }
0x6c: {  	_ =	shalt  }
0x6d: {  	_ =	shalt  }
0x6e: {  	_ =	shalt  }
0x6f: {  	_ =	shalt  }
0x70: {  	_ =	shalt  }
0x71: {  	_ =	shalt  }
0x72: {  	_ =	shalt  }
0x73: {  	_ =	shalt  }
0x74: {  	_ =	shalt  }
0x75: {  	_ =	shalt  }
0x76: {  	_ =	shalt  }
0x77: {  	_ =	shalt  }
0x78: {  	_ =	shalt  }
0x79: {  	_ =	shalt  }
0x7a: {  	_ =	shalt  }
0x7b: {  	_ =	shalt  }
0x7c: {  	_ =	shalt  }
0x7d: {  	_ =	shalt  }
0x7e: {  	_ =	shalt  }
0x7f: {  	_ =	shalt  }
0x80: {  	_ =	shalt  }
0x81: {  	_ =	shalt  }
0x82: {  	_ =	shalt  }
0x83: {  	_ =	shalt  }
0x84: {  	_ =	shalt  }
0x85: {  	_ =	shalt  }
0x86: {  	_ =	shalt  }
0x87: {  	_ =	shalt  }
.Lfunc_end0:
.L_simem_size_0:
called_computation_lowered:
.L_overlay_start_0:
0x88: {  	s2 =	sld [smem:$0x3FD9]  }
0x89: {  	s3 =	sld [smem:$0x3FFE];
	_ =	sdelay $0x1  }
0x8a: {  	s1 =	srdreg.scid  }
0x8b: {  	s0 =	sand.u32 $0x1, s1  }
0x8c: {  	s16 =	sshll.u32 s0, $0xA;
	s2 =	sadd.s32 s3, s2  }
0x8d: {  	s2 =	sadd.s32 s2, s16  }
0x8e: {  	[smem:$0x3FC5] =	sst s2  }
0x8f: {  	_ = 	snop  }
0x90: {  	(tm) =	ssettm $0x1  }
0x91: {  	s17 =	sld [smem:$0x3FFB];
	_ =	sdelay $0x3  }
0x92: {  	_ =	strace s17  }
0x93: {  	s2 =	sld [smem:$0x3FFC];
	_ =	sdelay $0x3  }
0x94: {  	_ =	strace s2  }
0x95: {  	s2 =	sld [smem:$0x3FFD];
	_ =	sdelay $0x3  }
0x96: {  	_ =	strace s2  }
0x97: {  	_ =	strace $0x8FFFFFFF  }
0x98: {  	s18 =	sld [smem:$0x3FDB];
	_ =	sdelay $0x1  }
0x99: {  	s19 =	simm.s32 $_scs_section_size  }
0x9a: {  	s4 =	simm.s32 $_size__tile_overlayer_lowered;
	s5 =	simm.s32 $_tile_overlayer_lowered  }
0x9b: {  	s22 =	simm.s32 $0x1BFF;
	s21 =	sshll.u32 s5, $0x1;
	s2 =	sadd.s32 s19, s18  }
0x9c: {  	s6 =	simm.s32 $0x0;
	s20 =	sshll.u32 s4, $0x1;
	s4 =	sadd.s32 s21, s2  }
0x9d: {  	[timem:s6], [sflag:s22] =	dma.local [hbm:s4], s20  }
0x9e: {  	_ =	swait.ge [sflag:s22], s20  }
0x9f: {  	s3 =	ssub.s32 $0x0, s20;
	[sflag:s22] =	ssyncset.done $0x0  }
0xa0: {  	[sflag:s22] =	ssyncadd.s32 s3;
	_ =	sdelay $0x1  }
0xa1: {  	s23 =	simm.s32 $0x1B8B  }
0xa2: {  	_ =	swait.ge [sflag:s23], $0x1  }
0xa3: {  	[sflag:s23] =	ssyncset.done $0x0  }
0xa4: {  	s25 =	simm.s32 $0x1B8E;
	s24 =	sld [smem:$0x3FFE];
	[sflag:s23] =	ssyncadd.s32 $0xFFFFFFFF  }
0xa5: {  	s26 =	simm.s32 $execute0_lowered;
	[smem:$0x3FD2] =	sst s25  }
0xa6: {  	s4 =	sshll.u32 s26, $0x1;
	_ =	strace $0x80000046;
	[dreg:$0x1] =	wrdreg $0xFFFFFFFF  }
0xa7: {  	s28 =	simm.s32 $_size_execute0_lowered;
	s2 =	sadd.s32 s2, s4;
	[dreg:$0x0] =	wrdreg $0x0  }
0xa8: {  	s4 =	sshll.u32 s28, $0x1;
	[dreg:$0x2] =	wrdreg s2  }
0xa9: {  	[dreg:$0x3] =	wrdreg s4  }
0xaa: {  	[dreg:$0x4] =	wrdreg $0xC0  }
0xab: {  	_ =	task [dreg:s6], $0x5FFFF  }
0xac: {  	[dreg:$0x1] =	wrdreg $0xFFFFFFFF  }
0xad: {  	[dreg:$0x0] =	wrdreg $0x60  }
0xae: {  	[dreg:$0x2] =	wrdreg s24  }
0xaf: {  	[dreg:$0x3] =	wrdreg $0x9  }
0xb0: {  	_ =	task.clear_ibuf [dreg:s6], $0x4FFFF;
	_ =	strace $0x90000046  }
0xb1: {  	s29 =	simm.s32 $0x9;
	_ =	strace $0x80000048  }
0xb2: {  	_ =	swait.ge [sflag:s29], $0x1  }
0xb3: {  	[sflag:s29] =	ssyncadd.s32 $0xFFFFFFFF  }
0xb4: {  	_ =	strace $0x90000048  }
0xb5: {  	_ =	sfence  }
0xb6: {  	s30 =	sld [smem:$0x0];
	_ =	sdelay $0x2  }
0xb7: {  	s31 =	sshll.u32 s1, $0xD;
	s1 =	sshrl.u32 s1, $0x2  }
0xb8: {  	s3 =	sand.u32 $0x4000, s31;
	s1 =	sadd.s32 s1, s30  }
0xb9: {  	s0 =	sor.u32 s3, s0;
	s1 =	sshll.u32 s1, $0x11  }
0xba: {  	s0 =	sor.u32 s1, s0  }
0xbb: {  	s0 =	sadd.s32 $0x8F2B, s0  }
0xbc: {  	[sflag:s0] =	ssyncadd.remote.s32 $0x1  }
0xbd: {  	_ =	sfence.sel $0xFFFF  }
0xbe: {  	[dreg:$0x0] =	wrdreg $0xFFFFFFFF;
	(pc) =	sbr.abs _section_cstart, $3  }
0xbf: {  	[dreg:$0x1] =	wrdreg $0xFFFFFFFF  }
0xc0: {  	_ =	task.clear_ibuf [dreg:s6], $0x2FFFF;
	_ =	strace $0x9FFFFFFF  }
0xc1: {  	(tm) =	ssettm $0x7FFFFFFF  }
tec
execute0_lowered:
.L_overlay_start_1:
0x0: {  	(tag) =	ssettag $0x1  }
0x1: {  	s3 =	rddreg [dreg:$0x0]  }
0x2: {  	s0 =	rddreg [dreg:$0x1];
	s4 =	srdreg.scid  }
0x3: {  	s1 =	stileid.u32;
	s2 =	simm.s32 $0x0;
	s13 =	simm.s32 $0x1  }
0x4: {  	s14 =	simm.s32 $0x2000;
	s4 =	sand.u32 $0x1, s4;
	s5 =	sshll.u32 s1, $0x1  }
0x5: {  	s15 =	simm.s32 $0x0;
	[smem:$0x7FF] =	sst s2;
	s5 =	sor.u32 s4, s5  }
0x6: {  	_ =	strace $0x80000047;
	s4 =	ssub.s32 $0x2, s4;
	s6 =	sshll.u32 s5, $0xD  }
0x7: {  	s5 =	sshll.u32 s5, $0x1;
	s31 =	sshrl.u32 s4, $0x1;
	s10 =	sadd.s32 s6, s3  }
0x8: {  	s11 =	sadd.s32 s5, s3;
	s12 =	ssub.s32 s4, s31;
	s3 =	sadd.s32 $0x1400, s10  }
0x9: {  	s4 =	sadd.s32 $0x1800, s10;
	s5 =	sadd.s32 $0x1C00, s10;
	s6 =	sadd.s32 $0x2000, s10  }
0xa: {  	s7 =	sadd.s32 $0x2400, s10;
	s8 =	sadd.s32 $0x2800, s10;
	s9 =	sadd.s32 $0x2C00, s10  }
0xb: {  	s10 =	sadd.s32 $0x3000, s10;
	s11 =	sadd.s32 $0x41400, s11;
	s12 =	smax.u32 s12, $0x1  }
.LBB2_1:
0xc: {  	[tilespmem:s2], [sflag:$0x1] =	stream.linear.gather [hbm4b:s3+s2], $0x2000, $0x38;
	[tilespmem:$0x2080] =	vst v63  }
0xd: {  	_ =	swait.ge [sflag:s13], $0x2000  }
0xe: {  	[sflag:s13] =	ssyncset.done $0x0  }
0xf: {  	s17 =	simm.s32 $0x0;
	[sflag:s13] =	ssyncadd.s32 $0xFFFFE000  }
0x10: {  	v0 =	vimm.s32 $0x0;
	s16 =	simm.s32 $0x40;
	v1 =	vld [tilespmem:s17+$0x0]  }
.LBB2_2:
0x11: {  	p0 =	sne.s32 s16, $0x7FC0  }
.Ltmp0:
0x12: {  	_ = 	snop;
	(pc) =	sbr.rel @p0 .LBB2_2-.Ltmp0, $3  }
0x13: {  	_ =	sdelay $0x1  }
0x14: {  	s17 =	sshra.s32 s16, $0x2;
	s16 =	sadd.s32 $0x40, s16;
	v0 =	vadd.s32 v0, v1  }
0x15: {  	v1 =	vld [tilespmem:s17+$0x0]  }
0x16: {  	s16 =	simm.s32 $0x0  }
0x17: {  	[tilespmem:s16], [sflag:$0x1] =	stream.linear.gather [hbm4b:s4+s16], $0x2000, $0x38;
	[tilespmem:$0x2080] =	vst v63  }
0x18: {  	_ =	swait.ge [sflag:s13], $0x2000  }
0x19: {  	[sflag:s13] =	ssyncset.done $0x0  }
0x1a: {  	s17 =	simm.s32 $0x0;
	[sflag:s13] =	ssyncadd.s32 $0xFFFFE000  }
0x1b: {  	s16 =	simm.s32 $0x40;
	v0 =	vadd.s32 v0, v1;
	v1 =	vld [tilespmem:s17+$0x0]  }
.LBB2_4:
0x1c: {  	p0 =	sne.s32 s16, $0x7FC0  }
.Ltmp1:
0x1d: {  	_ = 	snop;
	(pc) =	sbr.rel @p0 .LBB2_4-.Ltmp1, $3  }
0x1e: {  	_ =	sdelay $0x1  }
0x1f: {  	s17 =	sshra.s32 s16, $0x2;
	s16 =	sadd.s32 $0x40, s16;
	v0 =	vadd.s32 v0, v1  }
0x20: {  	v1 =	vld [tilespmem:s17+$0x0]  }
0x21: {  	s16 =	simm.s32 $0x0  }
0x22: {  	[tilespmem:s16], [sflag:$0x1] =	stream.linear.gather [hbm4b:s5+s16], $0x2000, $0x38;
	[tilespmem:$0x2080] =	vst v63  }
0x23: {  	_ =	swait.ge [sflag:s13], $0x2000  }
0x24: {  	[sflag:s13] =	ssyncset.done $0x0  }
0x25: {  	s17 =	simm.s32 $0x0;
	[sflag:s13] =	ssyncadd.s32 $0xFFFFE000  }
0x26: {  	s16 =	simm.s32 $0x40;
	v0 =	vadd.s32 v0, v1;
	v1 =	vld [tilespmem:s17+$0x0]  }
.LBB2_6:
0x27: {  	p0 =	sne.s32 s16, $0x7FC0  }
.Ltmp2:
0x28: {  	_ = 	snop;
	(pc) =	sbr.rel @p0 .LBB2_6-.Ltmp2, $3  }
0x29: {  	_ =	sdelay $0x1  }
0x2a: {  	s17 =	sshra.s32 s16, $0x2;
	s16 =	sadd.s32 $0x40, s16;
	v0 =	vadd.s32 v0, v1  }
0x2b: {  	v1 =	vld [tilespmem:s17+$0x0]  }
0x2c: {  	s16 =	simm.s32 $0x0  }
0x2d: {  	[tilespmem:s16], [sflag:$0x1] =	stream.linear.gather [hbm4b:s6+s16], $0x2000, $0x38;
	[tilespmem:$0x2080] =	vst v63  }
0x2e: {  	_ =	swait.ge [sflag:s13], $0x2000  }
0x2f: {  	[sflag:s13] =	ssyncset.done $0x0  }
0x30: {  	s17 =	simm.s32 $0x0;
	[sflag:s13] =	ssyncadd.s32 $0xFFFFE000  }
0x31: {  	s16 =	simm.s32 $0x40;
	v0 =	vadd.s32 v0, v1;
	v1 =	vld [tilespmem:s17+$0x0]  }
.LBB2_8:
0x32: {  	p0 =	sne.s32 s16, $0x7FC0  }
.Ltmp3:
0x33: {  	_ = 	snop;
	(pc) =	sbr.rel @p0 .LBB2_8-.Ltmp3, $3  }
0x34: {  	_ =	sdelay $0x1  }
0x35: {  	s17 =	sshra.s32 s16, $0x2;
	s16 =	sadd.s32 $0x40, s16;
	v0 =	vadd.s32 v0, v1  }
0x36: {  	v1 =	vld [tilespmem:s17+$0x0]  }
0x37: {  	s16 =	simm.s32 $0x0  }
0x38: {  	[tilespmem:s16], [sflag:$0x1] =	stream.linear.gather [hbm4b:s7+s16], $0x2000, $0x38;
	[tilespmem:$0x2080] =	vst v63  }
0x39: {  	_ =	swait.ge [sflag:s13], $0x2000  }
0x3a: {  	[sflag:s13] =	ssyncset.done $0x0  }
0x3b: {  	s17 =	simm.s32 $0x0;
	[sflag:s13] =	ssyncadd.s32 $0xFFFFE000  }
0x3c: {  	s16 =	simm.s32 $0x40;
	v0 =	vadd.s32 v0, v1;
	v1 =	vld [tilespmem:s17+$0x0]  }
.LBB2_10:
0x3d: {  	p0 =	sne.s32 s16, $0x7FC0  }
.Ltmp4:
0x3e: {  	_ = 	snop;
	(pc) =	sbr.rel @p0 .LBB2_10-.Ltmp4, $3  }
0x3f: {  	_ =	sdelay $0x1  }
0x40: {  	s17 =	sshra.s32 s16, $0x2;
	s16 =	sadd.s32 $0x40, s16;
	v0 =	vadd.s32 v0, v1  }
0x41: {  	v1 =	vld [tilespmem:s17+$0x0]  }
0x42: {  	s16 =	simm.s32 $0x0  }
0x43: {  	[tilespmem:s16], [sflag:$0x1] =	stream.linear.gather [hbm4b:s8+s16], $0x2000, $0x38;
	[tilespmem:$0x2080] =	vst v63  }
0x44: {  	_ =	swait.ge [sflag:s13], $0x2000  }
0x45: {  	[sflag:s13] =	ssyncset.done $0x0  }
0x46: {  	s17 =	simm.s32 $0x0;
	[sflag:s13] =	ssyncadd.s32 $0xFFFFE000  }
0x47: {  	s16 =	simm.s32 $0x40;
	v0 =	vadd.s32 v0, v1;
	v1 =	vld [tilespmem:s17+$0x0]  }
.LBB2_12:
0x48: {  	p0 =	sne.s32 s16, $0x7FC0  }
.Ltmp5:
0x49: {  	_ = 	snop;
	(pc) =	sbr.rel @p0 .LBB2_12-.Ltmp5, $3  }
0x4a: {  	_ =	sdelay $0x1  }
0x4b: {  	s17 =	sshra.s32 s16, $0x2;
	s16 =	sadd.s32 $0x40, s16;
	v0 =	vadd.s32 v0, v1  }
0x4c: {  	v1 =	vld [tilespmem:s17+$0x0]  }
0x4d: {  	s16 =	simm.s32 $0x0  }
0x4e: {  	[tilespmem:s16], [sflag:$0x1] =	stream.linear.gather [hbm4b:s9+s16], $0x2000, $0x38;
	[tilespmem:$0x2080] =	vst v63  }
0x4f: {  	_ =	swait.ge [sflag:s13], $0x2000  }
0x50: {  	[sflag:s13] =	ssyncset.done $0x0  }
0x51: {  	s17 =	simm.s32 $0x0;
	[sflag:s13] =	ssyncadd.s32 $0xFFFFE000  }
0x52: {  	s16 =	simm.s32 $0x40;
	v0 =	vadd.s32 v0, v1;
	v1 =	vld [tilespmem:s17+$0x0]  }
.LBB2_14:
0x53: {  	p0 =	sne.s32 s16, $0x7FC0  }
.Ltmp6:
0x54: {  	_ = 	snop;
	(pc) =	sbr.rel @p0 .LBB2_14-.Ltmp6, $3  }
0x55: {  	_ =	sdelay $0x1  }
0x56: {  	s17 =	sshra.s32 s16, $0x2;
	s16 =	sadd.s32 $0x40, s16;
	v0 =	vadd.s32 v0, v1  }
0x57: {  	v1 =	vld [tilespmem:s17+$0x0]  }
0x58: {  	s16 =	simm.s32 $0x0  }
0x59: {  	[tilespmem:s16], [sflag:$0x1] =	stream.linear.gather [hbm4b:s10+s16], $0x2000, $0x38;
	[tilespmem:$0x2080] =	vst v63  }
0x5a: {  	_ =	swait.ge [sflag:s13], $0x2000  }
0x5b: {  	[sflag:s13] =	ssyncset.done $0x0  }
0x5c: {  	s17 =	simm.s32 $0x0;
	[sflag:s13] =	ssyncadd.s32 $0xFFFFE000  }
0x5d: {  	s16 =	simm.s32 $0x40;
	v0 =	vadd.s32 v0, v1;
	v1 =	vld [tilespmem:s17+$0x0]  }
.LBB2_16:
0x5e: {  	p0 =	sne.s32 s16, $0x7FC0  }
.Ltmp7:
0x5f: {  	_ = 	snop;
	(pc) =	sbr.rel @p0 .LBB2_16-.Ltmp7, $3  }
0x60: {  	_ =	sdelay $0x1  }
0x61: {  	s17 =	sshra.s32 s16, $0x2;
	s16 =	sadd.s32 $0x40, s16;
	v0 =	vadd.s32 v0, v1  }
0x62: {  	v1 =	vld [tilespmem:s17+$0x0]  }
0x63: {  	_ =	sdelay $0x3  }
0x64: {  	v0 =	vadd.s32 v0, v1  }
0x65: {  	(xrf0) =	vadd.scan.msk.s32 $0xffff, v0;
	_ =	sdelay $0x5  }
0x66: {  	v0, _, _ =	vpop (xrf0)  }
0x67: {  	s15 =	sadd.s32 $0x1, s15;
	v0 =	vbroadcast v0, $0xF  }
0x68: {  	p0 =	sne.s32 s15, s12  }
.Ltmp8:
0x69: {  	[tilespmem:$0x2000] =	vst v0;
	(pc) =	sbr.rel @p0 .LBB2_1-.Ltmp8, $4  }
0x6a: {  	[hbm4b:s11+s2] =	stream.linear.scatter [tilespmem:s14], [sflag:$0x1], $0x10, $0x38;
	[tilespmem:$0x2080] =	vst v63  }
0x6b: {  	_ =	swait.ge [sflag:s13], $0x10  }
0x6c: {  	[sflag:s13] =	ssyncset.done $0x0  }
0x6d: {  	[sflag:s13] =	ssyncadd.s32 $0xFFFFFFF0  }
0x6e: {  	_ =	sfence.sel $0x180000  }
0x6f: {  	[bflag:$0x0] =	sbarrier.arrive $0xFFFF  }
0x70: {  	p0 =	sne.s32 s1, $0x0;
	_ =	strace $0x90000047  }
0x71: {  	s0 =	sadd.s32 @!p0 $0x100000, s0;
	[bflag:$0x2] =	sbarrier.arrive $0xFFFF  }
0x72: {  	[sflag:s0] =	ssyncadd.tile.s32 @!p0 $0x1;
	_ =	shalt  }
.Lfunc_end2:
_tile_overlayer_lowered:
.L_overlay_start_2:
0x73: {  	(tag) =	ssettag $0x2  }
0x74: {  	s0 =	rddreg [dreg:$0x0];
	s2 =	stileid.u32  }
0x75: {  	s1 =	rddreg [dreg:$0x1];
	p0 =	sne.s32 s2, $0x0  }
0x76: {  	s3 =	rddreg [dreg:$0x2];
	[bflag:$0x3] =	sbarrier.arrive $0xFFFF;
	s2 =	simm.s32 @!p0 $0x1C01  }
0x77: {  	[timem:s3], [sflag:s2] =	dma.local @!p0 [hbm:s0], s1  }
0x78: {  	s0 =	simm.s32 @!p0 $0x1  }
0x79: {  	_ =	swait.ge @!p0 [sflag:s0], s1  }
0x7a: {  	s1 =	ssub.s32 @!p0 $0x0, s1;
	[sflag:s0] =	ssyncset.done @!p0 $0x0  }
0x7b: {  	[sflag:s0] =	ssyncadd.s32 @!p0 s1  }
0x7c: {  	[bflag:$0x3] =	sbarrier.arrive $0xFFFF  }
0x7d: {  	_ =	shalt  }

// kernel: kernel.7.cloned.1.call-start
scs
__scs_entry_jumppad:
0x0: {  	(pc) =	sbr.rel $0x88, $3  }
0x1: {  	(tag) =	ssettag $0x0;
	lr =	simm.s32 $0x1  }
0x2: {  	[smem:$0x3F9E] =	sst lr;
	_ =	strace $0xD0000000  }
0x3: {  	_ = 	snop  }
0x4: {  	_ = 	snop  }
0x5: {  	_ = 	snop  }
0x6: {  	_ = 	snop  }
0x7: {  	_ = 	snop  }
__scs_overlays_trampoline_lowered:
0x8: {  	[smem:$0x3FAD] =	sst s0  }
0x9: {  	[smem:$0x3FAE] =	sst s1  }
0xa: {  	[smem:$0x3FAF] =	sst s2  }
0xb: {  	[smem:$0x3FB0] =	sst s3  }
0xc: {  	[smem:$0x3FB1] =	sst s4  }
0xd: {  	[smem:$0x3FB2] =	sst s5  }
0xe: {  	[smem:$0x3FB3] =	sst s6  }
0xf: {  	[smem:$0x3FB4] =	sst s7  }
0x10: {  	[smem:$0x3FB5] =	sst s8  }
0x11: {  	[smem:$0x3FB6] =	sst s9;
	s0 =	simm.s32 @!p0 $0x0  }
0x12: {  	s1 =	sld [smem:$0x3F9C];
	s0 =	simm.s32 @p0 $0x1  }
0x13: {  	[smem:$0x3FB7] =	sst s0;
	s0 =	simm.s32 @!p1 $0x0  }
0x14: {  	s2 =	sld [smem:$0x3F9B];
	s0 =	simm.s32 @p1 $0x1  }
0x15: {  	[smem:$0x3FB8] =	sst s0;
	s0 =	simm.s32 @!p2 $0x0  }
0x16: {  	s3 =	sld [smem:$0x3FDB];
	s0 =	simm.s32 @p2 $0x1  }
0x17: {  	s4 =	simm.s32 $0x1BF5;
	[smem:$0x3FBA] =	sst s0  }
0x18: {  	s0 =	sld [smem:$0x3F9D];
	_ =	swait.ge [sflag:s4], $0x0  }
0x19: {  	s7 =	sld [smem:$0x3F9E]  }
0x1a: {  	s8 =	sadd.s32 $0xFFFFE003, lr  }
0x1b: {  	s9 =	sadd.s32 $0xFFFFFEF7, lr;
	s5 =	simm.s32 $0xFFFFFFFF;
	p2 =	slt.u32 s8, $0xFFFFF086  }
0x1c: {  	p1 =	slt.u32 s9, $0xF7A;
	s5 =	simm.s32 @!p2 $0x0  }
0x1d: {  	s5 =	simm.s32 @p1 $0x1;
	p0 =	seq.s32 s7, s2  }
0x1e: {  	s7 =	smul.u32 @!p0 $0xF7A, s2;
	p2 =	seq.s32 @!p0 s5, $0x0  }
0x1f: {  	s9 =	smul.u32 $0xF7A, s1;
	s8 =	simm.s32 @!p0 $0x1BF5;
	p2 =	por !p2, p0  }
0x20: {  	[sflag:s8] =	ssyncset.s32 @!p0 $0xFFFFF086;
	s6 =	sadd.s32 @!p0 s3, s7;
	s7 =	simm.s32 @!p0 $0x108  }
0x21: {  	s3 =	sadd.s32 s3, s9;
	s6 =	sadd.s32 @!p0 $0x88, s6;
	s7 =	simm.s32 @p2 $0x1082  }
0x22: {  	[simem:s7], [sflag:s8] =	dma.local @!p0 [hbm:s6], $0xF7A  }
0x23: {  	s9 =	sor.u32 $0xD0000000, s2;
	s6 =	simm.s32 $0x108;
	_ =	swait.ge @!p0 [sflag:s8], $0x0  }
0x24: {  	s3 =	sadd.s32 $0x88, s3;
	s6 =	simm.s32 @!p1 $0x1082;
	[sflag:s4] =	ssyncset.s32 $0xFFFFF086  }
0x25: {  	[simem:s6], [sflag:s4] =	dma.local [hbm:s3], $0xF7A  }
0x26: {  	[smem:$0x3F9E] =	sst s1;
	(tag) =	ssettag s2;
	_ =	strace s9  }
0x27: {  	s1 =	sld [smem:$0x3FAE]  }
0x28: {  	s2 =	sld [smem:$0x3FAF]  }
0x29: {  	s4 =	sld [smem:$0x3FB1]  }
0x2a: {  	p0 =	seq.s32 s5, $0x0;
	s5 =	sld [smem:$0x3FB2]  }
0x2b: {  	s6 =	sld [smem:$0x3FB3]  }
0x2c: {  	s7 =	sld [smem:$0x3FB4]  }
0x2d: {  	s3 =	simm.s32 $0x108;
	s8 =	sld [smem:$0x3FB5]  }
0x2e: {  	s3 =	simm.s32 @!p0 $0x1082;
	s9 =	sld [smem:$0x3FB6]  }
0x2f: {  	lr =	sadd.s32 s0, s3;
	s0 =	sld [smem:$0x3FAD]  }
0x30: {  	s3 =	sld [smem:$0x3FB0]  }
0x31: {  	[smem:$0x3FB9] =	sst s10  }
0x32: {  	s10 =	sld [smem:$0x3FB7];
	_ =	sdelay $0x3  }
0x33: {  	p0 =	seq.s32 s10, $0x1;
	s10 =	sld [smem:$0x3FB9];
	_ =	sdelay $0x3  }
0x34: {  	[smem:$0x3FB9] =	sst s10  }
0x35: {  	s10 =	sld [smem:$0x3FB8];
	_ =	sdelay $0x3  }
0x36: {  	p1 =	seq.s32 s10, $0x1;
	s10 =	sld [smem:$0x3FB9];
	_ =	sdelay $0x3  }
0x37: {  	[smem:$0x3FB9] =	sst s10  }
0x38: {  	s10 =	sld [smem:$0x3FBA]  }
0x39: {  	_ = 	snop;
	(pc) =	sbr.ind lr, $3  }
0x3a: {  	_ = 	snop  }
0x3b: {  	_ = 	snop  }
0x3c: {  	p2 =	seq.s32 s10, $0x1;
	s10 =	sld [smem:$0x3FB9]  }
0x3d: {  	_ =	shalt  }
0x3e: {  	_ =	shalt  }
0x3f: {  	_ =	shalt  }
0x40: {  	_ =	shalt  }
0x41: {  	_ =	shalt  }
0x42: {  	_ =	shalt  }
0x43: {  	_ =	shalt  }
0x44: {  	_ =	shalt  }
0x45: {  	_ =	shalt  }
0x46: {  	_ =	shalt  }
0x47: {  	_ =	shalt  }
0x48: {  	_ =	shalt  }
0x49: {  	_ =	shalt  }
0x4a: {  	_ =	shalt  }
0x4b: {  	_ =	shalt  }
0x4c: {  	_ =	shalt  }
0x4d: {  	_ =	shalt  }
0x4e: {  	_ =	shalt  }
0x4f: {  	_ =	shalt  }
0x50: {  	_ =	shalt  }
0x51: {  	_ =	shalt  }
0x52: {  	_ =	shalt  }
0x53: {  	_ =	shalt  }
0x54: {  	_ =	shalt  }
0x55: {  	_ =	shalt  }
0x56: {  	_ =	shalt  }
0x57: {  	_ =	shalt  }
0x58: {  	_ =	shalt  }
0x59: {  	_ =	shalt  }
0x5a: {  	_ =	shalt  }
0x5b: {  	_ =	shalt  }
0x5c: {  	_ =	shalt  }
0x5d: {  	_ =	shalt  }
0x5e: {  	_ =	shalt  }
0x5f: {  	_ =	shalt  }
0x60: {  	_ =	shalt  }
0x61: {  	_ =	shalt  }
0x62: {  	_ =	shalt  }
0x63: {  	_ =	shalt  }
0x64: {  	_ =	shalt  }
0x65: {  	_ =	shalt  }
0x66: {  	_ =	shalt  }
0x67: {  	_ =	shalt  }
0x68: {  	_ =	shalt  }
0x69: {  	_ =	shalt  }
0x6a: {  	_ =	shalt  }
0x6b: {  	_ =	shalt  }
0x6c: {  	_ =	shalt  }
0x6d: {  	_ =	shalt  }
0x6e: {  	_ =	shalt  }
0x6f: {  	_ =	shalt  }
0x70: {  	_ =	shalt  }
0x71: {  	_ =	shalt  }
0x72: {  	_ =	shalt  }
0x73: {  	_ =	shalt  }
0x74: {  	_ =	shalt  }
0x75: {  	_ =	shalt  }
0x76: {  	_ =	shalt  }
0x77: {  	_ =	shalt  }
0x78: {  	_ =	shalt  }
0x79: {  	_ =	shalt  }
0x7a: {  	_ =	shalt  }
0x7b: {  	_ =	shalt  }
0x7c: {  	_ =	shalt  }
0x7d: {  	_ =	shalt  }
0x7e: {  	_ =	shalt  }
0x7f: {  	_ =	shalt  }
0x80: {  	_ =	shalt  }
0x81: {  	_ =	shalt  }
0x82: {  	_ =	shalt  }
0x83: {  	_ =	shalt  }
0x84: {  	_ =	shalt  }
0x85: {  	_ =	shalt  }
0x86: {  	_ =	shalt  }
0x87: {  	_ =	shalt  }
.Lfunc_end0:
.L_simem_size_0:
called_computation.1_lowered:
.L_overlay_start_0:
0x88: {  	s2 =	sld [smem:$0x3FD9]  }
0x89: {  	s3 =	sld [smem:$0x3FFE];
	_ =	sdelay $0x1  }
0x8a: {  	s1 =	srdreg.scid  }
0x8b: {  	s0 =	sand.u32 $0x1, s1  }
0x8c: {  	s14 =	sshll.u32 s0, $0xA;
	s2 =	sadd.s32 s3, s2  }
0x8d: {  	s2 =	sadd.s32 s2, s14  }
0x8e: {  	[smem:$0x3FC5] =	sst s2  }
0x8f: {  	_ = 	snop  }
0x90: {  	s2 =	sld [smem:$0x3FD0];
	_ =	sdelay $0x2  }
0x91: {  	s15 =	simm.s32 $0xA;
	s4 =	simm.s32 $0x10  }
0x92: {  	[smem:s4], [sflag:s15] =	dma.local [hbm:s2], $0x1  }
0x93: {  	_ =	swait.eq [sflag:s15], $0x1  }
0x94: {  	[sflag:s15] =	ssyncset.done $0x0  }
0x95: {  	s16 =	sld [smem:$0x10];
	[sflag:s15] =	ssyncadd.s32 $0xFFFFFFFF  }
0x96: {  	s17 =	sld [smem:$0x11];
	(tm) =	ssettm $0x1  }
0x97: {  	s18 =	sld [smem:$0x3FFB];
	_ =	sdelay $0x3  }
0x98: {  	_ =	strace s18  }
0x99: {  	s4 =	sld [smem:$0x3FFC];
	_ =	sdelay $0x3  }
0x9a: {  	_ =	strace s4  }
0x9b: {  	s4 =	sld [smem:$0x3FFD];
	_ =	sdelay $0x3  }
0x9c: {  	_ =	strace s4  }
0x9d: {  	_ =	strace $0x8FFFFFFF  }
0x9e: {  	s19 =	sld [smem:$0x3FDB];
	_ =	sdelay $0x1  }
0x9f: {  	s5 =	simm.s32 $_scs_section_size  }
0xa0: {  	s6 =	simm.s32 $_size__tile_overlayer_lowered;
	s7 =	simm.s32 $_tile_overlayer_lowered  }
0xa1: {  	s22 =	simm.s32 $0x1BFF;
	s21 =	sshll.u32 s7, $0x1;
	s4 =	sadd.s32 s5, s19  }
0xa2: {  	s8 =	simm.s32 $0x0;
	s20 =	sshll.u32 s6, $0x1;
	s6 =	sadd.s32 s21, s4  }
0xa3: {  	[timem:s8], [sflag:s22] =	dma.local [hbm:s6], s20  }
0xa4: {  	_ =	swait.ge [sflag:s22], s20  }
0xa5: {  	s5 =	ssub.s32 $0x0, s20;
	[sflag:s22] =	ssyncset.done $0x0  }
0xa6: {  	[sflag:s22] =	ssyncadd.s32 s5;
	_ =	sdelay $0x1  }
0xa7: {  	s23 =	simm.s32 $0x1B8B  }
0xa8: {  	_ =	swait.ge [sflag:s23], $0x1  }
0xa9: {  	[sflag:s23] =	ssyncset.done $0x0  }
0xaa: {  	s25 =	simm.s32 $0x1B8E;
	s24 =	sld [smem:$0x3FFE];
	[sflag:s23] =	ssyncadd.s32 $0xFFFFFFFF  }
0xab: {  	s26 =	simm.s32 $execute0_lowered;
	[smem:$0x3FD2] =	sst s25  }
0xac: {  	s6 =	sshll.u32 s26, $0x1;
	_ =	strace $0x80000049;
	[dreg:$0x1] =	wrdreg $0xFFFFFFFF  }
0xad: {  	s28 =	simm.s32 $_size_execute0_lowered;
	s4 =	sadd.s32 s4, s6;
	[dreg:$0x0] =	wrdreg $0x0  }
0xae: {  	s6 =	sshll.u32 s28, $0x1;
	[dreg:$0x2] =	wrdreg s4  }
0xaf: {  	[dreg:$0x3] =	wrdreg s6  }
0xb0: {  	[dreg:$0x4] =	wrdreg $0xC0  }
0xb1: {  	_ =	task [dreg:s8], $0x5FFFF  }
0xb2: {  	[dreg:$0x1] =	wrdreg $0xFFFFFFFF  }
0xb3: {  	[dreg:$0x0] =	wrdreg $0x60  }
0xb4: {  	[dreg:$0x2] =	wrdreg s24  }
0xb5: {  	[dreg:$0x3] =	wrdreg s16  }
0xb6: {  	[dreg:$0x4] =	wrdreg s17  }
0xb7: {  	[dreg:$0x5] =	wrdreg $0x9  }
0xb8: {  	_ =	task.clear_ibuf [dreg:s8], $0x6FFFF;
	_ =	strace $0x90000049  }
0xb9: {  	s29 =	simm.s32 $0x9;
	_ =	strace $0x8000004B  }
0xba: {  	_ =	swait.ge [sflag:s29], $0x1  }
0xbb: {  	[sflag:s29] =	ssyncadd.s32 $0xFFFFFFFF  }
0xbc: {  	_ =	strace $0x9000004B  }
0xbd: {  	_ =	sfence  }
0xbe: {  	s30 =	sld [smem:$0x0];
	_ =	sdelay $0x2  }
0xbf: {  	s31 =	sshll.u32 s1, $0xD;
	s1 =	sshrl.u32 s1, $0x2  }
0xc0: {  	s3 =	sand.u32 $0x4000, s31;
	s1 =	sadd.s32 s1, s30  }
0xc1: {  	s0 =	sor.u32 s3, s0;
	s1 =	sshll.u32 s1, $0x11  }
0xc2: {  	s0 =	sor.u32 s1, s0  }
0xc3: {  	s0 =	sadd.s32 $0x8F2B, s0  }
0xc4: {  	[sflag:s0] =	ssyncadd.remote.s32 $0x1  }
0xc5: {  	_ =	sfence.sel $0xFFFF  }
0xc6: {  	[dreg:$0x0] =	wrdreg $0xFFFFFFFF;
	(pc) =	sbr.abs _section_cstart, $3  }
0xc7: {  	[dreg:$0x1] =	wrdreg $0xFFFFFFFF  }
0xc8: {  	_ =	task.clear_ibuf [dreg:s8], $0x2FFFF;
	_ =	strace $0x9FFFFFFF  }
0xc9: {  	(tm) =	ssettm $0x7FFFFFFF  }
tec
execute0_lowered:
.L_overlay_start_1:
0x0: {  	(tag) =	ssettag $0x1  }
0x1: {  	s0 =	rddreg [dreg:$0x0]  }
0x2: {  	s1 =	rddreg [dreg:$0x1]  }
0x3: {  	s2 =	rddreg [dreg:$0x2];
	s3 =	simm.s32 $0x0  }
0x4: {  	s21 =	srdreg.scid;
	s8 =	stileid.u32;
	s16 =	simm.s32 $0x3  }
0x5: {  	s18 =	simm.s32 $0xEA80;
	s19 =	simm.s32 $0xF280;
	s28 =	simm.s32 $0x1  }
0x6: {  	s30 =	simm.s32 $0x2;
	s31 =	simm.s32 $0x0;
	[smem:$0x7FF] =	sst s3  }
0x7: {  	s5 =	sadd.s32 $0x1400, s0;
	s4 =	sadd.s32 $0x41600, s0;
	s6 =	sadd.s32 $0x41400, s0  }
0x8: {  	s22 =	sshll.u32 s8, $0x1;
	s7 =	sadd.s32 $0x2041A00, s0;
	s24 =	sadd.s32 $0x41800, s0  }
0x9: {  	s11 =	sadd.s32 $0x41A00, s0;
	_ =	strace $0x8000004A;
	[dreg:$0x4] =	wrdreg s4  }
0xa: {  	s13 =	sadd.s32 $0x3FEA, s8;
	[dreg:$0x5] =	wrdreg s6;
	s4 =	sand.u32 $0x1, s21  }
.Ltmp0:
0xb: {  	v0 =	vlaneseq.u32;
	s23 =	ssub.s32 $0x2, s4;
	s4 =	sor.u32 s4, s22;
	(pc) =	sbr.rel .LBB2_1-.Ltmp0, $4  }
0xc: {  	v12 =	vimm.s32 $0x0;
	v2 =	vmul.u32 $0x10, v0;
	v5 =	vor.u32 $0x10, v0;
	[dreg:$0x6] =	wrdreg s7;
	s25 =	sshrl.u32 s23, $0x1;
	s10 =	sshll.u32 s4, $0x10  }
0xd: {  	v6 =	vor.u32 $0x20, v0;
	v7 =	vor.u32 $0x30, v0;
	v8 =	vor.u32 $0x40, v0;
	[dreg:$0x7] =	wrdreg s24;
	s26 =	ssub.s32 s23, s25;
	s29 =	sadd.s32 $0x10000, s10  }
0xe: {  	v9 =	vor.u32 $0x50, v0;
	v10 =	vor.u32 $0x60, v0;
	s21 =	simm.s32 $0x1000;
	v1 =	vmov s4;
	[dreg:$0x8] =	wrdreg s29;
	s0 =	smax.u32 s26, $0x1  }
0xf: {  	v11 =	vor.u32 $0x70, v0;
	v4 =	vor.u32 $0x100, v2;
	s22 =	simm.s32 $0x4000;
	v3 =	vshll.u32 v1, $0x4;
	s23 =	simm.s32 $0x6800;
	[dreg:$0x9] =	wrdreg s0  }
.LBB2_30:
0x10: {  	[sflag:s30] =	ssyncadd.s32 $0xFFFFE800  }
.LBB2_31:
0x11: {  	s31 =	sadd.s32 $0x1, s31;
	s0 =	rddreg [dreg:$0x9]  }
0x12: {  	p0 =	sne.s32 s31, s0  }
.Ltmp1:
0x13: {  	_ = 	snop;
	(pc) =	sbr.rel @!p0 .LBB2_32-.Ltmp1, $1  }
0x14: {  	_ =	sdelay $0x3  }
.LBB2_1:
0x15: {  	s0 =	rddreg [dreg:$0x4];
	s4 =	simm.s32 $0xE000  }
0x16: {  	[tilespmem:s4], [sflag:$0x3] =	stream.linear.gather [hbm4b:s0+s3], $0x480, $0x38;
	[tilespmem:$0x10C00] =	vst v63  }
0x17: {  	_ =	swait.ge [sflag:s16], $0x480  }
0x18: {  	[sflag:s16] =	ssyncset.done $0x0  }
0x19: {  	s20 =	simm.s32 $0xE800;
	s17 =	rddreg [dreg:$0x5];
	[sflag:s16] =	ssyncadd.s32 $0xFFFFFB80  }
0x1a: {  	[tilespmem:s20], [sflag:$0x3] =	stream.linear.gather [hbm4b:s17+s3], $0x200, $0x38;
	[tilespmem:$0x10C00] =	vst v63  }
0x1b: {  	_ =	swait.ge [sflag:s16], $0x200  }
0x1c: {  	[sflag:s16] =	ssyncset.done $0x0  }
0x1d: {  	s24 =	rddreg [dreg:$0x7];
	[sflag:s16] =	ssyncadd.s32 $0xFFFFFE00  }
0x1e: {  	[tilespmem:s18], [sflag:$0x3] =	stream.linear.gather [hbm4b:s24+s3], $0x800, $0x38;
	[tilespmem:$0x10C00] =	vst v63  }
0x1f: {  	_ =	swait.ge [sflag:s16], $0x800  }
0x20: {  	[sflag:s16] =	ssyncset.done $0x0  }
0x21: {  	s25 =	rddreg [dreg:$0x6];
	[sflag:s16] =	ssyncadd.s32 $0xFFFFF800  }
0x22: {  	[tilespmem:s19], [sflag:$0x3] =	stream.linear.gather [hbm4b:s25+s3], $0x1800, $0x38;
	[tilespmem:$0x10C00] =	vst v63  }
0x23: {  	_ =	swait.ge [sflag:s16], $0x1800  }
0x24: {  	[sflag:s16] =	ssyncset.done $0x0  }
0x25: {  	[sflag:s16] =	ssyncadd.s32 $0xFFFFE800  }
0x26: {  	v15 =	vld.idx.msk [tilespmem:v2+s20+$0x0], $0xffff  }
0x27: {  	v16 =	vld.idx.msk [tilespmem:v4+s20+$0x0], $0xffff;
	_ =	sdelay $0x3  }
0x28: {  	(xrf0) =	vadd.scan.msk.s32 $0xffff, v15  }
0x29: {  	(xrf0) =	vadd.scan.msk.s32 $0xffff, v16;
	_ =	sdelay $0x4  }
0x2a: {  	v13, _, _ =	vpop (xrf0)  }
0x2b: {  	v14, _, _ =	vpop (xrf0);
	v17 =	vbroadcast v13, $0xF  }
0x2c: {  	v15 =	vsub.s32 v13, v15;
	v16 =	vsub.s32 v14, v16  }
0x2d: {  	[tilespmem:$0xEA00] =	vst v15;
	v16 =	vadd.s32 v17, v16  }
0x2e: {  	s26 =	simm.s32 $0xEA00;
	[tilespmem:$0xEA10] =	vst v16  }
0x2f: {  	v15 =	vld.idx.msk [tilespmem:v1+s26+$0x0], $0xffff;
	_ =	sdelay $0x1  }
0x30: {  	v16 =	vld.idx.msk [tilespmem:v3+s20+$0x0], $0xffff;
	_ =	sdelay $0x2  }
0x31: {  	(v2sf) =	vpush v15, $0x0;
	_ =	sdelay $0x1  }
0x32: {  	(v2sf) =	vpush v16, $0x0;
	_ =	sdelay $0xc  }
0x33: {  	s0 =	spop (v2sf)  }
0x34: {  	s6 =	ssub.s32 $0x0, s0  }
0x35: {  	s4 =	spop (v2sf);
	s6 =	sand.u32 $0x7, s6  }
0x36: {  	s15 =	smov.u32 s4;
	p0 =	slt.s32 s6, s4  }
0x37: {  	s15 =	smov.u32 @p0 s6  }
0x38: {  	s7 =	sadd.s32 $0xFFFFFFFF, s15  }
0x39: {  	v44 =	vbroadcast v15, $0x0;
	v28 =	vmov s7  }
0x3a: {  	vm0 =	vlt.s32 v28, v0;
	vm13 =	vlt.s32 v28, v5;
	vm14 =	vlt.s32 v28, v6  }
0x3b: {  	s6 =	smul.u32 $0x3, s15;
	vm15 =	vlt.s32 v28, v7;
	vm4 =	vlt.s32 v28, v8;
	vm5 =	vlt.s32 v28, v9  }
0x3c: {  	vm7 =	vlt.s32 v28, v10;
	vm9 =	vlt.s32 v28, v11;
	v15 =	vsel vm0, s7, v0  }
0x3d: {  	s6 =	sadd.s32 $0xFFFFFFFF, s6;
	v17 =	vsel vm13, s7, v5;
	v19 =	vsel vm14, s7, v6;
	v21 =	vsel vm15, s7, v7  }
0x3e: {  	v23 =	vsel vm4, s7, v8;
	v39 =	vmov s6;
	v24 =	vsel vm5, s7, v9  }
0x3f: {  	v27 =	vsel vm7, s7, v10;
	v15 =	vadd.s32 v44, v15;
	v17 =	vadd.s32 v44, v17  }
0x40: {  	v19 =	vadd.s32 v44, v19;
	v21 =	vadd.s32 v44, v21;
	vm6 =	vlt.s32 v39, v0  }
0x41: {  	v23 =	vadd.s32 v44, v23;
	v24 =	vadd.s32 v44, v24;
	v27 =	vadd.s32 v44, v27  }
0x42: {  	vm8 =	vlt.s32 v39, v5;
	vm10 =	vlt.s32 v39, v6;
	vm11 =	vlt.s32 v39, v7  }
0x43: {  	vm12 =	vlt.s32 v39, v8;
	vm13 =	vlt.s32 v39, v9;
	vm14 =	vlt.s32 v39, v10  }
0x44: {  	vm15 =	vlt.s32 v39, v11;
	v16 =	vand.u32 $0x1FFF, v15;
	v18 =	vand.u32 $0x1FFF, v17  }
0x45: {  	v20 =	vand.u32 $0x1FFF, v19;
	v22 =	vand.u32 $0x1FFF, v21;
	v30 =	vsel vm6, s6, v0  }
0x46: {  	v25 =	vand.u32 $0x1FFF, v23;
	v26 =	vand.u32 $0x1FFF, v24;
	v32 =	vsel vm8, s6, v5  }
0x47: {  	v28 =	vand.u32 $0x1FFF, v27;
	v38 =	vsel vm10, s6, v6;
	v48 =	vsel vm11, s6, v7  }
0x48: {  	v54 =	vsel vm12, s6, v8;
	v42 =	vsel vm13, s6, v9;
	v58 =	vsel vm14, s6, v10  }
0x49: {  	v29 =	vmul.u32 $0xB, v30;
	v34 =	vmul.u32 $0xB, v32;
	v40 =	vmul.u32 $0xB, v38  }
0x4a: {  	v41 =	vmul.u32 $0xB, v48;
	v55 =	vmul.u32 $0xB, v54;
	v43 =	vmul.u32 $0xB, v42  }
0x4b: {  	v59 =	vmul.u32 $0xB, v58;
	v31 =	vshra.s32 v29, $0x5;
	v29 =	vsel vm9, s7, v11  }
0x4c: {  	v34 =	vshra.s32 v34, $0x5;
	v46 =	vshra.s32 v40, $0x5;
	v52 =	vshra.s32 v41, $0x5  }
0x4d: {  	v41 =	vshra.s32 v55, $0x5;
	v43 =	vshra.s32 v43, $0x5;
	v33 =	vmul.u32 $0xFFFFFFFD, v31  }
0x4e: {  	v29 =	vadd.s32 v44, v29;
	v35 =	vmul.u32 $0xFFFFFFFD, v34;
	v34 =	vadd.s32 v44, v34  }
0x4f: {  	v47 =	vmul.u32 $0xFFFFFFFD, v46;
	v53 =	vmul.u32 $0xFFFFFFFD, v52;
	v57 =	vmul.u32 $0xFFFFFFFD, v43  }
0x50: {  	v43 =	vadd.s32 v44, v43;
	v37 =	vmul.u32 $0x3, v34;
	v45 =	vand.u32 $0x1FFF, v34  }
0x51: {  	v34 =	vadd.s32 v44, v46;
	v60 =	vand.u32 $0x1FFF, v43;
	v33 =	vadd.s32 v30, v33  }
0x52: {  	v30 =	vadd.s32 v44, v31;
	v35 =	vadd.s32 v32, v35;
	v49 =	vmul.u32 $0x3, v34  }
0x53: {  	v34 =	vand.u32 $0x1FFF, v34;
	v50 =	vadd.s32 v38, v47;
	v38 =	vadd.s32 v44, v52  }
0x54: {  	v42 =	vadd.s32 v42, v57;
	v47 =	vmul.u32 $0x3, v43;
	v43 =	vmul.u32 $0x3, v60  }
0x55: {  	v31 =	vmul.u32 $0x3, v30;
	v30 =	vand.u32 $0x1FFF, v30;
	v32 =	vadd.s32 v35, v37  }
0x56: {  	v51 =	vmul.u32 $0x3, v34;
	v37 =	vadd.s32 v48, v53;
	v56 =	vmul.u32 $0x3, v38  }
0x57: {  	v38 =	vand.u32 $0x1FFF, v38;
	v36 =	vmul.u32 $0x3, v30;
	v34 =	vadd.s32 v50, v49  }
0x58: {  	v38 =	vmul.u32 $0x3, v38;
	v49 =	vsel vm15, s6, v11;
	v30 =	vadd.s32 v33, v31  }
0x59: {  	v48 =	vmul.u32 $0xB, v49;
	v31 =	vadd.s32 v33, v36;
	v33 =	vmul.u32 $0x3, v45  }
0x5a: {  	v45 =	vmul.u32 $0xFFFFFFFD, v41;
	v41 =	vadd.s32 v44, v41;
	v36 =	vadd.s32 v37, v56  }
0x5b: {  	v37 =	vadd.s32 v37, v38;
	v46 =	vmul.u32 $0x3, v41;
	v41 =	vand.u32 $0x1FFF, v41  }
0x5c: {  	v48 =	vshra.s32 v48, $0x5;
	v33 =	vadd.s32 v35, v33;
	v35 =	vadd.s32 v50, v51  }
0x5d: {  	v40 =	vadd.s32 v54, v45;
	v41 =	vmul.u32 $0x3, v41;
	v62 =	vadd.s32 v44, v48  }
0x5e: {  	v52 =	vmul.u32 $0xFFFFFFFD, v48;
	v38 =	vadd.s32 v40, v46;
	v46 =	vshra.s32 v59, $0x5  }
0x5f: {  	v45 =	vld [tilespmem:$0xE180];
	v63 =	vand.u32 $0x1FFF, v62;
	v54 =	vmul.u32 $0x3, v62;
	v39 =	vadd.s32 v40, v41  }
.Ltmp2:
0x60: {  	v40 =	vadd.s32 v42, v47;
	v61 =	vmul.u32 $0xFFFFFFFD, v46;
	v41 =	vld [tilespmem:$0xE000];
	v46 =	vadd.s32 v44, v46;
	(pc) =	sbr.rel .LBB2_2-.Ltmp2, $4  }
0x61: {  	v42 =	vadd.s32 v42, v43;
	v43 =	vld [tilespmem:$0xE080];
	v51 =	vmul.u32 $0x3, v46;
	v46 =	vand.u32 $0x1FFF, v46  }
0x62: {  	v44 =	vld [tilespmem:$0xE100];
	v55 =	vmul.u32 $0x3, v63;
	v50 =	vadd.s32 v58, v61;
	v53 =	vmul.u32 $0x3, v46  }
0x63: {  	s20 =	simm.s32 $0x0;
	v47 =	vand.u32 $0x1FFF, v29;
	v52 =	vadd.s32 v49, v52;
	v49 =	vld [tilespmem:$0xE280];
	v48 =	vadd.s32 v50, v51  }
0x64: {  	s26 =	simm.s32 $0x0;
	s29 =	sadd.s32 s0, s15;
	s6 =	smov.u32 s0;
	v46 =	vld [tilespmem:$0xE200];
	v51 =	vadd.s32 v52, v54;
	v52 =	vadd.s32 v52, v55;
	v50 =	vadd.s32 v50, v53  }
.LBB2_12:
0x65: {  	s7 =	ssub.s32 s6, s0  }
0x66: {  	p1 =	seq.s32 s26, $0xF;
	p0 =	sge.s32 s7, s15  }
0x67: {  	p2 =	seq.s32 s20, $0x0;
	p0 =	por p1, p0  }
0x68: {  	p0 =	por !p2, !p0  }
0x69: {  	p0 =	por !p0, !p0  }
0x6a: {  	p1 =	slt.s32 @p0 s15, $0x1  }
0x6b: {  	p1 =	por p1, !p0  }
0x6c: {  	[tilespmem:$0x10A80] =	vst @!p1 v15;
	s7 =	simm.s32 @!p1 $0x4000  }
0x6d: {  	v53 =	vld.idx.msk @!p1 [tilespmem:v16+s7+$0x0], $0xffff;
	_ =	sdelay $0x3  }
0x6e: {  	[tilespmem:$0x10A90] =	vst @!p1 v17  }
0x6f: {  	[tilespmem:$0x10B00] =	vst @!p1 v53  }
0x70: {  	v53 =	vld.idx.msk @!p1 [tilespmem:v18+s7+$0x0], $0xffff;
	_ =	sdelay $0x3  }
0x71: {  	[tilespmem:$0x10AA0] =	vst @!p1 v19  }
0x72: {  	[tilespmem:$0x10B10] =	vst @!p1 v53  }
0x73: {  	v53 =	vld.idx.msk @!p1 [tilespmem:v20+s7+$0x0], $0xffff;
	_ =	sdelay $0x3  }
0x74: {  	[tilespmem:$0x10AB0] =	vst @!p1 v21  }
0x75: {  	[tilespmem:$0x10B20] =	vst @!p1 v53  }
0x76: {  	v53 =	vld.idx.msk @!p1 [tilespmem:v22+s7+$0x0], $0xffff;
	_ =	sdelay $0x3  }
0x77: {  	[tilespmem:$0x10AC0] =	vst @!p1 v23  }
0x78: {  	[tilespmem:$0x10B30] =	vst @!p1 v53  }
0x79: {  	v53 =	vld.idx.msk @!p1 [tilespmem:v25+s7+$0x0], $0xffff;
	_ =	sdelay $0x3  }
0x7a: {  	[tilespmem:$0x10AD0] =	vst @!p1 v24  }
0x7b: {  	[tilespmem:$0x10B40] =	vst @!p1 v53  }
0x7c: {  	v53 =	vld.idx.msk @!p1 [tilespmem:v26+s7+$0x0], $0xffff;
	_ =	sdelay $0x3  }
0x7d: {  	[tilespmem:$0x10AE0] =	vst @!p1 v27  }
0x7e: {  	[tilespmem:$0x10B50] =	vst @!p1 v53  }
0x7f: {  	v53 =	vld.idx.msk @!p1 [tilespmem:v28+s7+$0x0], $0xffff;
	_ =	sdelay $0x3  }
0x80: {  	[tilespmem:$0x10AF0] =	vst @!p1 v29  }
0x81: {  	[tilespmem:$0x10B60] =	vst @!p1 v53  }
0x82: {  	v53 =	vld.idx.msk @!p1 [tilespmem:v47+s7+$0x0], $0xffff;
	_ =	sdelay $0x4  }
0x83: {  	s8 =	simm.s32 @!p1 $0x10A80;
	s9 =	simm.s32 @!p1 $0x10B00;
	s7 =	simm.s32 @!p1 $0x80;
	[tilespmem:$0x10B70] =	vst @!p1 v53  }
0x84: {  	[hbm4b:s2+s7] =	stream.indirect.scatter @!p1 [tilespmem:s9], [sflag:$0x1], $0x1, s8, s7, $0xb8;
	[tilespmem:$0x10C00] =	vst v63  }
0x85: {  	s9 =	simm.s32 @!p1 $0x1  }
0x86: {  	_ =	swait.ge @!p1 [sflag:s9], $0x80  }
0x87: {  	[sflag:s9] =	ssyncset.done @!p1 $0x0  }
0x88: {  	[sflag:s9] =	ssyncadd.s32 @!p1 $0xFFFFFF80  }
0x89: {  	s12 =	simm.s32 @!p1 $0x6800;
	[tilespmem:$0x10A80] =	vst @!p1 v30  }
0x8a: {  	v53 =	vld.idx.msk @!p1 [tilespmem:v31+s12+$0x0], $0xffff;
	_ =	sdelay $0x3  }
0x8b: {  	[tilespmem:$0x10A90] =	vst @!p1 v32  }
0x8c: {  	[tilespmem:$0x10B80] =	vst @!p1 v53  }
0x8d: {  	v53 =	vld.idx.msk @!p1 [tilespmem:v33+s12+$0x0], $0xffff;
	_ =	sdelay $0x3  }
0x8e: {  	[tilespmem:$0x10AA0] =	vst @!p1 v34  }
0x8f: {  	[tilespmem:$0x10B90] =	vst @!p1 v53  }
0x90: {  	v53 =	vld.idx.msk @!p1 [tilespmem:v35+s12+$0x0], $0xffff;
	_ =	sdelay $0x3  }
0x91: {  	[tilespmem:$0x10AB0] =	vst @!p1 v36  }
0x92: {  	[tilespmem:$0x10BA0] =	vst @!p1 v53  }
0x93: {  	v53 =	vld.idx.msk @!p1 [tilespmem:v37+s12+$0x0], $0xffff;
	_ =	sdelay $0x3  }
0x94: {  	[tilespmem:$0x10AC0] =	vst @!p1 v38  }
0x95: {  	[tilespmem:$0x10BB0] =	vst @!p1 v53  }
0x96: {  	v53 =	vld.idx.msk @!p1 [tilespmem:v39+s12+$0x0], $0xffff;
	_ =	sdelay $0x3  }
0x97: {  	[tilespmem:$0x10AD0] =	vst @!p1 v40  }
0x98: {  	[tilespmem:$0x10BC0] =	vst @!p1 v53  }
0x99: {  	v53 =	vld.idx.msk @!p1 [tilespmem:v42+s12+$0x0], $0xffff;
	_ =	sdelay $0x3  }
0x9a: {  	[tilespmem:$0x10AE0] =	vst @!p1 v48  }
0x9b: {  	[tilespmem:$0x10BD0] =	vst @!p1 v53  }
0x9c: {  	v53 =	vld.idx.msk @!p1 [tilespmem:v50+s12+$0x0], $0xffff;
	_ =	sdelay $0x3  }
0x9d: {  	[tilespmem:$0x10AF0] =	vst @!p1 v51  }
0x9e: {  	[tilespmem:$0x10BE0] =	vst @!p1 v53  }
0x9f: {  	v53 =	vld.idx.msk @!p1 [tilespmem:v52+s12+$0x0], $0xffff;
	_ =	sdelay $0x2  }
0xa0: {  	s26 =	sadd.s32 $0x1, s26  }
0xa1: {  	p2 =	sne.s32 s26, $0x10  }
.Ltmp3:
0xa2: {  	s12 =	simm.s32 @!p1 $0x10B80;
	[tilespmem:$0x10BF0] =	vst @!p1 v53;
	(pc) =	sbr.rel @!p2 .LBB2_13-.Ltmp3, $4  }
0xa3: {  	[hbm4b:s11+s7] =	stream.indirect.scatter @!p1 [tilespmem:s12], [sflag:$0x1], $0x1, s8, s7, $0xb8;
	[tilespmem:$0x10C00] =	vst v63  }
0xa4: {  	_ =	swait.ge @!p1 [sflag:s9], $0x80  }
0xa5: {  	[sflag:s9] =	ssyncset.done @!p1 $0x0  }
0xa6: {  	s20 =	simm.s32 @p0 $0x1;
	[sflag:s9] =	ssyncadd.s32 @!p1 $0xFFFFFF80  }
.LBB2_2:
0xa7: {  	s7 =	sshll.u32 s26, $0xC  }
0xa8: {  	s8 =	sadd.s32 s10, s7  }
0xa9: {  	s7 =	sshrl.u32 s8, $0x3  }
0xaa: {  	s25 =	smul.u32 $0x3, s8;
	s9 =	sadd.s32 s5, s7;
	s7 =	simm.s32 $0x0  }
0xab: {  	[tilespmem:s7], [sflag:$0x3] =	stream.linear.gather [hbm4b:s9+s7], $0x1000, $0x38;
	[tilespmem:$0x10C00] =	vst v63  }
0xac: {  	_ =	swait.ge [sflag:s16], $0x1000  }
0xad: {  	s9 =	sshrl.u32 s25, $0x3;
	[sflag:s16] =	ssyncset.done $0x0  }
0xae: {  	s9 =	sadd.s32 s1, s9;
	[sflag:s16] =	ssyncadd.s32 $0xFFFFF000  }
0xaf: {  	[tilespmem:s21], [sflag:$0x3] =	stream.linear.gather [hbm4b:s9+s7], $0x3000, $0x38;
	[tilespmem:$0x10C00] =	vst v63  }
0xb0: {  	v53 =	vmov s8;
	_ =	swait.ge [sflag:s16], $0x3000  }
0xb1: {  	v54 =	vshrl.u32 v53, $0xE;
	[sflag:s16] =	ssyncset.done $0x0  }
0xb2: {  	s8 =	simm.s32 $0x20;
	v54 =	vcvt.s32.f32 v54;
	[sflag:s16] =	ssyncadd.s32 $0xFFFFD000  }
.LBB2_3:
0xb3: {  	v55 =	vld [tilespmem:s8+$0xFFFFFFE0];
	_ =	sdelay $0x1  }
0xb4: {  	v56 =	vor.u32 s7, v0  }
0xb5: {  	v57 =	vmul.u32 $0x3, v56;
	_ =	sdelay $0x1  }
0xb6: {  	v58 =	vadd.s32 $0x1, v57;
	(xrf0) =	vadd.scan.msk.s32 $0xffff, v55  }
0xb7: {  	v59 =	vadd.s32 $0x2, v57;
	_ =	sdelay $0x2  }
0xb8: {  	v57 =	vld.idx.msk [tilespmem:v57+s21+$0x0], $0xffff  }
0xb9: {  	v60 =	vor.u32 v53, v56;
	v58 =	vld.idx.msk [tilespmem:v58+s21+$0x0], $0xffff  }
0xba: {  	v63 =	vshrl.u32 v60, $0x7;
	v62 =	vsub.s32 s6, v55;
	v59 =	vld.idx.msk [tilespmem:v59+s21+$0x0], $0xffff;
	v61, _, _ =	vpop (xrf0)  }
0xbb: {  	vm0 =	vgt.s32 v55, $0x0;
	v55 =	vadd.s32 v61, v62;
	v62 =	vand.u32 $0x7F, v63  }
0xbc: {  	v56 =	vand.u32 $0x4F, v56;
	v55 =	vand.u32 $0x1FFF, v55;
	v62 =	vcvt.s32.f32 v62  }
0xbd: {  	v56 =	vcvt.s32.f32 v56;
	v57 =	vadd.f32 v54, v57;
	v63 =	vmul.u32 $0x3, v55  }
0xbe: {  	v58 =	vadd.f32 v62, v58  }
0xbf: {  	v56 =	vadd.f32 v56, v59;
	v57 =	vmul.f32 v57, v41;
	v59 =	vadd.s32 $0x1, v63  }
0xc0: {  	(v2sf) =	vpush v61, $0xF;
	v61 =	vadd.s32 $0x2, v63;
	v58 =	vmul.f32 v58, v43  }
0xc1: {  	v56 =	vmul.f32 v56, v44;
	v57 =	vadd.f32 v57, v45  }
0xc2: {  	[tilespmem:v55+s22+$0x0] =	vst.idx.msk vm0, v60;
	v58 =	vadd.f32 v58, v46  }
0xc3: {  	v62 =	vadd.f32 v56, v49;
	[tilespmem:v63+s23+$0x0] =	vst.idx.msk vm0, v57  }
0xc4: {  	[tilespmem:v59+s23+$0x0] =	vst.idx.msk vm0, v58  }
0xc5: {  	[tilespmem:v61+s23+$0x0] =	vst.idx.msk vm0, v62  }
0xc6: {  	v55 =	vld [tilespmem:s8+$0xFFFFFFF0]  }
0xc7: {  	s9 =	sadd.s32 $0x10, s7  }
0xc8: {  	v56 =	vor.u32 s9, v0  }
0xc9: {  	v63 =	vmul.u32 $0x3, v56;
	_ =	sdelay $0x1  }
0xca: {  	v58 =	vadd.s32 $0x1, v63;
	(xrf0) =	vadd.scan.msk.s32 $0xffff, v55  }
0xcb: {  	v59 =	vadd.s32 $0x2, v63;
	_ =	sdelay $0x2  }
0xcc: {  	v60 =	vor.u32 v53, v56;
	v57 =	vld.idx.msk [tilespmem:v63+s21+$0x0], $0xffff;
	s24 =	spop (v2sf)  }
0xcd: {  	v62 =	vshrl.u32 v60, $0xE;
	v58 =	vld.idx.msk [tilespmem:v58+s21+$0x0], $0xffff;
	s25 =	sadd.s32 s6, s24  }
0xce: {  	v63 =	vshrl.u32 v60, $0x7;
	v59 =	vld.idx.msk [tilespmem:v59+s21+$0x0], $0xffff;
	vm13 =	vgt.s32 v55, $0x0;
	v55 =	vsub.s32 s25, v55;
	v61, _, _ =	vpop (xrf0)  }
0xcf: {  	v62 =	vcvt.s32.f32 v62;
	v63 =	vand.u32 $0x7F, v63;
	v55 =	vadd.s32 v61, v55  }
0xd0: {  	v56 =	vand.u32 $0x5F, v56;
	v63 =	vcvt.s32.f32 v63;
	v55 =	vand.u32 $0x1FFF, v55  }
0xd1: {  	v56 =	vcvt.s32.f32 v56;
	v57 =	vadd.f32 v62, v57;
	v62 =	vmul.u32 $0x3, v55  }
0xd2: {  	v58 =	vadd.f32 v63, v58  }
0xd3: {  	v56 =	vadd.f32 v56, v59;
	v57 =	vmul.f32 v57, v41;
	v59 =	vadd.s32 $0x1, v62  }
0xd4: {  	v58 =	vmul.f32 v58, v43;
	(v2sf) =	vpush v61, $0xF;
	v61 =	vadd.s32 $0x2, v62  }
0xd5: {  	v56 =	vmul.f32 v56, v44;
	v57 =	vadd.f32 v57, v45  }
0xd6: {  	v58 =	vadd.f32 v58, v46;
	[tilespmem:v55+s22+$0x0] =	vst.idx.msk vm13, v60  }
0xd7: {  	v60 =	vadd.f32 v56, v49;
	[tilespmem:v62+s23+$0x0] =	vst.idx.msk vm13, v57  }
0xd8: {  	[tilespmem:v59+s23+$0x0] =	vst.idx.msk vm13, v58  }
0xd9: {  	[tilespmem:v61+s23+$0x0] =	vst.idx.msk vm13, v60  }
0xda: {  	v55 =	vld [tilespmem:s8+$0x0]  }
0xdb: {  	s12 =	sadd.s32 $0x20, s7  }
0xdc: {  	v56 =	vor.u32 s12, v0  }
0xdd: {  	v63 =	vmul.u32 $0x3, v56;
	_ =	sdelay $0x1  }
0xde: {  	v58 =	vadd.s32 $0x1, v63;
	(xrf0) =	vadd.scan.msk.s32 $0xffff, v55  }
0xdf: {  	v59 =	vadd.s32 $0x2, v63;
	_ =	sdelay $0x2  }
0xe0: {  	v60 =	vor.u32 v53, v56;
	v57 =	vld.idx.msk [tilespmem:v63+s21+$0x0], $0xffff;
	s14 =	spop (v2sf)  }
0xe1: {  	v62 =	vshrl.u32 v60, $0xE;
	v58 =	vld.idx.msk [tilespmem:v58+s21+$0x0], $0xffff;
	s6 =	sadd.s32 s25, s14  }
0xe2: {  	v63 =	vshrl.u32 v60, $0x7;
	v59 =	vld.idx.msk [tilespmem:v59+s21+$0x0], $0xffff;
	vm14 =	vgt.s32 v55, $0x0;
	v55 =	vsub.s32 s6, v55;
	v61, _, _ =	vpop (xrf0)  }
0xe3: {  	v62 =	vcvt.s32.f32 v62;
	v63 =	vand.u32 $0x7F, v63;
	v55 =	vadd.s32 v61, v55  }
0xe4: {  	v56 =	vand.u32 $0x6F, v56;
	v63 =	vcvt.s32.f32 v63;
	v55 =	vand.u32 $0x1FFF, v55  }
0xe5: {  	v56 =	vcvt.s32.f32 v56;
	v57 =	vadd.f32 v62, v57;
	v62 =	vmul.u32 $0x3, v55  }
0xe6: {  	v58 =	vadd.f32 v63, v58  }
0xe7: {  	v56 =	vadd.f32 v56, v59;
	v57 =	vmul.f32 v57, v41;
	v59 =	vadd.s32 $0x1, v62  }
0xe8: {  	v58 =	vmul.f32 v58, v43;
	v63 =	vadd.s32 $0x2, v62  }
0xe9: {  	v56 =	vmul.f32 v56, v44;
	v57 =	vadd.f32 v57, v45  }
0xea: {  	v58 =	vadd.f32 v58, v46;
	[tilespmem:v55+s22+$0x0] =	vst.idx.msk vm14, v60  }
0xeb: {  	v60 =	vadd.f32 v56, v49;
	[tilespmem:v62+s23+$0x0] =	vst.idx.msk vm14, v57  }
0xec: {  	[tilespmem:v59+s23+$0x0] =	vst.idx.msk vm14, v58  }
0xed: {  	[tilespmem:v63+s23+$0x0] =	vst.idx.msk vm14, v60  }
0xee: {  	(v2sf) =	vpush v61, $0xF;
	v55 =	vld [tilespmem:s8+$0x10];
	_ =	sdelay $0x4  }
0xef: {  	(xrf0) =	vadd.scan.msk.s32 $0xffff, v55;
	_ =	sdelay $0x1  }
0xf0: {  	s17 =	sadd.s32 $0x30, s7  }
0xf1: {  	v56 =	vor.u32 s17, v0  }
0xf2: {  	v57 =	vmul.u32 $0x3, v56;
	_ =	sdelay $0x1  }
0xf3: {  	v59 =	vadd.s32 $0x1, v57;
	v58, _, _ =	vpop (xrf0)  }
0xf4: {  	v60 =	vadd.s32 $0x2, v57;
	(v2sf) =	vpush v58, $0xF;
	_ =	sdelay $0x2  }
0xf5: {  	v61 =	vor.u32 v53, v56;
	v57 =	vld.idx.msk [tilespmem:v57+s21+$0x0], $0xffff;
	s24 =	spop (v2sf)  }
0xf6: {  	v62 =	vshrl.u32 v61, $0xE;
	v59 =	vld.idx.msk [tilespmem:v59+s21+$0x0], $0xffff;
	s6 =	sadd.s32 s6, s24  }
0xf7: {  	v63 =	vshrl.u32 v61, $0x7;
	v60 =	vld.idx.msk [tilespmem:v60+s21+$0x0], $0xffff;
	vm15 =	vgt.s32 v55, $0x0;
	v55 =	vsub.s32 s6, v55  }
0xf8: {  	v55 =	vadd.s32 v58, v55;
	v58 =	vcvt.s32.f32 v62;
	v62 =	vand.u32 $0x7F, v63  }
0xf9: {  	v56 =	vand.u32 $0x7F, v56;
	v55 =	vand.u32 $0x1FFF, v55;
	v62 =	vcvt.s32.f32 v62  }
0xfa: {  	v56 =	vcvt.s32.f32 v56;
	v57 =	vadd.f32 v58, v57;
	v58 =	vmul.u32 $0x3, v55  }
0xfb: {  	v59 =	vadd.f32 v62, v59  }
0xfc: {  	v56 =	vadd.f32 v56, v60;
	v57 =	vmul.f32 v57, v41;
	v60 =	vadd.s32 $0x1, v58  }
0xfd: {  	p0 =	sne.s32 s7, $0xFC0;
	v62 =	vadd.s32 $0x2, v58;
	v59 =	vmul.f32 v59, v43  }
.Ltmp4:
0xfe: {  	v56 =	vmul.f32 v56, v44;
	v57 =	vadd.f32 v57, v45;
	(pc) =	sbr.rel @p0 .LBB2_3-.Ltmp4, $4  }
0xff: {  	[tilespmem:v55+s22+$0x0] =	vst.idx.msk vm15, v61;
	v59 =	vadd.f32 v59, v46  }
0x100: {  	v63 =	vadd.f32 v56, v49;
	[tilespmem:v58+s23+$0x0] =	vst.idx.msk vm15, v57  }
0x101: {  	[tilespmem:v60+s23+$0x0] =	vst.idx.msk vm15, v59;
	s25 =	spop (v2sf)  }
0x102: {  	s7 =	sadd.s32 $0x40, s7;
	s8 =	sadd.s32 $0x40, s8;
	[tilespmem:v62+s23+$0x0] =	vst.idx.msk vm15, v63;
	s6 =	sadd.s32 s6, s25  }
0x103: {  	s7 =	ssub.s32 s6, s29  }
0x104: {  	p0 =	sgt.s32 s7, $0x0  }
0x105: {  	s7 =	simm.s32 @!p0 $0x0  }
0x106: {  	s7 =	sshrl.u32 s7, $0xB  }
0x107: {  	p0 =	seq.s32 s7, $0x0  }
.Ltmp5:
0x108: {  	_ = 	snop;
	(pc) =	sbr.rel @!p0 .LBB2_5-.Ltmp5, $4  }
.Ltmp6:
0x109: {  	_ = 	snop;
	(pc) =	sbr.rel @p0 .LBB2_12-.Ltmp6, $4  }
0x10a: {  	_ = 	snop  }
0x10b: {  	_ = 	snop  }
0x10c: {  	s8 =	simm.s32 $0x0;
	s9 =	simm.s32 $0x0  }
0x10d: {  	_ = 	snop  }
.LBB2_10:
0x10e: {  	[tilespmem:s25+$0xC800] =	vst v53  }
.LBB2_11:
0x10f: {  	s14 =	sshrl.u32 s29, $0x3  }
0x110: {  	s24 =	sor.u32 $0x4000, s12;
	s25 =	smul.u32 $0xC, s12;
	s14 =	sadd.s32 s2, s14  }
0x111: {  	[hbm4b:s14+s3] =	stream.linear.scatter [tilespmem:s24], [sflag:$0x3], $0x800, $0x38;
	[tilespmem:$0x10C00] =	vst v63  }
0x112: {  	s9 =	sadd.s32 $0x1, s9;
	s24 =	smul.u32 $0x3, s29  }
0x113: {  	p0 =	sne.s32 s9, s7;
	s12 =	sshrl.u32 s25, $0x2;
	_ =	swait.ge [sflag:s16], $0x800  }
0x114: {  	s12 =	sadd.s32 $0x6800, s12;
	[sflag:s16] =	ssyncset.done $0x0;
	s14 =	sshrl.u32 s24, $0x3  }
.Ltmp7:
0x115: {  	[sflag:s16] =	ssyncadd.s32 $0xFFFFF800;
	s14 =	sadd.s32 s11, s14;
	(pc) =	sbr.rel @!p0 .LBB2_12-.Ltmp7, $4  }
0x116: {  	[hbm4b:s14+s3] =	stream.linear.scatter [tilespmem:s12], [sflag:$0x3], $0x1800, $0x38;
	[tilespmem:$0x10C00] =	vst v63  }
0x117: {  	_ =	swait.ge [sflag:s16], $0x1800  }
0x118: {  	[sflag:s16] =	ssyncset.done $0x0  }
0x119: {  	s29 =	sadd.s32 $0x800, s29;
	[sflag:s16] =	ssyncadd.s32 $0xFFFFE800  }
.LBB2_5:
0x11a: {  	s12 =	sand.u32 $0x1FF8, s29  }
0x11b: {  	p0 =	slt.u32 s12, $0x1801  }
.Ltmp8:
0x11c: {  	_ = 	snop;
	(pc) =	sbr.rel @p0 .LBB2_11-.Ltmp8, $2  }
0x11d: {  	_ =	sdelay $0x2  }
0x11e: {  	s14 =	simm.s32 $0x4000  }
0x11f: {  	v53 =	vld [tilespmem:s14+$0x0];
	_ =	sdelay $0x2  }
0x120: {  	s24 =	simm.s32 $0x10;
	s25 =	sand.u32 $0x7F0, s8  }
.LBB2_7:
0x121: {  	p0 =	sne.s32 s24, $0x7F0  }
0x122: {  	[tilespmem:s25+$0x6000] =	vst v53;
	s14 =	sadd.s32 $0x10, s14;
	s25 =	smov.u32 s24;
	s24 =	sadd.s32 $0x10, s24  }
.Ltmp9:
0x123: {  	v53 =	vld [tilespmem:s14+$0x0];
	(pc) =	sbr.rel @p0 .LBB2_7-.Ltmp9, $2  }
0x124: {  	_ =	sdelay $0x2  }
0x125: {  	s25 =	sand.u32 $0x7F0, s25  }
0x126: {  	[tilespmem:s25+$0x6000] =	vst v53;
	s14 =	simm.s32 $0x6800  }
0x127: {  	v53 =	vld [tilespmem:s14+$0x0];
	_ =	sdelay $0x1  }
0x128: {  	s17 =	simm.s32 $0x0  }
0x129: {  	s24 =	simm.s32 $0x10;
	s25 =	sand.u32 $0x1FF0, s17  }
.LBB2_9:
0x12a: {  	p0 =	sne.s32 s24, $0x17F0  }
0x12b: {  	[tilespmem:s25+$0xC800] =	vst v53;
	s14 =	sadd.s32 $0x10, s14;
	s25 =	smov.u32 s24;
	s24 =	sadd.s32 $0x10, s24  }
.Ltmp10:
0x12c: {  	v53 =	vld [tilespmem:s14+$0x0];
	(pc) =	sbr.rel @p0 .LBB2_9-.Ltmp10, $2  }
0x12d: {  	_ =	sdelay $0x2  }
0x12e: {  	s25 =	sand.u32 $0x1FF0, s25  }
.Ltmp11:
0x12f: {  	_ = 	snop;
	(pc) =	sbr.rel .LBB2_10-.Ltmp11, $1  }
0x130: {  	_ =	sdelay $0x3  }
.LBB2_13:
0x131: {  	(v2sf) =	vpush v13, $0xF  }
0x132: {  	(v2sf) =	vpush v14, $0xF;
	_ =	sdelay $0xd  }
0x133: {  	s8 =	rddreg [dreg:$0x8];
	s6 =	spop (v2sf)  }
0x134: {  	s7 =	spop (v2sf);
	s8 =	sadd.s32 s6, s8  }
0x135: {  	s6 =	sadd.s32 s0, s4;
	s24 =	sadd.s32 s7, s8  }
0x136: {  	s25 =	ssub.s32 $0x10000, s4;
	s20 =	ssub.s32 s24, s6  }
0x137: {  	s4 =	ssub.s32 s20, s25  }
0x138: {  	s26 =	ssub.s32 $0x0, s4  }
0x139: {  	s0 =	sand.u32 $0x7, s26  }
0x13a: {  	s15 =	smov.u32 s25;
	p0 =	slt.s32 s0, s25  }
0x13b: {  	s15 =	smov.u32 @p0 s0  }
0x13c: {  	s0 =	ssub.s32 s25, s15  }
0x13d: {  	p0 =	sgt.s32 s0, $0x0  }
0x13e: {  	s0 =	simm.s32 @!p0 $0x0  }
0x13f: {  	s0 =	sshrl.u32 s0, $0xB  }
0x140: {  	p0 =	seq.s32 s0, $0x0  }
.Ltmp12:
0x141: {  	_ = 	snop;
	(pc) =	sbr.rel @p0 .LBB2_17-.Ltmp12, $2  }
0x142: {  	_ =	sdelay $0x2  }
0x143: {  	s26 =	sadd.s32 s4, s15  }
0x144: {  	p1 =	seq.s32 s0, $0x1  }
.Ltmp13:
0x145: {  	s7 =	sshrl.u32 s26, $0x3;
	(pc) =	sbr.rel @p1 .LBB2_16-.Ltmp13, $4  }
0x146: {  	s8 =	smul.u32 $0x3, s26;
	s7 =	sadd.s32 s2, s7  }
0x147: {  	[hbm4b:s7+s3] =	stream.linear.scatter [tilespmem:s18], [sflag:$0x2], $0x800, $0x38;
	[tilespmem:$0x10C00] =	vst v63  }
0x148: {  	s26 =	sadd.s32 $0x800, s26;
	s9 =	sshrl.u32 s8, $0x3  }
0x149: {  	s7 =	sadd.s32 $0xFFFFFFFF, s0;
	s8 =	sadd.s32 $0x1800, s8;
	s9 =	sadd.s32 s11, s9  }
.LBB2_15:
0x14a: {  	[hbm4b:s9+s3] =	stream.linear.scatter [tilespmem:s19], [sflag:$0x2], $0x1800, $0x38;
	[tilespmem:$0x10C00] =	vst v63  }
0x14b: {  	p1 =	seq.s32 s7, $0x1  }
.Ltmp14:
0x14c: {  	s7 =	sadd.s32 $0xFFFFFFFF, s7;
	(pc) =	sbr.rel @!p1 .LBB2_15-.Ltmp14, $4  }
0x14d: {  	s9 =	sshrl.u32 s26, $0x3  }
0x14e: {  	s12 =	sshrl.u32 s8, $0x3;
	s9 =	sadd.s32 s2, s9  }
0x14f: {  	[hbm4b:s9+s3] =	stream.linear.scatter [tilespmem:s18], [sflag:$0x2], $0x800, $0x38;
	[tilespmem:$0x10C00] =	vst v63  }
0x150: {  	s26 =	sadd.s32 $0x800, s26;
	s8 =	sadd.s32 $0x1800, s8;
	s9 =	sadd.s32 s11, s12  }
.LBB2_16:
0x151: {  	[hbm4b:s9+s3] =	stream.linear.scatter [tilespmem:s19], [sflag:$0x2], $0x1800, $0x38;
	[tilespmem:$0x10C00] =	vst v63  }
.LBB2_17:
0x152: {  	s8 =	simm.s32 $0x4000  }
0x153: {  	v13 =	vld [tilespmem:s8+$0x0];
	_ =	sdelay $0x1  }
0x154: {  	s7 =	simm.s32 $0x0  }
0x155: {  	s9 =	simm.s32 $0x10;
	s12 =	sand.u32 $0x7F0, s7  }
.LBB2_18:
0x156: {  	p1 =	sne.s32 s9, $0x7F0  }
0x157: {  	[tilespmem:s12+$0x6000] =	vst v13;
	s8 =	sadd.s32 $0x10, s8;
	s12 =	smov.u32 s9;
	s9 =	sadd.s32 $0x10, s9  }
.Ltmp15:
0x158: {  	v13 =	vld [tilespmem:s8+$0x0];
	(pc) =	sbr.rel @p1 .LBB2_18-.Ltmp15, $2  }
0x159: {  	_ =	sdelay $0x2  }
0x15a: {  	s12 =	sand.u32 $0x7F0, s12  }
0x15b: {  	[tilespmem:s12+$0x6000] =	vst v13;
	s8 =	simm.s32 $0x6800  }
0x15c: {  	v13 =	vld [tilespmem:s8+$0x0];
	_ =	sdelay $0x2  }
0x15d: {  	s9 =	simm.s32 $0x10;
	s12 =	sand.u32 $0x1FF0, s7  }
.LBB2_20:
0x15e: {  	p1 =	sne.s32 s9, $0x17F0  }
0x15f: {  	[tilespmem:s12+$0xC800] =	vst v13;
	s8 =	sadd.s32 $0x10, s8;
	s7 =	smov.u32 s9;
	s9 =	sadd.s32 $0x10, s9  }
.Ltmp16:
0x160: {  	v13 =	vld [tilespmem:s8+$0x0];
	(pc) =	sbr.rel @p1 .LBB2_20-.Ltmp16, $2  }
0x161: {  	_ =	sdelay $0x2  }
0x162: {  	s12 =	sand.u32 $0x1FF0, s7  }
0x163: {  	s7 =	ssub.s32 s6, s29  }
0x164: {  	s8 =	sand.u32 $0x400, s7  }
0x165: {  	p1 =	seq.s32 s8, $0x0  }
0x166: {  	s9 =	sand.u32 @!p1 $0x1FF8, s29;
	s14 =	sshrl.u32 @!p1 s29, $0x3;
	s24 =	simm.s32 @!p1 $0x0  }
0x167: {  	[tilespmem:s12+$0xC800] =	vst v13;
	s12 =	sadd.s32 @!p1 s2, s14;
	s14 =	sor.u32 @!p1 $0x4000, s9;
	s9 =	smul.u32 @!p1 $0xC, s9  }
0x168: {  	[hbm4b:s12+s24] =	stream.linear.scatter @!p1 [tilespmem:s14], [sflag:$0x3], $0x400, $0x38;
	[tilespmem:$0x10C00] =	vst v63  }
0x169: {  	s12 =	smul.u32 @!p1 $0x3, s29;
	s14 =	simm.s32 @!p1 $0x3  }
0x16a: {  	_ =	swait.ge @!p1 [sflag:s14], $0x400  }
0x16b: {  	s9 =	sshrl.u32 @!p1 s9, $0x2;
	[sflag:s14] =	ssyncset.done @!p1 $0x0;
	s12 =	sshrl.u32 @!p1 s12, $0x3  }
0x16c: {  	s9 =	sadd.s32 @!p1 $0x6800, s9;
	[sflag:s14] =	ssyncadd.s32 @!p1 $0xFFFFFC00;
	s12 =	sadd.s32 @!p1 s11, s12  }
0x16d: {  	[hbm4b:s12+s24] =	stream.linear.scatter @!p1 [tilespmem:s9], [sflag:$0x3], $0xC00, $0x38;
	[tilespmem:$0x10C00] =	vst v63  }
0x16e: {  	s9 =	sand.u32 $0x200, s7  }
0x16f: {  	s8 =	sadd.s32 s29, s8;
	_ =	swait.ge @!p1 [sflag:s14], $0xC00;
	p2 =	seq.s32 s9, $0x0  }
0x170: {  	[sflag:s14] =	ssyncset.done @!p1 $0x0;
	s12 =	sand.u32 @!p2 $0x1FF8, s8  }
0x171: {  	s25 =	simm.s32 @!p2 $0x0;
	[sflag:s14] =	ssyncadd.s32 @!p1 $0xFFFFF400;
	s14 =	sshrl.u32 @!p2 s8, $0x3  }
0x172: {  	s24 =	sor.u32 @!p2 $0x4000, s12;
	s12 =	smul.u32 @!p2 $0xC, s12;
	s14 =	sadd.s32 @!p2 s2, s14  }
0x173: {  	[hbm4b:s14+s25] =	stream.linear.scatter @!p2 [tilespmem:s24], [sflag:$0x3], $0x200, $0x38;
	[tilespmem:$0x10C00] =	vst v63  }
0x174: {  	s17 =	sand.u32 $0x100, s7;
	s14 =	smul.u32 @!p2 $0x3, s8;
	s24 =	simm.s32 @!p2 $0x3  }
0x175: {  	p1 =	seq.s32 s17, $0x0;
	s12 =	sshrl.u32 @!p2 s12, $0x2;
	_ =	swait.ge @!p2 [sflag:s24], $0x200  }
0x176: {  	s8 =	sadd.s32 s9, s8;
	[sflag:s24] =	ssyncset.done @!p2 $0x0;
	s14 =	sshrl.u32 @!p2 s14, $0x3  }
0x177: {  	s12 =	sadd.s32 @!p2 $0x6800, s12;
	[sflag:s24] =	ssyncadd.s32 @!p2 $0xFFFFFE00;
	s14 =	sadd.s32 @!p2 s11, s14  }
0x178: {  	[hbm4b:s14+s25] =	stream.linear.scatter @!p2 [tilespmem:s12], [sflag:$0x3], $0x600, $0x38;
	[tilespmem:$0x10C00] =	vst v63  }
0x179: {  	s9 =	sand.u32 @!p1 $0x1FF8, s8;
	s14 =	sshrl.u32 @!p1 s8, $0x3;
	_ =	swait.ge @!p2 [sflag:s24], $0x600  }
0x17a: {  	s25 =	simm.s32 @!p1 $0x0;
	s14 =	sadd.s32 @!p1 s2, s14;
	[sflag:s24] =	ssyncset.done @!p2 $0x0  }
0x17b: {  	[sflag:s24] =	ssyncadd.s32 @!p2 $0xFFFFFA00;
	s24 =	sor.u32 @!p1 $0x4000, s9;
	s9 =	smul.u32 @!p1 $0xC, s9  }
0x17c: {  	[hbm4b:s14+s25] =	stream.linear.scatter @!p1 [tilespmem:s24], [sflag:$0x3], $0x100, $0x38;
	[tilespmem:$0x10C00] =	vst v63  }
0x17d: {  	s29 =	sand.u32 $0x80, s7;
	s14 =	smul.u32 @!p1 $0x3, s8;
	s24 =	simm.s32 @!p1 $0x3  }
0x17e: {  	p2 =	seq.s32 s29, $0x0;
	s8 =	sadd.s32 s17, s8;
	_ =	swait.ge @!p1 [sflag:s24], $0x100  }
0x17f: {  	s9 =	sshrl.u32 @!p1 s9, $0x2;
	[sflag:s24] =	ssyncset.done @!p1 $0x0;
	s14 =	sshrl.u32 @!p1 s14, $0x3  }
0x180: {  	s9 =	sadd.s32 @!p1 $0x6800, s9;
	[sflag:s24] =	ssyncadd.s32 @!p1 $0xFFFFFF00;
	s14 =	sadd.s32 @!p1 s11, s14  }
0x181: {  	[hbm4b:s14+s25] =	stream.linear.scatter @!p1 [tilespmem:s9], [sflag:$0x3], $0x300, $0x38;
	[tilespmem:$0x10C00] =	vst v63  }
0x182: {  	s12 =	sand.u32 @!p2 $0x1FF8, s8;
	s14 =	sshrl.u32 @!p2 s8, $0x3;
	_ =	swait.ge @!p1 [sflag:s24], $0x300  }
0x183: {  	s25 =	simm.s32 @!p2 $0x0;
	s14 =	sadd.s32 @!p2 s2, s14;
	[sflag:s24] =	ssyncset.done @!p1 $0x0  }
0x184: {  	[sflag:s24] =	ssyncadd.s32 @!p1 $0xFFFFFD00;
	s24 =	sor.u32 @!p2 $0x4000, s12;
	s12 =	smul.u32 @!p2 $0xC, s12  }
0x185: {  	[hbm4b:s14+s25] =	stream.linear.scatter @!p2 [tilespmem:s24], [sflag:$0x3], $0x80, $0x38;
	[tilespmem:$0x10C00] =	vst v63  }
0x186: {  	s14 =	smul.u32 @!p2 $0x3, s8;
	s24 =	simm.s32 @!p2 $0x3  }
0x187: {  	_ =	swait.ge @!p2 [sflag:s24], $0x80  }
0x188: {  	s12 =	sshrl.u32 @!p2 s12, $0x2;
	[sflag:s24] =	ssyncset.done @!p2 $0x0;
	s14 =	sshrl.u32 @!p2 s14, $0x3  }
0x189: {  	s12 =	sadd.s32 @!p2 $0x6800, s12;
	[sflag:s24] =	ssyncadd.s32 @!p2 $0xFFFFFF80;
	s14 =	sadd.s32 @!p2 s11, s14  }
0x18a: {  	[hbm4b:s14+s25] =	stream.linear.scatter @!p2 [tilespmem:s12], [sflag:$0x3], $0x180, $0x38;
	[tilespmem:$0x10C00] =	vst v63  }
0x18b: {  	s12 =	sand.u32 $0x40, s7;
	_ =	swait.ge @!p2 [sflag:s24], $0x180  }
0x18c: {  	s8 =	sadd.s32 s29, s8;
	p1 =	seq.s32 s12, $0x0;
	[sflag:s24] =	ssyncset.done @!p2 $0x0  }
0x18d: {  	s9 =	sand.u32 @!p1 $0x1FF8, s8;
	s14 =	sshrl.u32 @!p1 s8, $0x3;
	s25 =	simm.s32 @!p1 $0x0  }
0x18e: {  	[sflag:s24] =	ssyncadd.s32 @!p2 $0xFFFFFE80;
	s14 =	sadd.s32 @!p1 s2, s14;
	s24 =	sor.u32 @!p1 $0x4000, s9  }
0x18f: {  	[hbm4b:s14+s25] =	stream.linear.scatter @!p1 [tilespmem:s24], [sflag:$0x3], $0x40, $0x38;
	[tilespmem:$0x10C00] =	vst v63  }
0x190: {  	s14 =	simm.s32 @!p1 $0x3;
	s24 =	smul.u32 @!p1 $0x60, s8  }
0x191: {  	_ =	swait.ge @!p1 [sflag:s14], $0x40  }
0x192: {  	s24 =	sand.u32 @!p1 $0xE0, s24;
	s29 =	sld @!p1 [smem:$0x7FF]  }
0x193: {  	p2 =	seq.s32 @!p1 s24, $0x0  }
0x194: {  	p3 =	por p2, p1  }
0x195: {  	p3 =	sne.s32 @!p3 s29, $0x1  }
0x196: {  	p2 =	por @!p1 !p3, p2  }
0x197: {  	[sflag:s14] =	ssyncset.done @!p1 $0x0;
	p2 =	por p2, p1  }
0x198: {  	[sflag:s14] =	ssyncadd.s32 @!p1 $0xFFFFFFC0;
	s24 =	sor.u32 @!p2 $0x100000, s13  }
0x199: {  	s9 =	smul.u32 @!p1 $0xC, s9;
	[smem:s24], [sflag:$0x0] =	smem.add.s32 @!p2 $0x30C;
	s24 =	simm.s32 @!p2 $0x0  }
0x19a: {  	s29 =	smul.u32 @!p1 $0x3, s8;
	s17 =	simm.s32 @!p2 $0x1;
	_ =	swait.done @!p2 [sflag:s24]  }
0x19b: {  	[smem:$0x7FF] =	sst @!p2 s17  }
0x19c: {  	s9 =	sshrl.u32 @!p1 s9, $0x2;
	s17 =	sshrl.u32 @!p1 s29, $0x3;
	_ =	sint @!p2 $0x2  }
0x19d: {  	s9 =	sadd.s32 @!p1 $0x6800, s9;
	s17 =	sadd.s32 @!p1 s11, s17;
	_ =	swait.notdone @!p2 [sflag:s24]  }
0x19e: {  	[hbm4b:s17+s25] =	stream.linear.scatter @!p1 [tilespmem:s9], [sflag:$0x3], $0xC0, $0x38;
	[tilespmem:$0x10C00] =	vst v63  }
0x19f: {  	s9 =	sand.u32 $0x20, s7;
	_ =	swait.ge @!p1 [sflag:s14], $0xC0  }
0x1a0: {  	s8 =	sadd.s32 s12, s8;
	p2 =	seq.s32 s9, $0x0;
	[sflag:s14] =	ssyncset.done @!p1 $0x0  }
0x1a1: {  	s12 =	sand.u32 @!p2 $0x1FFF, s8;
	[sflag:s14] =	ssyncadd.s32 @!p1 $0xFFFFFF40;
	s14 =	sshrl.u32 @!p2 s8, $0x3  }
0x1a2: {  	s24 =	simm.s32 @!p2 $0x0;
	s17 =	sor.u32 @!p2 $0x4000, s12;
	s14 =	sadd.s32 @!p2 s2, s14  }
0x1a3: {  	[hbm4b:s14+s24] =	stream.linear.scatter @!p2 [tilespmem:s17], [sflag:$0x3], $0x20, $0x38;
	[tilespmem:$0x10C00] =	vst v63  }
0x1a4: {  	s14 =	simm.s32 @!p2 $0x3;
	s17 =	smul.u32 @!p2 $0x60, s8  }
0x1a5: {  	_ =	swait.ge @!p2 [sflag:s14], $0x20  }
0x1a6: {  	s17 =	sand.u32 @!p2 $0xE0, s17;
	s25 =	sld @!p2 [smem:$0x7FF]  }
0x1a7: {  	p1 =	seq.s32 @!p2 s17, $0x0  }
0x1a8: {  	p3 =	por p1, p2  }
0x1a9: {  	p3 =	sne.s32 @!p3 s25, $0x1  }
0x1aa: {  	p1 =	por @!p2 !p3, p1  }
0x1ab: {  	[sflag:s14] =	ssyncset.done @!p2 $0x0;
	p1 =	por p1, p2  }
0x1ac: {  	[sflag:s14] =	ssyncadd.s32 @!p2 $0xFFFFFFE0;
	s17 =	sor.u32 @!p1 $0x100000, s13  }
0x1ad: {  	[smem:s17], [sflag:$0x0] =	smem.add.s32 @!p1 $0x324;
	s17 =	simm.s32 @!p1 $0x0  }
0x1ae: {  	s25 =	smul.u32 @!p2 $0x3, s8;
	s29 =	simm.s32 @!p1 $0x1;
	_ =	swait.done @!p1 [sflag:s17]  }
0x1af: {  	s12 =	smul.u32 @!p2 $0x3, s12;
	[smem:$0x7FF] =	sst @!p1 s29  }
0x1b0: {  	s25 =	sshrl.u32 @!p2 s25, $0x3;
	_ =	sint @!p1 $0x2  }
0x1b1: {  	s12 =	sadd.s32 @!p2 $0x6800, s12;
	_ =	swait.notdone @!p1 [sflag:s17];
	s17 =	sadd.s32 @!p2 s11, s25  }
0x1b2: {  	[hbm4b:s17+s24] =	stream.linear.scatter @!p2 [tilespmem:s12], [sflag:$0x3], $0x60, $0x38;
	[tilespmem:$0x10C00] =	vst v63  }
0x1b3: {  	s12 =	sand.u32 $0x10, s7;
	_ =	swait.ge @!p2 [sflag:s14], $0x60  }
0x1b4: {  	s8 =	sadd.s32 s9, s8;
	p1 =	seq.s32 s12, $0x0;
	[sflag:s14] =	ssyncset.done @!p2 $0x0  }
0x1b5: {  	s9 =	sand.u32 @!p1 $0x1FFF, s8;
	[sflag:s14] =	ssyncadd.s32 @!p2 $0xFFFFFFA0;
	s14 =	sshrl.u32 @!p1 s8, $0x3  }
0x1b6: {  	s24 =	simm.s32 @!p1 $0x0;
	s17 =	sor.u32 @!p1 $0x4000, s9;
	s14 =	sadd.s32 @!p1 s2, s14  }
0x1b7: {  	[hbm4b:s14+s24] =	stream.linear.scatter @!p1 [tilespmem:s17], [sflag:$0x3], $0x10, $0x38;
	[tilespmem:$0x10C00] =	vst v63  }
0x1b8: {  	s14 =	simm.s32 @!p1 $0x3;
	s17 =	smul.u32 @!p1 $0x60, s8  }
0x1b9: {  	_ =	swait.ge @!p1 [sflag:s14], $0x10  }
0x1ba: {  	s17 =	sand.u32 @!p1 $0xE0, s17;
	s25 =	sld @!p1 [smem:$0x7FF]  }
0x1bb: {  	p2 =	seq.s32 @!p1 s17, $0x0  }
0x1bc: {  	p3 =	por p2, p1  }
0x1bd: {  	p3 =	sne.s32 @!p3 s25, $0x1  }
0x1be: {  	p2 =	por @!p1 !p3, p2  }
0x1bf: {  	[sflag:s14] =	ssyncset.done @!p1 $0x0;
	p2 =	por p2, p1  }
0x1c0: {  	[sflag:s14] =	ssyncadd.s32 @!p1 $0xFFFFFFF0;
	s17 =	sor.u32 @!p2 $0x100000, s13  }
0x1c1: {  	s9 =	smul.u32 @!p1 $0x3, s9;
	[smem:s17], [sflag:$0x0] =	smem.add.s32 @!p2 $0x33C;
	s17 =	simm.s32 @!p2 $0x0  }
0x1c2: {  	s25 =	smul.u32 @!p1 $0x3, s8;
	s29 =	simm.s32 @!p2 $0x1;
	_ =	swait.done @!p2 [sflag:s17]  }
0x1c3: {  	s7 =	sand.u32 $0x8, s7;
	s9 =	sadd.s32 @!p1 $0x6800, s9;
	[smem:$0x7FF] =	sst @!p2 s29  }
0x1c4: {  	s8 =	sadd.s32 s12, s8;
	s25 =	sshrl.u32 @!p1 s25, $0x3;
	_ =	sint @!p2 $0x2  }
0x1c5: {  	_ =	swait.notdone @!p2 [sflag:s17];
	s17 =	sadd.s32 @!p1 s11, s25;
	p2 =	seq.s32 s7, $0x0  }
0x1c6: {  	[hbm4b:s17+s24] =	stream.linear.scatter @!p1 [tilespmem:s9], [sflag:$0x3], $0x30, $0x38;
	[tilespmem:$0x10C00] =	vst v63  }
0x1c7: {  	s9 =	sand.u32 @!p2 $0x1FFF, s8;
	_ =	swait.ge @!p1 [sflag:s14], $0x30  }
0x1c8: {  	s12 =	sshrl.u32 @!p2 s8, $0x3;
	s17 =	simm.s32 @!p2 $0x0;
	[sflag:s14] =	ssyncset.done @!p1 $0x0  }
0x1c9: {  	s12 =	sadd.s32 @!p2 s2, s12;
	[sflag:s14] =	ssyncadd.s32 @!p1 $0xFFFFFFD0;
	s14 =	sor.u32 @!p2 $0x4000, s9  }
0x1ca: {  	[hbm4b:s12+s17] =	stream.linear.scatter @!p2 [tilespmem:s14], [sflag:$0x3], $0x8, $0x38;
	[tilespmem:$0x10C00] =	vst v63  }
0x1cb: {  	s12 =	simm.s32 @!p2 $0x3;
	s14 =	smul.u32 @!p2 $0x60, s8  }
0x1cc: {  	_ =	swait.ge @!p2 [sflag:s12], $0x8  }
0x1cd: {  	s14 =	sand.u32 @!p2 $0xE0, s14;
	s24 =	sld @!p2 [smem:$0x7FF]  }
0x1ce: {  	p1 =	seq.s32 @!p2 s14, $0x0  }
0x1cf: {  	p3 =	por p1, p2  }
0x1d0: {  	p3 =	sne.s32 @!p3 s24, $0x1  }
0x1d1: {  	p1 =	por @!p2 !p3, p1  }
0x1d2: {  	[sflag:s12] =	ssyncset.done @!p2 $0x0;
	p1 =	por p1, p2  }
0x1d3: {  	[sflag:s12] =	ssyncadd.s32 @!p2 $0xFFFFFFF8;
	s14 =	sor.u32 @!p1 $0x100000, s13  }
0x1d4: {  	[smem:s14], [sflag:$0x0] =	smem.add.s32 @!p1 $0x354;
	s14 =	simm.s32 @!p1 $0x0  }
0x1d5: {  	s25 =	simm.s32 @!p1 $0x1;
	_ =	swait.done @!p1 [sflag:s14]  }
0x1d6: {  	s7 =	sadd.s32 s7, s8;
	s24 =	smul.u32 @!p2 $0x3, s8;
	[smem:$0x7FF] =	sst @!p1 s25  }
0x1d7: {  	s6 =	ssub.s32 s6, s7;
	s9 =	smul.u32 @!p2 $0x3, s9;
	_ =	sint @!p1 $0x2  }
0x1d8: {  	s24 =	sshrl.u32 @!p2 s24, $0x3;
	_ =	swait.notdone @!p1 [sflag:s14];
	p1 =	slt.s32 s6, $0x1  }
.Ltmp17:
0x1d9: {  	s9 =	sadd.s32 @!p2 $0x6800, s9;
	s14 =	sadd.s32 @!p2 s11, s24;
	(pc) =	sbr.rel @p1 .LBB2_23-.Ltmp17, $4  }
0x1da: {  	[hbm4b:s14+s17] =	stream.linear.scatter @!p2 [tilespmem:s9], [sflag:$0x3], $0x18, $0x38;
	[tilespmem:$0x10C00] =	vst v63  }
0x1db: {  	_ =	swait.ge @!p2 [sflag:s12], $0x18  }
0x1dc: {  	[sflag:s12] =	ssyncset.done @!p2 $0x0  }
0x1dd: {  	[sflag:s12] =	ssyncadd.s32 @!p2 $0xFFFFFFE8  }
0x1de: {  	s8 =	sadd.s32 $0xFFFFFFFF, s6  }
0x1df: {  	v13 =	vmov s8  }
0x1e0: {  	vm0 =	vlt.s32 v13, v0  }
0x1e1: {  	v14 =	vsel vm0, s8, v0  }
0x1e2: {  	v14 =	vadd.s32 s7, v14  }
0x1e3: {  	v15 =	vand.u32 $0x1FFF, v14;
	_ =	sdelay $0x3  }
0x1e4: {  	vm13 =	vlt.s32 v13, v5;
	[tilespmem:$0x10A80] =	vst v14  }
0x1e5: {  	v14 =	vld.idx.msk [tilespmem:v15+s22+$0x0], $0xffff;
	v15 =	vsel vm13, s8, v5  }
0x1e6: {  	v15 =	vadd.s32 s7, v15  }
0x1e7: {  	v16 =	vand.u32 $0x1FFF, v15;
	_ =	sdelay $0x2  }
0x1e8: {  	vm14 =	vlt.s32 v13, v6;
	[tilespmem:$0x10A90] =	vst v15  }
0x1e9: {  	v15 =	vsel vm14, s8, v6;
	[tilespmem:$0x10B00] =	vst v14  }
0x1ea: {  	v15 =	vadd.s32 s7, v15;
	v14 =	vld.idx.msk [tilespmem:v16+s22+$0x0], $0xffff  }
0x1eb: {  	v43 =	vand.u32 $0x1FFF, v15;
	_ =	sdelay $0x2  }
0x1ec: {  	vm15 =	vlt.s32 v13, v7;
	[tilespmem:$0x10AA0] =	vst v15  }
0x1ed: {  	v15 =	vsel vm15, s8, v7;
	[tilespmem:$0x10B10] =	vst v14  }
0x1ee: {  	v15 =	vadd.s32 s7, v15;
	v14 =	vld.idx.msk [tilespmem:v43+s22+$0x0], $0xffff  }
0x1ef: {  	v44 =	vand.u32 $0x1FFF, v15;
	_ =	sdelay $0x2  }
0x1f0: {  	vm4 =	vlt.s32 v13, v8;
	[tilespmem:$0x10AB0] =	vst v15  }
0x1f1: {  	v15 =	vsel vm4, s8, v8;
	[tilespmem:$0x10B20] =	vst v14  }
0x1f2: {  	v15 =	vadd.s32 s7, v15;
	v14 =	vld.idx.msk [tilespmem:v44+s22+$0x0], $0xffff  }
0x1f3: {  	v45 =	vand.u32 $0x1FFF, v15;
	_ =	sdelay $0x2  }
0x1f4: {  	vm5 =	vlt.s32 v13, v9;
	[tilespmem:$0x10AC0] =	vst v15  }
0x1f5: {  	v15 =	vsel vm5, s8, v9;
	[tilespmem:$0x10B30] =	vst v14  }
0x1f6: {  	v15 =	vadd.s32 s7, v15;
	v14 =	vld.idx.msk [tilespmem:v45+s22+$0x0], $0xffff  }
0x1f7: {  	v46 =	vand.u32 $0x1FFF, v15;
	_ =	sdelay $0x2  }
0x1f8: {  	vm6 =	vlt.s32 v13, v10;
	[tilespmem:$0x10AD0] =	vst v15  }
0x1f9: {  	v15 =	vsel vm6, s8, v10;
	[tilespmem:$0x10B40] =	vst v14  }
0x1fa: {  	v15 =	vadd.s32 s7, v15;
	v14 =	vld.idx.msk [tilespmem:v46+s22+$0x0], $0xffff  }
0x1fb: {  	v47 =	vand.u32 $0x1FFF, v15;
	_ =	sdelay $0x2  }
0x1fc: {  	[tilespmem:$0x10AE0] =	vst v15  }
0x1fd: {  	vm7 =	vlt.s32 v13, v11;
	[tilespmem:$0x10B50] =	vst v14  }
0x1fe: {  	s24 =	smul.u32 $0x3, s6;
	v14 =	vsel vm7, s8, v11;
	v13 =	vld.idx.msk [tilespmem:v47+s22+$0x0], $0xffff  }
0x1ff: {  	v14 =	vadd.s32 s7, v14  }
0x200: {  	s6 =	sadd.s32 $0xFFFFFFFF, s24;
	v15 =	vand.u32 $0x1FFF, v14  }
0x201: {  	v48 =	vmov s6  }
0x202: {  	vm8 =	vlt.s32 v48, v0  }
0x203: {  	[tilespmem:$0x10B60] =	vst v13;
	v13 =	vsel vm8, s6, v0  }
0x204: {  	[tilespmem:$0x10AF0] =	vst v14;
	v14 =	vmul.u32 $0xB, v13  }
0x205: {  	v15 =	vld.idx.msk [tilespmem:v15+s22+$0x0], $0xffff  }
0x206: {  	v14 =	vshra.s32 v14, $0x5  }
0x207: {  	v17 =	vadd.s32 s7, v14  }
0x208: {  	v14 =	vmul.u32 $0xFFFFFFFD, v14;
	v18 =	vand.u32 $0x1FFF, v17  }
0x209: {  	v18 =	vmul.u32 $0x3, v18  }
0x20a: {  	s25 =	simm.s32 $0x80;
	s9 =	simm.s32 $0x10A80;
	s12 =	simm.s32 $0x10B00;
	vm9 =	vlt.s32 v48, v5;
	[tilespmem:$0x10B70] =	vst v15;
	v13 =	vadd.s32 v13, v14  }
0x20b: {  	v14 =	vsel vm9, s6, v5;
	[hbm4b:s2+s25] =	stream.indirect.scatter [tilespmem:s12], [sflag:$0x1], $0x1, s9, s25, $0xb8;
	v15 =	vadd.s32 v13, v18;
	[tilespmem:$0x10C00] =	vst v63  }
0x20c: {  	v17 =	vmul.u32 $0x3, v17;
	v49 =	vmul.u32 $0xB, v14;
	_ =	swait.ge [sflag:s28], $0x80  }
0x20d: {  	[sflag:s28] =	ssyncset.done $0x0  }
0x20e: {  	v13 =	vadd.s32 v13, v17;
	v18 =	vshra.s32 v49, $0x5;
	[sflag:s28] =	ssyncadd.s32 $0xFFFFFF80  }
0x20f: {  	v50 =	vadd.s32 s7, v18;
	[tilespmem:$0x10A80] =	vst v13;
	v13 =	vmul.u32 $0xFFFFFFFD, v18  }
0x210: {  	vm10 =	vlt.s32 v48, v6;
	v51 =	vand.u32 $0x1FFF, v50;
	v17 =	vmul.u32 $0x3, v50;
	v15 =	vld.idx.msk [tilespmem:v15+s23+$0x0], $0xffff  }
0x211: {  	v18 =	vmul.u32 $0x3, v51;
	v13 =	vadd.s32 v14, v13;
	v14 =	vsel vm10, s6, v6  }
0x212: {  	v19 =	vmul.u32 $0xB, v14  }
0x213: {  	v18 =	vadd.s32 v13, v18;
	v13 =	vadd.s32 v13, v17  }
0x214: {  	[tilespmem:$0x10A90] =	vst v13;
	v19 =	vshra.s32 v19, $0x5  }
0x215: {  	v13 =	vmul.u32 $0xFFFFFFFD, v19;
	[tilespmem:$0x10B80] =	vst v15;
	v15 =	vadd.s32 s7, v19  }
0x216: {  	vm11 =	vlt.s32 v48, v7;
	v52 =	vand.u32 $0x1FFF, v15  }
0x217: {  	v13 =	vadd.s32 v14, v13;
	v14 =	vsel vm11, s6, v7;
	v17 =	vmul.u32 $0x3, v52  }
0x218: {  	v18 =	vld.idx.msk [tilespmem:v18+s23+$0x0], $0xffff;
	v15 =	vmul.u32 $0x3, v15;
	v53 =	vmul.u32 $0xB, v14  }
0x219: {  	v17 =	vadd.s32 v13, v17  }
0x21a: {  	v19 =	vshra.s32 v53, $0x5;
	v13 =	vadd.s32 v13, v15  }
0x21b: {  	v15 =	vadd.s32 s7, v19;
	[tilespmem:$0x10AA0] =	vst v13;
	v13 =	vmul.u32 $0xFFFFFFFD, v19  }
0x21c: {  	vm12 =	vlt.s32 v48, v8;
	v54 =	vand.u32 $0x1FFF, v15  }
0x21d: {  	[tilespmem:$0x10B90] =	vst v18;
	v18 =	vmul.u32 $0x3, v54;
	v13 =	vadd.s32 v14, v13;
	v14 =	vsel vm12, s6, v8  }
0x21e: {  	v15 =	vmul.u32 $0x3, v15;
	v55 =	vmul.u32 $0xB, v14;
	v17 =	vld.idx.msk [tilespmem:v17+s23+$0x0], $0xffff  }
0x21f: {  	v18 =	vadd.s32 v13, v18  }
0x220: {  	v13 =	vadd.s32 v13, v15;
	v19 =	vshra.s32 v55, $0x5  }
0x221: {  	[tilespmem:$0x10AB0] =	vst v13;
	v15 =	vadd.s32 s7, v19;
	v13 =	vmul.u32 $0xFFFFFFFD, v19  }
0x222: {  	vm13 =	vlt.s32 v48, v9;
	v56 =	vand.u32 $0x1FFF, v15  }
0x223: {  	v13 =	vadd.s32 v14, v13;
	v14 =	vsel vm13, s6, v9;
	[tilespmem:$0x10BA0] =	vst v17;
	v17 =	vmul.u32 $0x3, v56  }
0x224: {  	v15 =	vmul.u32 $0x3, v15;
	v57 =	vmul.u32 $0xB, v14;
	v18 =	vld.idx.msk [tilespmem:v18+s23+$0x0], $0xffff  }
0x225: {  	v17 =	vadd.s32 v13, v17  }
0x226: {  	v19 =	vshra.s32 v57, $0x5;
	v13 =	vadd.s32 v13, v15  }
0x227: {  	v15 =	vadd.s32 s7, v19;
	[tilespmem:$0x10AC0] =	vst v13;
	v13 =	vmul.u32 $0xFFFFFFFD, v19  }
0x228: {  	vm14 =	vlt.s32 v48, v10;
	v58 =	vand.u32 $0x1FFF, v15  }
0x229: {  	v13 =	vadd.s32 v14, v13;
	v14 =	vsel vm14, s6, v10;
	[tilespmem:$0x10BB0] =	vst v18;
	v18 =	vmul.u32 $0x3, v58  }
0x22a: {  	v15 =	vmul.u32 $0x3, v15;
	v59 =	vmul.u32 $0xB, v14;
	v17 =	vld.idx.msk [tilespmem:v17+s23+$0x0], $0xffff  }
0x22b: {  	v18 =	vadd.s32 v13, v18  }
0x22c: {  	v19 =	vshra.s32 v59, $0x5;
	v13 =	vadd.s32 v13, v15  }
0x22d: {  	v15 =	vadd.s32 s7, v19;
	[tilespmem:$0x10AD0] =	vst v13;
	v13 =	vmul.u32 $0xFFFFFFFD, v19  }
0x22e: {  	vm15 =	vlt.s32 v48, v11;
	v60 =	vand.u32 $0x1FFF, v15  }
0x22f: {  	v13 =	vadd.s32 v14, v13;
	v14 =	vsel vm15, s6, v11;
	[tilespmem:$0x10BC0] =	vst v17;
	v17 =	vmul.u32 $0x3, v60  }
0x230: {  	v62 =	vmul.u32 $0xB, v14;
	v18 =	vld.idx.msk [tilespmem:v18+s23+$0x0], $0xffff  }
0x231: {  	v15 =	vmul.u32 $0x3, v15;
	v61 =	vadd.s32 v13, v17  }
0x232: {  	v17 =	vshra.s32 v62, $0x5  }
0x233: {  	v13 =	vadd.s32 v13, v15;
	v15 =	vadd.s32 s7, v17  }
0x234: {  	[tilespmem:$0x10AE0] =	vst v13;
	v13 =	vmul.u32 $0xFFFFFFFD, v17;
	v63 =	vand.u32 $0x1FFF, v15  }
0x235: {  	v17 =	vmul.u32 $0x3, v63;
	[tilespmem:$0x10BD0] =	vst v18  }
0x236: {  	v13 =	vadd.s32 v14, v13;
	v16 =	vld.idx.msk [tilespmem:v61+s23+$0x0], $0xffff  }
0x237: {  	v15 =	vmul.u32 $0x3, v15;
	v14 =	vadd.s32 v13, v17;
	_ =	sdelay $0x1  }
0x238: {  	v13 =	vadd.s32 v13, v15  }
0x239: {  	[tilespmem:$0x10AF0] =	vst v13  }
0x23a: {  	[tilespmem:$0x10BE0] =	vst v16  }
0x23b: {  	v13 =	vld.idx.msk [tilespmem:v14+s23+$0x0], $0xffff;
	_ =	sdelay $0x4  }
0x23c: {  	s29 =	simm.s32 $0x10B80;
	[tilespmem:$0x10BF0] =	vst v13  }
0x23d: {  	[hbm4b:s11+s25] =	stream.indirect.scatter [tilespmem:s29], [sflag:$0x1], $0x1, s9, s25, $0xb8;
	[tilespmem:$0x10C00] =	vst v63  }
0x23e: {  	_ =	swait.ge [sflag:s28], $0x80  }
0x23f: {  	[sflag:s28] =	ssyncset.done $0x0  }
0x240: {  	[sflag:s28] =	ssyncadd.s32 $0xFFFFFF80  }
.LBB2_23:
0x241: {  	s6 =	ssub.s32 s20, s26  }
0x242: {  	s7 =	sand.u32 $0x400, s6  }
0x243: {  	p2 =	seq.s32 s7, $0x0  }
0x244: {  	s8 =	sshrl.u32 @!p2 s26, $0x3  }
0x245: {  	s9 =	simm.s32 @!p2 $0x0;
	s12 =	simm.s32 @!p2 $0xEA80;
	s8 =	sadd.s32 @!p2 s2, s8  }
0x246: {  	[hbm4b:s8+s9] =	stream.linear.scatter @!p2 [tilespmem:s12], [sflag:$0x3], $0x400, $0x38;
	[tilespmem:$0x10C00] =	vst v63  }
0x247: {  	s8 =	simm.s32 @!p2 $0x3;
	s12 =	smul.u32 @!p2 $0x3, s26  }
0x248: {  	_ =	swait.ge @!p2 [sflag:s8], $0x400  }
0x249: {  	[sflag:s8] =	ssyncset.done @!p2 $0x0;
	s12 =	sshrl.u32 @!p2 s12, $0x3  }
0x24a: {  	s14 =	simm.s32 @!p2 $0xF280;
	[sflag:s8] =	ssyncadd.s32 @!p2 $0xFFFFFC00;
	s12 =	sadd.s32 @!p2 s11, s12  }
0x24b: {  	[hbm4b:s12+s9] =	stream.linear.scatter @!p2 [tilespmem:s14], [sflag:$0x3], $0xC00, $0x38;
	[tilespmem:$0x10C00] =	vst v63  }
0x24c: {  	s25 =	sand.u32 $0x200, s6;
	_ =	swait.ge @!p2 [sflag:s8], $0xC00  }
0x24d: {  	s7 =	sadd.s32 s26, s7;
	p1 =	seq.s32 s25, $0x0;
	[sflag:s8] =	ssyncset.done @!p2 $0x0  }
0x24e: {  	[sflag:s8] =	ssyncadd.s32 @!p2 $0xFFFFF400;
	s8 =	sshrl.u32 @!p1 s7, $0x3  }
0x24f: {  	s12 =	simm.s32 @!p1 $0x0;
	s14 =	simm.s32 @!p1 $0xEA80;
	s8 =	sadd.s32 @!p1 s2, s8  }
0x250: {  	[hbm4b:s8+s12] =	stream.linear.scatter @!p1 [tilespmem:s14], [sflag:$0x3], $0x200, $0x38;
	[tilespmem:$0x10C00] =	vst v63  }
0x251: {  	s8 =	simm.s32 @!p1 $0x3;
	s14 =	smul.u32 @!p1 $0x3, s7  }
0x252: {  	_ =	swait.ge @!p1 [sflag:s8], $0x200  }
0x253: {  	[sflag:s8] =	ssyncset.done @!p1 $0x0;
	s14 =	sshrl.u32 @!p1 s14, $0x3  }
0x254: {  	s17 =	simm.s32 @!p1 $0xF280;
	[sflag:s8] =	ssyncadd.s32 @!p1 $0xFFFFFE00;
	s14 =	sadd.s32 @!p1 s11, s14  }
0x255: {  	[hbm4b:s14+s12] =	stream.linear.scatter @!p1 [tilespmem:s17], [sflag:$0x3], $0x600, $0x38;
	[tilespmem:$0x10C00] =	vst v63  }
0x256: {  	s29 =	sand.u32 $0x100, s6;
	_ =	swait.ge @!p1 [sflag:s8], $0x600  }
0x257: {  	p2 =	seq.s32 s29, $0x0;
	s7 =	sadd.s32 s25, s7;
	[sflag:s8] =	ssyncset.done @!p1 $0x0  }
0x258: {  	[sflag:s8] =	ssyncadd.s32 @!p1 $0xFFFFFA00;
	s8 =	sshrl.u32 @!p2 s7, $0x3  }
0x259: {  	s9 =	simm.s32 @!p2 $0x0;
	s14 =	simm.s32 @!p2 $0xEA80;
	s8 =	sadd.s32 @!p2 s2, s8  }
0x25a: {  	[hbm4b:s8+s9] =	stream.linear.scatter @!p2 [tilespmem:s14], [sflag:$0x3], $0x100, $0x38;
	[tilespmem:$0x10C00] =	vst v63  }
0x25b: {  	s8 =	simm.s32 @!p2 $0x3;
	s14 =	smul.u32 @!p2 $0x3, s7  }
0x25c: {  	_ =	swait.ge @!p2 [sflag:s8], $0x100  }
0x25d: {  	[sflag:s8] =	ssyncset.done @!p2 $0x0;
	s14 =	sshrl.u32 @!p2 s14, $0x3  }
0x25e: {  	s17 =	simm.s32 @!p2 $0xF280;
	[sflag:s8] =	ssyncadd.s32 @!p2 $0xFFFFFF00;
	s14 =	sadd.s32 @!p2 s11, s14  }
0x25f: {  	[hbm4b:s14+s9] =	stream.linear.scatter @!p2 [tilespmem:s17], [sflag:$0x3], $0x300, $0x38;
	[tilespmem:$0x10C00] =	vst v63  }
0x260: {  	s24 =	sand.u32 $0x80, s6;
	_ =	swait.ge @!p2 [sflag:s8], $0x300  }
0x261: {  	p3 =	seq.s32 s24, $0x0;
	s7 =	sadd.s32 s29, s7;
	[sflag:s8] =	ssyncset.done @!p2 $0x0  }
0x262: {  	[sflag:s8] =	ssyncadd.s32 @!p2 $0xFFFFFD00;
	s8 =	sshrl.u32 @!p3 s7, $0x3  }
0x263: {  	s12 =	simm.s32 @!p3 $0x0;
	s14 =	simm.s32 @!p3 $0xEA80;
	s8 =	sadd.s32 @!p3 s2, s8  }
0x264: {  	[hbm4b:s8+s12] =	stream.linear.scatter @!p3 [tilespmem:s14], [sflag:$0x3], $0x80, $0x38;
	[tilespmem:$0x10C00] =	vst v63  }
0x265: {  	s8 =	simm.s32 @!p3 $0x3;
	s14 =	smul.u32 @!p3 $0x3, s7  }
0x266: {  	_ =	swait.ge @!p3 [sflag:s8], $0x80  }
0x267: {  	[sflag:s8] =	ssyncset.done @!p3 $0x0;
	s14 =	sshrl.u32 @!p3 s14, $0x3  }
0x268: {  	s17 =	simm.s32 @!p3 $0xF280;
	[sflag:s8] =	ssyncadd.s32 @!p3 $0xFFFFFF80;
	s14 =	sadd.s32 @!p3 s11, s14  }
0x269: {  	[hbm4b:s14+s12] =	stream.linear.scatter @!p3 [tilespmem:s17], [sflag:$0x3], $0x180, $0x38;
	[tilespmem:$0x10C00] =	vst v63  }
0x26a: {  	s25 =	sand.u32 $0x40, s6;
	_ =	swait.ge @!p3 [sflag:s8], $0x180  }
0x26b: {  	p1 =	seq.s32 s25, $0x0;
	s7 =	sadd.s32 s24, s7;
	[sflag:s8] =	ssyncset.done @!p3 $0x0  }
0x26c: {  	[sflag:s8] =	ssyncadd.s32 @!p3 $0xFFFFFE80;
	s8 =	sshrl.u32 @!p1 s7, $0x3  }
0x26d: {  	s9 =	simm.s32 @!p1 $0x0;
	s14 =	simm.s32 @!p1 $0xEA80;
	s8 =	sadd.s32 @!p1 s2, s8  }
0x26e: {  	[hbm4b:s8+s9] =	stream.linear.scatter @!p1 [tilespmem:s14], [sflag:$0x3], $0x40, $0x38;
	[tilespmem:$0x10C00] =	vst v63  }
0x26f: {  	s8 =	simm.s32 @!p1 $0x3;
	s14 =	smul.u32 @!p1 $0x60, s7  }
0x270: {  	_ =	swait.ge @!p1 [sflag:s8], $0x40  }
0x271: {  	s14 =	sand.u32 @!p1 $0xE0, s14;
	s17 =	sld @!p1 [smem:$0x7FF]  }
0x272: {  	p2 =	seq.s32 @!p1 s14, $0x0  }
0x273: {  	p3 =	por p2, p1  }
0x274: {  	p3 =	sne.s32 @!p3 s17, $0x1  }
0x275: {  	p2 =	por @!p1 !p3, p2  }
0x276: {  	[sflag:s8] =	ssyncset.done @!p1 $0x0;
	p2 =	por p2, p1  }
0x277: {  	[sflag:s8] =	ssyncadd.s32 @!p1 $0xFFFFFFC0;
	s14 =	sor.u32 @!p2 $0x100000, s13  }
0x278: {  	[smem:s14], [sflag:$0x0] =	smem.add.s32 @!p2 $0x490;
	s14 =	simm.s32 @!p2 $0x0  }
0x279: {  	s17 =	smul.u32 @!p1 $0x3, s7;
	s24 =	simm.s32 @!p2 $0x1;
	_ =	swait.done @!p2 [sflag:s14]  }
0x27a: {  	[smem:$0x7FF] =	sst @!p2 s24  }
0x27b: {  	s17 =	sshrl.u32 @!p1 s17, $0x3;
	_ =	sint @!p2 $0x2  }
0x27c: {  	_ =	swait.notdone @!p2 [sflag:s14];
	s14 =	sadd.s32 @!p1 s11, s17;
	s17 =	simm.s32 @!p1 $0xF280  }
0x27d: {  	[hbm4b:s14+s9] =	stream.linear.scatter @!p1 [tilespmem:s17], [sflag:$0x3], $0xC0, $0x38;
	[tilespmem:$0x10C00] =	vst v63  }
0x27e: {  	s26 =	sand.u32 $0x20, s6;
	_ =	swait.ge @!p1 [sflag:s8], $0xC0  }
0x27f: {  	s7 =	sadd.s32 s25, s7;
	p2 =	seq.s32 s26, $0x0;
	[sflag:s8] =	ssyncset.done @!p1 $0x0  }
0x280: {  	[sflag:s8] =	ssyncadd.s32 @!p1 $0xFFFFFF40;
	s8 =	sshrl.u32 @!p2 s7, $0x3  }
0x281: {  	s12 =	simm.s32 @!p2 $0x0;
	s14 =	simm.s32 @!p2 $0xEA80;
	s8 =	sadd.s32 @!p2 s2, s8  }
0x282: {  	[hbm4b:s8+s12] =	stream.linear.scatter @!p2 [tilespmem:s14], [sflag:$0x3], $0x20, $0x38;
	[tilespmem:$0x10C00] =	vst v63  }
0x283: {  	s8 =	simm.s32 @!p2 $0x3;
	s14 =	smul.u32 @!p2 $0x60, s7  }
0x284: {  	_ =	swait.ge @!p2 [sflag:s8], $0x20  }
0x285: {  	s14 =	sand.u32 @!p2 $0xE0, s14;
	s17 =	sld @!p2 [smem:$0x7FF]  }
0x286: {  	p1 =	seq.s32 @!p2 s14, $0x0  }
0x287: {  	p3 =	por p1, p2  }
0x288: {  	p3 =	sne.s32 @!p3 s17, $0x1  }
0x289: {  	p1 =	por @!p2 !p3, p1  }
0x28a: {  	[sflag:s8] =	ssyncset.done @!p2 $0x0;
	p1 =	por p1, p2  }
0x28b: {  	[sflag:s8] =	ssyncadd.s32 @!p2 $0xFFFFFFE0;
	s14 =	sor.u32 @!p1 $0x100000, s13  }
0x28c: {  	[smem:s14], [sflag:$0x0] =	smem.add.s32 @!p1 $0x4A4;
	s14 =	simm.s32 @!p1 $0x0  }
0x28d: {  	s17 =	smul.u32 @!p2 $0x3, s7;
	s24 =	simm.s32 @!p1 $0x1;
	_ =	swait.done @!p1 [sflag:s14]  }
0x28e: {  	[smem:$0x7FF] =	sst @!p1 s24  }
0x28f: {  	s17 =	sshrl.u32 @!p2 s17, $0x3;
	_ =	sint @!p1 $0x2  }
0x290: {  	_ =	swait.notdone @!p1 [sflag:s14];
	s14 =	sadd.s32 @!p2 s11, s17;
	s17 =	simm.s32 @!p2 $0xF280  }
0x291: {  	[hbm4b:s14+s12] =	stream.linear.scatter @!p2 [tilespmem:s17], [sflag:$0x3], $0x60, $0x38;
	[tilespmem:$0x10C00] =	vst v63  }
0x292: {  	s29 =	sand.u32 $0x10, s6;
	_ =	swait.ge @!p2 [sflag:s8], $0x60  }
0x293: {  	s7 =	sadd.s32 s26, s7;
	p1 =	seq.s32 s29, $0x0;
	[sflag:s8] =	ssyncset.done @!p2 $0x0  }
0x294: {  	[sflag:s8] =	ssyncadd.s32 @!p2 $0xFFFFFFA0;
	s8 =	sshrl.u32 @!p1 s7, $0x3  }
0x295: {  	s9 =	simm.s32 @!p1 $0x0;
	s14 =	simm.s32 @!p1 $0xEA80;
	s8 =	sadd.s32 @!p1 s2, s8  }
0x296: {  	[hbm4b:s8+s9] =	stream.linear.scatter @!p1 [tilespmem:s14], [sflag:$0x3], $0x10, $0x38;
	[tilespmem:$0x10C00] =	vst v63  }
0x297: {  	s8 =	simm.s32 @!p1 $0x3;
	s14 =	smul.u32 @!p1 $0x60, s7  }
0x298: {  	_ =	swait.ge @!p1 [sflag:s8], $0x10  }
0x299: {  	s14 =	sand.u32 @!p1 $0xE0, s14;
	s17 =	sld @!p1 [smem:$0x7FF]  }
0x29a: {  	p2 =	seq.s32 @!p1 s14, $0x0  }
0x29b: {  	p3 =	por p2, p1  }
0x29c: {  	p3 =	sne.s32 @!p3 s17, $0x1  }
0x29d: {  	p2 =	por @!p1 !p3, p2  }
0x29e: {  	[sflag:s8] =	ssyncset.done @!p1 $0x0;
	p2 =	por p2, p1  }
0x29f: {  	[sflag:s8] =	ssyncadd.s32 @!p1 $0xFFFFFFF0;
	s14 =	sor.u32 @!p2 $0x100000, s13  }
0x2a0: {  	[smem:s14], [sflag:$0x0] =	smem.add.s32 @!p2 $0x4B8;
	s14 =	simm.s32 @!p2 $0x0  }
0x2a1: {  	s17 =	smul.u32 @!p1 $0x3, s7;
	s24 =	simm.s32 @!p2 $0x1;
	_ =	swait.done @!p2 [sflag:s14]  }
0x2a2: {  	[smem:$0x7FF] =	sst @!p2 s24  }
0x2a3: {  	s17 =	sshrl.u32 @!p1 s17, $0x3;
	_ =	sint @!p2 $0x2  }
0x2a4: {  	_ =	swait.notdone @!p2 [sflag:s14];
	s14 =	sadd.s32 @!p1 s11, s17;
	s17 =	simm.s32 @!p1 $0xF280  }
0x2a5: {  	[hbm4b:s14+s9] =	stream.linear.scatter @!p1 [tilespmem:s17], [sflag:$0x3], $0x30, $0x38;
	[tilespmem:$0x10C00] =	vst v63  }
0x2a6: {  	s6 =	sand.u32 $0x8, s6;
	_ =	swait.ge @!p1 [sflag:s8], $0x30  }
0x2a7: {  	s7 =	sadd.s32 s29, s7;
	p2 =	seq.s32 s6, $0x0;
	[sflag:s8] =	ssyncset.done @!p1 $0x0  }
0x2a8: {  	[sflag:s8] =	ssyncadd.s32 @!p1 $0xFFFFFFD0;
	s8 =	sshrl.u32 @!p2 s7, $0x3  }
0x2a9: {  	s9 =	simm.s32 @!p2 $0x0;
	s12 =	simm.s32 @!p2 $0xEA80;
	s8 =	sadd.s32 @!p2 s2, s8  }
0x2aa: {  	[hbm4b:s8+s9] =	stream.linear.scatter @!p2 [tilespmem:s12], [sflag:$0x3], $0x8, $0x38;
	[tilespmem:$0x10C00] =	vst v63  }
0x2ab: {  	s8 =	simm.s32 @!p2 $0x3;
	s12 =	smul.u32 @!p2 $0x60, s7  }
0x2ac: {  	_ =	swait.ge @!p2 [sflag:s8], $0x8  }
0x2ad: {  	s12 =	sand.u32 @!p2 $0xE0, s12;
	s14 =	sld @!p2 [smem:$0x7FF]  }
0x2ae: {  	p1 =	seq.s32 @!p2 s12, $0x0  }
0x2af: {  	p3 =	por p1, p2  }
0x2b0: {  	p3 =	sne.s32 @!p3 s14, $0x1  }
0x2b1: {  	p1 =	por @!p2 !p3, p1  }
0x2b2: {  	[sflag:s8] =	ssyncset.done @!p2 $0x0;
	p1 =	por p1, p2  }
0x2b3: {  	[sflag:s8] =	ssyncadd.s32 @!p2 $0xFFFFFFF8;
	s12 =	sor.u32 @!p1 $0x100000, s13  }
0x2b4: {  	[smem:s12], [sflag:$0x0] =	smem.add.s32 @!p1 $0x4CC;
	s12 =	simm.s32 @!p1 $0x0  }
0x2b5: {  	s17 =	simm.s32 @!p1 $0x1;
	_ =	swait.done @!p1 [sflag:s12]  }
0x2b6: {  	s6 =	sadd.s32 s6, s7;
	s14 =	smul.u32 @!p2 $0x3, s7;
	[smem:$0x7FF] =	sst @!p1 s17  }
0x2b7: {  	s7 =	ssub.s32 s20, s6;
	_ =	sint @!p1 $0x2  }
0x2b8: {  	s14 =	sshrl.u32 @!p2 s14, $0x3;
	_ =	swait.notdone @!p1 [sflag:s12];
	p1 =	slt.s32 s7, $0x1  }
.Ltmp18:
0x2b9: {  	s12 =	sadd.s32 @!p2 s11, s14;
	s14 =	simm.s32 @!p2 $0xF280;
	(pc) =	sbr.rel @p1 .LBB2_25-.Ltmp18, $4  }
0x2ba: {  	[hbm4b:s12+s9] =	stream.linear.scatter @!p2 [tilespmem:s14], [sflag:$0x3], $0x18, $0x38;
	[tilespmem:$0x10C00] =	vst v63  }
0x2bb: {  	_ =	swait.ge @!p2 [sflag:s8], $0x18  }
0x2bc: {  	[sflag:s8] =	ssyncset.done @!p2 $0x0  }
0x2bd: {  	[sflag:s8] =	ssyncadd.s32 @!p2 $0xFFFFFFE8  }
0x2be: {  	s8 =	sadd.s32 $0xFFFFFFFF, s7  }
0x2bf: {  	v13 =	vmov s8  }
0x2c0: {  	vm0 =	vlt.s32 v13, v0  }
0x2c1: {  	v14 =	vsel vm0, s8, v0  }
0x2c2: {  	[tilespmem:$0x10B00] =	vst v12;
	vm14 =	vlt.s32 v13, v5;
	v14 =	vadd.s32 s6, v14  }
0x2c3: {  	[tilespmem:$0x10A80] =	vst v14;
	v14 =	vsel vm14, s8, v5  }
0x2c4: {  	[tilespmem:$0x10B10] =	vst v12;
	vm15 =	vlt.s32 v13, v6;
	v14 =	vadd.s32 s6, v14  }
0x2c5: {  	[tilespmem:$0x10A90] =	vst v14;
	v14 =	vsel vm15, s8, v6  }
0x2c6: {  	[tilespmem:$0x10B20] =	vst v12;
	vm4 =	vlt.s32 v13, v7;
	v14 =	vadd.s32 s6, v14  }
0x2c7: {  	[tilespmem:$0x10AA0] =	vst v14;
	v14 =	vsel vm4, s8, v7  }
0x2c8: {  	s25 =	smul.u32 $0x3, s7;
	[tilespmem:$0x10B30] =	vst v12;
	vm5 =	vlt.s32 v13, v8;
	v14 =	vadd.s32 s6, v14  }
0x2c9: {  	[tilespmem:$0x10AB0] =	vst v14;
	v14 =	vsel vm5, s8, v8  }
0x2ca: {  	[tilespmem:$0x10B40] =	vst v12;
	vm6 =	vlt.s32 v13, v9;
	s7 =	sadd.s32 $0xFFFFFFFF, s25;
	v14 =	vadd.s32 s6, v14  }
0x2cb: {  	v15 =	vmov s7;
	[tilespmem:$0x10AC0] =	vst v14;
	v14 =	vsel vm6, s8, v9  }
0x2cc: {  	[tilespmem:$0x10B50] =	vst v12;
	vm1 =	vlt.s32 v15, v0;
	v14 =	vadd.s32 s6, v14  }
0x2cd: {  	vm7 =	vlt.s32 v13, v10;
	[tilespmem:$0x10AD0] =	vst v14;
	v14 =	vsel vm1, s7, v0  }
0x2ce: {  	[tilespmem:$0x10B60] =	vst v12;
	vm8 =	vlt.s32 v13, v11;
	v16 =	vsel vm7, s8, v10;
	v13 =	vmul.u32 $0xB, v14  }
0x2cf: {  	[tilespmem:$0x10B70] =	vst v12;
	v45 =	vsel vm8, s8, v11;
	v16 =	vadd.s32 s6, v16  }
0x2d0: {  	[tilespmem:$0x10AE0] =	vst v16;
	v16 =	vadd.s32 s6, v45;
	v13 =	vshra.s32 v13, $0x5  }
0x2d1: {  	s26 =	simm.s32 $0x80;
	s9 =	simm.s32 $0x10A80;
	s12 =	simm.s32 $0x10B00;
	[tilespmem:$0x10AF0] =	vst v16;
	v46 =	vmul.u32 $0xFFFFFFFD, v13  }
0x2d2: {  	vm9 =	vlt.s32 v15, v5;
	[hbm4b:s2+s26] =	stream.indirect.scatter [tilespmem:s12], [sflag:$0x1], $0x1, s9, s26, $0xb8;
	v13 =	vadd.s32 s6, v13;
	[tilespmem:$0x10C00] =	vst v63  }
0x2d3: {  	v47 =	vsel vm9, s7, v5;
	_ =	swait.ge [sflag:s28], $0x80;
	v13 =	vmul.u32 $0x3, v13;
	v14 =	vadd.s32 v14, v46  }
0x2d4: {  	v17 =	vmul.u32 $0xB, v47;
	[sflag:s28] =	ssyncset.done $0x0  }
0x2d5: {  	[sflag:s28] =	ssyncadd.s32 $0xFFFFFF80;
	v13 =	vadd.s32 v14, v13  }
0x2d6: {  	[tilespmem:$0x10A80] =	vst v13;
	v13 =	vshra.s32 v17, $0x5  }
0x2d7: {  	v17 =	vmul.u32 $0xFFFFFFFD, v13  }
0x2d8: {  	vm10 =	vlt.s32 v15, v6;
	v13 =	vadd.s32 s6, v13;
	v14 =	vld.idx.msk [tilespmem:v14+s19+$0x0], $0xffff  }
0x2d9: {  	v48 =	vsel vm10, s7, v6;
	v13 =	vmul.u32 $0x3, v13;
	v16 =	vadd.s32 v47, v17  }
0x2da: {  	v18 =	vmul.u32 $0xB, v48  }
0x2db: {  	v13 =	vadd.s32 v16, v13  }
0x2dc: {  	[tilespmem:$0x10A90] =	vst v13;
	v13 =	vshra.s32 v18, $0x5  }
0x2dd: {  	v49 =	vmul.u32 $0xFFFFFFFD, v13;
	[tilespmem:$0x10B80] =	vst v14  }
0x2de: {  	vm11 =	vlt.s32 v15, v7;
	v13 =	vadd.s32 s6, v13;
	v14 =	vld.idx.msk [tilespmem:v16+s19+$0x0], $0xffff  }
0x2df: {  	v50 =	vsel vm11, s7, v7;
	v13 =	vmul.u32 $0x3, v13;
	v16 =	vadd.s32 v48, v49  }
0x2e0: {  	v51 =	vmul.u32 $0xB, v50  }
0x2e1: {  	v13 =	vadd.s32 v16, v13  }
0x2e2: {  	[tilespmem:$0x10AA0] =	vst v13;
	v13 =	vshra.s32 v51, $0x5  }
0x2e3: {  	v52 =	vmul.u32 $0xFFFFFFFD, v13;
	[tilespmem:$0x10B90] =	vst v14  }
0x2e4: {  	vm12 =	vlt.s32 v15, v8;
	v13 =	vadd.s32 s6, v13;
	v14 =	vld.idx.msk [tilespmem:v16+s19+$0x0], $0xffff  }
0x2e5: {  	v53 =	vsel vm12, s7, v8;
	v13 =	vmul.u32 $0x3, v13;
	v16 =	vadd.s32 v50, v52  }
0x2e6: {  	v54 =	vmul.u32 $0xB, v53  }
0x2e7: {  	v13 =	vadd.s32 v16, v13  }
0x2e8: {  	[tilespmem:$0x10AB0] =	vst v13;
	v13 =	vshra.s32 v54, $0x5  }
0x2e9: {  	v55 =	vmul.u32 $0xFFFFFFFD, v13;
	[tilespmem:$0x10BA0] =	vst v14  }
0x2ea: {  	vm13 =	vlt.s32 v15, v9;
	v13 =	vadd.s32 s6, v13;
	v14 =	vld.idx.msk [tilespmem:v16+s19+$0x0], $0xffff  }
0x2eb: {  	v56 =	vsel vm13, s7, v9;
	v13 =	vmul.u32 $0x3, v13;
	v16 =	vadd.s32 v53, v55  }
0x2ec: {  	v57 =	vmul.u32 $0xB, v56  }
0x2ed: {  	v13 =	vadd.s32 v16, v13  }
0x2ee: {  	[tilespmem:$0x10AC0] =	vst v13;
	v13 =	vshra.s32 v57, $0x5  }
0x2ef: {  	v58 =	vmul.u32 $0xFFFFFFFD, v13;
	[tilespmem:$0x10BB0] =	vst v14  }
0x2f0: {  	vm14 =	vlt.s32 v15, v10;
	v13 =	vadd.s32 s6, v13;
	v14 =	vld.idx.msk [tilespmem:v16+s19+$0x0], $0xffff  }
0x2f1: {  	v59 =	vsel vm14, s7, v10;
	v13 =	vmul.u32 $0x3, v13;
	v16 =	vadd.s32 v56, v58  }
0x2f2: {  	v60 =	vmul.u32 $0xB, v59  }
0x2f3: {  	v13 =	vadd.s32 v16, v13  }
0x2f4: {  	[tilespmem:$0x10AD0] =	vst v13;
	v13 =	vshra.s32 v60, $0x5  }
0x2f5: {  	v61 =	vmul.u32 $0xFFFFFFFD, v13;
	[tilespmem:$0x10BC0] =	vst v14  }
0x2f6: {  	vm15 =	vlt.s32 v15, v11;
	v13 =	vadd.s32 s6, v13;
	v14 =	vld.idx.msk [tilespmem:v16+s19+$0x0], $0xffff  }
0x2f7: {  	v15 =	vsel vm15, s7, v11;
	v13 =	vmul.u32 $0x3, v13;
	v16 =	vadd.s32 v59, v61  }
0x2f8: {  	v62 =	vmul.u32 $0xB, v15  }
0x2f9: {  	v13 =	vadd.s32 v16, v13  }
0x2fa: {  	[tilespmem:$0x10AE0] =	vst v13;
	v13 =	vshra.s32 v62, $0x5  }
0x2fb: {  	v63 =	vmul.u32 $0xFFFFFFFD, v13;
	[tilespmem:$0x10BD0] =	vst v14  }
0x2fc: {  	v13 =	vadd.s32 s6, v13;
	v14 =	vld.idx.msk [tilespmem:v16+s19+$0x0], $0xffff  }
0x2fd: {  	v13 =	vmul.u32 $0x3, v13;
	v15 =	vadd.s32 v15, v63;
	_ =	sdelay $0x1  }
0x2fe: {  	v13 =	vadd.s32 v15, v13  }
0x2ff: {  	[tilespmem:$0x10AF0] =	vst v13  }
0x300: {  	[tilespmem:$0x10BE0] =	vst v14  }
0x301: {  	v13 =	vld.idx.msk [tilespmem:v15+s19+$0x0], $0xffff;
	_ =	sdelay $0x4  }
0x302: {  	s29 =	simm.s32 $0x10B80;
	[tilespmem:$0x10BF0] =	vst v13  }
0x303: {  	[hbm4b:s11+s26] =	stream.indirect.scatter [tilespmem:s29], [sflag:$0x1], $0x1, s9, s26, $0xb8;
	[tilespmem:$0x10C00] =	vst v63  }
0x304: {  	_ =	swait.ge [sflag:s28], $0x80  }
0x305: {  	[sflag:s28] =	ssyncset.done $0x0  }
0x306: {  	[sflag:s28] =	ssyncadd.s32 $0xFFFFFF80  }
.LBB2_25:
0x307: {  	p1 =	slt.s32 s15, $0x1  }
.Ltmp19:
0x308: {  	_ = 	snop;
	(pc) =	sbr.rel @p1 .LBB2_27-.Ltmp19, $1  }
0x309: {  	_ =	sdelay $0x3  }
0x30a: {  	s7 =	sadd.s32 $0xFFFFFFFF, s15  }
0x30b: {  	v13 =	vmov s7  }
0x30c: {  	vm0 =	vlt.s32 v13, v0  }
0x30d: {  	v14 =	vsel vm0, s7, v0  }
0x30e: {  	[tilespmem:$0x10B00] =	vst v12;
	vm14 =	vlt.s32 v13, v5;
	v14 =	vadd.s32 s4, v14  }
0x30f: {  	[tilespmem:$0x10A80] =	vst v14;
	v14 =	vsel vm14, s7, v5  }
0x310: {  	[tilespmem:$0x10B10] =	vst v12;
	vm15 =	vlt.s32 v13, v6;
	v14 =	vadd.s32 s4, v14  }
0x311: {  	[tilespmem:$0x10A90] =	vst v14;
	v14 =	vsel vm15, s7, v6  }
0x312: {  	[tilespmem:$0x10B20] =	vst v12;
	vm4 =	vlt.s32 v13, v7;
	v14 =	vadd.s32 s4, v14  }
0x313: {  	[tilespmem:$0x10AA0] =	vst v14;
	v14 =	vsel vm4, s7, v7  }
0x314: {  	s6 =	smul.u32 $0x3, s15;
	[tilespmem:$0x10B30] =	vst v12;
	vm5 =	vlt.s32 v13, v8;
	v14 =	vadd.s32 s4, v14  }
0x315: {  	[tilespmem:$0x10AB0] =	vst v14;
	v14 =	vsel vm5, s7, v8  }
0x316: {  	[tilespmem:$0x10B40] =	vst v12;
	vm6 =	vlt.s32 v13, v9;
	s6 =	sadd.s32 $0xFFFFFFFF, s6;
	v14 =	vadd.s32 s4, v14  }
0x317: {  	v15 =	vmov s6;
	[tilespmem:$0x10AC0] =	vst v14;
	v14 =	vsel vm6, s7, v9  }
0x318: {  	[tilespmem:$0x10B50] =	vst v12;
	vm1 =	vlt.s32 v15, v0;
	v14 =	vadd.s32 s4, v14  }
0x319: {  	vm7 =	vlt.s32 v13, v10;
	[tilespmem:$0x10AD0] =	vst v14;
	v14 =	vsel vm1, s6, v0  }
0x31a: {  	[tilespmem:$0x10B60] =	vst v12;
	vm8 =	vlt.s32 v13, v11;
	v16 =	vsel vm7, s7, v10;
	v13 =	vmul.u32 $0xB, v14  }
0x31b: {  	[tilespmem:$0x10B70] =	vst v12;
	v45 =	vsel vm8, s7, v11;
	v16 =	vadd.s32 s4, v16  }
0x31c: {  	[tilespmem:$0x10AE0] =	vst v16;
	v16 =	vadd.s32 s4, v45;
	v13 =	vshra.s32 v13, $0x5  }
0x31d: {  	s26 =	simm.s32 $0x80;
	s8 =	simm.s32 $0x10A80;
	s9 =	simm.s32 $0x10B00;
	[tilespmem:$0x10AF0] =	vst v16;
	v46 =	vmul.u32 $0xFFFFFFFD, v13  }
0x31e: {  	vm9 =	vlt.s32 v15, v5;
	[hbm4b:s2+s26] =	stream.indirect.scatter [tilespmem:s9], [sflag:$0x1], $0x1, s8, s26, $0xb8;
	v13 =	vadd.s32 s4, v13;
	[tilespmem:$0x10C00] =	vst v63  }
0x31f: {  	v47 =	vsel vm9, s6, v5;
	_ =	swait.ge [sflag:s28], $0x80;
	v13 =	vmul.u32 $0x3, v13;
	v14 =	vadd.s32 v14, v46  }
0x320: {  	v17 =	vmul.u32 $0xB, v47;
	[sflag:s28] =	ssyncset.done $0x0  }
0x321: {  	[sflag:s28] =	ssyncadd.s32 $0xFFFFFF80;
	v13 =	vadd.s32 v14, v13  }
0x322: {  	[tilespmem:$0x10A80] =	vst v13;
	v13 =	vshra.s32 v17, $0x5  }
0x323: {  	v17 =	vmul.u32 $0xFFFFFFFD, v13  }
0x324: {  	vm10 =	vlt.s32 v15, v6;
	v13 =	vadd.s32 s4, v13;
	v14 =	vld.idx.msk [tilespmem:v14+s19+$0x0], $0xffff  }
0x325: {  	v48 =	vsel vm10, s6, v6;
	v13 =	vmul.u32 $0x3, v13;
	v16 =	vadd.s32 v47, v17  }
0x326: {  	v18 =	vmul.u32 $0xB, v48  }
0x327: {  	v13 =	vadd.s32 v16, v13  }
0x328: {  	[tilespmem:$0x10A90] =	vst v13;
	v13 =	vshra.s32 v18, $0x5  }
0x329: {  	v49 =	vmul.u32 $0xFFFFFFFD, v13;
	[tilespmem:$0x10B80] =	vst v14  }
0x32a: {  	vm11 =	vlt.s32 v15, v7;
	v13 =	vadd.s32 s4, v13;
	v14 =	vld.idx.msk [tilespmem:v16+s19+$0x0], $0xffff  }
0x32b: {  	v50 =	vsel vm11, s6, v7;
	v13 =	vmul.u32 $0x3, v13;
	v16 =	vadd.s32 v48, v49  }
0x32c: {  	v51 =	vmul.u32 $0xB, v50  }
0x32d: {  	v13 =	vadd.s32 v16, v13  }
0x32e: {  	[tilespmem:$0x10AA0] =	vst v13;
	v13 =	vshra.s32 v51, $0x5  }
0x32f: {  	v52 =	vmul.u32 $0xFFFFFFFD, v13;
	[tilespmem:$0x10B90] =	vst v14  }
0x330: {  	vm12 =	vlt.s32 v15, v8;
	v13 =	vadd.s32 s4, v13;
	v14 =	vld.idx.msk [tilespmem:v16+s19+$0x0], $0xffff  }
0x331: {  	v53 =	vsel vm12, s6, v8;
	v13 =	vmul.u32 $0x3, v13;
	v16 =	vadd.s32 v50, v52  }
0x332: {  	v54 =	vmul.u32 $0xB, v53  }
0x333: {  	v13 =	vadd.s32 v16, v13  }
0x334: {  	[tilespmem:$0x10AB0] =	vst v13;
	v13 =	vshra.s32 v54, $0x5  }
0x335: {  	v55 =	vmul.u32 $0xFFFFFFFD, v13;
	[tilespmem:$0x10BA0] =	vst v14  }
0x336: {  	vm13 =	vlt.s32 v15, v9;
	v13 =	vadd.s32 s4, v13;
	v14 =	vld.idx.msk [tilespmem:v16+s19+$0x0], $0xffff  }
0x337: {  	v56 =	vsel vm13, s6, v9;
	v13 =	vmul.u32 $0x3, v13;
	v16 =	vadd.s32 v53, v55  }
0x338: {  	v57 =	vmul.u32 $0xB, v56  }
0x339: {  	v13 =	vadd.s32 v16, v13  }
0x33a: {  	[tilespmem:$0x10AC0] =	vst v13;
	v13 =	vshra.s32 v57, $0x5  }
0x33b: {  	v58 =	vmul.u32 $0xFFFFFFFD, v13;
	[tilespmem:$0x10BB0] =	vst v14  }
0x33c: {  	vm14 =	vlt.s32 v15, v10;
	v13 =	vadd.s32 s4, v13;
	v14 =	vld.idx.msk [tilespmem:v16+s19+$0x0], $0xffff  }
0x33d: {  	v59 =	vsel vm14, s6, v10;
	v13 =	vmul.u32 $0x3, v13;
	v16 =	vadd.s32 v56, v58  }
0x33e: {  	v60 =	vmul.u32 $0xB, v59  }
0x33f: {  	v13 =	vadd.s32 v16, v13  }
0x340: {  	[tilespmem:$0x10AD0] =	vst v13;
	v13 =	vshra.s32 v60, $0x5  }
0x341: {  	v61 =	vmul.u32 $0xFFFFFFFD, v13;
	[tilespmem:$0x10BC0] =	vst v14  }
0x342: {  	vm15 =	vlt.s32 v15, v11;
	v13 =	vadd.s32 s4, v13;
	v14 =	vld.idx.msk [tilespmem:v16+s19+$0x0], $0xffff  }
0x343: {  	v15 =	vsel vm15, s6, v11;
	v13 =	vmul.u32 $0x3, v13;
	v16 =	vadd.s32 v59, v61  }
0x344: {  	v62 =	vmul.u32 $0xB, v15  }
0x345: {  	v13 =	vadd.s32 v16, v13  }
0x346: {  	[tilespmem:$0x10AE0] =	vst v13;
	v13 =	vshra.s32 v62, $0x5  }
0x347: {  	v63 =	vmul.u32 $0xFFFFFFFD, v13;
	[tilespmem:$0x10BD0] =	vst v14  }
0x348: {  	v13 =	vadd.s32 s4, v13;
	v14 =	vld.idx.msk [tilespmem:v16+s19+$0x0], $0xffff  }
0x349: {  	v13 =	vmul.u32 $0x3, v13;
	v15 =	vadd.s32 v15, v63;
	_ =	sdelay $0x1  }
0x34a: {  	v13 =	vadd.s32 v15, v13  }
0x34b: {  	[tilespmem:$0x10AF0] =	vst v13  }
0x34c: {  	[tilespmem:$0x10BE0] =	vst v14  }
0x34d: {  	v13 =	vld.idx.msk [tilespmem:v15+s19+$0x0], $0xffff;
	_ =	sdelay $0x4  }
0x34e: {  	s29 =	simm.s32 $0x10B80;
	[tilespmem:$0x10BF0] =	vst v13  }
0x34f: {  	[hbm4b:s11+s26] =	stream.indirect.scatter [tilespmem:s29], [sflag:$0x1], $0x1, s8, s26, $0xb8;
	[tilespmem:$0x10C00] =	vst v63  }
0x350: {  	_ =	swait.ge [sflag:s28], $0x80  }
0x351: {  	[sflag:s28] =	ssyncset.done $0x0  }
0x352: {  	[sflag:s28] =	ssyncadd.s32 $0xFFFFFF80  }
.LBB2_27:
.Ltmp20:
0x353: {  	(pc) =	sbr.rel @p0 .LBB2_31-.Ltmp20, $1  }
0x354: {  	_ =	sdelay $0x3  }
0x355: {  	p0 =	sne.s32 s0, $0x1  }
.Ltmp21:
0x356: {  	_ =	swait.ge [sflag:s30], $0x800;
	(pc) =	sbr.rel @!p0 .LBB2_30-.Ltmp21, $4  }
0x357: {  	[sflag:s30] =	ssyncset.done $0x0  }
0x358: {  	[sflag:s30] =	ssyncadd.s32 $0xFFFFF800  }
0x359: {  	_ =	swait.ge [sflag:s30], $0x1800  }
0x35a: {  	s0 =	sadd.s32 $0xFFFFFFFF, s0;
	[sflag:s30] =	ssyncset.done $0x0  }
.LBB2_29:
0x35b: {  	p0 =	sne.s32 s0, $0x1;
	s0 =	sadd.s32 $0xFFFFFFFF, s0;
	[sflag:s30] =	ssyncadd.s32 $0xFFFFE800  }
.Ltmp22:
0x35c: {  	_ =	swait.ge [sflag:s30], $0x800;
	(pc) =	sbr.rel @p0 .LBB2_29-.Ltmp22, $4  }
0x35d: {  	[sflag:s30] =	ssyncset.done $0x0  }
0x35e: {  	[sflag:s30] =	ssyncadd.s32 $0xFFFFF800  }
0x35f: {  	_ =	swait.ge [sflag:s30], $0x1800  }
0x360: {  	[sflag:s30] =	ssyncset.done $0x0  }
.Ltmp23:
0x361: {  	_ = 	snop;
	(pc) =	sbr.rel .LBB2_30-.Ltmp23, $1  }
0x362: {  	_ =	sdelay $0x3  }
.LBB2_32:
0x363: {  	_ =	sfence.sel $0x180000  }
0x364: {  	[bflag:$0x0] =	sbarrier.arrive $0xFFFF  }
0x365: {  	_ =	strace $0x9000004A  }
0x366: {  	s0 =	stileid.u32;
	[bflag:$0x2] =	sbarrier.arrive $0xFFFF  }
0x367: {  	p0 =	sne.s32 s0, $0x0;
	s0 =	rddreg [dreg:$0x3]  }
0x368: {  	s0 =	sadd.s32 @!p0 $0x100000, s0  }
0x369: {  	[sflag:s0] =	ssyncadd.tile.s32 @!p0 $0x1;
	_ =	shalt  }
.Lfunc_end2:
_tile_overlayer_lowered:
.L_overlay_start_2:
0x36a: {  	(tag) =	ssettag $0x2  }
0x36b: {  	s0 =	rddreg [dreg:$0x0];
	s2 =	stileid.u32  }
0x36c: {  	s1 =	rddreg [dreg:$0x1];
	p0 =	sne.s32 s2, $0x0  }
0x36d: {  	s3 =	rddreg [dreg:$0x2];
	[bflag:$0x3] =	sbarrier.arrive $0xFFFF;
	s2 =	simm.s32 @!p0 $0x1C03  }
0x36e: {  	[timem:s3], [sflag:s2] =	dma.local @!p0 [hbm:s0], s1  }
0x36f: {  	s0 =	simm.s32 @!p0 $0x3  }
0x370: {  	_ =	swait.ge @!p0 [sflag:s0], s1  }
0x371: {  	s1 =	ssub.s32 @!p0 $0x0, s1;
	[sflag:s0] =	ssyncset.done @!p0 $0x0  }
0x372: {  	[sflag:s0] =	ssyncadd.s32 @!p0 s1  }
0x373: {  	[bflag:$0x3] =	sbarrier.arrive $0xFFFF  }
0x374: {  	_ =	shalt  }

</sc_bundles>
